<compile_context>
chip_gen: v7x
topology: tpu7x:2x2x1
jax: 0.10.2.dev20260603
libtpu: 0.0.44.dev20260713+nightly
codegen_flags: <defaults>
</compile_context>

<pallas_src>
import jax
import jax.numpy as jnp
from jax import lax
from jax.experimental import pallas as pl
from jax.experimental.pallas import tpu as pltpu
from jax.experimental.pallas import tpu_sc as plsc

_N = 10000
_D = 128
_DE = 16
_E = 320000

_CH = 32
_CPT = 160
_EPT = _CH * _CPT
_EHALF = _EPT * 32
_EPAD = 2 * _EHALF
_IDXR = _EPT // 128
_NPAD = 10240
_RPS = _NPAD // 16
_BE = 4096


def _make_edge_proj_body(half):
    row0 = half * _EHALF

    def _edge_proj_body(ea_ref, we_ref, be_ref, o_ref):
        i = pl.program_id(0)
        h = lax.dot_general(ea_ref[...], we_ref[...], (((1,), (1,)), ((), ())),
                            preferred_element_type=jnp.float32) + be_ref[...]
        rows = row0 + i * _BE + lax.broadcasted_iota(jnp.int32, (_BE, 1), 0)
        o_ref[...] = jnp.where(rows < _E, h, -1e30)

    return _edge_proj_body


def _edge_proj(ea, W_e, b_e, half):
    last = (_E - 1) // _BE
    blk0 = half * (_EHALF // _BE)
    return pl.pallas_call(
        _make_edge_proj_body(half),
        grid=(_EHALF // _BE,),
        in_specs=[
            pl.BlockSpec((_BE, _DE),
                         lambda i: (jnp.minimum(blk0 + i, last), 0)),
            pl.BlockSpec((_D, _DE), lambda i: (0, 0)),
            pl.BlockSpec((1, _D), lambda i: (0, 0)),
        ],
        out_specs=pl.BlockSpec((_BE, _D), lambda i: (i, 0)),
        out_shape=jax.ShapeDtypeStruct((_EHALF, _D), jnp.float32),
    )(ea, W_e, b_e.reshape(1, _D))


def _sc_body(x_hbm, src_hbm, dst_hbm, e_hbm, z_hbm, out_hbm,
             src_all, dst_all, dstw0, dstw1, x_v0, x_v1, e_v0, e_v1, m_v0, m_v1,
             agg_sh, sem_x0, sem_x1, sem_e0, sem_e1, sem_s0, sem_s1):
    c = lax.axis_index("c")
    s = lax.axis_index("s")
    x_v = (x_v0, x_v1)
    e_v = (e_v0, e_v1)
    m_v = (m_v0, m_v1)
    dstw = (dstw0, dstw1)
    sem_x = (sem_x0, sem_x1)
    sem_e = (sem_e0, sem_e1)
    sem_s = (sem_s0, sem_s1)

    wid = s * 2 + c
    tile_base = wid * _EPT

    pltpu.sync_copy(src_hbm.at[pl.ds(wid * _IDXR, _IDXR)], src_all)
    pltpu.sync_copy(dst_hbm.at[pl.ds(wid * _IDXR, _IDXR)], dst_all)
    pltpu.sync_copy(z_hbm, agg_sh.at[pl.ds(s * _RPS, _RPS)])
    plsc.subcore_barrier()

    def src_slice(g):
        return src_all.at[g // 4, pl.ds((g % 4) * _CH, _CH)]

    def issue_loads(g, b):
        pltpu.async_copy(e_hbm.at[pl.ds(tile_base + g * _CH, _CH)],
                         e_v[b], sem_e[b])
        pltpu.async_copy(x_hbm.at[src_slice(g)], x_v[b], sem_x[b])

    def wait_loads(g, b):
        pltpu.make_async_copy(e_hbm.at[pl.ds(tile_base + g * _CH, _CH)],
                              e_v[b], sem_e[b]).wait()
        pltpu.make_async_copy(x_hbm.at[src_slice(g)], x_v[b],
                              sem_x[b]).wait()

    def issue_scatter(b):
        pltpu.async_copy(m_v[b], agg_sh.at[dstw[b]], sem_s[b], add=True)

    def wait_scatter(b):
        pltpu.make_async_copy(m_v[b], agg_sh.at[dstw[b]],
                              sem_s[b]).wait()

    def copy_dst(g, b):
        for k in range(_CH // 16):
            dstw[b][pl.ds(k * 16, 16)] = (
                dst_all[g // 4, pl.ds((g % 4) * _CH + k * 16, 16)])

    def compute(b):
        xv, ev, mv = x_v[b], e_v[b], m_v[b]

        def row(r, carry):
            for db in range(_D // 16):
                sl = pl.ds(db * 16, 16)
                mv[r, sl] = jnp.maximum(xv[r, sl] + ev[r, sl], 0.0)
            return carry

        lax.fori_loop(0, _CH, row, 0)

    def pair(g2, first, last):
        for b in (0, 1):
            g = 2 * g2 + b
            wait_loads(g, b)
            if not first:
                wait_scatter(b)
            copy_dst(g, b)
            compute(b)
            issue_scatter(b)
            if not last:
                issue_loads(g + 2, b)

    issue_loads(0, 0)
    issue_loads(1, 1)
    pair(0, True, False)

    def body(g2, carry):
        pair(g2, False, False)
        return carry

    lax.fori_loop(1, _CPT // 2 - 1, body, 0)
    pair(_CPT // 2 - 1, False, True)
    wait_scatter(0)
    wait_scatter(1)

    plsc.subcore_barrier()
    pltpu.sync_copy(agg_sh.at[pl.ds(s * _RPS, _RPS)],
                    out_hbm.at[c, pl.ds(s * _RPS, _RPS)])


_sc_agg = pl.kernel(
    _sc_body,
    mesh=plsc.VectorSubcoreMesh(core_axis_name="c", subcore_axis_name="s"),
    out_type=jax.ShapeDtypeStruct((2, _NPAD, _D), jnp.float32),
    scratch_types=[
        pltpu.VMEM((_IDXR, 128), jnp.int32),
        pltpu.VMEM((_IDXR, 128), jnp.int32),
        pltpu.VMEM((_CH,), jnp.int32),
        pltpu.VMEM((_CH,), jnp.int32),
        pltpu.VMEM((_CH, _D), jnp.float32),
        pltpu.VMEM((_CH, _D), jnp.float32),
        pltpu.VMEM((_CH, _D), jnp.float32),
        pltpu.VMEM((_CH, _D), jnp.float32),
        pltpu.VMEM((_CH, _D), jnp.float32),
        pltpu.VMEM((_CH, _D), jnp.float32),
        pltpu.VMEM_SHARED((_NPAD, _D), jnp.float32),
        pltpu.SemaphoreType.DMA,
        pltpu.SemaphoreType.DMA,
        pltpu.SemaphoreType.DMA,
        pltpu.SemaphoreType.DMA,
        pltpu.SemaphoreType.DMA,
        pltpu.SemaphoreType.DMA,
    ],
)


def _mlp_bn_body(x_ref, pa_ref, pb_ref, w1_ref, b1_ref, w2_ref, b2_ref,
                 g_ref, bt_ref, o_ref):
    agg = ((pa_ref[0, :_N, :] + pa_ref[1, :_N, :])
           + (pb_ref[0, :_N, :] + pb_ref[1, :_N, :]))
    h = x_ref[...] + agg
    h = lax.dot_general(h, w1_ref[...], (((1,), (1,)), ((), ())),
                        preferred_element_type=jnp.float32) + b1_ref[...]
    h = jnp.maximum(h, 0.0)
    h = lax.dot_general(h, w2_ref[...], (((1,), (1,)), ((), ())),
                        preferred_element_type=jnp.float32) + b2_ref[...]
    h = jnp.maximum(h, 0.0)
    mean = jnp.mean(h, axis=0, keepdims=True)
    var = jnp.mean(jnp.square(h - mean), axis=0, keepdims=True)
    o_ref[...] = (h - mean) * lax.rsqrt(var + 1e-5) * g_ref[...] + bt_ref[...]


def _mlp_bn(x, pa, pb, W1, b1, W2, b2, gamma, beta):
    return pl.pallas_call(
        _mlp_bn_body,
        out_shape=jax.ShapeDtypeStruct((_N, _D), jnp.float32),
    )(x, pa, pb, W1, b1.reshape(1, _D), W2, b2.reshape(1, _D),
      gamma.reshape(1, _D), beta.reshape(1, _D))


def kernel(x, edge_index, edge_attr, W_e, b_e, W1, b1, W2, b2, gamma, beta):
    src = edge_index[0]
    dst = edge_index[1]
    npad = _EPAD - _E
    fill = jnp.arange(npad, dtype=jnp.int32)
    src_f = jnp.concatenate([src, fill % _N])
    dst_f = jnp.concatenate([dst, fill % _N])
    zeros = jnp.zeros((_RPS, _D), jnp.float32)

    e_a = _edge_proj(edge_attr, W_e, b_e, 0)
    e_b = _edge_proj(edge_attr, W_e, b_e, 1)
    parts = []
    for k, e_k in ((0, e_a), (1, e_b)):
        src_k = lax.dynamic_slice_in_dim(src_f, k * _EHALF, _EHALF)
        dst_k = lax.dynamic_slice_in_dim(dst_f, k * _EHALF, _EHALF)
        parts.append(_sc_agg(x, src_k.reshape(32 * _IDXR, 128),
                             dst_k.reshape(32 * _IDXR, 128), e_k, zeros))
    return _mlp_bn(x, parts[0], parts[1], W1, b1, W2, b2, gamma, beta)

# --- scband reference (transcript-rebuilt; emitter-appended) ---
"""Pipeline reference for scband-gineblock-72086731096839 (READ-ONLY COPY).

The authoritative reference and input builder live on the scoring server;
editing this copy changes nothing except your own understanding.
"""

import jax, jax.numpy as jnp
import numpy as np

N = 10000
E = 320000
D = 128
DE = 16


def setup_inputs(seed: int = 0) -> dict:
    key = jax.random.key(seed)
    ks = jax.random.split(key, 12)
    x = jax.random.normal(ks[0], (N, D), dtype=jnp.float32)
    edge_index = jax.random.randint(ks[1], (2, E), 0, N, dtype=jnp.int32)
    edge_attr = jax.random.normal(ks[2], (E, DE), dtype=jnp.float32)
    # GINEConv edge projection Linear(edge_dim -> in_channels)
    W_e = jax.random.normal(ks[3], (D, DE), dtype=jnp.float32) * 0.05
    b_e = jax.random.normal(ks[4], (D,), dtype=jnp.float32) * 0.05
    # MLP: Linear(D, D) -> ReLU -> Linear(D, D)
    W1 = jax.random.normal(ks[5], (D, D), dtype=jnp.float32) * 0.05
    b1 = jax.random.normal(ks[6], (D,), dtype=jnp.float32) * 0.05
    W2 = jax.random.normal(ks[7], (D, D), dtype=jnp.float32) * 0.05
    b2 = jax.random.normal(ks[8], (D,), dtype=jnp.float32) * 0.05
    # BatchNorm1d affine params
    gamma = jnp.ones((D,), dtype=jnp.float32)
    beta = jnp.zeros((D,), dtype=jnp.float32)
    return {"x": x, "edge_index": edge_index, "edge_attr": edge_attr,
            "W_e": W_e, "b_e": b_e, "W1": W1, "b1": b1, "W2": W2, "b2": b2,
            "gamma": gamma, "beta": beta}


def reference(x, edge_index, edge_attr, W_e, b_e, W1, b1, W2, b2, gamma, beta):
    src = edge_index[0]
    dst = edge_index[1]
    # GINEConv message: relu(x_j + Lin(edge_attr)); x_j = x[src]
    e = edge_attr @ W_e.T + b_e
    m = jax.nn.relu(x[src] + e)
    # sum aggregation over destination nodes
    agg = jax.ops.segment_sum(m, dst, num_segments=N)
    # update: mlp((1 + eps) * x_i + agg), eps = 0
    h = x + agg
    h = h @ W1.T + b1
    h = jax.nn.relu(h)
    h = h @ W2.T + b2
    # block-level: ReLU then BatchNorm1d (training mode, batch stats, biased var)
    h = jax.nn.relu(h)
    mean = jnp.mean(h, axis=0)
    var = jnp.var(h, axis=0)
    h = (h - mean) / jnp.sqrt(var + 1e-5) * gamma + beta
    return h

if __name__ == "__main__":
    import jax
    _d = setup_inputs()
    print(jax.jit(kernel)(*tuple(_d.values())))

</pallas_src>

<mosaic_0001>
#map = affine_map<(d0, d1) -> (0, 0)>
#map1 = affine_map<(d0, d1) -> (0, 0, 0)>
module attributes {stable_mosaic.version = 14 : i64} {
  func.func @_sc_body(%arg0: i32, %arg1: i32, %arg2: memref<10000x128xf32, #tpu.memory_space<hbm>>, %arg3: memref<1280x128xi32, #tpu.memory_space<hbm>>, %arg4: memref<1280x128xi32, #tpu.memory_space<hbm>>, %arg5: memref<163840x128xf32, #tpu.memory_space<hbm>>, %arg6: memref<640x128xf32, #tpu.memory_space<hbm>>, %arg7: memref<2x10240x128xf32, #tpu.memory_space<hbm>>, %arg8: memref<40x128xi32, #tpu.memory_space<vmem>>, %arg9: memref<40x128xi32, #tpu.memory_space<vmem>>, %arg10: memref<32xi32, #tpu.memory_space<vmem>>, %arg11: memref<32xi32, #tpu.memory_space<vmem>>, %arg12: memref<32x128xf32, #tpu.memory_space<vmem>>, %arg13: memref<32x128xf32, #tpu.memory_space<vmem>>, %arg14: memref<32x128xf32, #tpu.memory_space<vmem>>, %arg15: memref<32x128xf32, #tpu.memory_space<vmem>>, %arg16: memref<32x128xf32, #tpu.memory_space<vmem>>, %arg17: memref<32x128xf32, #tpu.memory_space<vmem>>, %arg18: memref<10240x128xf32, #tpu.memory_space<vmem_shared>>, %arg19: memref<!tpu.dma_semaphore, #tpu.memory_space<semaphore_mem>>, %arg20: memref<!tpu.dma_semaphore, #tpu.memory_space<semaphore_mem>>, %arg21: memref<!tpu.dma_semaphore, #tpu.memory_space<semaphore_mem>>, %arg22: memref<!tpu.dma_semaphore, #tpu.memory_space<semaphore_mem>>, %arg23: memref<!tpu.dma_semaphore, #tpu.memory_space<semaphore_mem>>, %arg24: memref<!tpu.dma_semaphore, #tpu.memory_space<semaphore_mem>>) attributes {dimension_semantics = [#tpu.dimension_semantics<core_parallel>, #tpu.dimension_semantics<subcore_parallel>], iteration_bounds = array<i64: 2, 16>, scalar_prefetch = 0 : i64, scratch_operands = 17 : i64, tpu.core_type = #tpu.core_type<sc_vector_subcore>, window_params = [{transform_indices = #map}, {transform_indices = #map}, {transform_indices = #map}, {transform_indices = #map}, {transform_indices = #map}, {transform_indices = #map1}]} {
    %mul3A = arith.constant 2 : i32
    %mul3A_0 = arith.muli %arg1, %mul3A : i32
    %add3A = arith.addi %mul3A_0, %arg0 : i32
    %mul3A_1 = arith.constant 5120 : i32
    %mul3A_2 = arith.muli %add3A, %mul3A_1 : i32
    %mul3A_3 = arith.constant 40 : i32
    %mul3A_4 = arith.muli %add3A, %mul3A_3 : i32
    "tpu.region"() ({
      %run_scoped3A = tpu.sem_alloc : memref<!tpu.dma_semaphore, #tpu.memory_space<semaphore_mem>>
      %dma_start3A_239 = arith.constant 0 : i32
      %dma_start3A_240 = tpu.memref_slice %arg3[%mul3A_4, %dma_start3A_239] : memref<1280x128xi32, #tpu.memory_space<hbm>> -> memref<40x128xi32, #tpu.memory_space<hbm>>
      %dma_start3A_241 = arith.constant 0 : i32
      %dma_start3A_242 = tpu.memref_slice %arg3[%mul3A_4, %dma_start3A_241] : memref<1280x128xi32, #tpu.memory_space<hbm>> -> memref<40x128xi32, #tpu.memory_space<hbm>>
      tpu.enqueue_dma source(%dma_start3A_242 : memref<40x128xi32, #tpu.memory_space<hbm>>) target(%arg8 : memref<40x128xi32, #tpu.memory_space<vmem>>) target_semaphore(%run_scoped3A : memref<!tpu.dma_semaphore, #tpu.memory_space<semaphore_mem>>)
      %dma_wait3A_243 = arith.constant 0 : i32
      %dma_wait3A_244 = tpu.memref_slice %arg3[%mul3A_4, %dma_wait3A_243] : memref<1280x128xi32, #tpu.memory_space<hbm>> -> memref<40x128xi32, #tpu.memory_space<hbm>>
      %dma_wait3A_245 = arith.constant 0 : i32
      %dma_wait3A_246 = tpu.memref_slice %arg3[%mul3A_4, %dma_wait3A_245] : memref<1280x128xi32, #tpu.memory_space<hbm>> -> memref<40x128xi32, #tpu.memory_space<hbm>>
      tpu.wait_dma2 semaphore(%run_scoped3A : memref<!tpu.dma_semaphore, #tpu.memory_space<semaphore_mem>>) src(%dma_wait3A_246 : memref<40x128xi32, #tpu.memory_space<hbm>>) dst(%arg8 : memref<40x128xi32, #tpu.memory_space<vmem>>)
      tpu.yield
    }) : () -> ()
    %mul3A_5 = arith.constant 40 : i32
    %mul3A_6 = arith.muli %add3A, %mul3A_5 : i32
    "tpu.region"() ({
      %run_scoped3A = tpu.sem_alloc : memref<!tpu.dma_semaphore, #tpu.memory_space<semaphore_mem>>
      %dma_start3A_239 = arith.constant 0 : i32
      %dma_start3A_240 = tpu.memref_slice %arg4[%mul3A_6, %dma_start3A_239] : memref<1280x128xi32, #tpu.memory_space<hbm>> -> memref<40x128xi32, #tpu.memory_space<hbm>>
      %dma_start3A_241 = arith.constant 0 : i32
      %dma_start3A_242 = tpu.memref_slice %arg4[%mul3A_6, %dma_start3A_241] : memref<1280x128xi32, #tpu.memory_space<hbm>> -> memref<40x128xi32, #tpu.memory_space<hbm>>
      tpu.enqueue_dma source(%dma_start3A_242 : memref<40x128xi32, #tpu.memory_space<hbm>>) target(%arg9 : memref<40x128xi32, #tpu.memory_space<vmem>>) target_semaphore(%run_scoped3A : memref<!tpu.dma_semaphore, #tpu.memory_space<semaphore_mem>>)
      %dma_wait3A_243 = arith.constant 0 : i32
      %dma_wait3A_244 = tpu.memref_slice %arg4[%mul3A_6, %dma_wait3A_243] : memref<1280x128xi32, #tpu.memory_space<hbm>> -> memref<40x128xi32, #tpu.memory_space<hbm>>
      %dma_wait3A_245 = arith.constant 0 : i32
      %dma_wait3A_246 = tpu.memref_slice %arg4[%mul3A_6, %dma_wait3A_245] : memref<1280x128xi32, #tpu.memory_space<hbm>> -> memref<40x128xi32, #tpu.memory_space<hbm>>
      tpu.wait_dma2 semaphore(%run_scoped3A : memref<!tpu.dma_semaphore, #tpu.memory_space<semaphore_mem>>) src(%dma_wait3A_246 : memref<40x128xi32, #tpu.memory_space<hbm>>) dst(%arg9 : memref<40x128xi32, #tpu.memory_space<vmem>>)
      tpu.yield
    }) : () -> ()
    %mul3A_7 = arith.constant 640 : i32
    %mul3A_8 = arith.muli %arg1, %mul3A_7 : i32
    "tpu.region"() ({
      %run_scoped3A = tpu.sem_alloc : memref<!tpu.dma_semaphore, #tpu.memory_space<semaphore_mem>>
      %dma_start3A_239 = arith.constant 0 : i32
      %dma_start3A_240 = tpu.memref_slice %arg18[%mul3A_8, %dma_start3A_239] : memref<10240x128xf32, #tpu.memory_space<vmem_shared>> -> memref<640x128xf32, #tpu.memory_space<vmem_shared>>
      tpu.enqueue_dma source(%arg6 : memref<640x128xf32, #tpu.memory_space<hbm>>) target(%dma_start3A_240 : memref<640x128xf32, #tpu.memory_space<vmem_shared>>) target_semaphore(%run_scoped3A : memref<!tpu.dma_semaphore, #tpu.memory_space<semaphore_mem>>)
      %dma_wait3A_241 = arith.constant 0 : i32
      %dma_wait3A_242 = tpu.memref_slice %arg18[%mul3A_8, %dma_wait3A_241] : memref<10240x128xf32, #tpu.memory_space<vmem_shared>> -> memref<640x128xf32, #tpu.memory_space<vmem_shared>>
      tpu.wait_dma2 semaphore(%run_scoped3A : memref<!tpu.dma_semaphore, #tpu.memory_space<semaphore_mem>>) src(%arg6 : memref<640x128xf32, #tpu.memory_space<hbm>>) dst(%dma_wait3A_242 : memref<640x128xf32, #tpu.memory_space<vmem_shared>>)
      tpu.yield
    }) : () -> ()
    %barrier3A = arith.constant 0 : index
    tpu.barrier barrier_id(%barrier3A)
    %add3A_9 = arith.constant 0 : i32
    %add3A_10 = arith.addi %mul3A_2, %add3A_9 : i32
    %dma_start3A = arith.constant 0 : i32
    %dma_start3A_11 = tpu.memref_slice %arg5[%add3A_10, %dma_start3A] : memref<163840x128xf32, #tpu.memory_space<hbm>> -> memref<32x128xf32, #tpu.memory_space<hbm>>
    %dma_start3A_12 = arith.constant 0 : i32
    %dma_start3A_13 = tpu.memref_slice %arg5[%add3A_10, %dma_start3A_12] : memref<163840x128xf32, #tpu.memory_space<hbm>> -> memref<32x128xf32, #tpu.memory_space<hbm>>
    tpu.enqueue_dma source(%dma_start3A_13 : memref<32x128xf32, #tpu.memory_space<hbm>>) target(%arg14 : memref<32x128xf32, #tpu.memory_space<vmem>>) target_semaphore(%arg21 : memref<!tpu.dma_semaphore, #tpu.memory_space<semaphore_mem>>)
    %dma_start3A_14 = arith.constant 0 : i32
    %dma_start3A_15 = arith.constant 0 : i32
    %dma_start3A_16 = tpu.memref_slice %arg8[%dma_start3A_14, %dma_start3A_15] : memref<40x128xi32, #tpu.memory_space<vmem>> -> memref<1x32xi32, #tpu.memory_space<vmem>>
    %dma_start3A_17 = tpu.memref_squeeze %dma_start3A_16 : memref<1x32xi32, #tpu.memory_space<vmem>> -> memref<32xi32, #tpu.memory_space<vmem>>
    %dma_start3A_18 = arith.constant 0 : i32
    %dma_start3A_19 = arith.constant 0 : i32
    %dma_start3A_20 = tpu.memref_slice %arg2[%dma_start3A_18, %dma_start3A_19] : memref<10000x128xf32, #tpu.memory_space<hbm>> -> memref<10000x128xf32, #tpu.memory_space<hbm>>
    tpu.enqueue_indirect_dma source(%dma_start3A_20 : memref<10000x128xf32, #tpu.memory_space<hbm>>) target(%arg12 : memref<32x128xf32, #tpu.memory_space<vmem>>) offsets(%dma_start3A_17 : memref<32xi32, #tpu.memory_space<vmem>>) semaphore(%arg19 : memref<!tpu.dma_semaphore, #tpu.memory_space<semaphore_mem>>)
    %add3A_21 = arith.constant 32 : i32
    %add3A_22 = arith.addi %mul3A_2, %add3A_21 : i32
    %dma_start3A_23 = arith.constant 0 : i32
    %dma_start3A_24 = tpu.memref_slice %arg5[%add3A_22, %dma_start3A_23] : memref<163840x128xf32, #tpu.memory_space<hbm>> -> memref<32x128xf32, #tpu.memory_space<hbm>>
    %dma_start3A_25 = arith.constant 0 : i32
    %dma_start3A_26 = tpu.memref_slice %arg5[%add3A_22, %dma_start3A_25] : memref<163840x128xf32, #tpu.memory_space<hbm>> -> memref<32x128xf32, #tpu.memory_space<hbm>>
    tpu.enqueue_dma source(%dma_start3A_26 : memref<32x128xf32, #tpu.memory_space<hbm>>) target(%arg15 : memref<32x128xf32, #tpu.memory_space<vmem>>) target_semaphore(%arg22 : memref<!tpu.dma_semaphore, #tpu.memory_space<semaphore_mem>>)
    %dma_start3A_27 = arith.constant 0 : i32
    %dma_start3A_28 = arith.constant 32 : i32
    %dma_start3A_29 = tpu.memref_slice %arg8[%dma_start3A_27, %dma_start3A_28] : memref<40x128xi32, #tpu.memory_space<vmem>> -> memref<1x32xi32, #tpu.memory_space<vmem>>
    %dma_start3A_30 = tpu.memref_squeeze %dma_start3A_29 : memref<1x32xi32, #tpu.memory_space<vmem>> -> memref<32xi32, #tpu.memory_space<vmem>>
    %dma_start3A_31 = arith.constant 0 : i32
    %dma_start3A_32 = arith.constant 0 : i32
    %dma_start3A_33 = tpu.memref_slice %arg2[%dma_start3A_31, %dma_start3A_32] : memref<10000x128xf32, #tpu.memory_space<hbm>> -> memref<10000x128xf32, #tpu.memory_space<hbm>>
    tpu.enqueue_indirect_dma source(%dma_start3A_33 : memref<10000x128xf32, #tpu.memory_space<hbm>>) target(%arg13 : memref<32x128xf32, #tpu.memory_space<vmem>>) offsets(%dma_start3A_30 : memref<32xi32, #tpu.memory_space<vmem>>) semaphore(%arg20 : memref<!tpu.dma_semaphore, #tpu.memory_space<semaphore_mem>>)
    %add3A_34 = arith.constant 0 : i32
    %add3A_35 = arith.addi %mul3A_2, %add3A_34 : i32
    %dma_wait3A = arith.constant 0 : i32
    %dma_wait3A_36 = tpu.memref_slice %arg5[%add3A_35, %dma_wait3A] : memref<163840x128xf32, #tpu.memory_space<hbm>> -> memref<32x128xf32, #tpu.memory_space<hbm>>
    %dma_wait3A_37 = arith.constant 0 : i32
    %dma_wait3A_38 = tpu.memref_slice %arg5[%add3A_35, %dma_wait3A_37] : memref<163840x128xf32, #tpu.memory_space<hbm>> -> memref<32x128xf32, #tpu.memory_space<hbm>>
    tpu.wait_dma2 semaphore(%arg21 : memref<!tpu.dma_semaphore, #tpu.memory_space<semaphore_mem>>) src(%dma_wait3A_38 : memref<32x128xf32, #tpu.memory_space<hbm>>) dst(%arg14 : memref<32x128xf32, #tpu.memory_space<vmem>>)
    %dma_wait3A_39 = arith.constant 0 : i32
    %dma_wait3A_40 = arith.constant 0 : i32
    %dma_wait3A_41 = tpu.memref_slice %arg8[%dma_wait3A_39, %dma_wait3A_40] : memref<40x128xi32, #tpu.memory_space<vmem>> -> memref<1x32xi32, #tpu.memory_space<vmem>>
    %dma_wait3A_42 = tpu.memref_squeeze %dma_wait3A_41 : memref<1x32xi32, #tpu.memory_space<vmem>> -> memref<32xi32, #tpu.memory_space<vmem>>
    %dma_wait3A_43 = arith.constant 0 : i32
    %dma_wait3A_44 = arith.constant 0 : i32
    %dma_wait3A_45 = tpu.memref_slice %arg2[%dma_wait3A_43, %dma_wait3A_44] : memref<10000x128xf32, #tpu.memory_space<hbm>> -> memref<10000x128xf32, #tpu.memory_space<hbm>>
    tpu.wait_indirect_dma semaphore(%arg19 : memref<!tpu.dma_semaphore, #tpu.memory_space<semaphore_mem>>) src(%dma_wait3A_45 : memref<10000x128xf32, #tpu.memory_space<hbm>>) dst(%arg12 : memref<32x128xf32, #tpu.memory_space<vmem>>)
    %get3A = arith.constant 0 : i32
    %get3A_46 = arith.index_cast %get3A : i32 to index
    %get3A_47 = arith.constant 0 : index
    %get3A_48 = tpu.vector_load %arg9[%get3A_46, %get3A_47] {strides = array<i32>} : memref<40x128xi32, #tpu.memory_space<vmem>>, vector<1x16xi32>,
    %get3A_49 = vector.shape_cast %get3A_48 : vector<1x16xi32> to vector<16xi32>
    %swap3A = arith.constant 0 : index
    %swap3A_50 = tpu.vector_load %arg10[%swap3A] {strides = array<i32>} : memref<32xi32, #tpu.memory_space<vmem>>, vector<16xi32>,
    %swap3A_51 = vector.shape_cast %swap3A_50 : vector<16xi32> to vector<16xi32>
    %swap3A_52 = vector.shape_cast %get3A_49 : vector<16xi32> to vector<16xi32>
    tpu.vector_store %arg10[%swap3A], %swap3A_52 {strides = array<i32>} : memref<32xi32, #tpu.memory_space<vmem>>, vector<16xi32>,
    %get3A_53 = arith.constant 0 : i32
    %get3A_54 = arith.index_cast %get3A_53 : i32 to index
    %get3A_55 = arith.constant 16 : index
    %get3A_56 = tpu.vector_load %arg9[%get3A_54, %get3A_55] {strides = array<i32>} : memref<40x128xi32, #tpu.memory_space<vmem>>, vector<1x16xi32>,
    %get3A_57 = vector.shape_cast %get3A_56 : vector<1x16xi32> to vector<16xi32>
    %swap3A_58 = arith.constant 16 : index
    %swap3A_59 = tpu.vector_load %arg10[%swap3A_58] {strides = array<i32>} : memref<32xi32, #tpu.memory_space<vmem>>, vector<16xi32>,
    %swap3A_60 = vector.shape_cast %swap3A_59 : vector<16xi32> to vector<16xi32>
    %swap3A_61 = vector.shape_cast %get3A_57 : vector<16xi32> to vector<16xi32>
    tpu.vector_store %arg10[%swap3A_58], %swap3A_61 {strides = array<i32>} : memref<32xi32, #tpu.memory_space<vmem>>, vector<16xi32>,
    %scan3A = arith.constant 0 : i32
    %scan3A_62 = arith.constant 0 : i32
    %scan3A_63 = arith.constant 32 : i32
    %scan3A_64 = arith.addi %scan3A_62, %scan3A_63 : i32
    %scan3A_65 = arith.constant 1 : i32
    scf.for %scan3A_239 = %scan3A_62 to %scan3A_64 step %scan3A_65  : i32 {
      %get3A_240 = arith.index_cast %scan3A_239 : i32 to index
      %get3A_241 = arith.constant 0 : index
      %get3A_242 = tpu.vector_load %arg12[%get3A_240, %get3A_241] {strides = array<i32>} : memref<32x128xf32, #tpu.memory_space<vmem>>, vector<1x16xf32>,
      %get3A_243 = vector.shape_cast %get3A_242 : vector<1x16xf32> to vector<16xf32>
      %get3A_244 = arith.index_cast %scan3A_239 : i32 to index
      %get3A_245 = arith.constant 0 : index
      %get3A_246 = tpu.vector_load %arg14[%get3A_244, %get3A_245] {strides = array<i32>} : memref<32x128xf32, #tpu.memory_space<vmem>>, vector<1x16xf32>,
      %get3A_247 = vector.shape_cast %get3A_246 : vector<1x16xf32> to vector<16xf32>
      %add3A_248 = arith.addf %get3A_243, %get3A_247 : vector<16xf32>
      %max3A = arith.constant 0.000000e+00 : f32
      %max3A_249 = vector.broadcast %max3A : f32 to vector<16xf32>
      %max3A_250 = arith.maximumf %add3A_248, %max3A_249 : vector<16xf32>
      %swap3A_251 = arith.index_cast %scan3A_239 : i32 to index
      %swap3A_252 = arith.constant 0 : index
      %swap3A_253 = tpu.vector_load %arg16[%swap3A_251, %swap3A_252] {strides = array<i32>} : memref<32x128xf32, #tpu.memory_space<vmem>>, vector<1x16xf32>,
      %swap3A_254 = vector.shape_cast %swap3A_253 : vector<1x16xf32> to vector<16xf32>
      %swap3A_255 = vector.shape_cast %max3A_250 : vector<16xf32> to vector<1x16xf32>
      tpu.vector_store %arg16[%swap3A_251, %swap3A_252], %swap3A_255 {strides = array<i32>} : memref<32x128xf32, #tpu.memory_space<vmem>>, vector<1x16xf32>,
      %get3A_256 = arith.index_cast %scan3A_239 : i32 to index
      %get3A_257 = arith.constant 16 : index
      %get3A_258 = tpu.vector_load %arg12[%get3A_256, %get3A_257] {strides = array<i32>} : memref<32x128xf32, #tpu.memory_space<vmem>>, vector<1x16xf32>,
      %get3A_259 = vector.shape_cast %get3A_258 : vector<1x16xf32> to vector<16xf32>
      %get3A_260 = arith.index_cast %scan3A_239 : i32 to index
      %get3A_261 = arith.constant 16 : index
      %get3A_262 = tpu.vector_load %arg14[%get3A_260, %get3A_261] {strides = array<i32>} : memref<32x128xf32, #tpu.memory_space<vmem>>, vector<1x16xf32>,
      %get3A_263 = vector.shape_cast %get3A_262 : vector<1x16xf32> to vector<16xf32>
      %add3A_264 = arith.addf %get3A_259, %get3A_263 : vector<16xf32>
      %max3A_265 = arith.constant 0.000000e+00 : f32
      %max3A_266 = vector.broadcast %max3A_265 : f32 to vector<16xf32>
      %max3A_267 = arith.maximumf %add3A_264, %max3A_266 : vector<16xf32>
      %swap3A_268 = arith.index_cast %scan3A_239 : i32 to index
      %swap3A_269 = arith.constant 16 : index
      %swap3A_270 = tpu.vector_load %arg16[%swap3A_268, %swap3A_269] {strides = array<i32>} : memref<32x128xf32, #tpu.memory_space<vmem>>, vector<1x16xf32>,
      %swap3A_271 = vector.shape_cast %swap3A_270 : vector<1x16xf32> to vector<16xf32>
      %swap3A_272 = vector.shape_cast %max3A_267 : vector<16xf32> to vector<1x16xf32>
      tpu.vector_store %arg16[%swap3A_268, %swap3A_269], %swap3A_272 {strides = array<i32>} : memref<32x128xf32, #tpu.memory_space<vmem>>, vector<1x16xf32>,
      %get3A_273 = arith.index_cast %scan3A_239 : i32 to index
      %get3A_274 = arith.constant 32 : index
      %get3A_275 = tpu.vector_load %arg12[%get3A_273, %get3A_274] {strides = array<i32>} : memref<32x128xf32, #tpu.memory_space<vmem>>, vector<1x16xf32>,
      %get3A_276 = vector.shape_cast %get3A_275 : vector<1x16xf32> to vector<16xf32>
      %get3A_277 = arith.index_cast %scan3A_239 : i32 to index
      %get3A_278 = arith.constant 32 : index
      %get3A_279 = tpu.vector_load %arg14[%get3A_277, %get3A_278] {strides = array<i32>} : memref<32x128xf32, #tpu.memory_space<vmem>>, vector<1x16xf32>,
      %get3A_280 = vector.shape_cast %get3A_279 : vector<1x16xf32> to vector<16xf32>
      %add3A_281 = arith.addf %get3A_276, %get3A_280 : vector<16xf32>
      %max3A_282 = arith.constant 0.000000e+00 : f32
      %max3A_283 = vector.broadcast %max3A_282 : f32 to vector<16xf32>
      %max3A_284 = arith.maximumf %add3A_281, %max3A_283 : vector<16xf32>
      %swap3A_285 = arith.index_cast %scan3A_239 : i32 to index
      %swap3A_286 = arith.constant 32 : index
      %swap3A_287 = tpu.vector_load %arg16[%swap3A_285, %swap3A_286] {strides = array<i32>} : memref<32x128xf32, #tpu.memory_space<vmem>>, vector<1x16xf32>,
      %swap3A_288 = vector.shape_cast %swap3A_287 : vector<1x16xf32> to vector<16xf32>
      %swap3A_289 = vector.shape_cast %max3A_284 : vector<16xf32> to vector<1x16xf32>
      tpu.vector_store %arg16[%swap3A_285, %swap3A_286], %swap3A_289 {strides = array<i32>} : memref<32x128xf32, #tpu.memory_space<vmem>>, vector<1x16xf32>,
      %get3A_290 = arith.index_cast %scan3A_239 : i32 to index
      %get3A_291 = arith.constant 48 : index
      %get3A_292 = tpu.vector_load %arg12[%get3A_290, %get3A_291] {strides = array<i32>} : memref<32x128xf32, #tpu.memory_space<vmem>>, vector<1x16xf32>,
      %get3A_293 = vector.shape_cast %get3A_292 : vector<1x16xf32> to vector<16xf32>
      %get3A_294 = arith.index_cast %scan3A_239 : i32 to index
      %get3A_295 = arith.constant 48 : index
      %get3A_296 = tpu.vector_load %arg14[%get3A_294, %get3A_295] {strides = array<i32>} : memref<32x128xf32, #tpu.memory_space<vmem>>, vector<1x16xf32>,
      %get3A_297 = vector.shape_cast %get3A_296 : vector<1x16xf32> to vector<16xf32>
      %add3A_298 = arith.addf %get3A_293, %get3A_297 : vector<16xf32>
      %max3A_299 = arith.constant 0.000000e+00 : f32
      %max3A_300 = vector.broadcast %max3A_299 : f32 to vector<16xf32>
      %max3A_301 = arith.maximumf %add3A_298, %max3A_300 : vector<16xf32>
      %swap3A_302 = arith.index_cast %scan3A_239 : i32 to index
      %swap3A_303 = arith.constant 48 : index
      %swap3A_304 = tpu.vector_load %arg16[%swap3A_302, %swap3A_303] {strides = array<i32>} : memref<32x128xf32, #tpu.memory_space<vmem>>, vector<1x16xf32>,
      %swap3A_305 = vector.shape_cast %swap3A_304 : vector<1x16xf32> to vector<16xf32>
      %swap3A_306 = vector.shape_cast %max3A_301 : vector<16xf32> to vector<1x16xf32>
      tpu.vector_store %arg16[%swap3A_302, %swap3A_303], %swap3A_306 {strides = array<i32>} : memref<32x128xf32, #tpu.memory_space<vmem>>, vector<1x16xf32>,
      %get3A_307 = arith.index_cast %scan3A_239 : i32 to index
      %get3A_308 = arith.constant 64 : index
      %get3A_309 = tpu.vector_load %arg12[%get3A_307, %get3A_308] {strides = array<i32>} : memref<32x128xf32, #tpu.memory_space<vmem>>, vector<1x16xf32>,
      %get3A_310 = vector.shape_cast %get3A_309 : vector<1x16xf32> to vector<16xf32>
      %get3A_311 = arith.index_cast %scan3A_239 : i32 to index
      %get3A_312 = arith.constant 64 : index
      %get3A_313 = tpu.vector_load %arg14[%get3A_311, %get3A_312] {strides = array<i32>} : memref<32x128xf32, #tpu.memory_space<vmem>>, vector<1x16xf32>,
      %get3A_314 = vector.shape_cast %get3A_313 : vector<1x16xf32> to vector<16xf32>
      %add3A_315 = arith.addf %get3A_310, %get3A_314 : vector<16xf32>
      %max3A_316 = arith.constant 0.000000e+00 : f32
      %max3A_317 = vector.broadcast %max3A_316 : f32 to vector<16xf32>
      %max3A_318 = arith.maximumf %add3A_315, %max3A_317 : vector<16xf32>
      %swap3A_319 = arith.index_cast %scan3A_239 : i32 to index
      %swap3A_320 = arith.constant 64 : index
      %swap3A_321 = tpu.vector_load %arg16[%swap3A_319, %swap3A_320] {strides = array<i32>} : memref<32x128xf32, #tpu.memory_space<vmem>>, vector<1x16xf32>,
      %swap3A_322 = vector.shape_cast %swap3A_321 : vector<1x16xf32> to vector<16xf32>
      %swap3A_323 = vector.shape_cast %max3A_318 : vector<16xf32> to vector<1x16xf32>
      tpu.vector_store %arg16[%swap3A_319, %swap3A_320], %swap3A_323 {strides = array<i32>} : memref<32x128xf32, #tpu.memory_space<vmem>>, vector<1x16xf32>,
      %get3A_324 = arith.index_cast %scan3A_239 : i32 to index
      %get3A_325 = arith.constant 80 : index
      %get3A_326 = tpu.vector_load %arg12[%get3A_324, %get3A_325] {strides = array<i32>} : memref<32x128xf32, #tpu.memory_space<vmem>>, vector<1x16xf32>,
      %get3A_327 = vector.shape_cast %get3A_326 : vector<1x16xf32> to vector<16xf32>
      %get3A_328 = arith.index_cast %scan3A_239 : i32 to index
      %get3A_329 = arith.constant 80 : index
      %get3A_330 = tpu.vector_load %arg14[%get3A_328, %get3A_329] {strides = array<i32>} : memref<32x128xf32, #tpu.memory_space<vmem>>, vector<1x16xf32>,
      %get3A_331 = vector.shape_cast %get3A_330 : vector<1x16xf32> to vector<16xf32>
      %add3A_332 = arith.addf %get3A_327, %get3A_331 : vector<16xf32>
      %max3A_333 = arith.constant 0.000000e+00 : f32
      %max3A_334 = vector.broadcast %max3A_333 : f32 to vector<16xf32>
      %max3A_335 = arith.maximumf %add3A_332, %max3A_334 : vector<16xf32>
      %swap3A_336 = arith.index_cast %scan3A_239 : i32 to index
      %swap3A_337 = arith.constant 80 : index
      %swap3A_338 = tpu.vector_load %arg16[%swap3A_336, %swap3A_337] {strides = array<i32>} : memref<32x128xf32, #tpu.memory_space<vmem>>, vector<1x16xf32>,
      %swap3A_339 = vector.shape_cast %swap3A_338 : vector<1x16xf32> to vector<16xf32>
      %swap3A_340 = vector.shape_cast %max3A_335 : vector<16xf32> to vector<1x16xf32>
      tpu.vector_store %arg16[%swap3A_336, %swap3A_337], %swap3A_340 {strides = array<i32>} : memref<32x128xf32, #tpu.memory_space<vmem>>, vector<1x16xf32>,
      %get3A_341 = arith.index_cast %scan3A_239 : i32 to index
      %get3A_342 = arith.constant 96 : index
      %get3A_343 = tpu.vector_load %arg12[%get3A_341, %get3A_342] {strides = array<i32>} : memref<32x128xf32, #tpu.memory_space<vmem>>, vector<1x16xf32>,
      %get3A_344 = vector.shape_cast %get3A_343 : vector<1x16xf32> to vector<16xf32>
      %get3A_345 = arith.index_cast %scan3A_239 : i32 to index
      %get3A_346 = arith.constant 96 : index
      %get3A_347 = tpu.vector_load %arg14[%get3A_345, %get3A_346] {strides = array<i32>} : memref<32x128xf32, #tpu.memory_space<vmem>>, vector<1x16xf32>,
      %get3A_348 = vector.shape_cast %get3A_347 : vector<1x16xf32> to vector<16xf32>
      %add3A_349 = arith.addf %get3A_344, %get3A_348 : vector<16xf32>
      %max3A_350 = arith.constant 0.000000e+00 : f32
      %max3A_351 = vector.broadcast %max3A_350 : f32 to vector<16xf32>
      %max3A_352 = arith.maximumf %add3A_349, %max3A_351 : vector<16xf32>
      %swap3A_353 = arith.index_cast %scan3A_239 : i32 to index
      %swap3A_354 = arith.constant 96 : index
      %swap3A_355 = tpu.vector_load %arg16[%swap3A_353, %swap3A_354] {strides = array<i32>} : memref<32x128xf32, #tpu.memory_space<vmem>>, vector<1x16xf32>,
      %swap3A_356 = vector.shape_cast %swap3A_355 : vector<1x16xf32> to vector<16xf32>
      %swap3A_357 = vector.shape_cast %max3A_352 : vector<16xf32> to vector<1x16xf32>
      tpu.vector_store %arg16[%swap3A_353, %swap3A_354], %swap3A_357 {strides = array<i32>} : memref<32x128xf32, #tpu.memory_space<vmem>>, vector<1x16xf32>,
      %get3A_358 = arith.index_cast %scan3A_239 : i32 to index
      %get3A_359 = arith.constant 112 : index
      %get3A_360 = tpu.vector_load %arg12[%get3A_358, %get3A_359] {strides = array<i32>} : memref<32x128xf32, #tpu.memory_space<vmem>>, vector<1x16xf32>,
      %get3A_361 = vector.shape_cast %get3A_360 : vector<1x16xf32> to vector<16xf32>
      %get3A_362 = arith.index_cast %scan3A_239 : i32 to index
      %get3A_363 = arith.constant 112 : index
      %get3A_364 = tpu.vector_load %arg14[%get3A_362, %get3A_363] {strides = array<i32>} : memref<32x128xf32, #tpu.memory_space<vmem>>, vector<1x16xf32>,
      %get3A_365 = vector.shape_cast %get3A_364 : vector<1x16xf32> to vector<16xf32>
      %add3A_366 = arith.addf %get3A_361, %get3A_365 : vector<16xf32>
      %max3A_367 = arith.constant 0.000000e+00 : f32
      %max3A_368 = vector.broadcast %max3A_367 : f32 to vector<16xf32>
      %max3A_369 = arith.maximumf %add3A_366, %max3A_368 : vector<16xf32>
      %swap3A_370 = arith.index_cast %scan3A_239 : i32 to index
      %swap3A_371 = arith.constant 112 : index
      %swap3A_372 = tpu.vector_load %arg16[%swap3A_370, %swap3A_371] {strides = array<i32>} : memref<32x128xf32, #tpu.memory_space<vmem>>, vector<1x16xf32>,
      %swap3A_373 = vector.shape_cast %swap3A_372 : vector<1x16xf32> to vector<16xf32>
      %swap3A_374 = vector.shape_cast %max3A_369 : vector<16xf32> to vector<1x16xf32>
      tpu.vector_store %arg16[%swap3A_370, %swap3A_371], %swap3A_374 {strides = array<i32>} : memref<32x128xf32, #tpu.memory_space<vmem>>, vector<1x16xf32>,
    }
    %scan3A_66 = arith.constant 32 : i32
    %dma_start3A_67 = arith.constant 0 : i32
    %dma_start3A_68 = arith.constant 0 : i32
    %dma_start3A_69 = tpu.memref_slice %arg18[%dma_start3A_67, %dma_start3A_68] : memref<10240x128xf32, #tpu.memory_space<vmem_shared>> -> memref<10240x128xf32, #tpu.memory_space<vmem_shared>>
    tpu.enqueue_indirect_dma source(%arg16 : memref<32x128xf32, #tpu.memory_space<vmem>>) target(%dma_start3A_69 : memref<10240x128xf32, #tpu.memory_space<vmem_shared>>) offsets(%arg10 : memref<32xi32, #tpu.memory_space<vmem>>) semaphore(%arg23 : memref<!tpu.dma_semaphore, #tpu.memory_space<semaphore_mem>>) {add = true}
    %add3A_70 = arith.constant 64 : i32
    %add3A_71 = arith.addi %mul3A_2, %add3A_70 : i32
    %dma_start3A_72 = arith.constant 0 : i32
    %dma_start3A_73 = tpu.memref_slice %arg5[%add3A_71, %dma_start3A_72] : memref<163840x128xf32, #tpu.memory_space<hbm>> -> memref<32x128xf32, #tpu.memory_space<hbm>>
    %dma_start3A_74 = arith.constant 0 : i32
    %dma_start3A_75 = tpu.memref_slice %arg5[%add3A_71, %dma_start3A_74] : memref<163840x128xf32, #tpu.memory_space<hbm>> -> memref<32x128xf32, #tpu.memory_space<hbm>>
    tpu.enqueue_dma source(%dma_start3A_75 : memref<32x128xf32, #tpu.memory_space<hbm>>) target(%arg14 : memref<32x128xf32, #tpu.memory_space<vmem>>) target_semaphore(%arg21 : memref<!tpu.dma_semaphore, #tpu.memory_space<semaphore_mem>>)
    %dma_start3A_76 = arith.constant 0 : i32
    %dma_start3A_77 = arith.constant 64 : i32
    %dma_start3A_78 = tpu.memref_slice %arg8[%dma_start3A_76, %dma_start3A_77] : memref<40x128xi32, #tpu.memory_space<vmem>> -> memref<1x32xi32, #tpu.memory_space<vmem>>
    %dma_start3A_79 = tpu.memref_squeeze %dma_start3A_78 : memref<1x32xi32, #tpu.memory_space<vmem>> -> memref<32xi32, #tpu.memory_space<vmem>>
    %dma_start3A_80 = arith.constant 0 : i32
    %dma_start3A_81 = arith.constant 0 : i32
    %dma_start3A_82 = tpu.memref_slice %arg2[%dma_start3A_80, %dma_start3A_81] : memref<10000x128xf32, #tpu.memory_space<hbm>> -> memref<10000x128xf32, #tpu.memory_space<hbm>>
    tpu.enqueue_indirect_dma source(%dma_start3A_82 : memref<10000x128xf32, #tpu.memory_space<hbm>>) target(%arg12 : memref<32x128xf32, #tpu.memory_space<vmem>>) offsets(%dma_start3A_79 : memref<32xi32, #tpu.memory_space<vmem>>) semaphore(%arg19 : memref<!tpu.dma_semaphore, #tpu.memory_space<semaphore_mem>>)
    %add3A_83 = arith.constant 32 : i32
    %add3A_84 = arith.addi %mul3A_2, %add3A_83 : i32
    %dma_wait3A_85 = arith.constant 0 : i32
    %dma_wait3A_86 = tpu.memref_slice %arg5[%add3A_84, %dma_wait3A_85] : memref<163840x128xf32, #tpu.memory_space<hbm>> -> memref<32x128xf32, #tpu.memory_space<hbm>>
    %dma_wait3A_87 = arith.constant 0 : i32
    %dma_wait3A_88 = tpu.memref_slice %arg5[%add3A_84, %dma_wait3A_87] : memref<163840x128xf32, #tpu.memory_space<hbm>> -> memref<32x128xf32, #tpu.memory_space<hbm>>
    tpu.wait_dma2 semaphore(%arg22 : memref<!tpu.dma_semaphore, #tpu.memory_space<semaphore_mem>>) src(%dma_wait3A_88 : memref<32x128xf32, #tpu.memory_space<hbm>>) dst(%arg15 : memref<32x128xf32, #tpu.memory_space<vmem>>)
    %dma_wait3A_89 = arith.constant 0 : i32
    %dma_wait3A_90 = arith.constant 32 : i32
    %dma_wait3A_91 = tpu.memref_slice %arg8[%dma_wait3A_89, %dma_wait3A_90] : memref<40x128xi32, #tpu.memory_space<vmem>> -> memref<1x32xi32, #tpu.memory_space<vmem>>
    %dma_wait3A_92 = tpu.memref_squeeze %dma_wait3A_91 : memref<1x32xi32, #tpu.memory_space<vmem>> -> memref<32xi32, #tpu.memory_space<vmem>>
    %dma_wait3A_93 = arith.constant 0 : i32
    %dma_wait3A_94 = arith.constant 0 : i32
    %dma_wait3A_95 = tpu.memref_slice %arg2[%dma_wait3A_93, %dma_wait3A_94] : memref<10000x128xf32, #tpu.memory_space<hbm>> -> memref<10000x128xf32, #tpu.memory_space<hbm>>
    tpu.wait_indirect_dma semaphore(%arg20 : memref<!tpu.dma_semaphore, #tpu.memory_space<semaphore_mem>>) src(%dma_wait3A_95 : memref<10000x128xf32, #tpu.memory_space<hbm>>) dst(%arg13 : memref<32x128xf32, #tpu.memory_space<vmem>>)
    %get3A_96 = arith.constant 0 : i32
    %get3A_97 = arith.index_cast %get3A_96 : i32 to index
    %get3A_98 = arith.constant 32 : index
    %get3A_99 = tpu.vector_load %arg9[%get3A_97, %get3A_98] {strides = array<i32>} : memref<40x128xi32, #tpu.memory_space<vmem>>, vector<1x16xi32>,
    %get3A_100 = vector.shape_cast %get3A_99 : vector<1x16xi32> to vector<16xi32>
    %swap3A_101 = arith.constant 0 : index
    %swap3A_102 = tpu.vector_load %arg11[%swap3A_101] {strides = array<i32>} : memref<32xi32, #tpu.memory_space<vmem>>, vector<16xi32>,
    %swap3A_103 = vector.shape_cast %swap3A_102 : vector<16xi32> to vector<16xi32>
    %swap3A_104 = vector.shape_cast %get3A_100 : vector<16xi32> to vector<16xi32>
    tpu.vector_store %arg11[%swap3A_101], %swap3A_104 {strides = array<i32>} : memref<32xi32, #tpu.memory_space<vmem>>, vector<16xi32>,
    %get3A_105 = arith.constant 0 : i32
    %get3A_106 = arith.index_cast %get3A_105 : i32 to index
    %get3A_107 = arith.constant 48 : index
    %get3A_108 = tpu.vector_load %arg9[%get3A_106, %get3A_107] {strides = array<i32>} : memref<40x128xi32, #tpu.memory_space<vmem>>, vector<1x16xi32>,
    %get3A_109 = vector.shape_cast %get3A_108 : vector<1x16xi32> to vector<16xi32>
    %swap3A_110 = arith.constant 16 : index
    %swap3A_111 = tpu.vector_load %arg11[%swap3A_110] {strides = array<i32>} : memref<32xi32, #tpu.memory_space<vmem>>, vector<16xi32>,
    %swap3A_112 = vector.shape_cast %swap3A_111 : vector<16xi32> to vector<16xi32>
    %swap3A_113 = vector.shape_cast %get3A_109 : vector<16xi32> to vector<16xi32>
    tpu.vector_store %arg11[%swap3A_110], %swap3A_113 {strides = array<i32>} : memref<32xi32, #tpu.memory_space<vmem>>, vector<16xi32>,
    %scan3A_114 = arith.constant 0 : i32
    %scan3A_115 = arith.constant 0 : i32
    %scan3A_116 = arith.constant 32 : i32
    %scan3A_117 = arith.addi %scan3A_115, %scan3A_116 : i32
    %scan3A_118 = arith.constant 1 : i32
    scf.for %scan3A_239 = %scan3A_115 to %scan3A_117 step %scan3A_118  : i32 {
      %get3A_240 = arith.index_cast %scan3A_239 : i32 to index
      %get3A_241 = arith.constant 0 : index
      %get3A_242 = tpu.vector_load %arg13[%get3A_240, %get3A_241] {strides = array<i32>} : memref<32x128xf32, #tpu.memory_space<vmem>>, vector<1x16xf32>,
      %get3A_243 = vector.shape_cast %get3A_242 : vector<1x16xf32> to vector<16xf32>
      %get3A_244 = arith.index_cast %scan3A_239 : i32 to index
      %get3A_245 = arith.constant 0 : index
      %get3A_246 = tpu.vector_load %arg15[%get3A_244, %get3A_245] {strides = array<i32>} : memref<32x128xf32, #tpu.memory_space<vmem>>, vector<1x16xf32>,
      %get3A_247 = vector.shape_cast %get3A_246 : vector<1x16xf32> to vector<16xf32>
      %add3A_248 = arith.addf %get3A_243, %get3A_247 : vector<16xf32>
      %max3A = arith.constant 0.000000e+00 : f32
      %max3A_249 = vector.broadcast %max3A : f32 to vector<16xf32>
      %max3A_250 = arith.maximumf %add3A_248, %max3A_249 : vector<16xf32>
      %swap3A_251 = arith.index_cast %scan3A_239 : i32 to index
      %swap3A_252 = arith.constant 0 : index
      %swap3A_253 = tpu.vector_load %arg17[%swap3A_251, %swap3A_252] {strides = array<i32>} : memref<32x128xf32, #tpu.memory_space<vmem>>, vector<1x16xf32>,
      %swap3A_254 = vector.shape_cast %swap3A_253 : vector<1x16xf32> to vector<16xf32>
      %swap3A_255 = vector.shape_cast %max3A_250 : vector<16xf32> to vector<1x16xf32>
      tpu.vector_store %arg17[%swap3A_251, %swap3A_252], %swap3A_255 {strides = array<i32>} : memref<32x128xf32, #tpu.memory_space<vmem>>, vector<1x16xf32>,
      %get3A_256 = arith.index_cast %scan3A_239 : i32 to index
      %get3A_257 = arith.constant 16 : index
      %get3A_258 = tpu.vector_load %arg13[%get3A_256, %get3A_257] {strides = array<i32>} : memref<32x128xf32, #tpu.memory_space<vmem>>, vector<1x16xf32>,
      %get3A_259 = vector.shape_cast %get3A_258 : vector<1x16xf32> to vector<16xf32>
      %get3A_260 = arith.index_cast %scan3A_239 : i32 to index
      %get3A_261 = arith.constant 16 : index
      %get3A_262 = tpu.vector_load %arg15[%get3A_260, %get3A_261] {strides = array<i32>} : memref<32x128xf32, #tpu.memory_space<vmem>>, vector<1x16xf32>,
      %get3A_263 = vector.shape_cast %get3A_262 : vector<1x16xf32> to vector<16xf32>
      %add3A_264 = arith.addf %get3A_259, %get3A_263 : vector<16xf32>
      %max3A_265 = arith.constant 0.000000e+00 : f32
      %max3A_266 = vector.broadcast %max3A_265 : f32 to vector<16xf32>
      %max3A_267 = arith.maximumf %add3A_264, %max3A_266 : vector<16xf32>
      %swap3A_268 = arith.index_cast %scan3A_239 : i32 to index
      %swap3A_269 = arith.constant 16 : index
      %swap3A_270 = tpu.vector_load %arg17[%swap3A_268, %swap3A_269] {strides = array<i32>} : memref<32x128xf32, #tpu.memory_space<vmem>>, vector<1x16xf32>,
      %swap3A_271 = vector.shape_cast %swap3A_270 : vector<1x16xf32> to vector<16xf32>
      %swap3A_272 = vector.shape_cast %max3A_267 : vector<16xf32> to vector<1x16xf32>
      tpu.vector_store %arg17[%swap3A_268, %swap3A_269], %swap3A_272 {strides = array<i32>} : memref<32x128xf32, #tpu.memory_space<vmem>>, vector<1x16xf32>,
      %get3A_273 = arith.index_cast %scan3A_239 : i32 to index
      %get3A_274 = arith.constant 32 : index
      %get3A_275 = tpu.vector_load %arg13[%get3A_273, %get3A_274] {strides = array<i32>} : memref<32x128xf32, #tpu.memory_space<vmem>>, vector<1x16xf32>,
      %get3A_276 = vector.shape_cast %get3A_275 : vector<1x16xf32> to vector<16xf32>
      %get3A_277 = arith.index_cast %scan3A_239 : i32 to index
      %get3A_278 = arith.constant 32 : index
      %get3A_279 = tpu.vector_load %arg15[%get3A_277, %get3A_278] {strides = array<i32>} : memref<32x128xf32, #tpu.memory_space<vmem>>, vector<1x16xf32>,
      %get3A_280 = vector.shape_cast %get3A_279 : vector<1x16xf32> to vector<16xf32>
      %add3A_281 = arith.addf %get3A_276, %get3A_280 : vector<16xf32>
      %max3A_282 = arith.constant 0.000000e+00 : f32
      %max3A_283 = vector.broadcast %max3A_282 : f32 to vector<16xf32>
      %max3A_284 = arith.maximumf %add3A_281, %max3A_283 : vector<16xf32>
      %swap3A_285 = arith.index_cast %scan3A_239 : i32 to index
      %swap3A_286 = arith.constant 32 : index
      %swap3A_287 = tpu.vector_load %arg17[%swap3A_285, %swap3A_286] {strides = array<i32>} : memref<32x128xf32, #tpu.memory_space<vmem>>, vector<1x16xf32>,
      %swap3A_288 = vector.shape_cast %swap3A_287 : vector<1x16xf32> to vector<16xf32>
      %swap3A_289 = vector.shape_cast %max3A_284 : vector<16xf32> to vector<1x16xf32>
      tpu.vector_store %arg17[%swap3A_285, %swap3A_286], %swap3A_289 {strides = array<i32>} : memref<32x128xf32, #tpu.memory_space<vmem>>, vector<1x16xf32>,
      %get3A_290 = arith.index_cast %scan3A_239 : i32 to index
      %get3A_291 = arith.constant 48 : index
      %get3A_292 = tpu.vector_load %arg13[%get3A_290, %get3A_291] {strides = array<i32>} : memref<32x128xf32, #tpu.memory_space<vmem>>, vector<1x16xf32>,
      %get3A_293 = vector.shape_cast %get3A_292 : vector<1x16xf32> to vector<16xf32>
      %get3A_294 = arith.index_cast %scan3A_239 : i32 to index
      %get3A_295 = arith.constant 48 : index
      %get3A_296 = tpu.vector_load %arg15[%get3A_294, %get3A_295] {strides = array<i32>} : memref<32x128xf32, #tpu.memory_space<vmem>>, vector<1x16xf32>,
      %get3A_297 = vector.shape_cast %get3A_296 : vector<1x16xf32> to vector<16xf32>
      %add3A_298 = arith.addf %get3A_293, %get3A_297 : vector<16xf32>
      %max3A_299 = arith.constant 0.000000e+00 : f32
      %max3A_300 = vector.broadcast %max3A_299 : f32 to vector<16xf32>
      %max3A_301 = arith.maximumf %add3A_298, %max3A_300 : vector<16xf32>
      %swap3A_302 = arith.index_cast %scan3A_239 : i32 to index
      %swap3A_303 = arith.constant 48 : index
      %swap3A_304 = tpu.vector_load %arg17[%swap3A_302, %swap3A_303] {strides = array<i32>} : memref<32x128xf32, #tpu.memory_space<vmem>>, vector<1x16xf32>,
      %swap3A_305 = vector.shape_cast %swap3A_304 : vector<1x16xf32> to vector<16xf32>
      %swap3A_306 = vector.shape_cast %max3A_301 : vector<16xf32> to vector<1x16xf32>
      tpu.vector_store %arg17[%swap3A_302, %swap3A_303], %swap3A_306 {strides = array<i32>} : memref<32x128xf32, #tpu.memory_space<vmem>>, vector<1x16xf32>,
      %get3A_307 = arith.index_cast %scan3A_239 : i32 to index
      %get3A_308 = arith.constant 64 : index
      %get3A_309 = tpu.vector_load %arg13[%get3A_307, %get3A_308] {strides = array<i32>} : memref<32x128xf32, #tpu.memory_space<vmem>>, vector<1x16xf32>,
      %get3A_310 = vector.shape_cast %get3A_309 : vector<1x16xf32> to vector<16xf32>
      %get3A_311 = arith.index_cast %scan3A_239 : i32 to index
      %get3A_312 = arith.constant 64 : index
      %get3A_313 = tpu.vector_load %arg15[%get3A_311, %get3A_312] {strides = array<i32>} : memref<32x128xf32, #tpu.memory_space<vmem>>, vector<1x16xf32>,
      %get3A_314 = vector.shape_cast %get3A_313 : vector<1x16xf32> to vector<16xf32>
      %add3A_315 = arith.addf %get3A_310, %get3A_314 : vector<16xf32>
      %max3A_316 = arith.constant 0.000000e+00 : f32
      %max3A_317 = vector.broadcast %max3A_316 : f32 to vector<16xf32>
      %max3A_318 = arith.maximumf %add3A_315, %max3A_317 : vector<16xf32>
      %swap3A_319 = arith.index_cast %scan3A_239 : i32 to index
      %swap3A_320 = arith.constant 64 : index
      %swap3A_321 = tpu.vector_load %arg17[%swap3A_319, %swap3A_320] {strides = array<i32>} : memref<32x128xf32, #tpu.memory_space<vmem>>, vector<1x16xf32>,
      %swap3A_322 = vector.shape_cast %swap3A_321 : vector<1x16xf32> to vector<16xf32>
      %swap3A_323 = vector.shape_cast %max3A_318 : vector<16xf32> to vector<1x16xf32>
      tpu.vector_store %arg17[%swap3A_319, %swap3A_320], %swap3A_323 {strides = array<i32>} : memref<32x128xf32, #tpu.memory_space<vmem>>, vector<1x16xf32>,
      %get3A_324 = arith.index_cast %scan3A_239 : i32 to index
      %get3A_325 = arith.constant 80 : index
      %get3A_326 = tpu.vector_load %arg13[%get3A_324, %get3A_325] {strides = array<i32>} : memref<32x128xf32, #tpu.memory_space<vmem>>, vector<1x16xf32>,
      %get3A_327 = vector.shape_cast %get3A_326 : vector<1x16xf32> to vector<16xf32>
      %get3A_328 = arith.index_cast %scan3A_239 : i32 to index
      %get3A_329 = arith.constant 80 : index
      %get3A_330 = tpu.vector_load %arg15[%get3A_328, %get3A_329] {strides = array<i32>} : memref<32x128xf32, #tpu.memory_space<vmem>>, vector<1x16xf32>,
      %get3A_331 = vector.shape_cast %get3A_330 : vector<1x16xf32> to vector<16xf32>
      %add3A_332 = arith.addf %get3A_327, %get3A_331 : vector<16xf32>
      %max3A_333 = arith.constant 0.000000e+00 : f32
      %max3A_334 = vector.broadcast %max3A_333 : f32 to vector<16xf32>
      %max3A_335 = arith.maximumf %add3A_332, %max3A_334 : vector<16xf32>
      %swap3A_336 = arith.index_cast %scan3A_239 : i32 to index
      %swap3A_337 = arith.constant 80 : index
      %swap3A_338 = tpu.vector_load %arg17[%swap3A_336, %swap3A_337] {strides = array<i32>} : memref<32x128xf32, #tpu.memory_space<vmem>>, vector<1x16xf32>,
      %swap3A_339 = vector.shape_cast %swap3A_338 : vector<1x16xf32> to vector<16xf32>
      %swap3A_340 = vector.shape_cast %max3A_335 : vector<16xf32> to vector<1x16xf32>
      tpu.vector_store %arg17[%swap3A_336, %swap3A_337], %swap3A_340 {strides = array<i32>} : memref<32x128xf32, #tpu.memory_space<vmem>>, vector<1x16xf32>,
      %get3A_341 = arith.index_cast %scan3A_239 : i32 to index
      %get3A_342 = arith.constant 96 : index
      %get3A_343 = tpu.vector_load %arg13[%get3A_341, %get3A_342] {strides = array<i32>} : memref<32x128xf32, #tpu.memory_space<vmem>>, vector<1x16xf32>,
      %get3A_344 = vector.shape_cast %get3A_343 : vector<1x16xf32> to vector<16xf32>
      %get3A_345 = arith.index_cast %scan3A_239 : i32 to index
      %get3A_346 = arith.constant 96 : index
      %get3A_347 = tpu.vector_load %arg15[%get3A_345, %get3A_346] {strides = array<i32>} : memref<32x128xf32, #tpu.memory_space<vmem>>, vector<1x16xf32>,
      %get3A_348 = vector.shape_cast %get3A_347 : vector<1x16xf32> to vector<16xf32>
      %add3A_349 = arith.addf %get3A_344, %get3A_348 : vector<16xf32>
      %max3A_350 = arith.constant 0.000000e+00 : f32
      %max3A_351 = vector.broadcast %max3A_350 : f32 to vector<16xf32>
      %max3A_352 = arith.maximumf %add3A_349, %max3A_351 : vector<16xf32>
      %swap3A_353 = arith.index_cast %scan3A_239 : i32 to index
      %swap3A_354 = arith.constant 96 : index
      %swap3A_355 = tpu.vector_load %arg17[%swap3A_353, %swap3A_354] {strides = array<i32>} : memref<32x128xf32, #tpu.memory_space<vmem>>, vector<1x16xf32>,
      %swap3A_356 = vector.shape_cast %swap3A_355 : vector<1x16xf32> to vector<16xf32>
      %swap3A_357 = vector.shape_cast %max3A_352 : vector<16xf32> to vector<1x16xf32>
      tpu.vector_store %arg17[%swap3A_353, %swap3A_354], %swap3A_357 {strides = array<i32>} : memref<32x128xf32, #tpu.memory_space<vmem>>, vector<1x16xf32>,
      %get3A_358 = arith.index_cast %scan3A_239 : i32 to index
      %get3A_359 = arith.constant 112 : index
      %get3A_360 = tpu.vector_load %arg13[%get3A_358, %get3A_359] {strides = array<i32>} : memref<32x128xf32, #tpu.memory_space<vmem>>, vector<1x16xf32>,
      %get3A_361 = vector.shape_cast %get3A_360 : vector<1x16xf32> to vector<16xf32>
      %get3A_362 = arith.index_cast %scan3A_239 : i32 to index
      %get3A_363 = arith.constant 112 : index
      %get3A_364 = tpu.vector_load %arg15[%get3A_362, %get3A_363] {strides = array<i32>} : memref<32x128xf32, #tpu.memory_space<vmem>>, vector<1x16xf32>,
      %get3A_365 = vector.shape_cast %get3A_364 : vector<1x16xf32> to vector<16xf32>
      %add3A_366 = arith.addf %get3A_361, %get3A_365 : vector<16xf32>
      %max3A_367 = arith.constant 0.000000e+00 : f32
      %max3A_368 = vector.broadcast %max3A_367 : f32 to vector<16xf32>
      %max3A_369 = arith.maximumf %add3A_366, %max3A_368 : vector<16xf32>
      %swap3A_370 = arith.index_cast %scan3A_239 : i32 to index
      %swap3A_371 = arith.constant 112 : index
      %swap3A_372 = tpu.vector_load %arg17[%swap3A_370, %swap3A_371] {strides = array<i32>} : memref<32x128xf32, #tpu.memory_space<vmem>>, vector<1x16xf32>,
      %swap3A_373 = vector.shape_cast %swap3A_372 : vector<1x16xf32> to vector<16xf32>
      %swap3A_374 = vector.shape_cast %max3A_369 : vector<16xf32> to vector<1x16xf32>
      tpu.vector_store %arg17[%swap3A_370, %swap3A_371], %swap3A_374 {strides = array<i32>} : memref<32x128xf32, #tpu.memory_space<vmem>>, vector<1x16xf32>,
    }
    %scan3A_119 = arith.constant 32 : i32
    %dma_start3A_120 = arith.constant 0 : i32
    %dma_start3A_121 = arith.constant 0 : i32
    %dma_start3A_122 = tpu.memref_slice %arg18[%dma_start3A_120, %dma_start3A_121] : memref<10240x128xf32, #tpu.memory_space<vmem_shared>> -> memref<10240x128xf32, #tpu.memory_space<vmem_shared>>
    tpu.enqueue_indirect_dma source(%arg17 : memref<32x128xf32, #tpu.memory_space<vmem>>) target(%dma_start3A_122 : memref<10240x128xf32, #tpu.memory_space<vmem_shared>>) offsets(%arg11 : memref<32xi32, #tpu.memory_space<vmem>>) semaphore(%arg24 : memref<!tpu.dma_semaphore, #tpu.memory_space<semaphore_mem>>) {add = true}
    %add3A_123 = arith.constant 96 : i32
    %add3A_124 = arith.addi %mul3A_2, %add3A_123 : i32
    %dma_start3A_125 = arith.constant 0 : i32
    %dma_start3A_126 = tpu.memref_slice %arg5[%add3A_124, %dma_start3A_125] : memref<163840x128xf32, #tpu.memory_space<hbm>> -> memref<32x128xf32, #tpu.memory_space<hbm>>
    %dma_start3A_127 = arith.constant 0 : i32
    %dma_start3A_128 = tpu.memref_slice %arg5[%add3A_124, %dma_start3A_127] : memref<163840x128xf32, #tpu.memory_space<hbm>> -> memref<32x128xf32, #tpu.memory_space<hbm>>
    tpu.enqueue_dma source(%dma_start3A_128 : memref<32x128xf32, #tpu.memory_space<hbm>>) target(%arg15 : memref<32x128xf32, #tpu.memory_space<vmem>>) target_semaphore(%arg22 : memref<!tpu.dma_semaphore, #tpu.memory_space<semaphore_mem>>)
    %dma_start3A_129 = arith.constant 0 : i32
    %dma_start3A_130 = arith.constant 96 : i32
    %dma_start3A_131 = tpu.memref_slice %arg8[%dma_start3A_129, %dma_start3A_130] : memref<40x128xi32, #tpu.memory_space<vmem>> -> memref<1x32xi32, #tpu.memory_space<vmem>>
    %dma_start3A_132 = tpu.memref_squeeze %dma_start3A_131 : memref<1x32xi32, #tpu.memory_space<vmem>> -> memref<32xi32, #tpu.memory_space<vmem>>
    %dma_start3A_133 = arith.constant 0 : i32
    %dma_start3A_134 = arith.constant 0 : i32
    %dma_start3A_135 = tpu.memref_slice %arg2[%dma_start3A_133, %dma_start3A_134] : memref<10000x128xf32, #tpu.memory_space<hbm>> -> memref<10000x128xf32, #tpu.memory_space<hbm>>
    tpu.enqueue_indirect_dma source(%dma_start3A_135 : memref<10000x128xf32, #tpu.memory_space<hbm>>) target(%arg13 : memref<32x128xf32, #tpu.memory_space<vmem>>) offsets(%dma_start3A_132 : memref<32xi32, #tpu.memory_space<vmem>>) semaphore(%arg20 : memref<!tpu.dma_semaphore, #tpu.memory_space<semaphore_mem>>)
    %scan3A_136 = arith.constant 0 : i32
    %scan3A_137 = arith.constant 1 : i32
    %scan3A_138 = arith.constant 78 : i32
    %scan3A_139 = arith.addi %scan3A_137, %scan3A_138 : i32
    %scan3A_140 = arith.constant 1 : i32
    scf.for %scan3A_239 = %scan3A_137 to %scan3A_139 step %scan3A_140  : i32 {
      %mul3A_240 = arith.constant 2 : i32
      %mul3A_241 = arith.muli %mul3A_240, %scan3A_239 : i32
      %add3A_242 = arith.constant 0 : i32
      %add3A_243 = arith.addi %mul3A_241, %add3A_242 : i32
      %mul3A_244 = arith.constant 32 : i32
      %mul3A_245 = arith.muli %add3A_243, %mul3A_244 : i32
      %add3A_246 = arith.addi %mul3A_2, %mul3A_245 : i32
      %dma_wait3A_247 = arith.constant 0 : i32
      %dma_wait3A_248 = tpu.memref_slice %arg5[%add3A_246, %dma_wait3A_247] : memref<163840x128xf32, #tpu.memory_space<hbm>> -> memref<32x128xf32, #tpu.memory_space<hbm>>
      %dma_wait3A_249 = arith.constant 0 : i32
      %dma_wait3A_250 = tpu.memref_slice %arg5[%add3A_246, %dma_wait3A_249] : memref<163840x128xf32, #tpu.memory_space<hbm>> -> memref<32x128xf32, #tpu.memory_space<hbm>>
      tpu.wait_dma2 semaphore(%arg21 : memref<!tpu.dma_semaphore, #tpu.memory_space<semaphore_mem>>) src(%dma_wait3A_250 : memref<32x128xf32, #tpu.memory_space<hbm>>) dst(%arg14 : memref<32x128xf32, #tpu.memory_space<vmem>>)
      %jit3A = arith.constant 4 : i32
      %div3A = arith.divsi %add3A_243, %jit3A : i32
      %sign3A = arith.constant 0 : i32
      %sign3A_251 = arith.cmpi sgt, %add3A_243, %sign3A : i32
      %sign3A_252 = arith.extui %sign3A_251 : i1 to i32
      %sign3A_253 = arith.constant 0 : i32
      %sign3A_254 = arith.cmpi slt, %add3A_243, %sign3A_253 : i32
      %sign3A_255 = arith.extui %sign3A_254 : i1 to i32
      %sign3A_256 = arith.subi %sign3A_252, %sign3A_255 : i32
      %sign3A_257 = arith.constant 0 : i32
      %sign3A_258 = arith.cmpi sgt, %jit3A, %sign3A_257 : i32
      %sign3A_259 = arith.extui %sign3A_258 : i1 to i32
      %sign3A_260 = arith.constant 0 : i32
      %sign3A_261 = arith.cmpi slt, %jit3A, %sign3A_260 : i32
      %sign3A_262 = arith.extui %sign3A_261 : i1 to i32
      %sign3A_263 = arith.subi %sign3A_259, %sign3A_262 : i32
      %ne3A = arith.cmpi ne, %sign3A_256, %sign3A_263 : i32
      %rem3A = arith.remsi %add3A_243, %jit3A : i32
      %ne3A_264 = arith.constant 0 : i32
      %ne3A_265 = arith.cmpi ne, %rem3A, %ne3A_264 : i32
      %and3A = arith.andi %ne3A, %ne3A_265 : i1
      %sub3A = arith.constant 1 : i32
      %sub3A_266 = arith.subi %div3A, %sub3A : i32
      %select_n3A = arith.select %and3A, %sub3A_266, %div3A : i32
      %jit3A_267 = arith.constant 4 : i32
      %eq3A = arith.constant 0 : i32
      %eq3A_268 = arith.cmpi eq, %jit3A_267, %eq3A : i32
      %jit3A_269 = arith.constant 1 : i32
      %select_n3A_270 = arith.select %eq3A_268, %jit3A_269, %jit3A_267 : i32
      %rem3A_271 = arith.remsi %add3A_243, %select_n3A_270 : i32
      %ne3A_272 = arith.constant 0 : i32
      %ne3A_273 = arith.cmpi ne, %rem3A_271, %ne3A_272 : i32
      %lt3A = arith.constant 0 : i32
      %lt3A_274 = arith.cmpi slt, %rem3A_271, %lt3A : i32
      %lt3A_275 = arith.constant 0 : i32
      %lt3A_276 = arith.cmpi slt, %select_n3A_270, %lt3A_275 : i32
      %ne3A_277 = arith.xori %lt3A_274, %lt3A_276 : i1
      %and3A_278 = arith.andi %ne3A_277, %ne3A_273 : i1
      %add3A_279 = arith.addi %rem3A_271, %select_n3A_270 : i32
      %select_n3A_280 = arith.select %and3A_278, %add3A_279, %rem3A_271 : i32
      %mul3A_281 = arith.constant 32 : i32
      %mul3A_282 = arith.muli %select_n3A_280, %mul3A_281 : i32
      %dma_wait3A_283 = tpu.memref_slice %arg8[%select_n3A, %mul3A_282] : memref<40x128xi32, #tpu.memory_space<vmem>> -> memref<1x32xi32, #tpu.memory_space<vmem>>
      %dma_wait3A_284 = tpu.memref_squeeze %dma_wait3A_283 : memref<1x32xi32, #tpu.memory_space<vmem>> -> memref<32xi32, #tpu.memory_space<vmem>>
      %dma_wait3A_285 = arith.constant 0 : i32
      %dma_wait3A_286 = arith.constant 0 : i32
      %dma_wait3A_287 = tpu.memref_slice %arg2[%dma_wait3A_285, %dma_wait3A_286] : memref<10000x128xf32, #tpu.memory_space<hbm>> -> memref<10000x128xf32, #tpu.memory_space<hbm>>
      tpu.wait_indirect_dma semaphore(%arg19 : memref<!tpu.dma_semaphore, #tpu.memory_space<semaphore_mem>>) src(%dma_wait3A_287 : memref<10000x128xf32, #tpu.memory_space<hbm>>) dst(%arg12 : memref<32x128xf32, #tpu.memory_space<vmem>>)
      %dma_wait3A_288 = arith.constant 0 : i32
      %dma_wait3A_289 = arith.constant 0 : i32
      %dma_wait3A_290 = tpu.memref_slice %arg18[%dma_wait3A_288, %dma_wait3A_289] : memref<10240x128xf32, #tpu.memory_space<vmem_shared>> -> memref<10240x128xf32, #tpu.memory_space<vmem_shared>>
      tpu.wait_indirect_dma semaphore(%arg23 : memref<!tpu.dma_semaphore, #tpu.memory_space<semaphore_mem>>) src(%arg16 : memref<32x128xf32, #tpu.memory_space<vmem>>) dst(%dma_wait3A_290 : memref<10240x128xf32, #tpu.memory_space<vmem_shared>>)
      %jit3A_291 = arith.constant 4 : i32
      %div3A_292 = arith.divsi %add3A_243, %jit3A_291 : i32
      %sign3A_293 = arith.constant 0 : i32
      %sign3A_294 = arith.cmpi sgt, %add3A_243, %sign3A_293 : i32
      %sign3A_295 = arith.extui %sign3A_294 : i1 to i32
      %sign3A_296 = arith.constant 0 : i32
      %sign3A_297 = arith.cmpi slt, %add3A_243, %sign3A_296 : i32
      %sign3A_298 = arith.extui %sign3A_297 : i1 to i32
      %sign3A_299 = arith.subi %sign3A_295, %sign3A_298 : i32
      %sign3A_300 = arith.constant 0 : i32
      %sign3A_301 = arith.cmpi sgt, %jit3A_291, %sign3A_300 : i32
      %sign3A_302 = arith.extui %sign3A_301 : i1 to i32
      %sign3A_303 = arith.constant 0 : i32
      %sign3A_304 = arith.cmpi slt, %jit3A_291, %sign3A_303 : i32
      %sign3A_305 = arith.extui %sign3A_304 : i1 to i32
      %sign3A_306 = arith.subi %sign3A_302, %sign3A_305 : i32
      %ne3A_307 = arith.cmpi ne, %sign3A_299, %sign3A_306 : i32
      %rem3A_308 = arith.remsi %add3A_243, %jit3A_291 : i32
      %ne3A_309 = arith.constant 0 : i32
      %ne3A_310 = arith.cmpi ne, %rem3A_308, %ne3A_309 : i32
      %and3A_311 = arith.andi %ne3A_307, %ne3A_310 : i1
      %sub3A_312 = arith.constant 1 : i32
      %sub3A_313 = arith.subi %div3A_292, %sub3A_312 : i32
      %select_n3A_314 = arith.select %and3A_311, %sub3A_313, %div3A_292 : i32
      %jit3A_315 = arith.constant 4 : i32
      %eq3A_316 = arith.constant 0 : i32
      %eq3A_317 = arith.cmpi eq, %jit3A_315, %eq3A_316 : i32
      %jit3A_318 = arith.constant 1 : i32
      %select_n3A_319 = arith.select %eq3A_317, %jit3A_318, %jit3A_315 : i32
      %rem3A_320 = arith.remsi %add3A_243, %select_n3A_319 : i32
      %ne3A_321 = arith.constant 0 : i32
      %ne3A_322 = arith.cmpi ne, %rem3A_320, %ne3A_321 : i32
      %lt3A_323 = arith.constant 0 : i32
      %lt3A_324 = arith.cmpi slt, %rem3A_320, %lt3A_323 : i32
      %lt3A_325 = arith.constant 0 : i32
      %lt3A_326 = arith.cmpi slt, %select_n3A_319, %lt3A_325 : i32
      %ne3A_327 = arith.xori %lt3A_324, %lt3A_326 : i1
      %and3A_328 = arith.andi %ne3A_327, %ne3A_322 : i1
      %add3A_329 = arith.addi %rem3A_320, %select_n3A_319 : i32
      %select_n3A_330 = arith.select %and3A_328, %add3A_329, %rem3A_320 : i32
      %mul3A_331 = arith.constant 32 : i32
      %mul3A_332 = arith.muli %select_n3A_330, %mul3A_331 : i32
      %add3A_333 = arith.constant 0 : i32
      %add3A_334 = arith.addi %mul3A_332, %add3A_333 : i32
      %get3A_335 = arith.index_cast %select_n3A_314 : i32 to index
      %get3A_336 = arith.index_cast %add3A_334 : i32 to index
      %get3A_337 = tpu.vector_load %arg9[%get3A_335, %get3A_336] {strides = array<i32>} : memref<40x128xi32, #tpu.memory_space<vmem>>, vector<1x16xi32>,
      %get3A_338 = vector.shape_cast %get3A_337 : vector<1x16xi32> to vector<16xi32>
      %swap3A_339 = arith.constant 0 : index
      %swap3A_340 = tpu.vector_load %arg10[%swap3A_339] {strides = array<i32>} : memref<32xi32, #tpu.memory_space<vmem>>, vector<16xi32>,
      %swap3A_341 = vector.shape_cast %swap3A_340 : vector<16xi32> to vector<16xi32>
      %swap3A_342 = vector.shape_cast %get3A_338 : vector<16xi32> to vector<16xi32>
      tpu.vector_store %arg10[%swap3A_339], %swap3A_342 {strides = array<i32>} : memref<32xi32, #tpu.memory_space<vmem>>, vector<16xi32>,
      %jit3A_343 = arith.constant 4 : i32
      %div3A_344 = arith.divsi %add3A_243, %jit3A_343 : i32
      %sign3A_345 = arith.constant 0 : i32
      %sign3A_346 = arith.cmpi sgt, %add3A_243, %sign3A_345 : i32
      %sign3A_347 = arith.extui %sign3A_346 : i1 to i32
      %sign3A_348 = arith.constant 0 : i32
      %sign3A_349 = arith.cmpi slt, %add3A_243, %sign3A_348 : i32
      %sign3A_350 = arith.extui %sign3A_349 : i1 to i32
      %sign3A_351 = arith.subi %sign3A_347, %sign3A_350 : i32
      %sign3A_352 = arith.constant 0 : i32
      %sign3A_353 = arith.cmpi sgt, %jit3A_343, %sign3A_352 : i32
      %sign3A_354 = arith.extui %sign3A_353 : i1 to i32
      %sign3A_355 = arith.constant 0 : i32
      %sign3A_356 = arith.cmpi slt, %jit3A_343, %sign3A_355 : i32
      %sign3A_357 = arith.extui %sign3A_356 : i1 to i32
      %sign3A_358 = arith.subi %sign3A_354, %sign3A_357 : i32
      %ne3A_359 = arith.cmpi ne, %sign3A_351, %sign3A_358 : i32
      %rem3A_360 = arith.remsi %add3A_243, %jit3A_343 : i32
      %ne3A_361 = arith.constant 0 : i32
      %ne3A_362 = arith.cmpi ne, %rem3A_360, %ne3A_361 : i32
      %and3A_363 = arith.andi %ne3A_359, %ne3A_362 : i1
      %sub3A_364 = arith.constant 1 : i32
      %sub3A_365 = arith.subi %div3A_344, %sub3A_364 : i32
      %select_n3A_366 = arith.select %and3A_363, %sub3A_365, %div3A_344 : i32
      %jit3A_367 = arith.constant 4 : i32
      %eq3A_368 = arith.constant 0 : i32
      %eq3A_369 = arith.cmpi eq, %jit3A_367, %eq3A_368 : i32
      %jit3A_370 = arith.constant 1 : i32
      %select_n3A_371 = arith.select %eq3A_369, %jit3A_370, %jit3A_367 : i32
      %rem3A_372 = arith.remsi %add3A_243, %select_n3A_371 : i32
      %ne3A_373 = arith.constant 0 : i32
      %ne3A_374 = arith.cmpi ne, %rem3A_372, %ne3A_373 : i32
      %lt3A_375 = arith.constant 0 : i32
      %lt3A_376 = arith.cmpi slt, %rem3A_372, %lt3A_375 : i32
      %lt3A_377 = arith.constant 0 : i32
      %lt3A_378 = arith.cmpi slt, %select_n3A_371, %lt3A_377 : i32
      %ne3A_379 = arith.xori %lt3A_376, %lt3A_378 : i1
      %and3A_380 = arith.andi %ne3A_379, %ne3A_374 : i1
      %add3A_381 = arith.addi %rem3A_372, %select_n3A_371 : i32
      %select_n3A_382 = arith.select %and3A_380, %add3A_381, %rem3A_372 : i32
      %mul3A_383 = arith.constant 32 : i32
      %mul3A_384 = arith.muli %select_n3A_382, %mul3A_383 : i32
      %add3A_385 = arith.constant 16 : i32
      %add3A_386 = arith.addi %mul3A_384, %add3A_385 : i32
      %get3A_387 = arith.index_cast %select_n3A_366 : i32 to index
      %get3A_388 = arith.index_cast %add3A_386 : i32 to index
      %get3A_389 = tpu.vector_load %arg9[%get3A_387, %get3A_388] {strides = array<i32>} : memref<40x128xi32, #tpu.memory_space<vmem>>, vector<1x16xi32>,
      %get3A_390 = vector.shape_cast %get3A_389 : vector<1x16xi32> to vector<16xi32>
      %swap3A_391 = arith.constant 16 : index
      %swap3A_392 = tpu.vector_load %arg10[%swap3A_391] {strides = array<i32>} : memref<32xi32, #tpu.memory_space<vmem>>, vector<16xi32>,
      %swap3A_393 = vector.shape_cast %swap3A_392 : vector<16xi32> to vector<16xi32>
      %swap3A_394 = vector.shape_cast %get3A_390 : vector<16xi32> to vector<16xi32>
      tpu.vector_store %arg10[%swap3A_391], %swap3A_394 {strides = array<i32>} : memref<32xi32, #tpu.memory_space<vmem>>, vector<16xi32>,
      %scan3A_395 = arith.constant 0 : i32
      %scan3A_396 = arith.constant 0 : i32
      %scan3A_397 = arith.constant 32 : i32
      %scan3A_398 = arith.addi %scan3A_396, %scan3A_397 : i32
      %scan3A_399 = arith.constant 1 : i32
      scf.for %scan3A_690 = %scan3A_396 to %scan3A_398 step %scan3A_399  : i32 {
        %get3A_691 = arith.index_cast %scan3A_690 : i32 to index
        %get3A_692 = arith.constant 0 : index
        %get3A_693 = tpu.vector_load %arg12[%get3A_691, %get3A_692] {strides = array<i32>} : memref<32x128xf32, #tpu.memory_space<vmem>>, vector<1x16xf32>,
        %get3A_694 = vector.shape_cast %get3A_693 : vector<1x16xf32> to vector<16xf32>
        %get3A_695 = arith.index_cast %scan3A_690 : i32 to index
        %get3A_696 = arith.constant 0 : index
        %get3A_697 = tpu.vector_load %arg14[%get3A_695, %get3A_696] {strides = array<i32>} : memref<32x128xf32, #tpu.memory_space<vmem>>, vector<1x16xf32>,
        %get3A_698 = vector.shape_cast %get3A_697 : vector<1x16xf32> to vector<16xf32>
        %add3A_699 = arith.addf %get3A_694, %get3A_698 : vector<16xf32>
        %max3A = arith.constant 0.000000e+00 : f32
        %max3A_700 = vector.broadcast %max3A : f32 to vector<16xf32>
        %max3A_701 = arith.maximumf %add3A_699, %max3A_700 : vector<16xf32>
        %swap3A_702 = arith.index_cast %scan3A_690 : i32 to index
        %swap3A_703 = arith.constant 0 : index
        %swap3A_704 = tpu.vector_load %arg16[%swap3A_702, %swap3A_703] {strides = array<i32>} : memref<32x128xf32, #tpu.memory_space<vmem>>, vector<1x16xf32>,
        %swap3A_705 = vector.shape_cast %swap3A_704 : vector<1x16xf32> to vector<16xf32>
        %swap3A_706 = vector.shape_cast %max3A_701 : vector<16xf32> to vector<1x16xf32>
        tpu.vector_store %arg16[%swap3A_702, %swap3A_703], %swap3A_706 {strides = array<i32>} : memref<32x128xf32, #tpu.memory_space<vmem>>, vector<1x16xf32>,
        %get3A_707 = arith.index_cast %scan3A_690 : i32 to index
        %get3A_708 = arith.constant 16 : index
        %get3A_709 = tpu.vector_load %arg12[%get3A_707, %get3A_708] {strides = array<i32>} : memref<32x128xf32, #tpu.memory_space<vmem>>, vector<1x16xf32>,
        %get3A_710 = vector.shape_cast %get3A_709 : vector<1x16xf32> to vector<16xf32>
        %get3A_711 = arith.index_cast %scan3A_690 : i32 to index
        %get3A_712 = arith.constant 16 : index
        %get3A_713 = tpu.vector_load %arg14[%get3A_711, %get3A_712] {strides = array<i32>} : memref<32x128xf32, #tpu.memory_space<vmem>>, vector<1x16xf32>,
        %get3A_714 = vector.shape_cast %get3A_713 : vector<1x16xf32> to vector<16xf32>
        %add3A_715 = arith.addf %get3A_710, %get3A_714 : vector<16xf32>
        %max3A_716 = arith.constant 0.000000e+00 : f32
        %max3A_717 = vector.broadcast %max3A_716 : f32 to vector<16xf32>
        %max3A_718 = arith.maximumf %add3A_715, %max3A_717 : vector<16xf32>
        %swap3A_719 = arith.index_cast %scan3A_690 : i32 to index
        %swap3A_720 = arith.constant 16 : index
        %swap3A_721 = tpu.vector_load %arg16[%swap3A_719, %swap3A_720] {strides = array<i32>} : memref<32x128xf32, #tpu.memory_space<vmem>>, vector<1x16xf32>,
        %swap3A_722 = vector.shape_cast %swap3A_721 : vector<1x16xf32> to vector<16xf32>
        %swap3A_723 = vector.shape_cast %max3A_718 : vector<16xf32> to vector<1x16xf32>
        tpu.vector_store %arg16[%swap3A_719, %swap3A_720], %swap3A_723 {strides = array<i32>} : memref<32x128xf32, #tpu.memory_space<vmem>>, vector<1x16xf32>,
        %get3A_724 = arith.index_cast %scan3A_690 : i32 to index
        %get3A_725 = arith.constant 32 : index
        %get3A_726 = tpu.vector_load %arg12[%get3A_724, %get3A_725] {strides = array<i32>} : memref<32x128xf32, #tpu.memory_space<vmem>>, vector<1x16xf32>,
        %get3A_727 = vector.shape_cast %get3A_726 : vector<1x16xf32> to vector<16xf32>
        %get3A_728 = arith.index_cast %scan3A_690 : i32 to index
        %get3A_729 = arith.constant 32 : index
        %get3A_730 = tpu.vector_load %arg14[%get3A_728, %get3A_729] {strides = array<i32>} : memref<32x128xf32, #tpu.memory_space<vmem>>, vector<1x16xf32>,
        %get3A_731 = vector.shape_cast %get3A_730 : vector<1x16xf32> to vector<16xf32>
        %add3A_732 = arith.addf %get3A_727, %get3A_731 : vector<16xf32>
        %max3A_733 = arith.constant 0.000000e+00 : f32
        %max3A_734 = vector.broadcast %max3A_733 : f32 to vector<16xf32>
        %max3A_735 = arith.maximumf %add3A_732, %max3A_734 : vector<16xf32>
        %swap3A_736 = arith.index_cast %scan3A_690 : i32 to index
        %swap3A_737 = arith.constant 32 : index
        %swap3A_738 = tpu.vector_load %arg16[%swap3A_736, %swap3A_737] {strides = array<i32>} : memref<32x128xf32, #tpu.memory_space<vmem>>, vector<1x16xf32>,
        %swap3A_739 = vector.shape_cast %swap3A_738 : vector<1x16xf32> to vector<16xf32>
        %swap3A_740 = vector.shape_cast %max3A_735 : vector<16xf32> to vector<1x16xf32>
        tpu.vector_store %arg16[%swap3A_736, %swap3A_737], %swap3A_740 {strides = array<i32>} : memref<32x128xf32, #tpu.memory_space<vmem>>, vector<1x16xf32>,
        %get3A_741 = arith.index_cast %scan3A_690 : i32 to index
        %get3A_742 = arith.constant 48 : index
        %get3A_743 = tpu.vector_load %arg12[%get3A_741, %get3A_742] {strides = array<i32>} : memref<32x128xf32, #tpu.memory_space<vmem>>, vector<1x16xf32>,
        %get3A_744 = vector.shape_cast %get3A_743 : vector<1x16xf32> to vector<16xf32>
        %get3A_745 = arith.index_cast %scan3A_690 : i32 to index
        %get3A_746 = arith.constant 48 : index
        %get3A_747 = tpu.vector_load %arg14[%get3A_745, %get3A_746] {strides = array<i32>} : memref<32x128xf32, #tpu.memory_space<vmem>>, vector<1x16xf32>,
        %get3A_748 = vector.shape_cast %get3A_747 : vector<1x16xf32> to vector<16xf32>
        %add3A_749 = arith.addf %get3A_744, %get3A_748 : vector<16xf32>
        %max3A_750 = arith.constant 0.000000e+00 : f32
        %max3A_751 = vector.broadcast %max3A_750 : f32 to vector<16xf32>
        %max3A_752 = arith.maximumf %add3A_749, %max3A_751 : vector<16xf32>
        %swap3A_753 = arith.index_cast %scan3A_690 : i32 to index
        %swap3A_754 = arith.constant 48 : index
        %swap3A_755 = tpu.vector_load %arg16[%swap3A_753, %swap3A_754] {strides = array<i32>} : memref<32x128xf32, #tpu.memory_space<vmem>>, vector<1x16xf32>,
        %swap3A_756 = vector.shape_cast %swap3A_755 : vector<1x16xf32> to vector<16xf32>
        %swap3A_757 = vector.shape_cast %max3A_752 : vector<16xf32> to vector<1x16xf32>
        tpu.vector_store %arg16[%swap3A_753, %swap3A_754], %swap3A_757 {strides = array<i32>} : memref<32x128xf32, #tpu.memory_space<vmem>>, vector<1x16xf32>,
        %get3A_758 = arith.index_cast %scan3A_690 : i32 to index
        %get3A_759 = arith.constant 64 : index
        %get3A_760 = tpu.vector_load %arg12[%get3A_758, %get3A_759] {strides = array<i32>} : memref<32x128xf32, #tpu.memory_space<vmem>>, vector<1x16xf32>,
        %get3A_761 = vector.shape_cast %get3A_760 : vector<1x16xf32> to vector<16xf32>
        %get3A_762 = arith.index_cast %scan3A_690 : i32 to index
        %get3A_763 = arith.constant 64 : index
        %get3A_764 = tpu.vector_load %arg14[%get3A_762, %get3A_763] {strides = array<i32>} : memref<32x128xf32, #tpu.memory_space<vmem>>, vector<1x16xf32>,
        %get3A_765 = vector.shape_cast %get3A_764 : vector<1x16xf32> to vector<16xf32>
        %add3A_766 = arith.addf %get3A_761, %get3A_765 : vector<16xf32>
        %max3A_767 = arith.constant 0.000000e+00 : f32
        %max3A_768 = vector.broadcast %max3A_767 : f32 to vector<16xf32>
        %max3A_769 = arith.maximumf %add3A_766, %max3A_768 : vector<16xf32>
        %swap3A_770 = arith.index_cast %scan3A_690 : i32 to index
        %swap3A_771 = arith.constant 64 : index
        %swap3A_772 = tpu.vector_load %arg16[%swap3A_770, %swap3A_771] {strides = array<i32>} : memref<32x128xf32, #tpu.memory_space<vmem>>, vector<1x16xf32>,
        %swap3A_773 = vector.shape_cast %swap3A_772 : vector<1x16xf32> to vector<16xf32>
        %swap3A_774 = vector.shape_cast %max3A_769 : vector<16xf32> to vector<1x16xf32>
        tpu.vector_store %arg16[%swap3A_770, %swap3A_771], %swap3A_774 {strides = array<i32>} : memref<32x128xf32, #tpu.memory_space<vmem>>, vector<1x16xf32>,
        %get3A_775 = arith.index_cast %scan3A_690 : i32 to index
        %get3A_776 = arith.constant 80 : index
        %get3A_777 = tpu.vector_load %arg12[%get3A_775, %get3A_776] {strides = array<i32>} : memref<32x128xf32, #tpu.memory_space<vmem>>, vector<1x16xf32>,
        %get3A_778 = vector.shape_cast %get3A_777 : vector<1x16xf32> to vector<16xf32>
        %get3A_779 = arith.index_cast %scan3A_690 : i32 to index
        %get3A_780 = arith.constant 80 : index
        %get3A_781 = tpu.vector_load %arg14[%get3A_779, %get3A_780] {strides = array<i32>} : memref<32x128xf32, #tpu.memory_space<vmem>>, vector<1x16xf32>,
        %get3A_782 = vector.shape_cast %get3A_781 : vector<1x16xf32> to vector<16xf32>
        %add3A_783 = arith.addf %get3A_778, %get3A_782 : vector<16xf32>
        %max3A_784 = arith.constant 0.000000e+00 : f32
        %max3A_785 = vector.broadcast %max3A_784 : f32 to vector<16xf32>
        %max3A_786 = arith.maximumf %add3A_783, %max3A_785 : vector<16xf32>
        %swap3A_787 = arith.index_cast %scan3A_690 : i32 to index
        %swap3A_788 = arith.constant 80 : index
        %swap3A_789 = tpu.vector_load %arg16[%swap3A_787, %swap3A_788] {strides = array<i32>} : memref<32x128xf32, #tpu.memory_space<vmem>>, vector<1x16xf32>,
        %swap3A_790 = vector.shape_cast %swap3A_789 : vector<1x16xf32> to vector<16xf32>
        %swap3A_791 = vector.shape_cast %max3A_786 : vector<16xf32> to vector<1x16xf32>
        tpu.vector_store %arg16[%swap3A_787, %swap3A_788], %swap3A_791 {strides = array<i32>} : memref<32x128xf32, #tpu.memory_space<vmem>>, vector<1x16xf32>,
        %get3A_792 = arith.index_cast %scan3A_690 : i32 to index
        %get3A_793 = arith.constant 96 : index
        %get3A_794 = tpu.vector_load %arg12[%get3A_792, %get3A_793] {strides = array<i32>} : memref<32x128xf32, #tpu.memory_space<vmem>>, vector<1x16xf32>,
        %get3A_795 = vector.shape_cast %get3A_794 : vector<1x16xf32> to vector<16xf32>
        %get3A_796 = arith.index_cast %scan3A_690 : i32 to index
        %get3A_797 = arith.constant 96 : index
        %get3A_798 = tpu.vector_load %arg14[%get3A_796, %get3A_797] {strides = array<i32>} : memref<32x128xf32, #tpu.memory_space<vmem>>, vector<1x16xf32>,
        %get3A_799 = vector.shape_cast %get3A_798 : vector<1x16xf32> to vector<16xf32>
        %add3A_800 = arith.addf %get3A_795, %get3A_799 : vector<16xf32>
        %max3A_801 = arith.constant 0.000000e+00 : f32
        %max3A_802 = vector.broadcast %max3A_801 : f32 to vector<16xf32>
        %max3A_803 = arith.maximumf %add3A_800, %max3A_802 : vector<16xf32>
        %swap3A_804 = arith.index_cast %scan3A_690 : i32 to index
        %swap3A_805 = arith.constant 96 : index
        %swap3A_806 = tpu.vector_load %arg16[%swap3A_804, %swap3A_805] {strides = array<i32>} : memref<32x128xf32, #tpu.memory_space<vmem>>, vector<1x16xf32>,
        %swap3A_807 = vector.shape_cast %swap3A_806 : vector<1x16xf32> to vector<16xf32>
        %swap3A_808 = vector.shape_cast %max3A_803 : vector<16xf32> to vector<1x16xf32>
        tpu.vector_store %arg16[%swap3A_804, %swap3A_805], %swap3A_808 {strides = array<i32>} : memref<32x128xf32, #tpu.memory_space<vmem>>, vector<1x16xf32>,
        %get3A_809 = arith.index_cast %scan3A_690 : i32 to index
        %get3A_810 = arith.constant 112 : index
        %get3A_811 = tpu.vector_load %arg12[%get3A_809, %get3A_810] {strides = array<i32>} : memref<32x128xf32, #tpu.memory_space<vmem>>, vector<1x16xf32>,
        %get3A_812 = vector.shape_cast %get3A_811 : vector<1x16xf32> to vector<16xf32>
        %get3A_813 = arith.index_cast %scan3A_690 : i32 to index
        %get3A_814 = arith.constant 112 : index
        %get3A_815 = tpu.vector_load %arg14[%get3A_813, %get3A_814] {strides = array<i32>} : memref<32x128xf32, #tpu.memory_space<vmem>>, vector<1x16xf32>,
        %get3A_816 = vector.shape_cast %get3A_815 : vector<1x16xf32> to vector<16xf32>
        %add3A_817 = arith.addf %get3A_812, %get3A_816 : vector<16xf32>
        %max3A_818 = arith.constant 0.000000e+00 : f32
        %max3A_819 = vector.broadcast %max3A_818 : f32 to vector<16xf32>
        %max3A_820 = arith.maximumf %add3A_817, %max3A_819 : vector<16xf32>
        %swap3A_821 = arith.index_cast %scan3A_690 : i32 to index
        %swap3A_822 = arith.constant 112 : index
        %swap3A_823 = tpu.vector_load %arg16[%swap3A_821, %swap3A_822] {strides = array<i32>} : memref<32x128xf32, #tpu.memory_space<vmem>>, vector<1x16xf32>,
        %swap3A_824 = vector.shape_cast %swap3A_823 : vector<1x16xf32> to vector<16xf32>
        %swap3A_825 = vector.shape_cast %max3A_820 : vector<16xf32> to vector<1x16xf32>
        tpu.vector_store %arg16[%swap3A_821, %swap3A_822], %swap3A_825 {strides = array<i32>} : memref<32x128xf32, #tpu.memory_space<vmem>>, vector<1x16xf32>,
      }
      %scan3A_400 = arith.constant 32 : i32
      %dma_start3A_401 = arith.constant 0 : i32
      %dma_start3A_402 = arith.constant 0 : i32
      %dma_start3A_403 = tpu.memref_slice %arg18[%dma_start3A_401, %dma_start3A_402] : memref<10240x128xf32, #tpu.memory_space<vmem_shared>> -> memref<10240x128xf32, #tpu.memory_space<vmem_shared>>
      tpu.enqueue_indirect_dma source(%arg16 : memref<32x128xf32, #tpu.memory_space<vmem>>) target(%dma_start3A_403 : memref<10240x128xf32, #tpu.memory_space<vmem_shared>>) offsets(%arg10 : memref<32xi32, #tpu.memory_space<vmem>>) semaphore(%arg23 : memref<!tpu.dma_semaphore, #tpu.memory_space<semaphore_mem>>) {add = true}
      %add3A_404 = arith.constant 2 : i32
      %add3A_405 = arith.addi %add3A_243, %add3A_404 : i32
      %mul3A_406 = arith.constant 32 : i32
      %mul3A_407 = arith.muli %add3A_405, %mul3A_406 : i32
      %add3A_408 = arith.addi %mul3A_2, %mul3A_407 : i32
      %dma_start3A_409 = arith.constant 0 : i32
      %dma_start3A_410 = tpu.memref_slice %arg5[%add3A_408, %dma_start3A_409] : memref<163840x128xf32, #tpu.memory_space<hbm>> -> memref<32x128xf32, #tpu.memory_space<hbm>>
      %dma_start3A_411 = arith.constant 0 : i32
      %dma_start3A_412 = tpu.memref_slice %arg5[%add3A_408, %dma_start3A_411] : memref<163840x128xf32, #tpu.memory_space<hbm>> -> memref<32x128xf32, #tpu.memory_space<hbm>>
      tpu.enqueue_dma source(%dma_start3A_412 : memref<32x128xf32, #tpu.memory_space<hbm>>) target(%arg14 : memref<32x128xf32, #tpu.memory_space<vmem>>) target_semaphore(%arg21 : memref<!tpu.dma_semaphore, #tpu.memory_space<semaphore_mem>>)
      %jit3A_413 = arith.constant 4 : i32
      %div3A_414 = arith.divsi %add3A_405, %jit3A_413 : i32
      %sign3A_415 = arith.constant 0 : i32
      %sign3A_416 = arith.cmpi sgt, %add3A_405, %sign3A_415 : i32
      %sign3A_417 = arith.extui %sign3A_416 : i1 to i32
      %sign3A_418 = arith.constant 0 : i32
      %sign3A_419 = arith.cmpi slt, %add3A_405, %sign3A_418 : i32
      %sign3A_420 = arith.extui %sign3A_419 : i1 to i32
      %sign3A_421 = arith.subi %sign3A_417, %sign3A_420 : i32
      %sign3A_422 = arith.constant 0 : i32
      %sign3A_423 = arith.cmpi sgt, %jit3A_413, %sign3A_422 : i32
      %sign3A_424 = arith.extui %sign3A_423 : i1 to i32
      %sign3A_425 = arith.constant 0 : i32
      %sign3A_426 = arith.cmpi slt, %jit3A_413, %sign3A_425 : i32
      %sign3A_427 = arith.extui %sign3A_426 : i1 to i32
      %sign3A_428 = arith.subi %sign3A_424, %sign3A_427 : i32
      %ne3A_429 = arith.cmpi ne, %sign3A_421, %sign3A_428 : i32
      %rem3A_430 = arith.remsi %add3A_405, %jit3A_413 : i32
      %ne3A_431 = arith.constant 0 : i32
      %ne3A_432 = arith.cmpi ne, %rem3A_430, %ne3A_431 : i32
      %and3A_433 = arith.andi %ne3A_429, %ne3A_432 : i1
      %sub3A_434 = arith.constant 1 : i32
      %sub3A_435 = arith.subi %div3A_414, %sub3A_434 : i32
      %select_n3A_436 = arith.select %and3A_433, %sub3A_435, %div3A_414 : i32
      %jit3A_437 = arith.constant 4 : i32
      %eq3A_438 = arith.constant 0 : i32
      %eq3A_439 = arith.cmpi eq, %jit3A_437, %eq3A_438 : i32
      %jit3A_440 = arith.constant 1 : i32
      %select_n3A_441 = arith.select %eq3A_439, %jit3A_440, %jit3A_437 : i32
      %rem3A_442 = arith.remsi %add3A_405, %select_n3A_441 : i32
      %ne3A_443 = arith.constant 0 : i32
      %ne3A_444 = arith.cmpi ne, %rem3A_442, %ne3A_443 : i32
      %lt3A_445 = arith.constant 0 : i32
      %lt3A_446 = arith.cmpi slt, %rem3A_442, %lt3A_445 : i32
      %lt3A_447 = arith.constant 0 : i32
      %lt3A_448 = arith.cmpi slt, %select_n3A_441, %lt3A_447 : i32
      %ne3A_449 = arith.xori %lt3A_446, %lt3A_448 : i1
      %and3A_450 = arith.andi %ne3A_449, %ne3A_444 : i1
      %add3A_451 = arith.addi %rem3A_442, %select_n3A_441 : i32
      %select_n3A_452 = arith.select %and3A_450, %add3A_451, %rem3A_442 : i32
      %mul3A_453 = arith.constant 32 : i32
      %mul3A_454 = arith.muli %select_n3A_452, %mul3A_453 : i32
      %dma_start3A_455 = tpu.memref_slice %arg8[%select_n3A_436, %mul3A_454] : memref<40x128xi32, #tpu.memory_space<vmem>> -> memref<1x32xi32, #tpu.memory_space<vmem>>
      %dma_start3A_456 = tpu.memref_squeeze %dma_start3A_455 : memref<1x32xi32, #tpu.memory_space<vmem>> -> memref<32xi32, #tpu.memory_space<vmem>>
      %dma_start3A_457 = arith.constant 0 : i32
      %dma_start3A_458 = arith.constant 0 : i32
      %dma_start3A_459 = tpu.memref_slice %arg2[%dma_start3A_457, %dma_start3A_458] : memref<10000x128xf32, #tpu.memory_space<hbm>> -> memref<10000x128xf32, #tpu.memory_space<hbm>>
      tpu.enqueue_indirect_dma source(%dma_start3A_459 : memref<10000x128xf32, #tpu.memory_space<hbm>>) target(%arg12 : memref<32x128xf32, #tpu.memory_space<vmem>>) offsets(%dma_start3A_456 : memref<32xi32, #tpu.memory_space<vmem>>) semaphore(%arg19 : memref<!tpu.dma_semaphore, #tpu.memory_space<semaphore_mem>>)
      %mul3A_460 = arith.constant 2 : i32
      %mul3A_461 = arith.muli %mul3A_460, %scan3A_239 : i32
      %add3A_462 = arith.constant 1 : i32
      %add3A_463 = arith.addi %mul3A_461, %add3A_462 : i32
      %mul3A_464 = arith.constant 32 : i32
      %mul3A_465 = arith.muli %add3A_463, %mul3A_464 : i32
      %add3A_466 = arith.addi %mul3A_2, %mul3A_465 : i32
      %dma_wait3A_467 = arith.constant 0 : i32
      %dma_wait3A_468 = tpu.memref_slice %arg5[%add3A_466, %dma_wait3A_467] : memref<163840x128xf32, #tpu.memory_space<hbm>> -> memref<32x128xf32, #tpu.memory_space<hbm>>
      %dma_wait3A_469 = arith.constant 0 : i32
      %dma_wait3A_470 = tpu.memref_slice %arg5[%add3A_466, %dma_wait3A_469] : memref<163840x128xf32, #tpu.memory_space<hbm>> -> memref<32x128xf32, #tpu.memory_space<hbm>>
      tpu.wait_dma2 semaphore(%arg22 : memref<!tpu.dma_semaphore, #tpu.memory_space<semaphore_mem>>) src(%dma_wait3A_470 : memref<32x128xf32, #tpu.memory_space<hbm>>) dst(%arg15 : memref<32x128xf32, #tpu.memory_space<vmem>>)
      %jit3A_471 = arith.constant 4 : i32
      %div3A_472 = arith.divsi %add3A_463, %jit3A_471 : i32
      %sign3A_473 = arith.constant 0 : i32
      %sign3A_474 = arith.cmpi sgt, %add3A_463, %sign3A_473 : i32
      %sign3A_475 = arith.extui %sign3A_474 : i1 to i32
      %sign3A_476 = arith.constant 0 : i32
      %sign3A_477 = arith.cmpi slt, %add3A_463, %sign3A_476 : i32
      %sign3A_478 = arith.extui %sign3A_477 : i1 to i32
      %sign3A_479 = arith.subi %sign3A_475, %sign3A_478 : i32
      %sign3A_480 = arith.constant 0 : i32
      %sign3A_481 = arith.cmpi sgt, %jit3A_471, %sign3A_480 : i32
      %sign3A_482 = arith.extui %sign3A_481 : i1 to i32
      %sign3A_483 = arith.constant 0 : i32
      %sign3A_484 = arith.cmpi slt, %jit3A_471, %sign3A_483 : i32
      %sign3A_485 = arith.extui %sign3A_484 : i1 to i32
      %sign3A_486 = arith.subi %sign3A_482, %sign3A_485 : i32
      %ne3A_487 = arith.cmpi ne, %sign3A_479, %sign3A_486 : i32
      %rem3A_488 = arith.remsi %add3A_463, %jit3A_471 : i32
      %ne3A_489 = arith.constant 0 : i32
      %ne3A_490 = arith.cmpi ne, %rem3A_488, %ne3A_489 : i32
      %and3A_491 = arith.andi %ne3A_487, %ne3A_490 : i1
      %sub3A_492 = arith.constant 1 : i32
      %sub3A_493 = arith.subi %div3A_472, %sub3A_492 : i32
      %select_n3A_494 = arith.select %and3A_491, %sub3A_493, %div3A_472 : i32
      %jit3A_495 = arith.constant 4 : i32
      %eq3A_496 = arith.constant 0 : i32
      %eq3A_497 = arith.cmpi eq, %jit3A_495, %eq3A_496 : i32
      %jit3A_498 = arith.constant 1 : i32
      %select_n3A_499 = arith.select %eq3A_497, %jit3A_498, %jit3A_495 : i32
      %rem3A_500 = arith.remsi %add3A_463, %select_n3A_499 : i32
      %ne3A_501 = arith.constant 0 : i32
      %ne3A_502 = arith.cmpi ne, %rem3A_500, %ne3A_501 : i32
      %lt3A_503 = arith.constant 0 : i32
      %lt3A_504 = arith.cmpi slt, %rem3A_500, %lt3A_503 : i32
      %lt3A_505 = arith.constant 0 : i32
      %lt3A_506 = arith.cmpi slt, %select_n3A_499, %lt3A_505 : i32
      %ne3A_507 = arith.xori %lt3A_504, %lt3A_506 : i1
      %and3A_508 = arith.andi %ne3A_507, %ne3A_502 : i1
      %add3A_509 = arith.addi %rem3A_500, %select_n3A_499 : i32
      %select_n3A_510 = arith.select %and3A_508, %add3A_509, %rem3A_500 : i32
      %mul3A_511 = arith.constant 32 : i32
      %mul3A_512 = arith.muli %select_n3A_510, %mul3A_511 : i32
      %dma_wait3A_513 = tpu.memref_slice %arg8[%select_n3A_494, %mul3A_512] : memref<40x128xi32, #tpu.memory_space<vmem>> -> memref<1x32xi32, #tpu.memory_space<vmem>>
      %dma_wait3A_514 = tpu.memref_squeeze %dma_wait3A_513 : memref<1x32xi32, #tpu.memory_space<vmem>> -> memref<32xi32, #tpu.memory_space<vmem>>
      %dma_wait3A_515 = arith.constant 0 : i32
      %dma_wait3A_516 = arith.constant 0 : i32
      %dma_wait3A_517 = tpu.memref_slice %arg2[%dma_wait3A_515, %dma_wait3A_516] : memref<10000x128xf32, #tpu.memory_space<hbm>> -> memref<10000x128xf32, #tpu.memory_space<hbm>>
      tpu.wait_indirect_dma semaphore(%arg20 : memref<!tpu.dma_semaphore, #tpu.memory_space<semaphore_mem>>) src(%dma_wait3A_517 : memref<10000x128xf32, #tpu.memory_space<hbm>>) dst(%arg13 : memref<32x128xf32, #tpu.memory_space<vmem>>)
      %dma_wait3A_518 = arith.constant 0 : i32
      %dma_wait3A_519 = arith.constant 0 : i32
      %dma_wait3A_520 = tpu.memref_slice %arg18[%dma_wait3A_518, %dma_wait3A_519] : memref<10240x128xf32, #tpu.memory_space<vmem_shared>> -> memref<10240x128xf32, #tpu.memory_space<vmem_shared>>
      tpu.wait_indirect_dma semaphore(%arg24 : memref<!tpu.dma_semaphore, #tpu.memory_space<semaphore_mem>>) src(%arg17 : memref<32x128xf32, #tpu.memory_space<vmem>>) dst(%dma_wait3A_520 : memref<10240x128xf32, #tpu.memory_space<vmem_shared>>)
      %jit3A_521 = arith.constant 4 : i32
      %div3A_522 = arith.divsi %add3A_463, %jit3A_521 : i32
      %sign3A_523 = arith.constant 0 : i32
      %sign3A_524 = arith.cmpi sgt, %add3A_463, %sign3A_523 : i32
      %sign3A_525 = arith.extui %sign3A_524 : i1 to i32
      %sign3A_526 = arith.constant 0 : i32
      %sign3A_527 = arith.cmpi slt, %add3A_463, %sign3A_526 : i32
      %sign3A_528 = arith.extui %sign3A_527 : i1 to i32
      %sign3A_529 = arith.subi %sign3A_525, %sign3A_528 : i32
      %sign3A_530 = arith.constant 0 : i32
      %sign3A_531 = arith.cmpi sgt, %jit3A_521, %sign3A_530 : i32
      %sign3A_532 = arith.extui %sign3A_531 : i1 to i32
      %sign3A_533 = arith.constant 0 : i32
      %sign3A_534 = arith.cmpi slt, %jit3A_521, %sign3A_533 : i32
      %sign3A_535 = arith.extui %sign3A_534 : i1 to i32
      %sign3A_536 = arith.subi %sign3A_532, %sign3A_535 : i32
      %ne3A_537 = arith.cmpi ne, %sign3A_529, %sign3A_536 : i32
      %rem3A_538 = arith.remsi %add3A_463, %jit3A_521 : i32
      %ne3A_539 = arith.constant 0 : i32
      %ne3A_540 = arith.cmpi ne, %rem3A_538, %ne3A_539 : i32
      %and3A_541 = arith.andi %ne3A_537, %ne3A_540 : i1
      %sub3A_542 = arith.constant 1 : i32
      %sub3A_543 = arith.subi %div3A_522, %sub3A_542 : i32
      %select_n3A_544 = arith.select %and3A_541, %sub3A_543, %div3A_522 : i32
      %jit3A_545 = arith.constant 4 : i32
      %eq3A_546 = arith.constant 0 : i32
      %eq3A_547 = arith.cmpi eq, %jit3A_545, %eq3A_546 : i32
      %jit3A_548 = arith.constant 1 : i32
      %select_n3A_549 = arith.select %eq3A_547, %jit3A_548, %jit3A_545 : i32
      %rem3A_550 = arith.remsi %add3A_463, %select_n3A_549 : i32
      %ne3A_551 = arith.constant 0 : i32
      %ne3A_552 = arith.cmpi ne, %rem3A_550, %ne3A_551 : i32
      %lt3A_553 = arith.constant 0 : i32
      %lt3A_554 = arith.cmpi slt, %rem3A_550, %lt3A_553 : i32
      %lt3A_555 = arith.constant 0 : i32
      %lt3A_556 = arith.cmpi slt, %select_n3A_549, %lt3A_555 : i32
      %ne3A_557 = arith.xori %lt3A_554, %lt3A_556 : i1
      %and3A_558 = arith.andi %ne3A_557, %ne3A_552 : i1
      %add3A_559 = arith.addi %rem3A_550, %select_n3A_549 : i32
      %select_n3A_560 = arith.select %and3A_558, %add3A_559, %rem3A_550 : i32
      %mul3A_561 = arith.constant 32 : i32
      %mul3A_562 = arith.muli %select_n3A_560, %mul3A_561 : i32
      %add3A_563 = arith.constant 0 : i32
      %add3A_564 = arith.addi %mul3A_562, %add3A_563 : i32
      %get3A_565 = arith.index_cast %select_n3A_544 : i32 to index
      %get3A_566 = arith.index_cast %add3A_564 : i32 to index
      %get3A_567 = tpu.vector_load %arg9[%get3A_565, %get3A_566] {strides = array<i32>} : memref<40x128xi32, #tpu.memory_space<vmem>>, vector<1x16xi32>,
      %get3A_568 = vector.shape_cast %get3A_567 : vector<1x16xi32> to vector<16xi32>
      %swap3A_569 = arith.constant 0 : index
      %swap3A_570 = tpu.vector_load %arg11[%swap3A_569] {strides = array<i32>} : memref<32xi32, #tpu.memory_space<vmem>>, vector<16xi32>,
      %swap3A_571 = vector.shape_cast %swap3A_570 : vector<16xi32> to vector<16xi32>
      %swap3A_572 = vector.shape_cast %get3A_568 : vector<16xi32> to vector<16xi32>
      tpu.vector_store %arg11[%swap3A_569], %swap3A_572 {strides = array<i32>} : memref<32xi32, #tpu.memory_space<vmem>>, vector<16xi32>,
      %jit3A_573 = arith.constant 4 : i32
      %div3A_574 = arith.divsi %add3A_463, %jit3A_573 : i32
      %sign3A_575 = arith.constant 0 : i32
      %sign3A_576 = arith.cmpi sgt, %add3A_463, %sign3A_575 : i32
      %sign3A_577 = arith.extui %sign3A_576 : i1 to i32
      %sign3A_578 = arith.constant 0 : i32
      %sign3A_579 = arith.cmpi slt, %add3A_463, %sign3A_578 : i32
      %sign3A_580 = arith.extui %sign3A_579 : i1 to i32
      %sign3A_581 = arith.subi %sign3A_577, %sign3A_580 : i32
      %sign3A_582 = arith.constant 0 : i32
      %sign3A_583 = arith.cmpi sgt, %jit3A_573, %sign3A_582 : i32
      %sign3A_584 = arith.extui %sign3A_583 : i1 to i32
      %sign3A_585 = arith.constant 0 : i32
      %sign3A_586 = arith.cmpi slt, %jit3A_573, %sign3A_585 : i32
      %sign3A_587 = arith.extui %sign3A_586 : i1 to i32
      %sign3A_588 = arith.subi %sign3A_584, %sign3A_587 : i32
      %ne3A_589 = arith.cmpi ne, %sign3A_581, %sign3A_588 : i32
      %rem3A_590 = arith.remsi %add3A_463, %jit3A_573 : i32
      %ne3A_591 = arith.constant 0 : i32
      %ne3A_592 = arith.cmpi ne, %rem3A_590, %ne3A_591 : i32
      %and3A_593 = arith.andi %ne3A_589, %ne3A_592 : i1
      %sub3A_594 = arith.constant 1 : i32
      %sub3A_595 = arith.subi %div3A_574, %sub3A_594 : i32
      %select_n3A_596 = arith.select %and3A_593, %sub3A_595, %div3A_574 : i32
      %jit3A_597 = arith.constant 4 : i32
      %eq3A_598 = arith.constant 0 : i32
      %eq3A_599 = arith.cmpi eq, %jit3A_597, %eq3A_598 : i32
      %jit3A_600 = arith.constant 1 : i32
      %select_n3A_601 = arith.select %eq3A_599, %jit3A_600, %jit3A_597 : i32
      %rem3A_602 = arith.remsi %add3A_463, %select_n3A_601 : i32
      %ne3A_603 = arith.constant 0 : i32
      %ne3A_604 = arith.cmpi ne, %rem3A_602, %ne3A_603 : i32
      %lt3A_605 = arith.constant 0 : i32
      %lt3A_606 = arith.cmpi slt, %rem3A_602, %lt3A_605 : i32
      %lt3A_607 = arith.constant 0 : i32
      %lt3A_608 = arith.cmpi slt, %select_n3A_601, %lt3A_607 : i32
      %ne3A_609 = arith.xori %lt3A_606, %lt3A_608 : i1
      %and3A_610 = arith.andi %ne3A_609, %ne3A_604 : i1
      %add3A_611 = arith.addi %rem3A_602, %select_n3A_601 : i32
      %select_n3A_612 = arith.select %and3A_610, %add3A_611, %rem3A_602 : i32
      %mul3A_613 = arith.constant 32 : i32
      %mul3A_614 = arith.muli %select_n3A_612, %mul3A_613 : i32
      %add3A_615 = arith.constant 16 : i32
      %add3A_616 = arith.addi %mul3A_614, %add3A_615 : i32
      %get3A_617 = arith.index_cast %select_n3A_596 : i32 to index
      %get3A_618 = arith.index_cast %add3A_616 : i32 to index
      %get3A_619 = tpu.vector_load %arg9[%get3A_617, %get3A_618] {strides = array<i32>} : memref<40x128xi32, #tpu.memory_space<vmem>>, vector<1x16xi32>,
      %get3A_620 = vector.shape_cast %get3A_619 : vector<1x16xi32> to vector<16xi32>
      %swap3A_621 = arith.constant 16 : index
      %swap3A_622 = tpu.vector_load %arg11[%swap3A_621] {strides = array<i32>} : memref<32xi32, #tpu.memory_space<vmem>>, vector<16xi32>,
      %swap3A_623 = vector.shape_cast %swap3A_622 : vector<16xi32> to vector<16xi32>
      %swap3A_624 = vector.shape_cast %get3A_620 : vector<16xi32> to vector<16xi32>
      tpu.vector_store %arg11[%swap3A_621], %swap3A_624 {strides = array<i32>} : memref<32xi32, #tpu.memory_space<vmem>>, vector<16xi32>,
      %scan3A_625 = arith.constant 0 : i32
      %scan3A_626 = arith.constant 0 : i32
      %scan3A_627 = arith.constant 32 : i32
      %scan3A_628 = arith.addi %scan3A_626, %scan3A_627 : i32
      %scan3A_629 = arith.constant 1 : i32
      scf.for %scan3A_690 = %scan3A_626 to %scan3A_628 step %scan3A_629  : i32 {
        %get3A_691 = arith.index_cast %scan3A_690 : i32 to index
        %get3A_692 = arith.constant 0 : index
        %get3A_693 = tpu.vector_load %arg13[%get3A_691, %get3A_692] {strides = array<i32>} : memref<32x128xf32, #tpu.memory_space<vmem>>, vector<1x16xf32>,
        %get3A_694 = vector.shape_cast %get3A_693 : vector<1x16xf32> to vector<16xf32>
        %get3A_695 = arith.index_cast %scan3A_690 : i32 to index
        %get3A_696 = arith.constant 0 : index
        %get3A_697 = tpu.vector_load %arg15[%get3A_695, %get3A_696] {strides = array<i32>} : memref<32x128xf32, #tpu.memory_space<vmem>>, vector<1x16xf32>,
        %get3A_698 = vector.shape_cast %get3A_697 : vector<1x16xf32> to vector<16xf32>
        %add3A_699 = arith.addf %get3A_694, %get3A_698 : vector<16xf32>
        %max3A = arith.constant 0.000000e+00 : f32
        %max3A_700 = vector.broadcast %max3A : f32 to vector<16xf32>
        %max3A_701 = arith.maximumf %add3A_699, %max3A_700 : vector<16xf32>
        %swap3A_702 = arith.index_cast %scan3A_690 : i32 to index
        %swap3A_703 = arith.constant 0 : index
        %swap3A_704 = tpu.vector_load %arg17[%swap3A_702, %swap3A_703] {strides = array<i32>} : memref<32x128xf32, #tpu.memory_space<vmem>>, vector<1x16xf32>,
        %swap3A_705 = vector.shape_cast %swap3A_704 : vector<1x16xf32> to vector<16xf32>
        %swap3A_706 = vector.shape_cast %max3A_701 : vector<16xf32> to vector<1x16xf32>
        tpu.vector_store %arg17[%swap3A_702, %swap3A_703], %swap3A_706 {strides = array<i32>} : memref<32x128xf32, #tpu.memory_space<vmem>>, vector<1x16xf32>,
        %get3A_707 = arith.index_cast %scan3A_690 : i32 to index
        %get3A_708 = arith.constant 16 : index
        %get3A_709 = tpu.vector_load %arg13[%get3A_707, %get3A_708] {strides = array<i32>} : memref<32x128xf32, #tpu.memory_space<vmem>>, vector<1x16xf32>,
        %get3A_710 = vector.shape_cast %get3A_709 : vector<1x16xf32> to vector<16xf32>
        %get3A_711 = arith.index_cast %scan3A_690 : i32 to index
        %get3A_712 = arith.constant 16 : index
        %get3A_713 = tpu.vector_load %arg15[%get3A_711, %get3A_712] {strides = array<i32>} : memref<32x128xf32, #tpu.memory_space<vmem>>, vector<1x16xf32>,
        %get3A_714 = vector.shape_cast %get3A_713 : vector<1x16xf32> to vector<16xf32>
        %add3A_715 = arith.addf %get3A_710, %get3A_714 : vector<16xf32>
        %max3A_716 = arith.constant 0.000000e+00 : f32
        %max3A_717 = vector.broadcast %max3A_716 : f32 to vector<16xf32>
        %max3A_718 = arith.maximumf %add3A_715, %max3A_717 : vector<16xf32>
        %swap3A_719 = arith.index_cast %scan3A_690 : i32 to index
        %swap3A_720 = arith.constant 16 : index
        %swap3A_721 = tpu.vector_load %arg17[%swap3A_719, %swap3A_720] {strides = array<i32>} : memref<32x128xf32, #tpu.memory_space<vmem>>, vector<1x16xf32>,
        %swap3A_722 = vector.shape_cast %swap3A_721 : vector<1x16xf32> to vector<16xf32>
        %swap3A_723 = vector.shape_cast %max3A_718 : vector<16xf32> to vector<1x16xf32>
        tpu.vector_store %arg17[%swap3A_719, %swap3A_720], %swap3A_723 {strides = array<i32>} : memref<32x128xf32, #tpu.memory_space<vmem>>, vector<1x16xf32>,
        %get3A_724 = arith.index_cast %scan3A_690 : i32 to index
        %get3A_725 = arith.constant 32 : index
        %get3A_726 = tpu.vector_load %arg13[%get3A_724, %get3A_725] {strides = array<i32>} : memref<32x128xf32, #tpu.memory_space<vmem>>, vector<1x16xf32>,
        %get3A_727 = vector.shape_cast %get3A_726 : vector<1x16xf32> to vector<16xf32>
        %get3A_728 = arith.index_cast %scan3A_690 : i32 to index
        %get3A_729 = arith.constant 32 : index
        %get3A_730 = tpu.vector_load %arg15[%get3A_728, %get3A_729] {strides = array<i32>} : memref<32x128xf32, #tpu.memory_space<vmem>>, vector<1x16xf32>,
        %get3A_731 = vector.shape_cast %get3A_730 : vector<1x16xf32> to vector<16xf32>
        %add3A_732 = arith.addf %get3A_727, %get3A_731 : vector<16xf32>
        %max3A_733 = arith.constant 0.000000e+00 : f32
        %max3A_734 = vector.broadcast %max3A_733 : f32 to vector<16xf32>
        %max3A_735 = arith.maximumf %add3A_732, %max3A_734 : vector<16xf32>
        %swap3A_736 = arith.index_cast %scan3A_690 : i32 to index
        %swap3A_737 = arith.constant 32 : index
        %swap3A_738 = tpu.vector_load %arg17[%swap3A_736, %swap3A_737] {strides = array<i32>} : memref<32x128xf32, #tpu.memory_space<vmem>>, vector<1x16xf32>,
        %swap3A_739 = vector.shape_cast %swap3A_738 : vector<1x16xf32> to vector<16xf32>
        %swap3A_740 = vector.shape_cast %max3A_735 : vector<16xf32> to vector<1x16xf32>
        tpu.vector_store %arg17[%swap3A_736, %swap3A_737], %swap3A_740 {strides = array<i32>} : memref<32x128xf32, #tpu.memory_space<vmem>>, vector<1x16xf32>,
        %get3A_741 = arith.index_cast %scan3A_690 : i32 to index
        %get3A_742 = arith.constant 48 : index
        %get3A_743 = tpu.vector_load %arg13[%get3A_741, %get3A_742] {strides = array<i32>} : memref<32x128xf32, #tpu.memory_space<vmem>>, vector<1x16xf32>,
        %get3A_744 = vector.shape_cast %get3A_743 : vector<1x16xf32> to vector<16xf32>
        %get3A_745 = arith.index_cast %scan3A_690 : i32 to index
        %get3A_746 = arith.constant 48 : index
        %get3A_747 = tpu.vector_load %arg15[%get3A_745, %get3A_746] {strides = array<i32>} : memref<32x128xf32, #tpu.memory_space<vmem>>, vector<1x16xf32>,
        %get3A_748 = vector.shape_cast %get3A_747 : vector<1x16xf32> to vector<16xf32>
        %add3A_749 = arith.addf %get3A_744, %get3A_748 : vector<16xf32>
        %max3A_750 = arith.constant 0.000000e+00 : f32
        %max3A_751 = vector.broadcast %max3A_750 : f32 to vector<16xf32>
        %max3A_752 = arith.maximumf %add3A_749, %max3A_751 : vector<16xf32>
        %swap3A_753 = arith.index_cast %scan3A_690 : i32 to index
        %swap3A_754 = arith.constant 48 : index
        %swap3A_755 = tpu.vector_load %arg17[%swap3A_753, %swap3A_754] {strides = array<i32>} : memref<32x128xf32, #tpu.memory_space<vmem>>, vector<1x16xf32>,
        %swap3A_756 = vector.shape_cast %swap3A_755 : vector<1x16xf32> to vector<16xf32>
        %swap3A_757 = vector.shape_cast %max3A_752 : vector<16xf32> to vector<1x16xf32>
        tpu.vector_store %arg17[%swap3A_753, %swap3A_754], %swap3A_757 {strides = array<i32>} : memref<32x128xf32, #tpu.memory_space<vmem>>, vector<1x16xf32>,
        %get3A_758 = arith.index_cast %scan3A_690 : i32 to index
        %get3A_759 = arith.constant 64 : index
        %get3A_760 = tpu.vector_load %arg13[%get3A_758, %get3A_759] {strides = array<i32>} : memref<32x128xf32, #tpu.memory_space<vmem>>, vector<1x16xf32>,
        %get3A_761 = vector.shape_cast %get3A_760 : vector<1x16xf32> to vector<16xf32>
        %get3A_762 = arith.index_cast %scan3A_690 : i32 to index
        %get3A_763 = arith.constant 64 : index
        %get3A_764 = tpu.vector_load %arg15[%get3A_762, %get3A_763] {strides = array<i32>} : memref<32x128xf32, #tpu.memory_space<vmem>>, vector<1x16xf32>,
        %get3A_765 = vector.shape_cast %get3A_764 : vector<1x16xf32> to vector<16xf32>
        %add3A_766 = arith.addf %get3A_761, %get3A_765 : vector<16xf32>
        %max3A_767 = arith.constant 0.000000e+00 : f32
        %max3A_768 = vector.broadcast %max3A_767 : f32 to vector<16xf32>
        %max3A_769 = arith.maximumf %add3A_766, %max3A_768 : vector<16xf32>
        %swap3A_770 = arith.index_cast %scan3A_690 : i32 to index
        %swap3A_771 = arith.constant 64 : index
        %swap3A_772 = tpu.vector_load %arg17[%swap3A_770, %swap3A_771] {strides = array<i32>} : memref<32x128xf32, #tpu.memory_space<vmem>>, vector<1x16xf32>,
        %swap3A_773 = vector.shape_cast %swap3A_772 : vector<1x16xf32> to vector<16xf32>
        %swap3A_774 = vector.shape_cast %max3A_769 : vector<16xf32> to vector<1x16xf32>
        tpu.vector_store %arg17[%swap3A_770, %swap3A_771], %swap3A_774 {strides = array<i32>} : memref<32x128xf32, #tpu.memory_space<vmem>>, vector<1x16xf32>,
        %get3A_775 = arith.index_cast %scan3A_690 : i32 to index
        %get3A_776 = arith.constant 80 : index
        %get3A_777 = tpu.vector_load %arg13[%get3A_775, %get3A_776] {strides = array<i32>} : memref<32x128xf32, #tpu.memory_space<vmem>>, vector<1x16xf32>,
        %get3A_778 = vector.shape_cast %get3A_777 : vector<1x16xf32> to vector<16xf32>
        %get3A_779 = arith.index_cast %scan3A_690 : i32 to index
        %get3A_780 = arith.constant 80 : index
        %get3A_781 = tpu.vector_load %arg15[%get3A_779, %get3A_780] {strides = array<i32>} : memref<32x128xf32, #tpu.memory_space<vmem>>, vector<1x16xf32>,
        %get3A_782 = vector.shape_cast %get3A_781 : vector<1x16xf32> to vector<16xf32>
        %add3A_783 = arith.addf %get3A_778, %get3A_782 : vector<16xf32>
        %max3A_784 = arith.constant 0.000000e+00 : f32
        %max3A_785 = vector.broadcast %max3A_784 : f32 to vector<16xf32>
        %max3A_786 = arith.maximumf %add3A_783, %max3A_785 : vector<16xf32>
        %swap3A_787 = arith.index_cast %scan3A_690 : i32 to index
        %swap3A_788 = arith.constant 80 : index
        %swap3A_789 = tpu.vector_load %arg17[%swap3A_787, %swap3A_788] {strides = array<i32>} : memref<32x128xf32, #tpu.memory_space<vmem>>, vector<1x16xf32>,
        %swap3A_790 = vector.shape_cast %swap3A_789 : vector<1x16xf32> to vector<16xf32>
        %swap3A_791 = vector.shape_cast %max3A_786 : vector<16xf32> to vector<1x16xf32>
        tpu.vector_store %arg17[%swap3A_787, %swap3A_788], %swap3A_791 {strides = array<i32>} : memref<32x128xf32, #tpu.memory_space<vmem>>, vector<1x16xf32>,
        %get3A_792 = arith.index_cast %scan3A_690 : i32 to index
        %get3A_793 = arith.constant 96 : index
        %get3A_794 = tpu.vector_load %arg13[%get3A_792, %get3A_793] {strides = array<i32>} : memref<32x128xf32, #tpu.memory_space<vmem>>, vector<1x16xf32>,
        %get3A_795 = vector.shape_cast %get3A_794 : vector<1x16xf32> to vector<16xf32>
        %get3A_796 = arith.index_cast %scan3A_690 : i32 to index
        %get3A_797 = arith.constant 96 : index
        %get3A_798 = tpu.vector_load %arg15[%get3A_796, %get3A_797] {strides = array<i32>} : memref<32x128xf32, #tpu.memory_space<vmem>>, vector<1x16xf32>,
        %get3A_799 = vector.shape_cast %get3A_798 : vector<1x16xf32> to vector<16xf32>
        %add3A_800 = arith.addf %get3A_795, %get3A_799 : vector<16xf32>
        %max3A_801 = arith.constant 0.000000e+00 : f32
        %max3A_802 = vector.broadcast %max3A_801 : f32 to vector<16xf32>
        %max3A_803 = arith.maximumf %add3A_800, %max3A_802 : vector<16xf32>
        %swap3A_804 = arith.index_cast %scan3A_690 : i32 to index
        %swap3A_805 = arith.constant 96 : index
        %swap3A_806 = tpu.vector_load %arg17[%swap3A_804, %swap3A_805] {strides = array<i32>} : memref<32x128xf32, #tpu.memory_space<vmem>>, vector<1x16xf32>,
        %swap3A_807 = vector.shape_cast %swap3A_806 : vector<1x16xf32> to vector<16xf32>
        %swap3A_808 = vector.shape_cast %max3A_803 : vector<16xf32> to vector<1x16xf32>
        tpu.vector_store %arg17[%swap3A_804, %swap3A_805], %swap3A_808 {strides = array<i32>} : memref<32x128xf32, #tpu.memory_space<vmem>>, vector<1x16xf32>,
        %get3A_809 = arith.index_cast %scan3A_690 : i32 to index
        %get3A_810 = arith.constant 112 : index
        %get3A_811 = tpu.vector_load %arg13[%get3A_809, %get3A_810] {strides = array<i32>} : memref<32x128xf32, #tpu.memory_space<vmem>>, vector<1x16xf32>,
        %get3A_812 = vector.shape_cast %get3A_811 : vector<1x16xf32> to vector<16xf32>
        %get3A_813 = arith.index_cast %scan3A_690 : i32 to index
        %get3A_814 = arith.constant 112 : index
        %get3A_815 = tpu.vector_load %arg15[%get3A_813, %get3A_814] {strides = array<i32>} : memref<32x128xf32, #tpu.memory_space<vmem>>, vector<1x16xf32>,
        %get3A_816 = vector.shape_cast %get3A_815 : vector<1x16xf32> to vector<16xf32>
        %add3A_817 = arith.addf %get3A_812, %get3A_816 : vector<16xf32>
        %max3A_818 = arith.constant 0.000000e+00 : f32
        %max3A_819 = vector.broadcast %max3A_818 : f32 to vector<16xf32>
        %max3A_820 = arith.maximumf %add3A_817, %max3A_819 : vector<16xf32>
        %swap3A_821 = arith.index_cast %scan3A_690 : i32 to index
        %swap3A_822 = arith.constant 112 : index
        %swap3A_823 = tpu.vector_load %arg17[%swap3A_821, %swap3A_822] {strides = array<i32>} : memref<32x128xf32, #tpu.memory_space<vmem>>, vector<1x16xf32>,
        %swap3A_824 = vector.shape_cast %swap3A_823 : vector<1x16xf32> to vector<16xf32>
        %swap3A_825 = vector.shape_cast %max3A_820 : vector<16xf32> to vector<1x16xf32>
        tpu.vector_store %arg17[%swap3A_821, %swap3A_822], %swap3A_825 {strides = array<i32>} : memref<32x128xf32, #tpu.memory_space<vmem>>, vector<1x16xf32>,
      }
      %scan3A_630 = arith.constant 32 : i32
      %dma_start3A_631 = arith.constant 0 : i32
      %dma_start3A_632 = arith.constant 0 : i32
      %dma_start3A_633 = tpu.memref_slice %arg18[%dma_start3A_631, %dma_start3A_632] : memref<10240x128xf32, #tpu.memory_space<vmem_shared>> -> memref<10240x128xf32, #tpu.memory_space<vmem_shared>>
      tpu.enqueue_indirect_dma source(%arg17 : memref<32x128xf32, #tpu.memory_space<vmem>>) target(%dma_start3A_633 : memref<10240x128xf32, #tpu.memory_space<vmem_shared>>) offsets(%arg11 : memref<32xi32, #tpu.memory_space<vmem>>) semaphore(%arg24 : memref<!tpu.dma_semaphore, #tpu.memory_space<semaphore_mem>>) {add = true}
      %add3A_634 = arith.constant 2 : i32
      %add3A_635 = arith.addi %add3A_463, %add3A_634 : i32
      %mul3A_636 = arith.constant 32 : i32
      %mul3A_637 = arith.muli %add3A_635, %mul3A_636 : i32
      %add3A_638 = arith.addi %mul3A_2, %mul3A_637 : i32
      %dma_start3A_639 = arith.constant 0 : i32
      %dma_start3A_640 = tpu.memref_slice %arg5[%add3A_638, %dma_start3A_639] : memref<163840x128xf32, #tpu.memory_space<hbm>> -> memref<32x128xf32, #tpu.memory_space<hbm>>
      %dma_start3A_641 = arith.constant 0 : i32
      %dma_start3A_642 = tpu.memref_slice %arg5[%add3A_638, %dma_start3A_641] : memref<163840x128xf32, #tpu.memory_space<hbm>> -> memref<32x128xf32, #tpu.memory_space<hbm>>
      tpu.enqueue_dma source(%dma_start3A_642 : memref<32x128xf32, #tpu.memory_space<hbm>>) target(%arg15 : memref<32x128xf32, #tpu.memory_space<vmem>>) target_semaphore(%arg22 : memref<!tpu.dma_semaphore, #tpu.memory_space<semaphore_mem>>)
      %jit3A_643 = arith.constant 4 : i32
      %div3A_644 = arith.divsi %add3A_635, %jit3A_643 : i32
      %sign3A_645 = arith.constant 0 : i32
      %sign3A_646 = arith.cmpi sgt, %add3A_635, %sign3A_645 : i32
      %sign3A_647 = arith.extui %sign3A_646 : i1 to i32
      %sign3A_648 = arith.constant 0 : i32
      %sign3A_649 = arith.cmpi slt, %add3A_635, %sign3A_648 : i32
      %sign3A_650 = arith.extui %sign3A_649 : i1 to i32
      %sign3A_651 = arith.subi %sign3A_647, %sign3A_650 : i32
      %sign3A_652 = arith.constant 0 : i32
      %sign3A_653 = arith.cmpi sgt, %jit3A_643, %sign3A_652 : i32
      %sign3A_654 = arith.extui %sign3A_653 : i1 to i32
      %sign3A_655 = arith.constant 0 : i32
      %sign3A_656 = arith.cmpi slt, %jit3A_643, %sign3A_655 : i32
      %sign3A_657 = arith.extui %sign3A_656 : i1 to i32
      %sign3A_658 = arith.subi %sign3A_654, %sign3A_657 : i32
      %ne3A_659 = arith.cmpi ne, %sign3A_651, %sign3A_658 : i32
      %rem3A_660 = arith.remsi %add3A_635, %jit3A_643 : i32
      %ne3A_661 = arith.constant 0 : i32
      %ne3A_662 = arith.cmpi ne, %rem3A_660, %ne3A_661 : i32
      %and3A_663 = arith.andi %ne3A_659, %ne3A_662 : i1
      %sub3A_664 = arith.constant 1 : i32
      %sub3A_665 = arith.subi %div3A_644, %sub3A_664 : i32
      %select_n3A_666 = arith.select %and3A_663, %sub3A_665, %div3A_644 : i32
      %jit3A_667 = arith.constant 4 : i32
      %eq3A_668 = arith.constant 0 : i32
      %eq3A_669 = arith.cmpi eq, %jit3A_667, %eq3A_668 : i32
      %jit3A_670 = arith.constant 1 : i32
      %select_n3A_671 = arith.select %eq3A_669, %jit3A_670, %jit3A_667 : i32
      %rem3A_672 = arith.remsi %add3A_635, %select_n3A_671 : i32
      %ne3A_673 = arith.constant 0 : i32
      %ne3A_674 = arith.cmpi ne, %rem3A_672, %ne3A_673 : i32
      %lt3A_675 = arith.constant 0 : i32
      %lt3A_676 = arith.cmpi slt, %rem3A_672, %lt3A_675 : i32
      %lt3A_677 = arith.constant 0 : i32
      %lt3A_678 = arith.cmpi slt, %select_n3A_671, %lt3A_677 : i32
      %ne3A_679 = arith.xori %lt3A_676, %lt3A_678 : i1
      %and3A_680 = arith.andi %ne3A_679, %ne3A_674 : i1
      %add3A_681 = arith.addi %rem3A_672, %select_n3A_671 : i32
      %select_n3A_682 = arith.select %and3A_680, %add3A_681, %rem3A_672 : i32
      %mul3A_683 = arith.constant 32 : i32
      %mul3A_684 = arith.muli %select_n3A_682, %mul3A_683 : i32
      %dma_start3A_685 = tpu.memref_slice %arg8[%select_n3A_666, %mul3A_684] : memref<40x128xi32, #tpu.memory_space<vmem>> -> memref<1x32xi32, #tpu.memory_space<vmem>>
      %dma_start3A_686 = tpu.memref_squeeze %dma_start3A_685 : memref<1x32xi32, #tpu.memory_space<vmem>> -> memref<32xi32, #tpu.memory_space<vmem>>
      %dma_start3A_687 = arith.constant 0 : i32
      %dma_start3A_688 = arith.constant 0 : i32
      %dma_start3A_689 = tpu.memref_slice %arg2[%dma_start3A_687, %dma_start3A_688] : memref<10000x128xf32, #tpu.memory_space<hbm>> -> memref<10000x128xf32, #tpu.memory_space<hbm>>
      tpu.enqueue_indirect_dma source(%dma_start3A_689 : memref<10000x128xf32, #tpu.memory_space<hbm>>) target(%arg13 : memref<32x128xf32, #tpu.memory_space<vmem>>) offsets(%dma_start3A_686 : memref<32xi32, #tpu.memory_space<vmem>>) semaphore(%arg20 : memref<!tpu.dma_semaphore, #tpu.memory_space<semaphore_mem>>)
    }
    %scan3A_141 = arith.constant 78 : i32
    %add3A_142 = arith.constant 5056 : i32
    %add3A_143 = arith.addi %mul3A_2, %add3A_142 : i32
    %dma_wait3A_144 = arith.constant 0 : i32
    %dma_wait3A_145 = tpu.memref_slice %arg5[%add3A_143, %dma_wait3A_144] : memref<163840x128xf32, #tpu.memory_space<hbm>> -> memref<32x128xf32, #tpu.memory_space<hbm>>
    %dma_wait3A_146 = arith.constant 0 : i32
    %dma_wait3A_147 = tpu.memref_slice %arg5[%add3A_143, %dma_wait3A_146] : memref<163840x128xf32, #tpu.memory_space<hbm>> -> memref<32x128xf32, #tpu.memory_space<hbm>>
    tpu.wait_dma2 semaphore(%arg21 : memref<!tpu.dma_semaphore, #tpu.memory_space<semaphore_mem>>) src(%dma_wait3A_147 : memref<32x128xf32, #tpu.memory_space<hbm>>) dst(%arg14 : memref<32x128xf32, #tpu.memory_space<vmem>>)
    %dma_wait3A_148 = arith.constant 39 : i32
    %dma_wait3A_149 = arith.constant 64 : i32
    %dma_wait3A_150 = tpu.memref_slice %arg8[%dma_wait3A_148, %dma_wait3A_149] : memref<40x128xi32, #tpu.memory_space<vmem>> -> memref<1x32xi32, #tpu.memory_space<vmem>>
    %dma_wait3A_151 = tpu.memref_squeeze %dma_wait3A_150 : memref<1x32xi32, #tpu.memory_space<vmem>> -> memref<32xi32, #tpu.memory_space<vmem>>
    %dma_wait3A_152 = arith.constant 0 : i32
    %dma_wait3A_153 = arith.constant 0 : i32
    %dma_wait3A_154 = tpu.memref_slice %arg2[%dma_wait3A_152, %dma_wait3A_153] : memref<10000x128xf32, #tpu.memory_space<hbm>> -> memref<10000x128xf32, #tpu.memory_space<hbm>>
    tpu.wait_indirect_dma semaphore(%arg19 : memref<!tpu.dma_semaphore, #tpu.memory_space<semaphore_mem>>) src(%dma_wait3A_154 : memref<10000x128xf32, #tpu.memory_space<hbm>>) dst(%arg12 : memref<32x128xf32, #tpu.memory_space<vmem>>)
    %dma_wait3A_155 = arith.constant 0 : i32
    %dma_wait3A_156 = arith.constant 0 : i32
    %dma_wait3A_157 = tpu.memref_slice %arg18[%dma_wait3A_155, %dma_wait3A_156] : memref<10240x128xf32, #tpu.memory_space<vmem_shared>> -> memref<10240x128xf32, #tpu.memory_space<vmem_shared>>
    tpu.wait_indirect_dma semaphore(%arg23 : memref<!tpu.dma_semaphore, #tpu.memory_space<semaphore_mem>>) src(%arg16 : memref<32x128xf32, #tpu.memory_space<vmem>>) dst(%dma_wait3A_157 : memref<10240x128xf32, #tpu.memory_space<vmem_shared>>)
    %get3A_158 = arith.constant 39 : i32
    %get3A_159 = arith.index_cast %get3A_158 : i32 to index
    %get3A_160 = arith.constant 64 : index
    %get3A_161 = tpu.vector_load %arg9[%get3A_159, %get3A_160] {strides = array<i32>} : memref<40x128xi32, #tpu.memory_space<vmem>>, vector<1x16xi32>,
    %get3A_162 = vector.shape_cast %get3A_161 : vector<1x16xi32> to vector<16xi32>
    %swap3A_163 = arith.constant 0 : index
    %swap3A_164 = tpu.vector_load %arg10[%swap3A_163] {strides = array<i32>} : memref<32xi32, #tpu.memory_space<vmem>>, vector<16xi32>,
    %swap3A_165 = vector.shape_cast %swap3A_164 : vector<16xi32> to vector<16xi32>
    %swap3A_166 = vector.shape_cast %get3A_162 : vector<16xi32> to vector<16xi32>
    tpu.vector_store %arg10[%swap3A_163], %swap3A_166 {strides = array<i32>} : memref<32xi32, #tpu.memory_space<vmem>>, vector<16xi32>,
    %get3A_167 = arith.constant 39 : i32
    %get3A_168 = arith.index_cast %get3A_167 : i32 to index
    %get3A_169 = arith.constant 80 : index
    %get3A_170 = tpu.vector_load %arg9[%get3A_168, %get3A_169] {strides = array<i32>} : memref<40x128xi32, #tpu.memory_space<vmem>>, vector<1x16xi32>,
    %get3A_171 = vector.shape_cast %get3A_170 : vector<1x16xi32> to vector<16xi32>
    %swap3A_172 = arith.constant 16 : index
    %swap3A_173 = tpu.vector_load %arg10[%swap3A_172] {strides = array<i32>} : memref<32xi32, #tpu.memory_space<vmem>>, vector<16xi32>,
    %swap3A_174 = vector.shape_cast %swap3A_173 : vector<16xi32> to vector<16xi32>
    %swap3A_175 = vector.shape_cast %get3A_171 : vector<16xi32> to vector<16xi32>
    tpu.vector_store %arg10[%swap3A_172], %swap3A_175 {strides = array<i32>} : memref<32xi32, #tpu.memory_space<vmem>>, vector<16xi32>,
    %scan3A_176 = arith.constant 0 : i32
    %scan3A_177 = arith.constant 0 : i32
    %scan3A_178 = arith.constant 32 : i32
    %scan3A_179 = arith.addi %scan3A_177, %scan3A_178 : i32
    %scan3A_180 = arith.constant 1 : i32
    scf.for %scan3A_239 = %scan3A_177 to %scan3A_179 step %scan3A_180  : i32 {
      %get3A_240 = arith.index_cast %scan3A_239 : i32 to index
      %get3A_241 = arith.constant 0 : index
      %get3A_242 = tpu.vector_load %arg12[%get3A_240, %get3A_241] {strides = array<i32>} : memref<32x128xf32, #tpu.memory_space<vmem>>, vector<1x16xf32>,
      %get3A_243 = vector.shape_cast %get3A_242 : vector<1x16xf32> to vector<16xf32>
      %get3A_244 = arith.index_cast %scan3A_239 : i32 to index
      %get3A_245 = arith.constant 0 : index
      %get3A_246 = tpu.vector_load %arg14[%get3A_244, %get3A_245] {strides = array<i32>} : memref<32x128xf32, #tpu.memory_space<vmem>>, vector<1x16xf32>,
      %get3A_247 = vector.shape_cast %get3A_246 : vector<1x16xf32> to vector<16xf32>
      %add3A_248 = arith.addf %get3A_243, %get3A_247 : vector<16xf32>
      %max3A = arith.constant 0.000000e+00 : f32
      %max3A_249 = vector.broadcast %max3A : f32 to vector<16xf32>
      %max3A_250 = arith.maximumf %add3A_248, %max3A_249 : vector<16xf32>
      %swap3A_251 = arith.index_cast %scan3A_239 : i32 to index
      %swap3A_252 = arith.constant 0 : index
      %swap3A_253 = tpu.vector_load %arg16[%swap3A_251, %swap3A_252] {strides = array<i32>} : memref<32x128xf32, #tpu.memory_space<vmem>>, vector<1x16xf32>,
      %swap3A_254 = vector.shape_cast %swap3A_253 : vector<1x16xf32> to vector<16xf32>
      %swap3A_255 = vector.shape_cast %max3A_250 : vector<16xf32> to vector<1x16xf32>
      tpu.vector_store %arg16[%swap3A_251, %swap3A_252], %swap3A_255 {strides = array<i32>} : memref<32x128xf32, #tpu.memory_space<vmem>>, vector<1x16xf32>,
      %get3A_256 = arith.index_cast %scan3A_239 : i32 to index
      %get3A_257 = arith.constant 16 : index
      %get3A_258 = tpu.vector_load %arg12[%get3A_256, %get3A_257] {strides = array<i32>} : memref<32x128xf32, #tpu.memory_space<vmem>>, vector<1x16xf32>,
      %get3A_259 = vector.shape_cast %get3A_258 : vector<1x16xf32> to vector<16xf32>
      %get3A_260 = arith.index_cast %scan3A_239 : i32 to index
      %get3A_261 = arith.constant 16 : index
      %get3A_262 = tpu.vector_load %arg14[%get3A_260, %get3A_261] {strides = array<i32>} : memref<32x128xf32, #tpu.memory_space<vmem>>, vector<1x16xf32>,
      %get3A_263 = vector.shape_cast %get3A_262 : vector<1x16xf32> to vector<16xf32>
      %add3A_264 = arith.addf %get3A_259, %get3A_263 : vector<16xf32>
      %max3A_265 = arith.constant 0.000000e+00 : f32
      %max3A_266 = vector.broadcast %max3A_265 : f32 to vector<16xf32>
      %max3A_267 = arith.maximumf %add3A_264, %max3A_266 : vector<16xf32>
      %swap3A_268 = arith.index_cast %scan3A_239 : i32 to index
      %swap3A_269 = arith.constant 16 : index
      %swap3A_270 = tpu.vector_load %arg16[%swap3A_268, %swap3A_269] {strides = array<i32>} : memref<32x128xf32, #tpu.memory_space<vmem>>, vector<1x16xf32>,
      %swap3A_271 = vector.shape_cast %swap3A_270 : vector<1x16xf32> to vector<16xf32>
      %swap3A_272 = vector.shape_cast %max3A_267 : vector<16xf32> to vector<1x16xf32>
      tpu.vector_store %arg16[%swap3A_268, %swap3A_269], %swap3A_272 {strides = array<i32>} : memref<32x128xf32, #tpu.memory_space<vmem>>, vector<1x16xf32>,
      %get3A_273 = arith.index_cast %scan3A_239 : i32 to index
      %get3A_274 = arith.constant 32 : index
      %get3A_275 = tpu.vector_load %arg12[%get3A_273, %get3A_274] {strides = array<i32>} : memref<32x128xf32, #tpu.memory_space<vmem>>, vector<1x16xf32>,
      %get3A_276 = vector.shape_cast %get3A_275 : vector<1x16xf32> to vector<16xf32>
      %get3A_277 = arith.index_cast %scan3A_239 : i32 to index
      %get3A_278 = arith.constant 32 : index
      %get3A_279 = tpu.vector_load %arg14[%get3A_277, %get3A_278] {strides = array<i32>} : memref<32x128xf32, #tpu.memory_space<vmem>>, vector<1x16xf32>,
      %get3A_280 = vector.shape_cast %get3A_279 : vector<1x16xf32> to vector<16xf32>
      %add3A_281 = arith.addf %get3A_276, %get3A_280 : vector<16xf32>
      %max3A_282 = arith.constant 0.000000e+00 : f32
      %max3A_283 = vector.broadcast %max3A_282 : f32 to vector<16xf32>
      %max3A_284 = arith.maximumf %add3A_281, %max3A_283 : vector<16xf32>
      %swap3A_285 = arith.index_cast %scan3A_239 : i32 to index
      %swap3A_286 = arith.constant 32 : index
      %swap3A_287 = tpu.vector_load %arg16[%swap3A_285, %swap3A_286] {strides = array<i32>} : memref<32x128xf32, #tpu.memory_space<vmem>>, vector<1x16xf32>,
      %swap3A_288 = vector.shape_cast %swap3A_287 : vector<1x16xf32> to vector<16xf32>
      %swap3A_289 = vector.shape_cast %max3A_284 : vector<16xf32> to vector<1x16xf32>
      tpu.vector_store %arg16[%swap3A_285, %swap3A_286], %swap3A_289 {strides = array<i32>} : memref<32x128xf32, #tpu.memory_space<vmem>>, vector<1x16xf32>,
      %get3A_290 = arith.index_cast %scan3A_239 : i32 to index
      %get3A_291 = arith.constant 48 : index
      %get3A_292 = tpu.vector_load %arg12[%get3A_290, %get3A_291] {strides = array<i32>} : memref<32x128xf32, #tpu.memory_space<vmem>>, vector<1x16xf32>,
      %get3A_293 = vector.shape_cast %get3A_292 : vector<1x16xf32> to vector<16xf32>
      %get3A_294 = arith.index_cast %scan3A_239 : i32 to index
      %get3A_295 = arith.constant 48 : index
      %get3A_296 = tpu.vector_load %arg14[%get3A_294, %get3A_295] {strides = array<i32>} : memref<32x128xf32, #tpu.memory_space<vmem>>, vector<1x16xf32>,
      %get3A_297 = vector.shape_cast %get3A_296 : vector<1x16xf32> to vector<16xf32>
      %add3A_298 = arith.addf %get3A_293, %get3A_297 : vector<16xf32>
      %max3A_299 = arith.constant 0.000000e+00 : f32
      %max3A_300 = vector.broadcast %max3A_299 : f32 to vector<16xf32>
      %max3A_301 = arith.maximumf %add3A_298, %max3A_300 : vector<16xf32>
      %swap3A_302 = arith.index_cast %scan3A_239 : i32 to index
      %swap3A_303 = arith.constant 48 : index
      %swap3A_304 = tpu.vector_load %arg16[%swap3A_302, %swap3A_303] {strides = array<i32>} : memref<32x128xf32, #tpu.memory_space<vmem>>, vector<1x16xf32>,
      %swap3A_305 = vector.shape_cast %swap3A_304 : vector<1x16xf32> to vector<16xf32>
      %swap3A_306 = vector.shape_cast %max3A_301 : vector<16xf32> to vector<1x16xf32>
      tpu.vector_store %arg16[%swap3A_302, %swap3A_303], %swap3A_306 {strides = array<i32>} : memref<32x128xf32, #tpu.memory_space<vmem>>, vector<1x16xf32>,
      %get3A_307 = arith.index_cast %scan3A_239 : i32 to index
      %get3A_308 = arith.constant 64 : index
      %get3A_309 = tpu.vector_load %arg12[%get3A_307, %get3A_308] {strides = array<i32>} : memref<32x128xf32, #tpu.memory_space<vmem>>, vector<1x16xf32>,
      %get3A_310 = vector.shape_cast %get3A_309 : vector<1x16xf32> to vector<16xf32>
      %get3A_311 = arith.index_cast %scan3A_239 : i32 to index
      %get3A_312 = arith.constant 64 : index
      %get3A_313 = tpu.vector_load %arg14[%get3A_311, %get3A_312] {strides = array<i32>} : memref<32x128xf32, #tpu.memory_space<vmem>>, vector<1x16xf32>,
      %get3A_314 = vector.shape_cast %get3A_313 : vector<1x16xf32> to vector<16xf32>
      %add3A_315 = arith.addf %get3A_310, %get3A_314 : vector<16xf32>
      %max3A_316 = arith.constant 0.000000e+00 : f32
      %max3A_317 = vector.broadcast %max3A_316 : f32 to vector<16xf32>
      %max3A_318 = arith.maximumf %add3A_315, %max3A_317 : vector<16xf32>
      %swap3A_319 = arith.index_cast %scan3A_239 : i32 to index
      %swap3A_320 = arith.constant 64 : index
      %swap3A_321 = tpu.vector_load %arg16[%swap3A_319, %swap3A_320] {strides = array<i32>} : memref<32x128xf32, #tpu.memory_space<vmem>>, vector<1x16xf32>,
      %swap3A_322 = vector.shape_cast %swap3A_321 : vector<1x16xf32> to vector<16xf32>
      %swap3A_323 = vector.shape_cast %max3A_318 : vector<16xf32> to vector<1x16xf32>
      tpu.vector_store %arg16[%swap3A_319, %swap3A_320], %swap3A_323 {strides = array<i32>} : memref<32x128xf32, #tpu.memory_space<vmem>>, vector<1x16xf32>,
      %get3A_324 = arith.index_cast %scan3A_239 : i32 to index
      %get3A_325 = arith.constant 80 : index
      %get3A_326 = tpu.vector_load %arg12[%get3A_324, %get3A_325] {strides = array<i32>} : memref<32x128xf32, #tpu.memory_space<vmem>>, vector<1x16xf32>,
      %get3A_327 = vector.shape_cast %get3A_326 : vector<1x16xf32> to vector<16xf32>
      %get3A_328 = arith.index_cast %scan3A_239 : i32 to index
      %get3A_329 = arith.constant 80 : index
      %get3A_330 = tpu.vector_load %arg14[%get3A_328, %get3A_329] {strides = array<i32>} : memref<32x128xf32, #tpu.memory_space<vmem>>, vector<1x16xf32>,
      %get3A_331 = vector.shape_cast %get3A_330 : vector<1x16xf32> to vector<16xf32>
      %add3A_332 = arith.addf %get3A_327, %get3A_331 : vector<16xf32>
      %max3A_333 = arith.constant 0.000000e+00 : f32
      %max3A_334 = vector.broadcast %max3A_333 : f32 to vector<16xf32>
      %max3A_335 = arith.maximumf %add3A_332, %max3A_334 : vector<16xf32>
      %swap3A_336 = arith.index_cast %scan3A_239 : i32 to index
      %swap3A_337 = arith.constant 80 : index
      %swap3A_338 = tpu.vector_load %arg16[%swap3A_336, %swap3A_337] {strides = array<i32>} : memref<32x128xf32, #tpu.memory_space<vmem>>, vector<1x16xf32>,
      %swap3A_339 = vector.shape_cast %swap3A_338 : vector<1x16xf32> to vector<16xf32>
      %swap3A_340 = vector.shape_cast %max3A_335 : vector<16xf32> to vector<1x16xf32>
      tpu.vector_store %arg16[%swap3A_336, %swap3A_337], %swap3A_340 {strides = array<i32>} : memref<32x128xf32, #tpu.memory_space<vmem>>, vector<1x16xf32>,
      %get3A_341 = arith.index_cast %scan3A_239 : i32 to index
      %get3A_342 = arith.constant 96 : index
      %get3A_343 = tpu.vector_load %arg12[%get3A_341, %get3A_342] {strides = array<i32>} : memref<32x128xf32, #tpu.memory_space<vmem>>, vector<1x16xf32>,
      %get3A_344 = vector.shape_cast %get3A_343 : vector<1x16xf32> to vector<16xf32>
      %get3A_345 = arith.index_cast %scan3A_239 : i32 to index
      %get3A_346 = arith.constant 96 : index
      %get3A_347 = tpu.vector_load %arg14[%get3A_345, %get3A_346] {strides = array<i32>} : memref<32x128xf32, #tpu.memory_space<vmem>>, vector<1x16xf32>,
      %get3A_348 = vector.shape_cast %get3A_347 : vector<1x16xf32> to vector<16xf32>
      %add3A_349 = arith.addf %get3A_344, %get3A_348 : vector<16xf32>
      %max3A_350 = arith.constant 0.000000e+00 : f32
      %max3A_351 = vector.broadcast %max3A_350 : f32 to vector<16xf32>
      %max3A_352 = arith.maximumf %add3A_349, %max3A_351 : vector<16xf32>
      %swap3A_353 = arith.index_cast %scan3A_239 : i32 to index
      %swap3A_354 = arith.constant 96 : index
      %swap3A_355 = tpu.vector_load %arg16[%swap3A_353, %swap3A_354] {strides = array<i32>} : memref<32x128xf32, #tpu.memory_space<vmem>>, vector<1x16xf32>,
      %swap3A_356 = vector.shape_cast %swap3A_355 : vector<1x16xf32> to vector<16xf32>
      %swap3A_357 = vector.shape_cast %max3A_352 : vector<16xf32> to vector<1x16xf32>
      tpu.vector_store %arg16[%swap3A_353, %swap3A_354], %swap3A_357 {strides = array<i32>} : memref<32x128xf32, #tpu.memory_space<vmem>>, vector<1x16xf32>,
      %get3A_358 = arith.index_cast %scan3A_239 : i32 to index
      %get3A_359 = arith.constant 112 : index
      %get3A_360 = tpu.vector_load %arg12[%get3A_358, %get3A_359] {strides = array<i32>} : memref<32x128xf32, #tpu.memory_space<vmem>>, vector<1x16xf32>,
      %get3A_361 = vector.shape_cast %get3A_360 : vector<1x16xf32> to vector<16xf32>
      %get3A_362 = arith.index_cast %scan3A_239 : i32 to index
      %get3A_363 = arith.constant 112 : index
      %get3A_364 = tpu.vector_load %arg14[%get3A_362, %get3A_363] {strides = array<i32>} : memref<32x128xf32, #tpu.memory_space<vmem>>, vector<1x16xf32>,
      %get3A_365 = vector.shape_cast %get3A_364 : vector<1x16xf32> to vector<16xf32>
      %add3A_366 = arith.addf %get3A_361, %get3A_365 : vector<16xf32>
      %max3A_367 = arith.constant 0.000000e+00 : f32
      %max3A_368 = vector.broadcast %max3A_367 : f32 to vector<16xf32>
      %max3A_369 = arith.maximumf %add3A_366, %max3A_368 : vector<16xf32>
      %swap3A_370 = arith.index_cast %scan3A_239 : i32 to index
      %swap3A_371 = arith.constant 112 : index
      %swap3A_372 = tpu.vector_load %arg16[%swap3A_370, %swap3A_371] {strides = array<i32>} : memref<32x128xf32, #tpu.memory_space<vmem>>, vector<1x16xf32>,
      %swap3A_373 = vector.shape_cast %swap3A_372 : vector<1x16xf32> to vector<16xf32>
      %swap3A_374 = vector.shape_cast %max3A_369 : vector<16xf32> to vector<1x16xf32>
      tpu.vector_store %arg16[%swap3A_370, %swap3A_371], %swap3A_374 {strides = array<i32>} : memref<32x128xf32, #tpu.memory_space<vmem>>, vector<1x16xf32>,
    }
    %scan3A_181 = arith.constant 32 : i32
    %dma_start3A_182 = arith.constant 0 : i32
    %dma_start3A_183 = arith.constant 0 : i32
    %dma_start3A_184 = tpu.memref_slice %arg18[%dma_start3A_182, %dma_start3A_183] : memref<10240x128xf32, #tpu.memory_space<vmem_shared>> -> memref<10240x128xf32, #tpu.memory_space<vmem_shared>>
    tpu.enqueue_indirect_dma source(%arg16 : memref<32x128xf32, #tpu.memory_space<vmem>>) target(%dma_start3A_184 : memref<10240x128xf32, #tpu.memory_space<vmem_shared>>) offsets(%arg10 : memref<32xi32, #tpu.memory_space<vmem>>) semaphore(%arg23 : memref<!tpu.dma_semaphore, #tpu.memory_space<semaphore_mem>>) {add = true}
    %add3A_185 = arith.constant 5088 : i32
    %add3A_186 = arith.addi %mul3A_2, %add3A_185 : i32
    %dma_wait3A_187 = arith.constant 0 : i32
    %dma_wait3A_188 = tpu.memref_slice %arg5[%add3A_186, %dma_wait3A_187] : memref<163840x128xf32, #tpu.memory_space<hbm>> -> memref<32x128xf32, #tpu.memory_space<hbm>>
    %dma_wait3A_189 = arith.constant 0 : i32
    %dma_wait3A_190 = tpu.memref_slice %arg5[%add3A_186, %dma_wait3A_189] : memref<163840x128xf32, #tpu.memory_space<hbm>> -> memref<32x128xf32, #tpu.memory_space<hbm>>
    tpu.wait_dma2 semaphore(%arg22 : memref<!tpu.dma_semaphore, #tpu.memory_space<semaphore_mem>>) src(%dma_wait3A_190 : memref<32x128xf32, #tpu.memory_space<hbm>>) dst(%arg15 : memref<32x128xf32, #tpu.memory_space<vmem>>)
    %dma_wait3A_191 = arith.constant 39 : i32
    %dma_wait3A_192 = arith.constant 96 : i32
    %dma_wait3A_193 = tpu.memref_slice %arg8[%dma_wait3A_191, %dma_wait3A_192] : memref<40x128xi32, #tpu.memory_space<vmem>> -> memref<1x32xi32, #tpu.memory_space<vmem>>
    %dma_wait3A_194 = tpu.memref_squeeze %dma_wait3A_193 : memref<1x32xi32, #tpu.memory_space<vmem>> -> memref<32xi32, #tpu.memory_space<vmem>>
    %dma_wait3A_195 = arith.constant 0 : i32
    %dma_wait3A_196 = arith.constant 0 : i32
    %dma_wait3A_197 = tpu.memref_slice %arg2[%dma_wait3A_195, %dma_wait3A_196] : memref<10000x128xf32, #tpu.memory_space<hbm>> -> memref<10000x128xf32, #tpu.memory_space<hbm>>
    tpu.wait_indirect_dma semaphore(%arg20 : memref<!tpu.dma_semaphore, #tpu.memory_space<semaphore_mem>>) src(%dma_wait3A_197 : memref<10000x128xf32, #tpu.memory_space<hbm>>) dst(%arg13 : memref<32x128xf32, #tpu.memory_space<vmem>>)
    %dma_wait3A_198 = arith.constant 0 : i32
    %dma_wait3A_199 = arith.constant 0 : i32
    %dma_wait3A_200 = tpu.memref_slice %arg18[%dma_wait3A_198, %dma_wait3A_199] : memref<10240x128xf32, #tpu.memory_space<vmem_shared>> -> memref<10240x128xf32, #tpu.memory_space<vmem_shared>>
    tpu.wait_indirect_dma semaphore(%arg24 : memref<!tpu.dma_semaphore, #tpu.memory_space<semaphore_mem>>) src(%arg17 : memref<32x128xf32, #tpu.memory_space<vmem>>) dst(%dma_wait3A_200 : memref<10240x128xf32, #tpu.memory_space<vmem_shared>>)
    %get3A_201 = arith.constant 39 : i32
    %get3A_202 = arith.index_cast %get3A_201 : i32 to index
    %get3A_203 = arith.constant 96 : index
    %get3A_204 = tpu.vector_load %arg9[%get3A_202, %get3A_203] {strides = array<i32>} : memref<40x128xi32, #tpu.memory_space<vmem>>, vector<1x16xi32>,
    %get3A_205 = vector.shape_cast %get3A_204 : vector<1x16xi32> to vector<16xi32>
    %swap3A_206 = arith.constant 0 : index
    %swap3A_207 = tpu.vector_load %arg11[%swap3A_206] {strides = array<i32>} : memref<32xi32, #tpu.memory_space<vmem>>, vector<16xi32>,
    %swap3A_208 = vector.shape_cast %swap3A_207 : vector<16xi32> to vector<16xi32>
    %swap3A_209 = vector.shape_cast %get3A_205 : vector<16xi32> to vector<16xi32>
    tpu.vector_store %arg11[%swap3A_206], %swap3A_209 {strides = array<i32>} : memref<32xi32, #tpu.memory_space<vmem>>, vector<16xi32>,
    %get3A_210 = arith.constant 39 : i32
    %get3A_211 = arith.index_cast %get3A_210 : i32 to index
    %get3A_212 = arith.constant 112 : index
    %get3A_213 = tpu.vector_load %arg9[%get3A_211, %get3A_212] {strides = array<i32>} : memref<40x128xi32, #tpu.memory_space<vmem>>, vector<1x16xi32>,
    %get3A_214 = vector.shape_cast %get3A_213 : vector<1x16xi32> to vector<16xi32>
    %swap3A_215 = arith.constant 16 : index
    %swap3A_216 = tpu.vector_load %arg11[%swap3A_215] {strides = array<i32>} : memref<32xi32, #tpu.memory_space<vmem>>, vector<16xi32>,
    %swap3A_217 = vector.shape_cast %swap3A_216 : vector<16xi32> to vector<16xi32>
    %swap3A_218 = vector.shape_cast %get3A_214 : vector<16xi32> to vector<16xi32>
    tpu.vector_store %arg11[%swap3A_215], %swap3A_218 {strides = array<i32>} : memref<32xi32, #tpu.memory_space<vmem>>, vector<16xi32>,
    %scan3A_219 = arith.constant 0 : i32
    %scan3A_220 = arith.constant 0 : i32
    %scan3A_221 = arith.constant 32 : i32
    %scan3A_222 = arith.addi %scan3A_220, %scan3A_221 : i32
    %scan3A_223 = arith.constant 1 : i32
    scf.for %scan3A_239 = %scan3A_220 to %scan3A_222 step %scan3A_223  : i32 {
      %get3A_240 = arith.index_cast %scan3A_239 : i32 to index
      %get3A_241 = arith.constant 0 : index
      %get3A_242 = tpu.vector_load %arg13[%get3A_240, %get3A_241] {strides = array<i32>} : memref<32x128xf32, #tpu.memory_space<vmem>>, vector<1x16xf32>,
      %get3A_243 = vector.shape_cast %get3A_242 : vector<1x16xf32> to vector<16xf32>
      %get3A_244 = arith.index_cast %scan3A_239 : i32 to index
      %get3A_245 = arith.constant 0 : index
      %get3A_246 = tpu.vector_load %arg15[%get3A_244, %get3A_245] {strides = array<i32>} : memref<32x128xf32, #tpu.memory_space<vmem>>, vector<1x16xf32>,
      %get3A_247 = vector.shape_cast %get3A_246 : vector<1x16xf32> to vector<16xf32>
      %add3A_248 = arith.addf %get3A_243, %get3A_247 : vector<16xf32>
      %max3A = arith.constant 0.000000e+00 : f32
      %max3A_249 = vector.broadcast %max3A : f32 to vector<16xf32>
      %max3A_250 = arith.maximumf %add3A_248, %max3A_249 : vector<16xf32>
      %swap3A_251 = arith.index_cast %scan3A_239 : i32 to index
      %swap3A_252 = arith.constant 0 : index
      %swap3A_253 = tpu.vector_load %arg17[%swap3A_251, %swap3A_252] {strides = array<i32>} : memref<32x128xf32, #tpu.memory_space<vmem>>, vector<1x16xf32>,
      %swap3A_254 = vector.shape_cast %swap3A_253 : vector<1x16xf32> to vector<16xf32>
      %swap3A_255 = vector.shape_cast %max3A_250 : vector<16xf32> to vector<1x16xf32>
      tpu.vector_store %arg17[%swap3A_251, %swap3A_252], %swap3A_255 {strides = array<i32>} : memref<32x128xf32, #tpu.memory_space<vmem>>, vector<1x16xf32>,
      %get3A_256 = arith.index_cast %scan3A_239 : i32 to index
      %get3A_257 = arith.constant 16 : index
      %get3A_258 = tpu.vector_load %arg13[%get3A_256, %get3A_257] {strides = array<i32>} : memref<32x128xf32, #tpu.memory_space<vmem>>, vector<1x16xf32>,
      %get3A_259 = vector.shape_cast %get3A_258 : vector<1x16xf32> to vector<16xf32>
      %get3A_260 = arith.index_cast %scan3A_239 : i32 to index
      %get3A_261 = arith.constant 16 : index
      %get3A_262 = tpu.vector_load %arg15[%get3A_260, %get3A_261] {strides = array<i32>} : memref<32x128xf32, #tpu.memory_space<vmem>>, vector<1x16xf32>,
      %get3A_263 = vector.shape_cast %get3A_262 : vector<1x16xf32> to vector<16xf32>
      %add3A_264 = arith.addf %get3A_259, %get3A_263 : vector<16xf32>
      %max3A_265 = arith.constant 0.000000e+00 : f32
      %max3A_266 = vector.broadcast %max3A_265 : f32 to vector<16xf32>
      %max3A_267 = arith.maximumf %add3A_264, %max3A_266 : vector<16xf32>
      %swap3A_268 = arith.index_cast %scan3A_239 : i32 to index
      %swap3A_269 = arith.constant 16 : index
      %swap3A_270 = tpu.vector_load %arg17[%swap3A_268, %swap3A_269] {strides = array<i32>} : memref<32x128xf32, #tpu.memory_space<vmem>>, vector<1x16xf32>,
      %swap3A_271 = vector.shape_cast %swap3A_270 : vector<1x16xf32> to vector<16xf32>
      %swap3A_272 = vector.shape_cast %max3A_267 : vector<16xf32> to vector<1x16xf32>
      tpu.vector_store %arg17[%swap3A_268, %swap3A_269], %swap3A_272 {strides = array<i32>} : memref<32x128xf32, #tpu.memory_space<vmem>>, vector<1x16xf32>,
      %get3A_273 = arith.index_cast %scan3A_239 : i32 to index
      %get3A_274 = arith.constant 32 : index
      %get3A_275 = tpu.vector_load %arg13[%get3A_273, %get3A_274] {strides = array<i32>} : memref<32x128xf32, #tpu.memory_space<vmem>>, vector<1x16xf32>,
      %get3A_276 = vector.shape_cast %get3A_275 : vector<1x16xf32> to vector<16xf32>
      %get3A_277 = arith.index_cast %scan3A_239 : i32 to index
      %get3A_278 = arith.constant 32 : index
      %get3A_279 = tpu.vector_load %arg15[%get3A_277, %get3A_278] {strides = array<i32>} : memref<32x128xf32, #tpu.memory_space<vmem>>, vector<1x16xf32>,
      %get3A_280 = vector.shape_cast %get3A_279 : vector<1x16xf32> to vector<16xf32>
      %add3A_281 = arith.addf %get3A_276, %get3A_280 : vector<16xf32>
      %max3A_282 = arith.constant 0.000000e+00 : f32
      %max3A_283 = vector.broadcast %max3A_282 : f32 to vector<16xf32>
      %max3A_284 = arith.maximumf %add3A_281, %max3A_283 : vector<16xf32>
      %swap3A_285 = arith.index_cast %scan3A_239 : i32 to index
      %swap3A_286 = arith.constant 32 : index
      %swap3A_287 = tpu.vector_load %arg17[%swap3A_285, %swap3A_286] {strides = array<i32>} : memref<32x128xf32, #tpu.memory_space<vmem>>, vector<1x16xf32>,
      %swap3A_288 = vector.shape_cast %swap3A_287 : vector<1x16xf32> to vector<16xf32>
      %swap3A_289 = vector.shape_cast %max3A_284 : vector<16xf32> to vector<1x16xf32>
      tpu.vector_store %arg17[%swap3A_285, %swap3A_286], %swap3A_289 {strides = array<i32>} : memref<32x128xf32, #tpu.memory_space<vmem>>, vector<1x16xf32>,
      %get3A_290 = arith.index_cast %scan3A_239 : i32 to index
      %get3A_291 = arith.constant 48 : index
      %get3A_292 = tpu.vector_load %arg13[%get3A_290, %get3A_291] {strides = array<i32>} : memref<32x128xf32, #tpu.memory_space<vmem>>, vector<1x16xf32>,
      %get3A_293 = vector.shape_cast %get3A_292 : vector<1x16xf32> to vector<16xf32>
      %get3A_294 = arith.index_cast %scan3A_239 : i32 to index
      %get3A_295 = arith.constant 48 : index
      %get3A_296 = tpu.vector_load %arg15[%get3A_294, %get3A_295] {strides = array<i32>} : memref<32x128xf32, #tpu.memory_space<vmem>>, vector<1x16xf32>,
      %get3A_297 = vector.shape_cast %get3A_296 : vector<1x16xf32> to vector<16xf32>
      %add3A_298 = arith.addf %get3A_293, %get3A_297 : vector<16xf32>
      %max3A_299 = arith.constant 0.000000e+00 : f32
      %max3A_300 = vector.broadcast %max3A_299 : f32 to vector<16xf32>
      %max3A_301 = arith.maximumf %add3A_298, %max3A_300 : vector<16xf32>
      %swap3A_302 = arith.index_cast %scan3A_239 : i32 to index
      %swap3A_303 = arith.constant 48 : index
      %swap3A_304 = tpu.vector_load %arg17[%swap3A_302, %swap3A_303] {strides = array<i32>} : memref<32x128xf32, #tpu.memory_space<vmem>>, vector<1x16xf32>,
      %swap3A_305 = vector.shape_cast %swap3A_304 : vector<1x16xf32> to vector<16xf32>
      %swap3A_306 = vector.shape_cast %max3A_301 : vector<16xf32> to vector<1x16xf32>
      tpu.vector_store %arg17[%swap3A_302, %swap3A_303], %swap3A_306 {strides = array<i32>} : memref<32x128xf32, #tpu.memory_space<vmem>>, vector<1x16xf32>,
      %get3A_307 = arith.index_cast %scan3A_239 : i32 to index
      %get3A_308 = arith.constant 64 : index
      %get3A_309 = tpu.vector_load %arg13[%get3A_307, %get3A_308] {strides = array<i32>} : memref<32x128xf32, #tpu.memory_space<vmem>>, vector<1x16xf32>,
      %get3A_310 = vector.shape_cast %get3A_309 : vector<1x16xf32> to vector<16xf32>
      %get3A_311 = arith.index_cast %scan3A_239 : i32 to index
      %get3A_312 = arith.constant 64 : index
      %get3A_313 = tpu.vector_load %arg15[%get3A_311, %get3A_312] {strides = array<i32>} : memref<32x128xf32, #tpu.memory_space<vmem>>, vector<1x16xf32>,
      %get3A_314 = vector.shape_cast %get3A_313 : vector<1x16xf32> to vector<16xf32>
      %add3A_315 = arith.addf %get3A_310, %get3A_314 : vector<16xf32>
      %max3A_316 = arith.constant 0.000000e+00 : f32
      %max3A_317 = vector.broadcast %max3A_316 : f32 to vector<16xf32>
      %max3A_318 = arith.maximumf %add3A_315, %max3A_317 : vector<16xf32>
      %swap3A_319 = arith.index_cast %scan3A_239 : i32 to index
      %swap3A_320 = arith.constant 64 : index
      %swap3A_321 = tpu.vector_load %arg17[%swap3A_319, %swap3A_320] {strides = array<i32>} : memref<32x128xf32, #tpu.memory_space<vmem>>, vector<1x16xf32>,
      %swap3A_322 = vector.shape_cast %swap3A_321 : vector<1x16xf32> to vector<16xf32>
      %swap3A_323 = vector.shape_cast %max3A_318 : vector<16xf32> to vector<1x16xf32>
      tpu.vector_store %arg17[%swap3A_319, %swap3A_320], %swap3A_323 {strides = array<i32>} : memref<32x128xf32, #tpu.memory_space<vmem>>, vector<1x16xf32>,
      %get3A_324 = arith.index_cast %scan3A_239 : i32 to index
      %get3A_325 = arith.constant 80 : index
      %get3A_326 = tpu.vector_load %arg13[%get3A_324, %get3A_325] {strides = array<i32>} : memref<32x128xf32, #tpu.memory_space<vmem>>, vector<1x16xf32>,
      %get3A_327 = vector.shape_cast %get3A_326 : vector<1x16xf32> to vector<16xf32>
      %get3A_328 = arith.index_cast %scan3A_239 : i32 to index
      %get3A_329 = arith.constant 80 : index
      %get3A_330 = tpu.vector_load %arg15[%get3A_328, %get3A_329] {strides = array<i32>} : memref<32x128xf32, #tpu.memory_space<vmem>>, vector<1x16xf32>,
      %get3A_331 = vector.shape_cast %get3A_330 : vector<1x16xf32> to vector<16xf32>
      %add3A_332 = arith.addf %get3A_327, %get3A_331 : vector<16xf32>
      %max3A_333 = arith.constant 0.000000e+00 : f32
      %max3A_334 = vector.broadcast %max3A_333 : f32 to vector<16xf32>
      %max3A_335 = arith.maximumf %add3A_332, %max3A_334 : vector<16xf32>
      %swap3A_336 = arith.index_cast %scan3A_239 : i32 to index
      %swap3A_337 = arith.constant 80 : index
      %swap3A_338 = tpu.vector_load %arg17[%swap3A_336, %swap3A_337] {strides = array<i32>} : memref<32x128xf32, #tpu.memory_space<vmem>>, vector<1x16xf32>,
      %swap3A_339 = vector.shape_cast %swap3A_338 : vector<1x16xf32> to vector<16xf32>
      %swap3A_340 = vector.shape_cast %max3A_335 : vector<16xf32> to vector<1x16xf32>
      tpu.vector_store %arg17[%swap3A_336, %swap3A_337], %swap3A_340 {strides = array<i32>} : memref<32x128xf32, #tpu.memory_space<vmem>>, vector<1x16xf32>,
      %get3A_341 = arith.index_cast %scan3A_239 : i32 to index
      %get3A_342 = arith.constant 96 : index
      %get3A_343 = tpu.vector_load %arg13[%get3A_341, %get3A_342] {strides = array<i32>} : memref<32x128xf32, #tpu.memory_space<vmem>>, vector<1x16xf32>,
      %get3A_344 = vector.shape_cast %get3A_343 : vector<1x16xf32> to vector<16xf32>
      %get3A_345 = arith.index_cast %scan3A_239 : i32 to index
      %get3A_346 = arith.constant 96 : index
      %get3A_347 = tpu.vector_load %arg15[%get3A_345, %get3A_346] {strides = array<i32>} : memref<32x128xf32, #tpu.memory_space<vmem>>, vector<1x16xf32>,
      %get3A_348 = vector.shape_cast %get3A_347 : vector<1x16xf32> to vector<16xf32>
      %add3A_349 = arith.addf %get3A_344, %get3A_348 : vector<16xf32>
      %max3A_350 = arith.constant 0.000000e+00 : f32
      %max3A_351 = vector.broadcast %max3A_350 : f32 to vector<16xf32>
      %max3A_352 = arith.maximumf %add3A_349, %max3A_351 : vector<16xf32>
      %swap3A_353 = arith.index_cast %scan3A_239 : i32 to index
      %swap3A_354 = arith.constant 96 : index
      %swap3A_355 = tpu.vector_load %arg17[%swap3A_353, %swap3A_354] {strides = array<i32>} : memref<32x128xf32, #tpu.memory_space<vmem>>, vector<1x16xf32>,
      %swap3A_356 = vector.shape_cast %swap3A_355 : vector<1x16xf32> to vector<16xf32>
      %swap3A_357 = vector.shape_cast %max3A_352 : vector<16xf32> to vector<1x16xf32>
      tpu.vector_store %arg17[%swap3A_353, %swap3A_354], %swap3A_357 {strides = array<i32>} : memref<32x128xf32, #tpu.memory_space<vmem>>, vector<1x16xf32>,
      %get3A_358 = arith.index_cast %scan3A_239 : i32 to index
      %get3A_359 = arith.constant 112 : index
      %get3A_360 = tpu.vector_load %arg13[%get3A_358, %get3A_359] {strides = array<i32>} : memref<32x128xf32, #tpu.memory_space<vmem>>, vector<1x16xf32>,
      %get3A_361 = vector.shape_cast %get3A_360 : vector<1x16xf32> to vector<16xf32>
      %get3A_362 = arith.index_cast %scan3A_239 : i32 to index
      %get3A_363 = arith.constant 112 : index
      %get3A_364 = tpu.vector_load %arg15[%get3A_362, %get3A_363] {strides = array<i32>} : memref<32x128xf32, #tpu.memory_space<vmem>>, vector<1x16xf32>,
      %get3A_365 = vector.shape_cast %get3A_364 : vector<1x16xf32> to vector<16xf32>
      %add3A_366 = arith.addf %get3A_361, %get3A_365 : vector<16xf32>
      %max3A_367 = arith.constant 0.000000e+00 : f32
      %max3A_368 = vector.broadcast %max3A_367 : f32 to vector<16xf32>
      %max3A_369 = arith.maximumf %add3A_366, %max3A_368 : vector<16xf32>
      %swap3A_370 = arith.index_cast %scan3A_239 : i32 to index
      %swap3A_371 = arith.constant 112 : index
      %swap3A_372 = tpu.vector_load %arg17[%swap3A_370, %swap3A_371] {strides = array<i32>} : memref<32x128xf32, #tpu.memory_space<vmem>>, vector<1x16xf32>,
      %swap3A_373 = vector.shape_cast %swap3A_372 : vector<1x16xf32> to vector<16xf32>
      %swap3A_374 = vector.shape_cast %max3A_369 : vector<16xf32> to vector<1x16xf32>
      tpu.vector_store %arg17[%swap3A_370, %swap3A_371], %swap3A_374 {strides = array<i32>} : memref<32x128xf32, #tpu.memory_space<vmem>>, vector<1x16xf32>,
    }
    %scan3A_224 = arith.constant 32 : i32
    %dma_start3A_225 = arith.constant 0 : i32
    %dma_start3A_226 = arith.constant 0 : i32
    %dma_start3A_227 = tpu.memref_slice %arg18[%dma_start3A_225, %dma_start3A_226] : memref<10240x128xf32, #tpu.memory_space<vmem_shared>> -> memref<10240x128xf32, #tpu.memory_space<vmem_shared>>
    tpu.enqueue_indirect_dma source(%arg17 : memref<32x128xf32, #tpu.memory_space<vmem>>) target(%dma_start3A_227 : memref<10240x128xf32, #tpu.memory_space<vmem_shared>>) offsets(%arg11 : memref<32xi32, #tpu.memory_space<vmem>>) semaphore(%arg24 : memref<!tpu.dma_semaphore, #tpu.memory_space<semaphore_mem>>) {add = true}
    %dma_wait3A_228 = arith.constant 0 : i32
    %dma_wait3A_229 = arith.constant 0 : i32
    %dma_wait3A_230 = tpu.memref_slice %arg18[%dma_wait3A_228, %dma_wait3A_229] : memref<10240x128xf32, #tpu.memory_space<vmem_shared>> -> memref<10240x128xf32, #tpu.memory_space<vmem_shared>>
    tpu.wait_indirect_dma semaphore(%arg23 : memref<!tpu.dma_semaphore, #tpu.memory_space<semaphore_mem>>) src(%arg16 : memref<32x128xf32, #tpu.memory_space<vmem>>) dst(%dma_wait3A_230 : memref<10240x128xf32, #tpu.memory_space<vmem_shared>>)
    %dma_wait3A_231 = arith.constant 0 : i32
    %dma_wait3A_232 = arith.constant 0 : i32
    %dma_wait3A_233 = tpu.memref_slice %arg18[%dma_wait3A_231, %dma_wait3A_232] : memref<10240x128xf32, #tpu.memory_space<vmem_shared>> -> memref<10240x128xf32, #tpu.memory_space<vmem_shared>>
    tpu.wait_indirect_dma semaphore(%arg24 : memref<!tpu.dma_semaphore, #tpu.memory_space<semaphore_mem>>) src(%arg17 : memref<32x128xf32, #tpu.memory_space<vmem>>) dst(%dma_wait3A_233 : memref<10240x128xf32, #tpu.memory_space<vmem_shared>>)
    %barrier3A_234 = arith.constant 0 : index
    tpu.barrier barrier_id(%barrier3A_234)
    %mul3A_235 = arith.constant 640 : i32
    %mul3A_236 = arith.muli %arg1, %mul3A_235 : i32
    %mul3A_237 = arith.constant 640 : i32
    %mul3A_238 = arith.muli %arg1, %mul3A_237 : i32
    "tpu.region"() ({
      %run_scoped3A = tpu.sem_alloc : memref<!tpu.dma_semaphore, #tpu.memory_space<semaphore_mem>>
      %dma_start3A_239 = arith.constant 0 : i32
      %dma_start3A_240 = tpu.memref_slice %arg7[%arg0, %mul3A_238, %dma_start3A_239] : memref<2x10240x128xf32, #tpu.memory_space<hbm>> -> memref<1x640x128xf32, #tpu.memory_space<hbm>>
      %dma_start3A_241 = tpu.memref_squeeze %dma_start3A_240 : memref<1x640x128xf32, #tpu.memory_space<hbm>> -> memref<640x128xf32, #tpu.memory_space<hbm>>
      %dma_start3A_242 = arith.constant 0 : i32
      %dma_start3A_243 = tpu.memref_slice %arg18[%mul3A_236, %dma_start3A_242] : memref<10240x128xf32, #tpu.memory_space<vmem_shared>> -> memref<640x128xf32, #tpu.memory_space<vmem_shared>>
      tpu.enqueue_dma source(%dma_start3A_243 : memref<640x128xf32, #tpu.memory_space<vmem_shared>>) target(%dma_start3A_241 : memref<640x128xf32, #tpu.memory_space<hbm>>) target_semaphore(%run_scoped3A : memref<!tpu.dma_semaphore, #tpu.memory_space<semaphore_mem>>)
      %dma_wait3A_244 = arith.constant 0 : i32
      %dma_wait3A_245 = tpu.memref_slice %arg7[%arg0, %mul3A_238, %dma_wait3A_244] : memref<2x10240x128xf32, #tpu.memory_space<hbm>> -> memref<1x640x128xf32, #tpu.memory_space<hbm>>
      %dma_wait3A_246 = tpu.memref_squeeze %dma_wait3A_245 : memref<1x640x128xf32, #tpu.memory_space<hbm>> -> memref<640x128xf32, #tpu.memory_space<hbm>>
      %dma_wait3A_247 = arith.constant 0 : i32
      %dma_wait3A_248 = tpu.memref_slice %arg18[%mul3A_236, %dma_wait3A_247] : memref<10240x128xf32, #tpu.memory_space<vmem_shared>> -> memref<640x128xf32, #tpu.memory_space<vmem_shared>>
      tpu.wait_dma2 semaphore(%run_scoped3A : memref<!tpu.dma_semaphore, #tpu.memory_space<semaphore_mem>>) src(%dma_wait3A_248 : memref<640x128xf32, #tpu.memory_space<vmem_shared>>) dst(%dma_wait3A_246 : memref<640x128xf32, #tpu.memory_space<hbm>>)
      tpu.yield
    }) : () -> ()
    return
  }
}

#map = affine_map<(d0, d1) -> (0, 0)>
#map1 = affine_map<(d0, d1) -> (0, 0, 0)>
module attributes {stable_mosaic.version = 14 : i64} {
  func.func @_sc_body(%arg0: i32, %arg1: i32, %arg2: memref<10000x128xf32, #tpu.memory_space<hbm>>, %arg3: memref<1280x128xi32, #tpu.memory_space<hbm>>, %arg4: memref<1280x128xi32, #tpu.memory_space<hbm>>, %arg5: memref<163840x128xf32, #tpu.memory_space<hbm>>, %arg6: memref<640x128xf32, #tpu.memory_space<hbm>>, %arg7: memref<2x10240x128xf32, #tpu.memory_space<hbm>>, %arg8: memref<40x128xi32, #tpu.memory_space<vmem>>, %arg9: memref<40x128xi32, #tpu.memory_space<vmem>>, %arg10: memref<32xi32, #tpu.memory_space<vmem>>, %arg11: memref<32xi32, #tpu.memory_space<vmem>>, %arg12: memref<32x128xf32, #tpu.memory_space<vmem>>, %arg13: memref<32x128xf32, #tpu.memory_space<vmem>>, %arg14: memref<32x128xf32, #tpu.memory_space<vmem>>, %arg15: memref<32x128xf32, #tpu.memory_space<vmem>>, %arg16: memref<32x128xf32, #tpu.memory_space<vmem>>, %arg17: memref<32x128xf32, #tpu.memory_space<vmem>>, %arg18: memref<10240x128xf32, #tpu.memory_space<vmem_shared>>, %arg19: memref<!tpu.dma_semaphore, #tpu.memory_space<semaphore_mem>>, %arg20: memref<!tpu.dma_semaphore, #tpu.memory_space<semaphore_mem>>, %arg21: memref<!tpu.dma_semaphore, #tpu.memory_space<semaphore_mem>>, %arg22: memref<!tpu.dma_semaphore, #tpu.memory_space<semaphore_mem>>, %arg23: memref<!tpu.dma_semaphore, #tpu.memory_space<semaphore_mem>>, %arg24: memref<!tpu.dma_semaphore, #tpu.memory_space<semaphore_mem>>) attributes {dimension_semantics = [#tpu.dimension_semantics<core_parallel>, #tpu.dimension_semantics<subcore_parallel>], iteration_bounds = array<i64: 2, 16>, scalar_prefetch = 0 : i64, scratch_operands = 17 : i64, tpu.core_type = #tpu.core_type<sc_vector_subcore>, window_params = [{transform_indices = #map}, {transform_indices = #map}, {transform_indices = #map}, {transform_indices = #map}, {transform_indices = #map}, {transform_indices = #map1}]} {
    %mul3A = arith.constant 2 : i32
    %mul3A_0 = arith.muli %arg1, %mul3A : i32
    %add3A = arith.addi %mul3A_0, %arg0 : i32
    %mul3A_1 = arith.constant 5120 : i32
    %mul3A_2 = arith.muli %add3A, %mul3A_1 : i32
    %mul3A_3 = arith.constant 40 : i32
    %mul3A_4 = arith.muli %add3A, %mul3A_3 : i32
    "tpu.region"() ({
      %run_scoped3A = tpu.sem_alloc : memref<!tpu.dma_semaphore, #tpu.memory_space<semaphore_mem>>
      %dma_start3A_239 = arith.constant 0 : i32
      %dma_start3A_240 = tpu.memref_slice %arg3[%mul3A_4, %dma_start3A_239] : memref<1280x128xi32, #tpu.memory_space<hbm>> -> memref<40x128xi32, #tpu.memory_space<hbm>>
      %dma_start3A_241 = arith.constant 0 : i32
      %dma_start3A_242 = tpu.memref_slice %arg3[%mul3A_4, %dma_start3A_241] : memref<1280x128xi32, #tpu.memory_space<hbm>> -> memref<40x128xi32, #tpu.memory_space<hbm>>
      tpu.enqueue_dma source(%dma_start3A_242 : memref<40x128xi32, #tpu.memory_space<hbm>>) target(%arg8 : memref<40x128xi32, #tpu.memory_space<vmem>>) target_semaphore(%run_scoped3A : memref<!tpu.dma_semaphore, #tpu.memory_space<semaphore_mem>>)
      %dma_wait3A_243 = arith.constant 0 : i32
      %dma_wait3A_244 = tpu.memref_slice %arg3[%mul3A_4, %dma_wait3A_243] : memref<1280x128xi32, #tpu.memory_space<hbm>> -> memref<40x128xi32, #tpu.memory_space<hbm>>
      %dma_wait3A_245 = arith.constant 0 : i32
      %dma_wait3A_246 = tpu.memref_slice %arg3[%mul3A_4, %dma_wait3A_245] : memref<1280x128xi32, #tpu.memory_space<hbm>> -> memref<40x128xi32, #tpu.memory_space<hbm>>
      tpu.wait_dma2 semaphore(%run_scoped3A : memref<!tpu.dma_semaphore, #tpu.memory_space<semaphore_mem>>) src(%dma_wait3A_246 : memref<40x128xi32, #tpu.memory_space<hbm>>) dst(%arg8 : memref<40x128xi32, #tpu.memory_space<vmem>>)
      tpu.yield
    }) : () -> ()
    %mul3A_5 = arith.constant 40 : i32
    %mul3A_6 = arith.muli %add3A, %mul3A_5 : i32
    "tpu.region"() ({
      %run_scoped3A = tpu.sem_alloc : memref<!tpu.dma_semaphore, #tpu.memory_space<semaphore_mem>>
      %dma_start3A_239 = arith.constant 0 : i32
      %dma_start3A_240 = tpu.memref_slice %arg4[%mul3A_6, %dma_start3A_239] : memref<1280x128xi32, #tpu.memory_space<hbm>> -> memref<40x128xi32, #tpu.memory_space<hbm>>
      %dma_start3A_241 = arith.constant 0 : i32
      %dma_start3A_242 = tpu.memref_slice %arg4[%mul3A_6, %dma_start3A_241] : memref<1280x128xi32, #tpu.memory_space<hbm>> -> memref<40x128xi32, #tpu.memory_space<hbm>>
      tpu.enqueue_dma source(%dma_start3A_242 : memref<40x128xi32, #tpu.memory_space<hbm>>) target(%arg9 : memref<40x128xi32, #tpu.memory_space<vmem>>) target_semaphore(%run_scoped3A : memref<!tpu.dma_semaphore, #tpu.memory_space<semaphore_mem>>)
      %dma_wait3A_243 = arith.constant 0 : i32
      %dma_wait3A_244 = tpu.memref_slice %arg4[%mul3A_6, %dma_wait3A_243] : memref<1280x128xi32, #tpu.memory_space<hbm>> -> memref<40x128xi32, #tpu.memory_space<hbm>>
      %dma_wait3A_245 = arith.constant 0 : i32
      %dma_wait3A_246 = tpu.memref_slice %arg4[%mul3A_6, %dma_wait3A_245] : memref<1280x128xi32, #tpu.memory_space<hbm>> -> memref<40x128xi32, #tpu.memory_space<hbm>>
      tpu.wait_dma2 semaphore(%run_scoped3A : memref<!tpu.dma_semaphore, #tpu.memory_space<semaphore_mem>>) src(%dma_wait3A_246 : memref<40x128xi32, #tpu.memory_space<hbm>>) dst(%arg9 : memref<40x128xi32, #tpu.memory_space<vmem>>)
      tpu.yield
    }) : () -> ()
    %mul3A_7 = arith.constant 640 : i32
    %mul3A_8 = arith.muli %arg1, %mul3A_7 : i32
    "tpu.region"() ({
      %run_scoped3A = tpu.sem_alloc : memref<!tpu.dma_semaphore, #tpu.memory_space<semaphore_mem>>
      %dma_start3A_239 = arith.constant 0 : i32
      %dma_start3A_240 = tpu.memref_slice %arg18[%mul3A_8, %dma_start3A_239] : memref<10240x128xf32, #tpu.memory_space<vmem_shared>> -> memref<640x128xf32, #tpu.memory_space<vmem_shared>>
      tpu.enqueue_dma source(%arg6 : memref<640x128xf32, #tpu.memory_space<hbm>>) target(%dma_start3A_240 : memref<640x128xf32, #tpu.memory_space<vmem_shared>>) target_semaphore(%run_scoped3A : memref<!tpu.dma_semaphore, #tpu.memory_space<semaphore_mem>>)
      %dma_wait3A_241 = arith.constant 0 : i32
      %dma_wait3A_242 = tpu.memref_slice %arg18[%mul3A_8, %dma_wait3A_241] : memref<10240x128xf32, #tpu.memory_space<vmem_shared>> -> memref<640x128xf32, #tpu.memory_space<vmem_shared>>
      tpu.wait_dma2 semaphore(%run_scoped3A : memref<!tpu.dma_semaphore, #tpu.memory_space<semaphore_mem>>) src(%arg6 : memref<640x128xf32, #tpu.memory_space<hbm>>) dst(%dma_wait3A_242 : memref<640x128xf32, #tpu.memory_space<vmem_shared>>)
      tpu.yield
    }) : () -> ()
    %barrier3A = arith.constant 0 : index
    tpu.barrier barrier_id(%barrier3A)
    %add3A_9 = arith.constant 0 : i32
    %add3A_10 = arith.addi %mul3A_2, %add3A_9 : i32
    %dma_start3A = arith.constant 0 : i32
    %dma_start3A_11 = tpu.memref_slice %arg5[%add3A_10, %dma_start3A] : memref<163840x128xf32, #tpu.memory_space<hbm>> -> memref<32x128xf32, #tpu.memory_space<hbm>>
    %dma_start3A_12 = arith.constant 0 : i32
    %dma_start3A_13 = tpu.memref_slice %arg5[%add3A_10, %dma_start3A_12] : memref<163840x128xf32, #tpu.memory_space<hbm>> -> memref<32x128xf32, #tpu.memory_space<hbm>>
    tpu.enqueue_dma source(%dma_start3A_13 : memref<32x128xf32, #tpu.memory_space<hbm>>) target(%arg14 : memref<32x128xf32, #tpu.memory_space<vmem>>) target_semaphore(%arg21 : memref<!tpu.dma_semaphore, #tpu.memory_space<semaphore_mem>>)
    %dma_start3A_14 = arith.constant 0 : i32
    %dma_start3A_15 = arith.constant 0 : i32
    %dma_start3A_16 = tpu.memref_slice %arg8[%dma_start3A_14, %dma_start3A_15] : memref<40x128xi32, #tpu.memory_space<vmem>> -> memref<1x32xi32, #tpu.memory_space<vmem>>
    %dma_start3A_17 = tpu.memref_squeeze %dma_start3A_16 : memref<1x32xi32, #tpu.memory_space<vmem>> -> memref<32xi32, #tpu.memory_space<vmem>>
    %dma_start3A_18 = arith.constant 0 : i32
    %dma_start3A_19 = arith.constant 0 : i32
    %dma_start3A_20 = tpu.memref_slice %arg2[%dma_start3A_18, %dma_start3A_19] : memref<10000x128xf32, #tpu.memory_space<hbm>> -> memref<10000x128xf32, #tpu.memory_space<hbm>>
    tpu.enqueue_indirect_dma source(%dma_start3A_20 : memref<10000x128xf32, #tpu.memory_space<hbm>>) target(%arg12 : memref<32x128xf32, #tpu.memory_space<vmem>>) offsets(%dma_start3A_17 : memref<32xi32, #tpu.memory_space<vmem>>) semaphore(%arg19 : memref<!tpu.dma_semaphore, #tpu.memory_space<semaphore_mem>>)
    %add3A_21 = arith.constant 32 : i32
    %add3A_22 = arith.addi %mul3A_2, %add3A_21 : i32
    %dma_start3A_23 = arith.constant 0 : i32
    %dma_start3A_24 = tpu.memref_slice %arg5[%add3A_22, %dma_start3A_23] : memref<163840x128xf32, #tpu.memory_space<hbm>> -> memref<32x128xf32, #tpu.memory_space<hbm>>
    %dma_start3A_25 = arith.constant 0 : i32
    %dma_start3A_26 = tpu.memref_slice %arg5[%add3A_22, %dma_start3A_25] : memref<163840x128xf32, #tpu.memory_space<hbm>> -> memref<32x128xf32, #tpu.memory_space<hbm>>
    tpu.enqueue_dma source(%dma_start3A_26 : memref<32x128xf32, #tpu.memory_space<hbm>>) target(%arg15 : memref<32x128xf32, #tpu.memory_space<vmem>>) target_semaphore(%arg22 : memref<!tpu.dma_semaphore, #tpu.memory_space<semaphore_mem>>)
    %dma_start3A_27 = arith.constant 0 : i32
    %dma_start3A_28 = arith.constant 32 : i32
    %dma_start3A_29 = tpu.memref_slice %arg8[%dma_start3A_27, %dma_start3A_28] : memref<40x128xi32, #tpu.memory_space<vmem>> -> memref<1x32xi32, #tpu.memory_space<vmem>>
    %dma_start3A_30 = tpu.memref_squeeze %dma_start3A_29 : memref<1x32xi32, #tpu.memory_space<vmem>> -> memref<32xi32, #tpu.memory_space<vmem>>
    %dma_start3A_31 = arith.constant 0 : i32
    %dma_start3A_32 = arith.constant 0 : i32
    %dma_start3A_33 = tpu.memref_slice %arg2[%dma_start3A_31, %dma_start3A_32] : memref<10000x128xf32, #tpu.memory_space<hbm>> -> memref<10000x128xf32, #tpu.memory_space<hbm>>
    tpu.enqueue_indirect_dma source(%dma_start3A_33 : memref<10000x128xf32, #tpu.memory_space<hbm>>) target(%arg13 : memref<32x128xf32, #tpu.memory_space<vmem>>) offsets(%dma_start3A_30 : memref<32xi32, #tpu.memory_space<vmem>>) semaphore(%arg20 : memref<!tpu.dma_semaphore, #tpu.memory_space<semaphore_mem>>)
    %add3A_34 = arith.constant 0 : i32
    %add3A_35 = arith.addi %mul3A_2, %add3A_34 : i32
    %dma_wait3A = arith.constant 0 : i32
    %dma_wait3A_36 = tpu.memref_slice %arg5[%add3A_35, %dma_wait3A] : memref<163840x128xf32, #tpu.memory_space<hbm>> -> memref<32x128xf32, #tpu.memory_space<hbm>>
    %dma_wait3A_37 = arith.constant 0 : i32
    %dma_wait3A_38 = tpu.memref_slice %arg5[%add3A_35, %dma_wait3A_37] : memref<163840x128xf32, #tpu.memory_space<hbm>> -> memref<32x128xf32, #tpu.memory_space<hbm>>
    tpu.wait_dma2 semaphore(%arg21 : memref<!tpu.dma_semaphore, #tpu.memory_space<semaphore_mem>>) src(%dma_wait3A_38 : memref<32x128xf32, #tpu.memory_space<hbm>>) dst(%arg14 : memref<32x128xf32, #tpu.memory_space<vmem>>)
    %dma_wait3A_39 = arith.constant 0 : i32
    %dma_wait3A_40 = arith.constant 0 : i32
    %dma_wait3A_41 = tpu.memref_slice %arg8[%dma_wait3A_39, %dma_wait3A_40] : memref<40x128xi32, #tpu.memory_space<vmem>> -> memref<1x32xi32, #tpu.memory_space<vmem>>
    %dma_wait3A_42 = tpu.memref_squeeze %dma_wait3A_41 : memref<1x32xi32, #tpu.memory_space<vmem>> -> memref<32xi32, #tpu.memory_space<vmem>>
    %dma_wait3A_43 = arith.constant 0 : i32
    %dma_wait3A_44 = arith.constant 0 : i32
    %dma_wait3A_45 = tpu.memref_slice %arg2[%dma_wait3A_43, %dma_wait3A_44] : memref<10000x128xf32, #tpu.memory_space<hbm>> -> memref<10000x128xf32, #tpu.memory_space<hbm>>
    tpu.wait_indirect_dma semaphore(%arg19 : memref<!tpu.dma_semaphore, #tpu.memory_space<semaphore_mem>>) src(%dma_wait3A_45 : memref<10000x128xf32, #tpu.memory_space<hbm>>) dst(%arg12 : memref<32x128xf32, #tpu.memory_space<vmem>>)
    %get3A = arith.constant 0 : i32
    %get3A_46 = arith.index_cast %get3A : i32 to index
    %get3A_47 = arith.constant 0 : index
    %get3A_48 = tpu.vector_load %arg9[%get3A_46, %get3A_47] {strides = array<i32>} : memref<40x128xi32, #tpu.memory_space<vmem>>, vector<1x16xi32>,
    %get3A_49 = vector.shape_cast %get3A_48 : vector<1x16xi32> to vector<16xi32>
    %swap3A = arith.constant 0 : index
    %swap3A_50 = tpu.vector_load %arg10[%swap3A] {strides = array<i32>} : memref<32xi32, #tpu.memory_space<vmem>>, vector<16xi32>,
    %swap3A_51 = vector.shape_cast %swap3A_50 : vector<16xi32> to vector<16xi32>
    %swap3A_52 = vector.shape_cast %get3A_49 : vector<16xi32> to vector<16xi32>
    tpu.vector_store %arg10[%swap3A], %swap3A_52 {strides = array<i32>} : memref<32xi32, #tpu.memory_space<vmem>>, vector<16xi32>,
    %get3A_53 = arith.constant 0 : i32
    %get3A_54 = arith.index_cast %get3A_53 : i32 to index
    %get3A_55 = arith.constant 16 : index
    %get3A_56 = tpu.vector_load %arg9[%get3A_54, %get3A_55] {strides = array<i32>} : memref<40x128xi32, #tpu.memory_space<vmem>>, vector<1x16xi32>,
    %get3A_57 = vector.shape_cast %get3A_56 : vector<1x16xi32> to vector<16xi32>
    %swap3A_58 = arith.constant 16 : index
    %swap3A_59 = tpu.vector_load %arg10[%swap3A_58] {strides = array<i32>} : memref<32xi32, #tpu.memory_space<vmem>>, vector<16xi32>,
    %swap3A_60 = vector.shape_cast %swap3A_59 : vector<16xi32> to vector<16xi32>
    %swap3A_61 = vector.shape_cast %get3A_57 : vector<16xi32> to vector<16xi32>
    tpu.vector_store %arg10[%swap3A_58], %swap3A_61 {strides = array<i32>} : memref<32xi32, #tpu.memory_space<vmem>>, vector<16xi32>,
    %scan3A = arith.constant 0 : i32
    %scan3A_62 = arith.constant 0 : i32
    %scan3A_63 = arith.constant 32 : i32
    %scan3A_64 = arith.addi %scan3A_62, %scan3A_63 : i32
    %scan3A_65 = arith.constant 1 : i32
    scf.for %scan3A_239 = %scan3A_62 to %scan3A_64 step %scan3A_65  : i32 {
      %get3A_240 = arith.index_cast %scan3A_239 : i32 to index
      %get3A_241 = arith.constant 0 : index
      %get3A_242 = tpu.vector_load %arg12[%get3A_240, %get3A_241] {strides = array<i32>} : memref<32x128xf32, #tpu.memory_space<vmem>>, vector<1x16xf32>,
      %get3A_243 = vector.shape_cast %get3A_242 : vector<1x16xf32> to vector<16xf32>
      %get3A_244 = arith.index_cast %scan3A_239 : i32 to index
      %get3A_245 = arith.constant 0 : index
      %get3A_246 = tpu.vector_load %arg14[%get3A_244, %get3A_245] {strides = array<i32>} : memref<32x128xf32, #tpu.memory_space<vmem>>, vector<1x16xf32>,
      %get3A_247 = vector.shape_cast %get3A_246 : vector<1x16xf32> to vector<16xf32>
      %add3A_248 = arith.addf %get3A_243, %get3A_247 : vector<16xf32>
      %max3A = arith.constant 0.000000e+00 : f32
      %max3A_249 = vector.broadcast %max3A : f32 to vector<16xf32>
      %max3A_250 = arith.maximumf %add3A_248, %max3A_249 : vector<16xf32>
      %swap3A_251 = arith.index_cast %scan3A_239 : i32 to index
      %swap3A_252 = arith.constant 0 : index
      %swap3A_253 = tpu.vector_load %arg16[%swap3A_251, %swap3A_252] {strides = array<i32>} : memref<32x128xf32, #tpu.memory_space<vmem>>, vector<1x16xf32>,
      %swap3A_254 = vector.shape_cast %swap3A_253 : vector<1x16xf32> to vector<16xf32>
      %swap3A_255 = vector.shape_cast %max3A_250 : vector<16xf32> to vector<1x16xf32>
      tpu.vector_store %arg16[%swap3A_251, %swap3A_252], %swap3A_255 {strides = array<i32>} : memref<32x128xf32, #tpu.memory_space<vmem>>, vector<1x16xf32>,
      %get3A_256 = arith.index_cast %scan3A_239 : i32 to index
      %get3A_257 = arith.constant 16 : index
      %get3A_258 = tpu.vector_load %arg12[%get3A_256, %get3A_257] {strides = array<i32>} : memref<32x128xf32, #tpu.memory_space<vmem>>, vector<1x16xf32>,
      %get3A_259 = vector.shape_cast %get3A_258 : vector<1x16xf32> to vector<16xf32>
      %get3A_260 = arith.index_cast %scan3A_239 : i32 to index
      %get3A_261 = arith.constant 16 : index
      %get3A_262 = tpu.vector_load %arg14[%get3A_260, %get3A_261] {strides = array<i32>} : memref<32x128xf32, #tpu.memory_space<vmem>>, vector<1x16xf32>,
      %get3A_263 = vector.shape_cast %get3A_262 : vector<1x16xf32> to vector<16xf32>
      %add3A_264 = arith.addf %get3A_259, %get3A_263 : vector<16xf32>
      %max3A_265 = arith.constant 0.000000e+00 : f32
      %max3A_266 = vector.broadcast %max3A_265 : f32 to vector<16xf32>
      %max3A_267 = arith.maximumf %add3A_264, %max3A_266 : vector<16xf32>
      %swap3A_268 = arith.index_cast %scan3A_239 : i32 to index
      %swap3A_269 = arith.constant 16 : index
      %swap3A_270 = tpu.vector_load %arg16[%swap3A_268, %swap3A_269] {strides = array<i32>} : memref<32x128xf32, #tpu.memory_space<vmem>>, vector<1x16xf32>,
      %swap3A_271 = vector.shape_cast %swap3A_270 : vector<1x16xf32> to vector<16xf32>
      %swap3A_272 = vector.shape_cast %max3A_267 : vector<16xf32> to vector<1x16xf32>
      tpu.vector_store %arg16[%swap3A_268, %swap3A_269], %swap3A_272 {strides = array<i32>} : memref<32x128xf32, #tpu.memory_space<vmem>>, vector<1x16xf32>,
      %get3A_273 = arith.index_cast %scan3A_239 : i32 to index
      %get3A_274 = arith.constant 32 : index
      %get3A_275 = tpu.vector_load %arg12[%get3A_273, %get3A_274] {strides = array<i32>} : memref<32x128xf32, #tpu.memory_space<vmem>>, vector<1x16xf32>,
      %get3A_276 = vector.shape_cast %get3A_275 : vector<1x16xf32> to vector<16xf32>
      %get3A_277 = arith.index_cast %scan3A_239 : i32 to index
      %get3A_278 = arith.constant 32 : index
      %get3A_279 = tpu.vector_load %arg14[%get3A_277, %get3A_278] {strides = array<i32>} : memref<32x128xf32, #tpu.memory_space<vmem>>, vector<1x16xf32>,
      %get3A_280 = vector.shape_cast %get3A_279 : vector<1x16xf32> to vector<16xf32>
      %add3A_281 = arith.addf %get3A_276, %get3A_280 : vector<16xf32>
      %max3A_282 = arith.constant 0.000000e+00 : f32
      %max3A_283 = vector.broadcast %max3A_282 : f32 to vector<16xf32>
      %max3A_284 = arith.maximumf %add3A_281, %max3A_283 : vector<16xf32>
      %swap3A_285 = arith.index_cast %scan3A_239 : i32 to index
      %swap3A_286 = arith.constant 32 : index
      %swap3A_287 = tpu.vector_load %arg16[%swap3A_285, %swap3A_286] {strides = array<i32>} : memref<32x128xf32, #tpu.memory_space<vmem>>, vector<1x16xf32>,
      %swap3A_288 = vector.shape_cast %swap3A_287 : vector<1x16xf32> to vector<16xf32>
      %swap3A_289 = vector.shape_cast %max3A_284 : vector<16xf32> to vector<1x16xf32>
      tpu.vector_store %arg16[%swap3A_285, %swap3A_286], %swap3A_289 {strides = array<i32>} : memref<32x128xf32, #tpu.memory_space<vmem>>, vector<1x16xf32>,
      %get3A_290 = arith.index_cast %scan3A_239 : i32 to index
      %get3A_291 = arith.constant 48 : index
      %get3A_292 = tpu.vector_load %arg12[%get3A_290, %get3A_291] {strides = array<i32>} : memref<32x128xf32, #tpu.memory_space<vmem>>, vector<1x16xf32>,
      %get3A_293 = vector.shape_cast %get3A_292 : vector<1x16xf32> to vector<16xf32>
      %get3A_294 = arith.index_cast %scan3A_239 : i32 to index
      %get3A_295 = arith.constant 48 : index
      %get3A_296 = tpu.vector_load %arg14[%get3A_294, %get3A_295] {strides = array<i32>} : memref<32x128xf32, #tpu.memory_space<vmem>>, vector<1x16xf32>,
      %get3A_297 = vector.shape_cast %get3A_296 : vector<1x16xf32> to vector<16xf32>
      %add3A_298 = arith.addf %get3A_293, %get3A_297 : vector<16xf32>
      %max3A_299 = arith.constant 0.000000e+00 : f32
      %max3A_300 = vector.broadcast %max3A_299 : f32 to vector<16xf32>
      %max3A_301 = arith.maximumf %add3A_298, %max3A_300 : vector<16xf32>
      %swap3A_302 = arith.index_cast %scan3A_239 : i32 to index
      %swap3A_303 = arith.constant 48 : index
      %swap3A_304 = tpu.vector_load %arg16[%swap3A_302, %swap3A_303] {strides = array<i32>} : memref<32x128xf32, #tpu.memory_space<vmem>>, vector<1x16xf32>,
      %swap3A_305 = vector.shape_cast %swap3A_304 : vector<1x16xf32> to vector<16xf32>
      %swap3A_306 = vector.shape_cast %max3A_301 : vector<16xf32> to vector<1x16xf32>
      tpu.vector_store %arg16[%swap3A_302, %swap3A_303], %swap3A_306 {strides = array<i32>} : memref<32x128xf32, #tpu.memory_space<vmem>>, vector<1x16xf32>,
      %get3A_307 = arith.index_cast %scan3A_239 : i32 to index
      %get3A_308 = arith.constant 64 : index
      %get3A_309 = tpu.vector_load %arg12[%get3A_307, %get3A_308] {strides = array<i32>} : memref<32x128xf32, #tpu.memory_space<vmem>>, vector<1x16xf32>,
      %get3A_310 = vector.shape_cast %get3A_309 : vector<1x16xf32> to vector<16xf32>
      %get3A_311 = arith.index_cast %scan3A_239 : i32 to index
      %get3A_312 = arith.constant 64 : index
      %get3A_313 = tpu.vector_load %arg14[%get3A_311, %get3A_312] {strides = array<i32>} : memref<32x128xf32, #tpu.memory_space<vmem>>, vector<1x16xf32>,
      %get3A_314 = vector.shape_cast %get3A_313 : vector<1x16xf32> to vector<16xf32>
      %add3A_315 = arith.addf %get3A_310, %get3A_314 : vector<16xf32>
      %max3A_316 = arith.constant 0.000000e+00 : f32
      %max3A_317 = vector.broadcast %max3A_316 : f32 to vector<16xf32>
      %max3A_318 = arith.maximumf %add3A_315, %max3A_317 : vector<16xf32>
      %swap3A_319 = arith.index_cast %scan3A_239 : i32 to index
      %swap3A_320 = arith.constant 64 : index
      %swap3A_321 = tpu.vector_load %arg16[%swap3A_319, %swap3A_320] {strides = array<i32>} : memref<32x128xf32, #tpu.memory_space<vmem>>, vector<1x16xf32>,
      %swap3A_322 = vector.shape_cast %swap3A_321 : vector<1x16xf32> to vector<16xf32>
      %swap3A_323 = vector.shape_cast %max3A_318 : vector<16xf32> to vector<1x16xf32>
      tpu.vector_store %arg16[%swap3A_319, %swap3A_320], %swap3A_323 {strides = array<i32>} : memref<32x128xf32, #tpu.memory_space<vmem>>, vector<1x16xf32>,
      %get3A_324 = arith.index_cast %scan3A_239 : i32 to index
      %get3A_325 = arith.constant 80 : index
      %get3A_326 = tpu.vector_load %arg12[%get3A_324, %get3A_325] {strides = array<i32>} : memref<32x128xf32, #tpu.memory_space<vmem>>, vector<1x16xf32>,
      %get3A_327 = vector.shape_cast %get3A_326 : vector<1x16xf32> to vector<16xf32>
      %get3A_328 = arith.index_cast %scan3A_239 : i32 to index
      %get3A_329 = arith.constant 80 : index
      %get3A_330 = tpu.vector_load %arg14[%get3A_328, %get3A_329] {strides = array<i32>} : memref<32x128xf32, #tpu.memory_space<vmem>>, vector<1x16xf32>,
      %get3A_331 = vector.shape_cast %get3A_330 : vector<1x16xf32> to vector<16xf32>
      %add3A_332 = arith.addf %get3A_327, %get3A_331 : vector<16xf32>
      %max3A_333 = arith.constant 0.000000e+00 : f32
      %max3A_334 = vector.broadcast %max3A_333 : f32 to vector<16xf32>
      %max3A_335 = arith.maximumf %add3A_332, %max3A_334 : vector<16xf32>
      %swap3A_336 = arith.index_cast %scan3A_239 : i32 to index
      %swap3A_337 = arith.constant 80 : index
      %swap3A_338 = tpu.vector_load %arg16[%swap3A_336, %swap3A_337] {strides = array<i32>} : memref<32x128xf32, #tpu.memory_space<vmem>>, vector<1x16xf32>,
      %swap3A_339 = vector.shape_cast %swap3A_338 : vector<1x16xf32> to vector<16xf32>
      %swap3A_340 = vector.shape_cast %max3A_335 : vector<16xf32> to vector<1x16xf32>
      tpu.vector_store %arg16[%swap3A_336, %swap3A_337], %swap3A_340 {strides = array<i32>} : memref<32x128xf32, #tpu.memory_space<vmem>>, vector<1x16xf32>,
      %get3A_341 = arith.index_cast %scan3A_239 : i32 to index
      %get3A_342 = arith.constant 96 : index
      %get3A_343 = tpu.vector_load %arg12[%get3A_341, %get3A_342] {strides = array<i32>} : memref<32x128xf32, #tpu.memory_space<vmem>>, vector<1x16xf32>,
      %get3A_344 = vector.shape_cast %get3A_343 : vector<1x16xf32> to vector<16xf32>
      %get3A_345 = arith.index_cast %scan3A_239 : i32 to index
      %get3A_346 = arith.constant 96 : index
      %get3A_347 = tpu.vector_load %arg14[%get3A_345, %get3A_346] {strides = array<i32>} : memref<32x128xf32, #tpu.memory_space<vmem>>, vector<1x16xf32>,
      %get3A_348 = vector.shape_cast %get3A_347 : vector<1x16xf32> to vector<16xf32>
      %add3A_349 = arith.addf %get3A_344, %get3A_348 : vector<16xf32>
      %max3A_350 = arith.constant 0.000000e+00 : f32
      %max3A_351 = vector.broadcast %max3A_350 : f32 to vector<16xf32>
      %max3A_352 = arith.maximumf %add3A_349, %max3A_351 : vector<16xf32>
      %swap3A_353 = arith.index_cast %scan3A_239 : i32 to index
      %swap3A_354 = arith.constant 96 : index
      %swap3A_355 = tpu.vector_load %arg16[%swap3A_353, %swap3A_354] {strides = array<i32>} : memref<32x128xf32, #tpu.memory_space<vmem>>, vector<1x16xf32>,
      %swap3A_356 = vector.shape_cast %swap3A_355 : vector<1x16xf32> to vector<16xf32>
      %swap3A_357 = vector.shape_cast %max3A_352 : vector<16xf32> to vector<1x16xf32>
      tpu.vector_store %arg16[%swap3A_353, %swap3A_354], %swap3A_357 {strides = array<i32>} : memref<32x128xf32, #tpu.memory_space<vmem>>, vector<1x16xf32>,
      %get3A_358 = arith.index_cast %scan3A_239 : i32 to index
      %get3A_359 = arith.constant 112 : index
      %get3A_360 = tpu.vector_load %arg12[%get3A_358, %get3A_359] {strides = array<i32>} : memref<32x128xf32, #tpu.memory_space<vmem>>, vector<1x16xf32>,
      %get3A_361 = vector.shape_cast %get3A_360 : vector<1x16xf32> to vector<16xf32>
      %get3A_362 = arith.index_cast %scan3A_239 : i32 to index
      %get3A_363 = arith.constant 112 : index
      %get3A_364 = tpu.vector_load %arg14[%get3A_362, %get3A_363] {strides = array<i32>} : memref<32x128xf32, #tpu.memory_space<vmem>>, vector<1x16xf32>,
      %get3A_365 = vector.shape_cast %get3A_364 : vector<1x16xf32> to vector<16xf32>
      %add3A_366 = arith.addf %get3A_361, %get3A_365 : vector<16xf32>
      %max3A_367 = arith.constant 0.000000e+00 : f32
      %max3A_368 = vector.broadcast %max3A_367 : f32 to vector<16xf32>
      %max3A_369 = arith.maximumf %add3A_366, %max3A_368 : vector<16xf32>
      %swap3A_370 = arith.index_cast %scan3A_239 : i32 to index
      %swap3A_371 = arith.constant 112 : index
      %swap3A_372 = tpu.vector_load %arg16[%swap3A_370, %swap3A_371] {strides = array<i32>} : memref<32x128xf32, #tpu.memory_space<vmem>>, vector<1x16xf32>,
      %swap3A_373 = vector.shape_cast %swap3A_372 : vector<1x16xf32> to vector<16xf32>
      %swap3A_374 = vector.shape_cast %max3A_369 : vector<16xf32> to vector<1x16xf32>
      tpu.vector_store %arg16[%swap3A_370, %swap3A_371], %swap3A_374 {strides = array<i32>} : memref<32x128xf32, #tpu.memory_space<vmem>>, vector<1x16xf32>,
    }
    %scan3A_66 = arith.constant 32 : i32
    %dma_start3A_67 = arith.constant 0 : i32
    %dma_start3A_68 = arith.constant 0 : i32
    %dma_start3A_69 = tpu.memref_slice %arg18[%dma_start3A_67, %dma_start3A_68] : memref<10240x128xf32, #tpu.memory_space<vmem_shared>> -> memref<10240x128xf32, #tpu.memory_space<vmem_shared>>
    tpu.enqueue_indirect_dma source(%arg16 : memref<32x128xf32, #tpu.memory_space<vmem>>) target(%dma_start3A_69 : memref<10240x128xf32, #tpu.memory_space<vmem_shared>>) offsets(%arg10 : memref<32xi32, #tpu.memory_space<vmem>>) semaphore(%arg23 : memref<!tpu.dma_semaphore, #tpu.memory_space<semaphore_mem>>) {add = true}
    %add3A_70 = arith.constant 64 : i32
    %add3A_71 = arith.addi %mul3A_2, %add3A_70 : i32
    %dma_start3A_72 = arith.constant 0 : i32
    %dma_start3A_73 = tpu.memref_slice %arg5[%add3A_71, %dma_start3A_72] : memref<163840x128xf32, #tpu.memory_space<hbm>> -> memref<32x128xf32, #tpu.memory_space<hbm>>
    %dma_start3A_74 = arith.constant 0 : i32
    %dma_start3A_75 = tpu.memref_slice %arg5[%add3A_71, %dma_start3A_74] : memref<163840x128xf32, #tpu.memory_space<hbm>> -> memref<32x128xf32, #tpu.memory_space<hbm>>
    tpu.enqueue_dma source(%dma_start3A_75 : memref<32x128xf32, #tpu.memory_space<hbm>>) target(%arg14 : memref<32x128xf32, #tpu.memory_space<vmem>>) target_semaphore(%arg21 : memref<!tpu.dma_semaphore, #tpu.memory_space<semaphore_mem>>)
    %dma_start3A_76 = arith.constant 0 : i32
    %dma_start3A_77 = arith.constant 64 : i32
    %dma_start3A_78 = tpu.memref_slice %arg8[%dma_start3A_76, %dma_start3A_77] : memref<40x128xi32, #tpu.memory_space<vmem>> -> memref<1x32xi32, #tpu.memory_space<vmem>>
    %dma_start3A_79 = tpu.memref_squeeze %dma_start3A_78 : memref<1x32xi32, #tpu.memory_space<vmem>> -> memref<32xi32, #tpu.memory_space<vmem>>
    %dma_start3A_80 = arith.constant 0 : i32
    %dma_start3A_81 = arith.constant 0 : i32
    %dma_start3A_82 = tpu.memref_slice %arg2[%dma_start3A_80, %dma_start3A_81] : memref<10000x128xf32, #tpu.memory_space<hbm>> -> memref<10000x128xf32, #tpu.memory_space<hbm>>
    tpu.enqueue_indirect_dma source(%dma_start3A_82 : memref<10000x128xf32, #tpu.memory_space<hbm>>) target(%arg12 : memref<32x128xf32, #tpu.memory_space<vmem>>) offsets(%dma_start3A_79 : memref<32xi32, #tpu.memory_space<vmem>>) semaphore(%arg19 : memref<!tpu.dma_semaphore, #tpu.memory_space<semaphore_mem>>)
    %add3A_83 = arith.constant 32 : i32
    %add3A_84 = arith.addi %mul3A_2, %add3A_83 : i32
    %dma_wait3A_85 = arith.constant 0 : i32
    %dma_wait3A_86 = tpu.memref_slice %arg5[%add3A_84, %dma_wait3A_85] : memref<163840x128xf32, #tpu.memory_space<hbm>> -> memref<32x128xf32, #tpu.memory_space<hbm>>
    %dma_wait3A_87 = arith.constant 0 : i32
    %dma_wait3A_88 = tpu.memref_slice %arg5[%add3A_84, %dma_wait3A_87] : memref<163840x128xf32, #tpu.memory_space<hbm>> -> memref<32x128xf32, #tpu.memory_space<hbm>>
    tpu.wait_dma2 semaphore(%arg22 : memref<!tpu.dma_semaphore, #tpu.memory_space<semaphore_mem>>) src(%dma_wait3A_88 : memref<32x128xf32, #tpu.memory_space<hbm>>) dst(%arg15 : memref<32x128xf32, #tpu.memory_space<vmem>>)
    %dma_wait3A_89 = arith.constant 0 : i32
    %dma_wait3A_90 = arith.constant 32 : i32
    %dma_wait3A_91 = tpu.memref_slice %arg8[%dma_wait3A_89, %dma_wait3A_90] : memref<40x128xi32, #tpu.memory_space<vmem>> -> memref<1x32xi32, #tpu.memory_space<vmem>>
    %dma_wait3A_92 = tpu.memref_squeeze %dma_wait3A_91 : memref<1x32xi32, #tpu.memory_space<vmem>> -> memref<32xi32, #tpu.memory_space<vmem>>
    %dma_wait3A_93 = arith.constant 0 : i32
    %dma_wait3A_94 = arith.constant 0 : i32
    %dma_wait3A_95 = tpu.memref_slice %arg2[%dma_wait3A_93, %dma_wait3A_94] : memref<10000x128xf32, #tpu.memory_space<hbm>> -> memref<10000x128xf32, #tpu.memory_space<hbm>>
    tpu.wait_indirect_dma semaphore(%arg20 : memref<!tpu.dma_semaphore, #tpu.memory_space<semaphore_mem>>) src(%dma_wait3A_95 : memref<10000x128xf32, #tpu.memory_space<hbm>>) dst(%arg13 : memref<32x128xf32, #tpu.memory_space<vmem>>)
    %get3A_96 = arith.constant 0 : i32
    %get3A_97 = arith.index_cast %get3A_96 : i32 to index
    %get3A_98 = arith.constant 32 : index
    %get3A_99 = tpu.vector_load %arg9[%get3A_97, %get3A_98] {strides = array<i32>} : memref<40x128xi32, #tpu.memory_space<vmem>>, vector<1x16xi32>,
    %get3A_100 = vector.shape_cast %get3A_99 : vector<1x16xi32> to vector<16xi32>
    %swap3A_101 = arith.constant 0 : index
    %swap3A_102 = tpu.vector_load %arg11[%swap3A_101] {strides = array<i32>} : memref<32xi32, #tpu.memory_space<vmem>>, vector<16xi32>,
    %swap3A_103 = vector.shape_cast %swap3A_102 : vector<16xi32> to vector<16xi32>
    %swap3A_104 = vector.shape_cast %get3A_100 : vector<16xi32> to vector<16xi32>
    tpu.vector_store %arg11[%swap3A_101], %swap3A_104 {strides = array<i32>} : memref<32xi32, #tpu.memory_space<vmem>>, vector<16xi32>,
    %get3A_105 = arith.constant 0 : i32
    %get3A_106 = arith.index_cast %get3A_105 : i32 to index
    %get3A_107 = arith.constant 48 : index
    %get3A_108 = tpu.vector_load %arg9[%get3A_106, %get3A_107] {strides = array<i32>} : memref<40x128xi32, #tpu.memory_space<vmem>>, vector<1x16xi32>,
    %get3A_109 = vector.shape_cast %get3A_108 : vector<1x16xi32> to vector<16xi32>
    %swap3A_110 = arith.constant 16 : index
    %swap3A_111 = tpu.vector_load %arg11[%swap3A_110] {strides = array<i32>} : memref<32xi32, #tpu.memory_space<vmem>>, vector<16xi32>,
    %swap3A_112 = vector.shape_cast %swap3A_111 : vector<16xi32> to vector<16xi32>
    %swap3A_113 = vector.shape_cast %get3A_109 : vector<16xi32> to vector<16xi32>
    tpu.vector_store %arg11[%swap3A_110], %swap3A_113 {strides = array<i32>} : memref<32xi32, #tpu.memory_space<vmem>>, vector<16xi32>,
    %scan3A_114 = arith.constant 0 : i32
    %scan3A_115 = arith.constant 0 : i32
    %scan3A_116 = arith.constant 32 : i32
    %scan3A_117 = arith.addi %scan3A_115, %scan3A_116 : i32
    %scan3A_118 = arith.constant 1 : i32
    scf.for %scan3A_239 = %scan3A_115 to %scan3A_117 step %scan3A_118  : i32 {
      %get3A_240 = arith.index_cast %scan3A_239 : i32 to index
      %get3A_241 = arith.constant 0 : index
      %get3A_242 = tpu.vector_load %arg13[%get3A_240, %get3A_241] {strides = array<i32>} : memref<32x128xf32, #tpu.memory_space<vmem>>, vector<1x16xf32>,
      %get3A_243 = vector.shape_cast %get3A_242 : vector<1x16xf32> to vector<16xf32>
      %get3A_244 = arith.index_cast %scan3A_239 : i32 to index
      %get3A_245 = arith.constant 0 : index
      %get3A_246 = tpu.vector_load %arg15[%get3A_244, %get3A_245] {strides = array<i32>} : memref<32x128xf32, #tpu.memory_space<vmem>>, vector<1x16xf32>,
      %get3A_247 = vector.shape_cast %get3A_246 : vector<1x16xf32> to vector<16xf32>
      %add3A_248 = arith.addf %get3A_243, %get3A_247 : vector<16xf32>
      %max3A = arith.constant 0.000000e+00 : f32
      %max3A_249 = vector.broadcast %max3A : f32 to vector<16xf32>
      %max3A_250 = arith.maximumf %add3A_248, %max3A_249 : vector<16xf32>
      %swap3A_251 = arith.index_cast %scan3A_239 : i32 to index
      %swap3A_252 = arith.constant 0 : index
      %swap3A_253 = tpu.vector_load %arg17[%swap3A_251, %swap3A_252] {strides = array<i32>} : memref<32x128xf32, #tpu.memory_space<vmem>>, vector<1x16xf32>,
      %swap3A_254 = vector.shape_cast %swap3A_253 : vector<1x16xf32> to vector<16xf32>
      %swap3A_255 = vector.shape_cast %max3A_250 : vector<16xf32> to vector<1x16xf32>
      tpu.vector_store %arg17[%swap3A_251, %swap3A_252], %swap3A_255 {strides = array<i32>} : memref<32x128xf32, #tpu.memory_space<vmem>>, vector<1x16xf32>,
      %get3A_256 = arith.index_cast %scan3A_239 : i32 to index
      %get3A_257 = arith.constant 16 : index
      %get3A_258 = tpu.vector_load %arg13[%get3A_256, %get3A_257] {strides = array<i32>} : memref<32x128xf32, #tpu.memory_space<vmem>>, vector<1x16xf32>,
      %get3A_259 = vector.shape_cast %get3A_258 : vector<1x16xf32> to vector<16xf32>
      %get3A_260 = arith.index_cast %scan3A_239 : i32 to index
      %get3A_261 = arith.constant 16 : index
      %get3A_262 = tpu.vector_load %arg15[%get3A_260, %get3A_261] {strides = array<i32>} : memref<32x128xf32, #tpu.memory_space<vmem>>, vector<1x16xf32>,
      %get3A_263 = vector.shape_cast %get3A_262 : vector<1x16xf32> to vector<16xf32>
      %add3A_264 = arith.addf %get3A_259, %get3A_263 : vector<16xf32>
      %max3A_265 = arith.constant 0.000000e+00 : f32
      %max3A_266 = vector.broadcast %max3A_265 : f32 to vector<16xf32>
      %max3A_267 = arith.maximumf %add3A_264, %max3A_266 : vector<16xf32>
      %swap3A_268 = arith.index_cast %scan3A_239 : i32 to index
      %swap3A_269 = arith.constant 16 : index
      %swap3A_270 = tpu.vector_load %arg17[%swap3A_268, %swap3A_269] {strides = array<i32>} : memref<32x128xf32, #tpu.memory_space<vmem>>, vector<1x16xf32>,
      %swap3A_271 = vector.shape_cast %swap3A_270 : vector<1x16xf32> to vector<16xf32>
      %swap3A_272 = vector.shape_cast %max3A_267 : vector<16xf32> to vector<1x16xf32>
      tpu.vector_store %arg17[%swap3A_268, %swap3A_269], %swap3A_272 {strides = array<i32>} : memref<32x128xf32, #tpu.memory_space<vmem>>, vector<1x16xf32>,
      %get3A_273 = arith.index_cast %scan3A_239 : i32 to index
      %get3A_274 = arith.constant 32 : index
      %get3A_275 = tpu.vector_load %arg13[%get3A_273, %get3A_274] {strides = array<i32>} : memref<32x128xf32, #tpu.memory_space<vmem>>, vector<1x16xf32>,
      %get3A_276 = vector.shape_cast %get3A_275 : vector<1x16xf32> to vector<16xf32>
      %get3A_277 = arith.index_cast %scan3A_239 : i32 to index
      %get3A_278 = arith.constant 32 : index
      %get3A_279 = tpu.vector_load %arg15[%get3A_277, %get3A_278] {strides = array<i32>} : memref<32x128xf32, #tpu.memory_space<vmem>>, vector<1x16xf32>,
      %get3A_280 = vector.shape_cast %get3A_279 : vector<1x16xf32> to vector<16xf32>
      %add3A_281 = arith.addf %get3A_276, %get3A_280 : vector<16xf32>
      %max3A_282 = arith.constant 0.000000e+00 : f32
      %max3A_283 = vector.broadcast %max3A_282 : f32 to vector<16xf32>
      %max3A_284 = arith.maximumf %add3A_281, %max3A_283 : vector<16xf32>
      %swap3A_285 = arith.index_cast %scan3A_239 : i32 to index
      %swap3A_286 = arith.constant 32 : index
      %swap3A_287 = tpu.vector_load %arg17[%swap3A_285, %swap3A_286] {strides = array<i32>} : memref<32x128xf32, #tpu.memory_space<vmem>>, vector<1x16xf32>,
      %swap3A_288 = vector.shape_cast %swap3A_287 : vector<1x16xf32> to vector<16xf32>
      %swap3A_289 = vector.shape_cast %max3A_284 : vector<16xf32> to vector<1x16xf32>
      tpu.vector_store %arg17[%swap3A_285, %swap3A_286], %swap3A_289 {strides = array<i32>} : memref<32x128xf32, #tpu.memory_space<vmem>>, vector<1x16xf32>,
      %get3A_290 = arith.index_cast %scan3A_239 : i32 to index
      %get3A_291 = arith.constant 48 : index
      %get3A_292 = tpu.vector_load %arg13[%get3A_290, %get3A_291] {strides = array<i32>} : memref<32x128xf32, #tpu.memory_space<vmem>>, vector<1x16xf32>,
      %get3A_293 = vector.shape_cast %get3A_292 : vector<1x16xf32> to vector<16xf32>
      %get3A_294 = arith.index_cast %scan3A_239 : i32 to index
      %get3A_295 = arith.constant 48 : index
      %get3A_296 = tpu.vector_load %arg15[%get3A_294, %get3A_295] {strides = array<i32>} : memref<32x128xf32, #tpu.memory_space<vmem>>, vector<1x16xf32>,
      %get3A_297 = vector.shape_cast %get3A_296 : vector<1x16xf32> to vector<16xf32>
      %add3A_298 = arith.addf %get3A_293, %get3A_297 : vector<16xf32>
      %max3A_299 = arith.constant 0.000000e+00 : f32
      %max3A_300 = vector.broadcast %max3A_299 : f32 to vector<16xf32>
      %max3A_301 = arith.maximumf %add3A_298, %max3A_300 : vector<16xf32>
      %swap3A_302 = arith.index_cast %scan3A_239 : i32 to index
      %swap3A_303 = arith.constant 48 : index
      %swap3A_304 = tpu.vector_load %arg17[%swap3A_302, %swap3A_303] {strides = array<i32>} : memref<32x128xf32, #tpu.memory_space<vmem>>, vector<1x16xf32>,
      %swap3A_305 = vector.shape_cast %swap3A_304 : vector<1x16xf32> to vector<16xf32>
      %swap3A_306 = vector.shape_cast %max3A_301 : vector<16xf32> to vector<1x16xf32>
      tpu.vector_store %arg17[%swap3A_302, %swap3A_303], %swap3A_306 {strides = array<i32>} : memref<32x128xf32, #tpu.memory_space<vmem>>, vector<1x16xf32>,
      %get3A_307 = arith.index_cast %scan3A_239 : i32 to index
      %get3A_308 = arith.constant 64 : index
      %get3A_309 = tpu.vector_load %arg13[%get3A_307, %get3A_308] {strides = array<i32>} : memref<32x128xf32, #tpu.memory_space<vmem>>, vector<1x16xf32>,
      %get3A_310 = vector.shape_cast %get3A_309 : vector<1x16xf32> to vector<16xf32>
      %get3A_311 = arith.index_cast %scan3A_239 : i32 to index
      %get3A_312 = arith.constant 64 : index
      %get3A_313 = tpu.vector_load %arg15[%get3A_311, %get3A_312] {strides = array<i32>} : memref<32x128xf32, #tpu.memory_space<vmem>>, vector<1x16xf32>,
      %get3A_314 = vector.shape_cast %get3A_313 : vector<1x16xf32> to vector<16xf32>
      %add3A_315 = arith.addf %get3A_310, %get3A_314 : vector<16xf32>
      %max3A_316 = arith.constant 0.000000e+00 : f32
      %max3A_317 = vector.broadcast %max3A_316 : f32 to vector<16xf32>
      %max3A_318 = arith.maximumf %add3A_315, %max3A_317 : vector<16xf32>
      %swap3A_319 = arith.index_cast %scan3A_239 : i32 to index
      %swap3A_320 = arith.constant 64 : index
      %swap3A_321 = tpu.vector_load %arg17[%swap3A_319, %swap3A_320] {strides = array<i32>} : memref<32x128xf32, #tpu.memory_space<vmem>>, vector<1x16xf32>,
      %swap3A_322 = vector.shape_cast %swap3A_321 : vector<1x16xf32> to vector<16xf32>
      %swap3A_323 = vector.shape_cast %max3A_318 : vector<16xf32> to vector<1x16xf32>
      tpu.vector_store %arg17[%swap3A_319, %swap3A_320], %swap3A_323 {strides = array<i32>} : memref<32x128xf32, #tpu.memory_space<vmem>>, vector<1x16xf32>,
      %get3A_324 = arith.index_cast %scan3A_239 : i32 to index
      %get3A_325 = arith.constant 80 : index
      %get3A_326 = tpu.vector_load %arg13[%get3A_324, %get3A_325] {strides = array<i32>} : memref<32x128xf32, #tpu.memory_space<vmem>>, vector<1x16xf32>,
      %get3A_327 = vector.shape_cast %get3A_326 : vector<1x16xf32> to vector<16xf32>
      %get3A_328 = arith.index_cast %scan3A_239 : i32 to index
      %get3A_329 = arith.constant 80 : index
      %get3A_330 = tpu.vector_load %arg15[%get3A_328, %get3A_329] {strides = array<i32>} : memref<32x128xf32, #tpu.memory_space<vmem>>, vector<1x16xf32>,
      %get3A_331 = vector.shape_cast %get3A_330 : vector<1x16xf32> to vector<16xf32>
      %add3A_332 = arith.addf %get3A_327, %get3A_331 : vector<16xf32>
      %max3A_333 = arith.constant 0.000000e+00 : f32
      %max3A_334 = vector.broadcast %max3A_333 : f32 to vector<16xf32>
      %max3A_335 = arith.maximumf %add3A_332, %max3A_334 : vector<16xf32>
      %swap3A_336 = arith.index_cast %scan3A_239 : i32 to index
      %swap3A_337 = arith.constant 80 : index
      %swap3A_338 = tpu.vector_load %arg17[%swap3A_336, %swap3A_337] {strides = array<i32>} : memref<32x128xf32, #tpu.memory_space<vmem>>, vector<1x16xf32>,
      %swap3A_339 = vector.shape_cast %swap3A_338 : vector<1x16xf32> to vector<16xf32>
      %swap3A_340 = vector.shape_cast %max3A_335 : vector<16xf32> to vector<1x16xf32>
      tpu.vector_store %arg17[%swap3A_336, %swap3A_337], %swap3A_340 {strides = array<i32>} : memref<32x128xf32, #tpu.memory_space<vmem>>, vector<1x16xf32>,
      %get3A_341 = arith.index_cast %scan3A_239 : i32 to index
      %get3A_342 = arith.constant 96 : index
      %get3A_343 = tpu.vector_load %arg13[%get3A_341, %get3A_342] {strides = array<i32>} : memref<32x128xf32, #tpu.memory_space<vmem>>, vector<1x16xf32>,
      %get3A_344 = vector.shape_cast %get3A_343 : vector<1x16xf32> to vector<16xf32>
      %get3A_345 = arith.index_cast %scan3A_239 : i32 to index
      %get3A_346 = arith.constant 96 : index
      %get3A_347 = tpu.vector_load %arg15[%get3A_345, %get3A_346] {strides = array<i32>} : memref<32x128xf32, #tpu.memory_space<vmem>>, vector<1x16xf32>,
      %get3A_348 = vector.shape_cast %get3A_347 : vector<1x16xf32> to vector<16xf32>
      %add3A_349 = arith.addf %get3A_344, %get3A_348 : vector<16xf32>
      %max3A_350 = arith.constant 0.000000e+00 : f32
      %max3A_351 = vector.broadcast %max3A_350 : f32 to vector<16xf32>
      %max3A_352 = arith.maximumf %add3A_349, %max3A_351 : vector<16xf32>
      %swap3A_353 = arith.index_cast %scan3A_239 : i32 to index
      %swap3A_354 = arith.constant 96 : index
      %swap3A_355 = tpu.vector_load %arg17[%swap3A_353, %swap3A_354] {strides = array<i32>} : memref<32x128xf32, #tpu.memory_space<vmem>>, vector<1x16xf32>,
      %swap3A_356 = vector.shape_cast %swap3A_355 : vector<1x16xf32> to vector<16xf32>
      %swap3A_357 = vector.shape_cast %max3A_352 : vector<16xf32> to vector<1x16xf32>
      tpu.vector_store %arg17[%swap3A_353, %swap3A_354], %swap3A_357 {strides = array<i32>} : memref<32x128xf32, #tpu.memory_space<vmem>>, vector<1x16xf32>,
      %get3A_358 = arith.index_cast %scan3A_239 : i32 to index
      %get3A_359 = arith.constant 112 : index
      %get3A_360 = tpu.vector_load %arg13[%get3A_358, %get3A_359] {strides = array<i32>} : memref<32x128xf32, #tpu.memory_space<vmem>>, vector<1x16xf32>,
      %get3A_361 = vector.shape_cast %get3A_360 : vector<1x16xf32> to vector<16xf32>
      %get3A_362 = arith.index_cast %scan3A_239 : i32 to index
      %get3A_363 = arith.constant 112 : index
      %get3A_364 = tpu.vector_load %arg15[%get3A_362, %get3A_363] {strides = array<i32>} : memref<32x128xf32, #tpu.memory_space<vmem>>, vector<1x16xf32>,
      %get3A_365 = vector.shape_cast %get3A_364 : vector<1x16xf32> to vector<16xf32>
      %add3A_366 = arith.addf %get3A_361, %get3A_365 : vector<16xf32>
      %max3A_367 = arith.constant 0.000000e+00 : f32
      %max3A_368 = vector.broadcast %max3A_367 : f32 to vector<16xf32>
      %max3A_369 = arith.maximumf %add3A_366, %max3A_368 : vector<16xf32>
      %swap3A_370 = arith.index_cast %scan3A_239 : i32 to index
      %swap3A_371 = arith.constant 112 : index
      %swap3A_372 = tpu.vector_load %arg17[%swap3A_370, %swap3A_371] {strides = array<i32>} : memref<32x128xf32, #tpu.memory_space<vmem>>, vector<1x16xf32>,
      %swap3A_373 = vector.shape_cast %swap3A_372 : vector<1x16xf32> to vector<16xf32>
      %swap3A_374 = vector.shape_cast %max3A_369 : vector<16xf32> to vector<1x16xf32>
      tpu.vector_store %arg17[%swap3A_370, %swap3A_371], %swap3A_374 {strides = array<i32>} : memref<32x128xf32, #tpu.memory_space<vmem>>, vector<1x16xf32>,
    }
    %scan3A_119 = arith.constant 32 : i32
    %dma_start3A_120 = arith.constant 0 : i32
    %dma_start3A_121 = arith.constant 0 : i32
    %dma_start3A_122 = tpu.memref_slice %arg18[%dma_start3A_120, %dma_start3A_121] : memref<10240x128xf32, #tpu.memory_space<vmem_shared>> -> memref<10240x128xf32, #tpu.memory_space<vmem_shared>>
    tpu.enqueue_indirect_dma source(%arg17 : memref<32x128xf32, #tpu.memory_space<vmem>>) target(%dma_start3A_122 : memref<10240x128xf32, #tpu.memory_space<vmem_shared>>) offsets(%arg11 : memref<32xi32, #tpu.memory_space<vmem>>) semaphore(%arg24 : memref<!tpu.dma_semaphore, #tpu.memory_space<semaphore_mem>>) {add = true}
    %add3A_123 = arith.constant 96 : i32
    %add3A_124 = arith.addi %mul3A_2, %add3A_123 : i32
    %dma_start3A_125 = arith.constant 0 : i32
    %dma_start3A_126 = tpu.memref_slice %arg5[%add3A_124, %dma_start3A_125] : memref<163840x128xf32, #tpu.memory_space<hbm>> -> memref<32x128xf32, #tpu.memory_space<hbm>>
    %dma_start3A_127 = arith.constant 0 : i32
    %dma_start3A_128 = tpu.memref_slice %arg5[%add3A_124, %dma_start3A_127] : memref<163840x128xf32, #tpu.memory_space<hbm>> -> memref<32x128xf32, #tpu.memory_space<hbm>>
    tpu.enqueue_dma source(%dma_start3A_128 : memref<32x128xf32, #tpu.memory_space<hbm>>) target(%arg15 : memref<32x128xf32, #tpu.memory_space<vmem>>) target_semaphore(%arg22 : memref<!tpu.dma_semaphore, #tpu.memory_space<semaphore_mem>>)
    %dma_start3A_129 = arith.constant 0 : i32
    %dma_start3A_130 = arith.constant 96 : i32
    %dma_start3A_131 = tpu.memref_slice %arg8[%dma_start3A_129, %dma_start3A_130] : memref<40x128xi32, #tpu.memory_space<vmem>> -> memref<1x32xi32, #tpu.memory_space<vmem>>
    %dma_start3A_132 = tpu.memref_squeeze %dma_start3A_131 : memref<1x32xi32, #tpu.memory_space<vmem>> -> memref<32xi32, #tpu.memory_space<vmem>>
    %dma_start3A_133 = arith.constant 0 : i32
    %dma_start3A_134 = arith.constant 0 : i32
    %dma_start3A_135 = tpu.memref_slice %arg2[%dma_start3A_133, %dma_start3A_134] : memref<10000x128xf32, #tpu.memory_space<hbm>> -> memref<10000x128xf32, #tpu.memory_space<hbm>>
    tpu.enqueue_indirect_dma source(%dma_start3A_135 : memref<10000x128xf32, #tpu.memory_space<hbm>>) target(%arg13 : memref<32x128xf32, #tpu.memory_space<vmem>>) offsets(%dma_start3A_132 : memref<32xi32, #tpu.memory_space<vmem>>) semaphore(%arg20 : memref<!tpu.dma_semaphore, #tpu.memory_space<semaphore_mem>>)
    %scan3A_136 = arith.constant 0 : i32
    %scan3A_137 = arith.constant 1 : i32
    %scan3A_138 = arith.constant 78 : i32
    %scan3A_139 = arith.addi %scan3A_137, %scan3A_138 : i32
    %scan3A_140 = arith.constant 1 : i32
    scf.for %scan3A_239 = %scan3A_137 to %scan3A_139 step %scan3A_140  : i32 {
      %mul3A_240 = arith.constant 2 : i32
      %mul3A_241 = arith.muli %mul3A_240, %scan3A_239 : i32
      %add3A_242 = arith.constant 0 : i32
      %add3A_243 = arith.addi %mul3A_241, %add3A_242 : i32
      %mul3A_244 = arith.constant 32 : i32
      %mul3A_245 = arith.muli %add3A_243, %mul3A_244 : i32
      %add3A_246 = arith.addi %mul3A_2, %mul3A_245 : i32
      %dma_wait3A_247 = arith.constant 0 : i32
      %dma_wait3A_248 = tpu.memref_slice %arg5[%add3A_246, %dma_wait3A_247] : memref<163840x128xf32, #tpu.memory_space<hbm>> -> memref<32x128xf32, #tpu.memory_space<hbm>>
      %dma_wait3A_249 = arith.constant 0 : i32
      %dma_wait3A_250 = tpu.memref_slice %arg5[%add3A_246, %dma_wait3A_249] : memref<163840x128xf32, #tpu.memory_space<hbm>> -> memref<32x128xf32, #tpu.memory_space<hbm>>
      tpu.wait_dma2 semaphore(%arg21 : memref<!tpu.dma_semaphore, #tpu.memory_space<semaphore_mem>>) src(%dma_wait3A_250 : memref<32x128xf32, #tpu.memory_space<hbm>>) dst(%arg14 : memref<32x128xf32, #tpu.memory_space<vmem>>)
      %jit3A = arith.constant 4 : i32
      %div3A = arith.divsi %add3A_243, %jit3A : i32
      %sign3A = arith.constant 0 : i32
      %sign3A_251 = arith.cmpi sgt, %add3A_243, %sign3A : i32
      %sign3A_252 = arith.extui %sign3A_251 : i1 to i32
      %sign3A_253 = arith.constant 0 : i32
      %sign3A_254 = arith.cmpi slt, %add3A_243, %sign3A_253 : i32
      %sign3A_255 = arith.extui %sign3A_254 : i1 to i32
      %sign3A_256 = arith.subi %sign3A_252, %sign3A_255 : i32
      %sign3A_257 = arith.constant 0 : i32
      %sign3A_258 = arith.cmpi sgt, %jit3A, %sign3A_257 : i32
      %sign3A_259 = arith.extui %sign3A_258 : i1 to i32
      %sign3A_260 = arith.constant 0 : i32
      %sign3A_261 = arith.cmpi slt, %jit3A, %sign3A_260 : i32
      %sign3A_262 = arith.extui %sign3A_261 : i1 to i32
      %sign3A_263 = arith.subi %sign3A_259, %sign3A_262 : i32
      %ne3A = arith.cmpi ne, %sign3A_256, %sign3A_263 : i32
      %rem3A = arith.remsi %add3A_243, %jit3A : i32
      %ne3A_264 = arith.constant 0 : i32
      %ne3A_265 = arith.cmpi ne, %rem3A, %ne3A_264 : i32
      %and3A = arith.andi %ne3A, %ne3A_265 : i1
      %sub3A = arith.constant 1 : i32
      %sub3A_266 = arith.subi %div3A, %sub3A : i32
      %select_n3A = arith.select %and3A, %sub3A_266, %div3A : i32
      %jit3A_267 = arith.constant 4 : i32
      %eq3A = arith.constant 0 : i32
      %eq3A_268 = arith.cmpi eq, %jit3A_267, %eq3A : i32
      %jit3A_269 = arith.constant 1 : i32
      %select_n3A_270 = arith.select %eq3A_268, %jit3A_269, %jit3A_267 : i32
      %rem3A_271 = arith.remsi %add3A_243, %select_n3A_270 : i32
      %ne3A_272 = arith.constant 0 : i32
      %ne3A_273 = arith.cmpi ne, %rem3A_271, %ne3A_272 : i32
      %lt3A = arith.constant 0 : i32
      %lt3A_274 = arith.cmpi slt, %rem3A_271, %lt3A : i32
      %lt3A_275 = arith.constant 0 : i32
      %lt3A_276 = arith.cmpi slt, %select_n3A_270, %lt3A_275 : i32
      %ne3A_277 = arith.xori %lt3A_274, %lt3A_276 : i1
      %and3A_278 = arith.andi %ne3A_277, %ne3A_273 : i1
      %add3A_279 = arith.addi %rem3A_271, %select_n3A_270 : i32
      %select_n3A_280 = arith.select %and3A_278, %add3A_279, %rem3A_271 : i32
      %mul3A_281 = arith.constant 32 : i32
      %mul3A_282 = arith.muli %select_n3A_280, %mul3A_281 : i32
      %dma_wait3A_283 = tpu.memref_slice %arg8[%select_n3A, %mul3A_282] : memref<40x128xi32, #tpu.memory_space<vmem>> -> memref<1x32xi32, #tpu.memory_space<vmem>>
      %dma_wait3A_284 = tpu.memref_squeeze %dma_wait3A_283 : memref<1x32xi32, #tpu.memory_space<vmem>> -> memref<32xi32, #tpu.memory_space<vmem>>
      %dma_wait3A_285 = arith.constant 0 : i32
      %dma_wait3A_286 = arith.constant 0 : i32
      %dma_wait3A_287 = tpu.memref_slice %arg2[%dma_wait3A_285, %dma_wait3A_286] : memref<10000x128xf32, #tpu.memory_space<hbm>> -> memref<10000x128xf32, #tpu.memory_space<hbm>>
      tpu.wait_indirect_dma semaphore(%arg19 : memref<!tpu.dma_semaphore, #tpu.memory_space<semaphore_mem>>) src(%dma_wait3A_287 : memref<10000x128xf32, #tpu.memory_space<hbm>>) dst(%arg12 : memref<32x128xf32, #tpu.memory_space<vmem>>)
      %dma_wait3A_288 = arith.constant 0 : i32
      %dma_wait3A_289 = arith.constant 0 : i32
      %dma_wait3A_290 = tpu.memref_slice %arg18[%dma_wait3A_288, %dma_wait3A_289] : memref<10240x128xf32, #tpu.memory_space<vmem_shared>> -> memref<10240x128xf32, #tpu.memory_space<vmem_shared>>
      tpu.wait_indirect_dma semaphore(%arg23 : memref<!tpu.dma_semaphore, #tpu.memory_space<semaphore_mem>>) src(%arg16 : memref<32x128xf32, #tpu.memory_space<vmem>>) dst(%dma_wait3A_290 : memref<10240x128xf32, #tpu.memory_space<vmem_shared>>)
      %jit3A_291 = arith.constant 4 : i32
      %div3A_292 = arith.divsi %add3A_243, %jit3A_291 : i32
      %sign3A_293 = arith.constant 0 : i32
      %sign3A_294 = arith.cmpi sgt, %add3A_243, %sign3A_293 : i32
      %sign3A_295 = arith.extui %sign3A_294 : i1 to i32
      %sign3A_296 = arith.constant 0 : i32
      %sign3A_297 = arith.cmpi slt, %add3A_243, %sign3A_296 : i32
      %sign3A_298 = arith.extui %sign3A_297 : i1 to i32
      %sign3A_299 = arith.subi %sign3A_295, %sign3A_298 : i32
      %sign3A_300 = arith.constant 0 : i32
      %sign3A_301 = arith.cmpi sgt, %jit3A_291, %sign3A_300 : i32
      %sign3A_302 = arith.extui %sign3A_301 : i1 to i32
      %sign3A_303 = arith.constant 0 : i32
      %sign3A_304 = arith.cmpi slt, %jit3A_291, %sign3A_303 : i32
      %sign3A_305 = arith.extui %sign3A_304 : i1 to i32
      %sign3A_306 = arith.subi %sign3A_302, %sign3A_305 : i32
      %ne3A_307 = arith.cmpi ne, %sign3A_299, %sign3A_306 : i32
      %rem3A_308 = arith.remsi %add3A_243, %jit3A_291 : i32
      %ne3A_309 = arith.constant 0 : i32
      %ne3A_310 = arith.cmpi ne, %rem3A_308, %ne3A_309 : i32
      %and3A_311 = arith.andi %ne3A_307, %ne3A_310 : i1
      %sub3A_312 = arith.constant 1 : i32
      %sub3A_313 = arith.subi %div3A_292, %sub3A_312 : i32
      %select_n3A_314 = arith.select %and3A_311, %sub3A_313, %div3A_292 : i32
      %jit3A_315 = arith.constant 4 : i32
      %eq3A_316 = arith.constant 0 : i32
      %eq3A_317 = arith.cmpi eq, %jit3A_315, %eq3A_316 : i32
      %jit3A_318 = arith.constant 1 : i32
      %select_n3A_319 = arith.select %eq3A_317, %jit3A_318, %jit3A_315 : i32
      %rem3A_320 = arith.remsi %add3A_243, %select_n3A_319 : i32
      %ne3A_321 = arith.constant 0 : i32
      %ne3A_322 = arith.cmpi ne, %rem3A_320, %ne3A_321 : i32
      %lt3A_323 = arith.constant 0 : i32
      %lt3A_324 = arith.cmpi slt, %rem3A_320, %lt3A_323 : i32
      %lt3A_325 = arith.constant 0 : i32
      %lt3A_326 = arith.cmpi slt, %select_n3A_319, %lt3A_325 : i32
      %ne3A_327 = arith.xori %lt3A_324, %lt3A_326 : i1
      %and3A_328 = arith.andi %ne3A_327, %ne3A_322 : i1
      %add3A_329 = arith.addi %rem3A_320, %select_n3A_319 : i32
      %select_n3A_330 = arith.select %and3A_328, %add3A_329, %rem3A_320 : i32
      %mul3A_331 = arith.constant 32 : i32
      %mul3A_332 = arith.muli %select_n3A_330, %mul3A_331 : i32
      %add3A_333 = arith.constant 0 : i32
      %add3A_334 = arith.addi %mul3A_332, %add3A_333 : i32
      %get3A_335 = arith.index_cast %select_n3A_314 : i32 to index
      %get3A_336 = arith.index_cast %add3A_334 : i32 to index
      %get3A_337 = tpu.vector_load %arg9[%get3A_335, %get3A_336] {strides = array<i32>} : memref<40x128xi32, #tpu.memory_space<vmem>>, vector<1x16xi32>,
      %get3A_338 = vector.shape_cast %get3A_337 : vector<1x16xi32> to vector<16xi32>
      %swap3A_339 = arith.constant 0 : index
      %swap3A_340 = tpu.vector_load %arg10[%swap3A_339] {strides = array<i32>} : memref<32xi32, #tpu.memory_space<vmem>>, vector<16xi32>,
      %swap3A_341 = vector.shape_cast %swap3A_340 : vector<16xi32> to vector<16xi32>
      %swap3A_342 = vector.shape_cast %get3A_338 : vector<16xi32> to vector<16xi32>
      tpu.vector_store %arg10[%swap3A_339], %swap3A_342 {strides = array<i32>} : memref<32xi32, #tpu.memory_space<vmem>>, vector<16xi32>,
      %jit3A_343 = arith.constant 4 : i32
      %div3A_344 = arith.divsi %add3A_243, %jit3A_343 : i32
      %sign3A_345 = arith.constant 0 : i32
      %sign3A_346 = arith.cmpi sgt, %add3A_243, %sign3A_345 : i32
      %sign3A_347 = arith.extui %sign3A_346 : i1 to i32
      %sign3A_348 = arith.constant 0 : i32
      %sign3A_349 = arith.cmpi slt, %add3A_243, %sign3A_348 : i32
      %sign3A_350 = arith.extui %sign3A_349 : i1 to i32
      %sign3A_351 = arith.subi %sign3A_347, %sign3A_350 : i32
      %sign3A_352 = arith.constant 0 : i32
      %sign3A_353 = arith.cmpi sgt, %jit3A_343, %sign3A_352 : i32
      %sign3A_354 = arith.extui %sign3A_353 : i1 to i32
      %sign3A_355 = arith.constant 0 : i32
      %sign3A_356 = arith.cmpi slt, %jit3A_343, %sign3A_355 : i32
      %sign3A_357 = arith.extui %sign3A_356 : i1 to i32
      %sign3A_358 = arith.subi %sign3A_354, %sign3A_357 : i32
      %ne3A_359 = arith.cmpi ne, %sign3A_351, %sign3A_358 : i32
      %rem3A_360 = arith.remsi %add3A_243, %jit3A_343 : i32
      %ne3A_361 = arith.constant 0 : i32
      %ne3A_362 = arith.cmpi ne, %rem3A_360, %ne3A_361 : i32
      %and3A_363 = arith.andi %ne3A_359, %ne3A_362 : i1
      %sub3A_364 = arith.constant 1 : i32
      %sub3A_365 = arith.subi %div3A_344, %sub3A_364 : i32
      %select_n3A_366 = arith.select %and3A_363, %sub3A_365, %div3A_344 : i32
      %jit3A_367 = arith.constant 4 : i32
      %eq3A_368 = arith.constant 0 : i32
      %eq3A_369 = arith.cmpi eq, %jit3A_367, %eq3A_368 : i32
      %jit3A_370 = arith.constant 1 : i32
      %select_n3A_371 = arith.select %eq3A_369, %jit3A_370, %jit3A_367 : i32
      %rem3A_372 = arith.remsi %add3A_243, %select_n3A_371 : i32
      %ne3A_373 = arith.constant 0 : i32
      %ne3A_374 = arith.cmpi ne, %rem3A_372, %ne3A_373 : i32
      %lt3A_375 = arith.constant 0 : i32
      %lt3A_376 = arith.cmpi slt, %rem3A_372, %lt3A_375 : i32
      %lt3A_377 = arith.constant 0 : i32
      %lt3A_378 = arith.cmpi slt, %select_n3A_371, %lt3A_377 : i32
      %ne3A_379 = arith.xori %lt3A_376, %lt3A_378 : i1
      %and3A_380 = arith.andi %ne3A_379, %ne3A_374 : i1
      %add3A_381 = arith.addi %rem3A_372, %select_n3A_371 : i32
      %select_n3A_382 = arith.select %and3A_380, %add3A_381, %rem3A_372 : i32
      %mul3A_383 = arith.constant 32 : i32
      %mul3A_384 = arith.muli %select_n3A_382, %mul3A_383 : i32
      %add3A_385 = arith.constant 16 : i32
      %add3A_386 = arith.addi %mul3A_384, %add3A_385 : i32
      %get3A_387 = arith.index_cast %select_n3A_366 : i32 to index
      %get3A_388 = arith.index_cast %add3A_386 : i32 to index
      %get3A_389 = tpu.vector_load %arg9[%get3A_387, %get3A_388] {strides = array<i32>} : memref<40x128xi32, #tpu.memory_space<vmem>>, vector<1x16xi32>,
      %get3A_390 = vector.shape_cast %get3A_389 : vector<1x16xi32> to vector<16xi32>
      %swap3A_391 = arith.constant 16 : index
      %swap3A_392 = tpu.vector_load %arg10[%swap3A_391] {strides = array<i32>} : memref<32xi32, #tpu.memory_space<vmem>>, vector<16xi32>,
      %swap3A_393 = vector.shape_cast %swap3A_392 : vector<16xi32> to vector<16xi32>
      %swap3A_394 = vector.shape_cast %get3A_390 : vector<16xi32> to vector<16xi32>
      tpu.vector_store %arg10[%swap3A_391], %swap3A_394 {strides = array<i32>} : memref<32xi32, #tpu.memory_space<vmem>>, vector<16xi32>,
      %scan3A_395 = arith.constant 0 : i32
      %scan3A_396 = arith.constant 0 : i32
      %scan3A_397 = arith.constant 32 : i32
      %scan3A_398 = arith.addi %scan3A_396, %scan3A_397 : i32
      %scan3A_399 = arith.constant 1 : i32
      scf.for %scan3A_690 = %scan3A_396 to %scan3A_398 step %scan3A_399  : i32 {
        %get3A_691 = arith.index_cast %scan3A_690 : i32 to index
        %get3A_692 = arith.constant 0 : index
        %get3A_693 = tpu.vector_load %arg12[%get3A_691, %get3A_692] {strides = array<i32>} : memref<32x128xf32, #tpu.memory_space<vmem>>, vector<1x16xf32>,
        %get3A_694 = vector.shape_cast %get3A_693 : vector<1x16xf32> to vector<16xf32>
        %get3A_695 = arith.index_cast %scan3A_690 : i32 to index
        %get3A_696 = arith.constant 0 : index
        %get3A_697 = tpu.vector_load %arg14[%get3A_695, %get3A_696] {strides = array<i32>} : memref<32x128xf32, #tpu.memory_space<vmem>>, vector<1x16xf32>,
        %get3A_698 = vector.shape_cast %get3A_697 : vector<1x16xf32> to vector<16xf32>
        %add3A_699 = arith.addf %get3A_694, %get3A_698 : vector<16xf32>
        %max3A = arith.constant 0.000000e+00 : f32
        %max3A_700 = vector.broadcast %max3A : f32 to vector<16xf32>
        %max3A_701 = arith.maximumf %add3A_699, %max3A_700 : vector<16xf32>
        %swap3A_702 = arith.index_cast %scan3A_690 : i32 to index
        %swap3A_703 = arith.constant 0 : index
        %swap3A_704 = tpu.vector_load %arg16[%swap3A_702, %swap3A_703] {strides = array<i32>} : memref<32x128xf32, #tpu.memory_space<vmem>>, vector<1x16xf32>,
        %swap3A_705 = vector.shape_cast %swap3A_704 : vector<1x16xf32> to vector<16xf32>
        %swap3A_706 = vector.shape_cast %max3A_701 : vector<16xf32> to vector<1x16xf32>
        tpu.vector_store %arg16[%swap3A_702, %swap3A_703], %swap3A_706 {strides = array<i32>} : memref<32x128xf32, #tpu.memory_space<vmem>>, vector<1x16xf32>,
        %get3A_707 = arith.index_cast %scan3A_690 : i32 to index
        %get3A_708 = arith.constant 16 : index
        %get3A_709 = tpu.vector_load %arg12[%get3A_707, %get3A_708] {strides = array<i32>} : memref<32x128xf32, #tpu.memory_space<vmem>>, vector<1x16xf32>,
        %get3A_710 = vector.shape_cast %get3A_709 : vector<1x16xf32> to vector<16xf32>
        %get3A_711 = arith.index_cast %scan3A_690 : i32 to index
        %get3A_712 = arith.constant 16 : index
        %get3A_713 = tpu.vector_load %arg14[%get3A_711, %get3A_712] {strides = array<i32>} : memref<32x128xf32, #tpu.memory_space<vmem>>, vector<1x16xf32>,
        %get3A_714 = vector.shape_cast %get3A_713 : vector<1x16xf32> to vector<16xf32>
        %add3A_715 = arith.addf %get3A_710, %get3A_714 : vector<16xf32>
        %max3A_716 = arith.constant 0.000000e+00 : f32
        %max3A_717 = vector.broadcast %max3A_716 : f32 to vector<16xf32>
        %max3A_718 = arith.maximumf %add3A_715, %max3A_717 : vector<16xf32>
        %swap3A_719 = arith.index_cast %scan3A_690 : i32 to index
        %swap3A_720 = arith.constant 16 : index
        %swap3A_721 = tpu.vector_load %arg16[%swap3A_719, %swap3A_720] {strides = array<i32>} : memref<32x128xf32, #tpu.memory_space<vmem>>, vector<1x16xf32>,
        %swap3A_722 = vector.shape_cast %swap3A_721 : vector<1x16xf32> to vector<16xf32>
        %swap3A_723 = vector.shape_cast %max3A_718 : vector<16xf32> to vector<1x16xf32>
        tpu.vector_store %arg16[%swap3A_719, %swap3A_720], %swap3A_723 {strides = array<i32>} : memref<32x128xf32, #tpu.memory_space<vmem>>, vector<1x16xf32>,
        %get3A_724 = arith.index_cast %scan3A_690 : i32 to index
        %get3A_725 = arith.constant 32 : index
        %get3A_726 = tpu.vector_load %arg12[%get3A_724, %get3A_725] {strides = array<i32>} : memref<32x128xf32, #tpu.memory_space<vmem>>, vector<1x16xf32>,
        %get3A_727 = vector.shape_cast %get3A_726 : vector<1x16xf32> to vector<16xf32>
        %get3A_728 = arith.index_cast %scan3A_690 : i32 to index
        %get3A_729 = arith.constant 32 : index
        %get3A_730 = tpu.vector_load %arg14[%get3A_728, %get3A_729] {strides = array<i32>} : memref<32x128xf32, #tpu.memory_space<vmem>>, vector<1x16xf32>,
        %get3A_731 = vector.shape_cast %get3A_730 : vector<1x16xf32> to vector<16xf32>
        %add3A_732 = arith.addf %get3A_727, %get3A_731 : vector<16xf32>
        %max3A_733 = arith.constant 0.000000e+00 : f32
        %max3A_734 = vector.broadcast %max3A_733 : f32 to vector<16xf32>
        %max3A_735 = arith.maximumf %add3A_732, %max3A_734 : vector<16xf32>
        %swap3A_736 = arith.index_cast %scan3A_690 : i32 to index
        %swap3A_737 = arith.constant 32 : index
        %swap3A_738 = tpu.vector_load %arg16[%swap3A_736, %swap3A_737] {strides = array<i32>} : memref<32x128xf32, #tpu.memory_space<vmem>>, vector<1x16xf32>,
        %swap3A_739 = vector.shape_cast %swap3A_738 : vector<1x16xf32> to vector<16xf32>
        %swap3A_740 = vector.shape_cast %max3A_735 : vector<16xf32> to vector<1x16xf32>
        tpu.vector_store %arg16[%swap3A_736, %swap3A_737], %swap3A_740 {strides = array<i32>} : memref<32x128xf32, #tpu.memory_space<vmem>>, vector<1x16xf32>,
        %get3A_741 = arith.index_cast %scan3A_690 : i32 to index
        %get3A_742 = arith.constant 48 : index
        %get3A_743 = tpu.vector_load %arg12[%get3A_741, %get3A_742] {strides = array<i32>} : memref<32x128xf32, #tpu.memory_space<vmem>>, vector<1x16xf32>,
        %get3A_744 = vector.shape_cast %get3A_743 : vector<1x16xf32> to vector<16xf32>
        %get3A_745 = arith.index_cast %scan3A_690 : i32 to index
        %get3A_746 = arith.constant 48 : index
        %get3A_747 = tpu.vector_load %arg14[%get3A_745, %get3A_746] {strides = array<i32>} : memref<32x128xf32, #tpu.memory_space<vmem>>, vector<1x16xf32>,
        %get3A_748 = vector.shape_cast %get3A_747 : vector<1x16xf32> to vector<16xf32>
        %add3A_749 = arith.addf %get3A_744, %get3A_748 : vector<16xf32>
        %max3A_750 = arith.constant 0.000000e+00 : f32
        %max3A_751 = vector.broadcast %max3A_750 : f32 to vector<16xf32>
        %max3A_752 = arith.maximumf %add3A_749, %max3A_751 : vector<16xf32>
        %swap3A_753 = arith.index_cast %scan3A_690 : i32 to index
        %swap3A_754 = arith.constant 48 : index
        %swap3A_755 = tpu.vector_load %arg16[%swap3A_753, %swap3A_754] {strides = array<i32>} : memref<32x128xf32, #tpu.memory_space<vmem>>, vector<1x16xf32>,
        %swap3A_756 = vector.shape_cast %swap3A_755 : vector<1x16xf32> to vector<16xf32>
        %swap3A_757 = vector.shape_cast %max3A_752 : vector<16xf32> to vector<1x16xf32>
        tpu.vector_store %arg16[%swap3A_753, %swap3A_754], %swap3A_757 {strides = array<i32>} : memref<32x128xf32, #tpu.memory_space<vmem>>, vector<1x16xf32>,
        %get3A_758 = arith.index_cast %scan3A_690 : i32 to index
        %get3A_759 = arith.constant 64 : index
        %get3A_760 = tpu.vector_load %arg12[%get3A_758, %get3A_759] {strides = array<i32>} : memref<32x128xf32, #tpu.memory_space<vmem>>, vector<1x16xf32>,
        %get3A_761 = vector.shape_cast %get3A_760 : vector<1x16xf32> to vector<16xf32>
        %get3A_762 = arith.index_cast %scan3A_690 : i32 to index
        %get3A_763 = arith.constant 64 : index
        %get3A_764 = tpu.vector_load %arg14[%get3A_762, %get3A_763] {strides = array<i32>} : memref<32x128xf32, #tpu.memory_space<vmem>>, vector<1x16xf32>,
        %get3A_765 = vector.shape_cast %get3A_764 : vector<1x16xf32> to vector<16xf32>
        %add3A_766 = arith.addf %get3A_761, %get3A_765 : vector<16xf32>
        %max3A_767 = arith.constant 0.000000e+00 : f32
        %max3A_768 = vector.broadcast %max3A_767 : f32 to vector<16xf32>
        %max3A_769 = arith.maximumf %add3A_766, %max3A_768 : vector<16xf32>
        %swap3A_770 = arith.index_cast %scan3A_690 : i32 to index
        %swap3A_771 = arith.constant 64 : index
        %swap3A_772 = tpu.vector_load %arg16[%swap3A_770, %swap3A_771] {strides = array<i32>} : memref<32x128xf32, #tpu.memory_space<vmem>>, vector<1x16xf32>,
        %swap3A_773 = vector.shape_cast %swap3A_772 : vector<1x16xf32> to vector<16xf32>
        %swap3A_774 = vector.shape_cast %max3A_769 : vector<16xf32> to vector<1x16xf32>
        tpu.vector_store %arg16[%swap3A_770, %swap3A_771], %swap3A_774 {strides = array<i32>} : memref<32x128xf32, #tpu.memory_space<vmem>>, vector<1x16xf32>,
        %get3A_775 = arith.index_cast %scan3A_690 : i32 to index
        %get3A_776 = arith.constant 80 : index
        %get3A_777 = tpu.vector_load %arg12[%get3A_775, %get3A_776] {strides = array<i32>} : memref<32x128xf32, #tpu.memory_space<vmem>>, vector<1x16xf32>,
        %get3A_778 = vector.shape_cast %get3A_777 : vector<1x16xf32> to vector<16xf32>
        %get3A_779 = arith.index_cast %scan3A_690 : i32 to index
        %get3A_780 = arith.constant 80 : index
        %get3A_781 = tpu.vector_load %arg14[%get3A_779, %get3A_780] {strides = array<i32>} : memref<32x128xf32, #tpu.memory_space<vmem>>, vector<1x16xf32>,
        %get3A_782 = vector.shape_cast %get3A_781 : vector<1x16xf32> to vector<16xf32>
        %add3A_783 = arith.addf %get3A_778, %get3A_782 : vector<16xf32>
        %max3A_784 = arith.constant 0.000000e+00 : f32
        %max3A_785 = vector.broadcast %max3A_784 : f32 to vector<16xf32>
        %max3A_786 = arith.maximumf %add3A_783, %max3A_785 : vector<16xf32>
        %swap3A_787 = arith.index_cast %scan3A_690 : i32 to index
        %swap3A_788 = arith.constant 80 : index
        %swap3A_789 = tpu.vector_load %arg16[%swap3A_787, %swap3A_788] {strides = array<i32>} : memref<32x128xf32, #tpu.memory_space<vmem>>, vector<1x16xf32>,
        %swap3A_790 = vector.shape_cast %swap3A_789 : vector<1x16xf32> to vector<16xf32>
        %swap3A_791 = vector.shape_cast %max3A_786 : vector<16xf32> to vector<1x16xf32>
        tpu.vector_store %arg16[%swap3A_787, %swap3A_788], %swap3A_791 {strides = array<i32>} : memref<32x128xf32, #tpu.memory_space<vmem>>, vector<1x16xf32>,
        %get3A_792 = arith.index_cast %scan3A_690 : i32 to index
        %get3A_793 = arith.constant 96 : index
        %get3A_794 = tpu.vector_load %arg12[%get3A_792, %get3A_793] {strides = array<i32>} : memref<32x128xf32, #tpu.memory_space<vmem>>, vector<1x16xf32>,
        %get3A_795 = vector.shape_cast %get3A_794 : vector<1x16xf32> to vector<16xf32>
        %get3A_796 = arith.index_cast %scan3A_690 : i32 to index
        %get3A_797 = arith.constant 96 : index
        %get3A_798 = tpu.vector_load %arg14[%get3A_796, %get3A_797] {strides = array<i32>} : memref<32x128xf32, #tpu.memory_space<vmem>>, vector<1x16xf32>,
        %get3A_799 = vector.shape_cast %get3A_798 : vector<1x16xf32> to vector<16xf32>
        %add3A_800 = arith.addf %get3A_795, %get3A_799 : vector<16xf32>
        %max3A_801 = arith.constant 0.000000e+00 : f32
        %max3A_802 = vector.broadcast %max3A_801 : f32 to vector<16xf32>
        %max3A_803 = arith.maximumf %add3A_800, %max3A_802 : vector<16xf32>
        %swap3A_804 = arith.index_cast %scan3A_690 : i32 to index
        %swap3A_805 = arith.constant 96 : index
        %swap3A_806 = tpu.vector_load %arg16[%swap3A_804, %swap3A_805] {strides = array<i32>} : memref<32x128xf32, #tpu.memory_space<vmem>>, vector<1x16xf32>,
        %swap3A_807 = vector.shape_cast %swap3A_806 : vector<1x16xf32> to vector<16xf32>
        %swap3A_808 = vector.shape_cast %max3A_803 : vector<16xf32> to vector<1x16xf32>
        tpu.vector_store %arg16[%swap3A_804, %swap3A_805], %swap3A_808 {strides = array<i32>} : memref<32x128xf32, #tpu.memory_space<vmem>>, vector<1x16xf32>,
        %get3A_809 = arith.index_cast %scan3A_690 : i32 to index
        %get3A_810 = arith.constant 112 : index
        %get3A_811 = tpu.vector_load %arg12[%get3A_809, %get3A_810] {strides = array<i32>} : memref<32x128xf32, #tpu.memory_space<vmem>>, vector<1x16xf32>,
        %get3A_812 = vector.shape_cast %get3A_811 : vector<1x16xf32> to vector<16xf32>
        %get3A_813 = arith.index_cast %scan3A_690 : i32 to index
        %get3A_814 = arith.constant 112 : index
        %get3A_815 = tpu.vector_load %arg14[%get3A_813, %get3A_814] {strides = array<i32>} : memref<32x128xf32, #tpu.memory_space<vmem>>, vector<1x16xf32>,
        %get3A_816 = vector.shape_cast %get3A_815 : vector<1x16xf32> to vector<16xf32>
        %add3A_817 = arith.addf %get3A_812, %get3A_816 : vector<16xf32>
        %max3A_818 = arith.constant 0.000000e+00 : f32
        %max3A_819 = vector.broadcast %max3A_818 : f32 to vector<16xf32>
        %max3A_820 = arith.maximumf %add3A_817, %max3A_819 : vector<16xf32>
        %swap3A_821 = arith.index_cast %scan3A_690 : i32 to index
        %swap3A_822 = arith.constant 112 : index
        %swap3A_823 = tpu.vector_load %arg16[%swap3A_821, %swap3A_822] {strides = array<i32>} : memref<32x128xf32, #tpu.memory_space<vmem>>, vector<1x16xf32>,
        %swap3A_824 = vector.shape_cast %swap3A_823 : vector<1x16xf32> to vector<16xf32>
        %swap3A_825 = vector.shape_cast %max3A_820 : vector<16xf32> to vector<1x16xf32>
        tpu.vector_store %arg16[%swap3A_821, %swap3A_822], %swap3A_825 {strides = array<i32>} : memref<32x128xf32, #tpu.memory_space<vmem>>, vector<1x16xf32>,
      }
      %scan3A_400 = arith.constant 32 : i32
      %dma_start3A_401 = arith.constant 0 : i32
      %dma_start3A_402 = arith.constant 0 : i32
      %dma_start3A_403 = tpu.memref_slice %arg18[%dma_start3A_401, %dma_start3A_402] : memref<10240x128xf32, #tpu.memory_space<vmem_shared>> -> memref<10240x128xf32, #tpu.memory_space<vmem_shared>>
      tpu.enqueue_indirect_dma source(%arg16 : memref<32x128xf32, #tpu.memory_space<vmem>>) target(%dma_start3A_403 : memref<10240x128xf32, #tpu.memory_space<vmem_shared>>) offsets(%arg10 : memref<32xi32, #tpu.memory_space<vmem>>) semaphore(%arg23 : memref<!tpu.dma_semaphore, #tpu.memory_space<semaphore_mem>>) {add = true}
      %add3A_404 = arith.constant 2 : i32
      %add3A_405 = arith.addi %add3A_243, %add3A_404 : i32
      %mul3A_406 = arith.constant 32 : i32
      %mul3A_407 = arith.muli %add3A_405, %mul3A_406 : i32
      %add3A_408 = arith.addi %mul3A_2, %mul3A_407 : i32
      %dma_start3A_409 = arith.constant 0 : i32
      %dma_start3A_410 = tpu.memref_slice %arg5[%add3A_408, %dma_start3A_409] : memref<163840x128xf32, #tpu.memory_space<hbm>> -> memref<32x128xf32, #tpu.memory_space<hbm>>
      %dma_start3A_411 = arith.constant 0 : i32
      %dma_start3A_412 = tpu.memref_slice %arg5[%add3A_408, %dma_start3A_411] : memref<163840x128xf32, #tpu.memory_space<hbm>> -> memref<32x128xf32, #tpu.memory_space<hbm>>
      tpu.enqueue_dma source(%dma_start3A_412 : memref<32x128xf32, #tpu.memory_space<hbm>>) target(%arg14 : memref<32x128xf32, #tpu.memory_space<vmem>>) target_semaphore(%arg21 : memref<!tpu.dma_semaphore, #tpu.memory_space<semaphore_mem>>)
      %jit3A_413 = arith.constant 4 : i32
      %div3A_414 = arith.divsi %add3A_405, %jit3A_413 : i32
      %sign3A_415 = arith.constant 0 : i32
      %sign3A_416 = arith.cmpi sgt, %add3A_405, %sign3A_415 : i32
      %sign3A_417 = arith.extui %sign3A_416 : i1 to i32
      %sign3A_418 = arith.constant 0 : i32
      %sign3A_419 = arith.cmpi slt, %add3A_405, %sign3A_418 : i32
      %sign3A_420 = arith.extui %sign3A_419 : i1 to i32
      %sign3A_421 = arith.subi %sign3A_417, %sign3A_420 : i32
      %sign3A_422 = arith.constant 0 : i32
      %sign3A_423 = arith.cmpi sgt, %jit3A_413, %sign3A_422 : i32
      %sign3A_424 = arith.extui %sign3A_423 : i1 to i32
      %sign3A_425 = arith.constant 0 : i32
      %sign3A_426 = arith.cmpi slt, %jit3A_413, %sign3A_425 : i32
      %sign3A_427 = arith.extui %sign3A_426 : i1 to i32
      %sign3A_428 = arith.subi %sign3A_424, %sign3A_427 : i32
      %ne3A_429 = arith.cmpi ne, %sign3A_421, %sign3A_428 : i32
      %rem3A_430 = arith.remsi %add3A_405, %jit3A_413 : i32
      %ne3A_431 = arith.constant 0 : i32
      %ne3A_432 = arith.cmpi ne, %rem3A_430, %ne3A_431 : i32
      %and3A_433 = arith.andi %ne3A_429, %ne3A_432 : i1
      %sub3A_434 = arith.constant 1 : i32
      %sub3A_435 = arith.subi %div3A_414, %sub3A_434 : i32
      %select_n3A_436 = arith.select %and3A_433, %sub3A_435, %div3A_414 : i32
      %jit3A_437 = arith.constant 4 : i32
      %eq3A_438 = arith.constant 0 : i32
      %eq3A_439 = arith.cmpi eq, %jit3A_437, %eq3A_438 : i32
      %jit3A_440 = arith.constant 1 : i32
      %select_n3A_441 = arith.select %eq3A_439, %jit3A_440, %jit3A_437 : i32
      %rem3A_442 = arith.remsi %add3A_405, %select_n3A_441 : i32
      %ne3A_443 = arith.constant 0 : i32
      %ne3A_444 = arith.cmpi ne, %rem3A_442, %ne3A_443 : i32
      %lt3A_445 = arith.constant 0 : i32
      %lt3A_446 = arith.cmpi slt, %rem3A_442, %lt3A_445 : i32
      %lt3A_447 = arith.constant 0 : i32
      %lt3A_448 = arith.cmpi slt, %select_n3A_441, %lt3A_447 : i32
      %ne3A_449 = arith.xori %lt3A_446, %lt3A_448 : i1
      %and3A_450 = arith.andi %ne3A_449, %ne3A_444 : i1
      %add3A_451 = arith.addi %rem3A_442, %select_n3A_441 : i32
      %select_n3A_452 = arith.select %and3A_450, %add3A_451, %rem3A_442 : i32
      %mul3A_453 = arith.constant 32 : i32
      %mul3A_454 = arith.muli %select_n3A_452, %mul3A_453 : i32
      %dma_start3A_455 = tpu.memref_slice %arg8[%select_n3A_436, %mul3A_454] : memref<40x128xi32, #tpu.memory_space<vmem>> -> memref<1x32xi32, #tpu.memory_space<vmem>>
      %dma_start3A_456 = tpu.memref_squeeze %dma_start3A_455 : memref<1x32xi32, #tpu.memory_space<vmem>> -> memref<32xi32, #tpu.memory_space<vmem>>
      %dma_start3A_457 = arith.constant 0 : i32
      %dma_start3A_458 = arith.constant 0 : i32
      %dma_start3A_459 = tpu.memref_slice %arg2[%dma_start3A_457, %dma_start3A_458] : memref<10000x128xf32, #tpu.memory_space<hbm>> -> memref<10000x128xf32, #tpu.memory_space<hbm>>
      tpu.enqueue_indirect_dma source(%dma_start3A_459 : memref<10000x128xf32, #tpu.memory_space<hbm>>) target(%arg12 : memref<32x128xf32, #tpu.memory_space<vmem>>) offsets(%dma_start3A_456 : memref<32xi32, #tpu.memory_space<vmem>>) semaphore(%arg19 : memref<!tpu.dma_semaphore, #tpu.memory_space<semaphore_mem>>)
      %mul3A_460 = arith.constant 2 : i32
      %mul3A_461 = arith.muli %mul3A_460, %scan3A_239 : i32
      %add3A_462 = arith.constant 1 : i32
      %add3A_463 = arith.addi %mul3A_461, %add3A_462 : i32
      %mul3A_464 = arith.constant 32 : i32
      %mul3A_465 = arith.muli %add3A_463, %mul3A_464 : i32
      %add3A_466 = arith.addi %mul3A_2, %mul3A_465 : i32
      %dma_wait3A_467 = arith.constant 0 : i32
      %dma_wait3A_468 = tpu.memref_slice %arg5[%add3A_466, %dma_wait3A_467] : memref<163840x128xf32, #tpu.memory_space<hbm>> -> memref<32x128xf32, #tpu.memory_space<hbm>>
      %dma_wait3A_469 = arith.constant 0 : i32
      %dma_wait3A_470 = tpu.memref_slice %arg5[%add3A_466, %dma_wait3A_469] : memref<163840x128xf32, #tpu.memory_space<hbm>> -> memref<32x128xf32, #tpu.memory_space<hbm>>
      tpu.wait_dma2 semaphore(%arg22 : memref<!tpu.dma_semaphore, #tpu.memory_space<semaphore_mem>>) src(%dma_wait3A_470 : memref<32x128xf32, #tpu.memory_space<hbm>>) dst(%arg15 : memref<32x128xf32, #tpu.memory_space<vmem>>)
      %jit3A_471 = arith.constant 4 : i32
      %div3A_472 = arith.divsi %add3A_463, %jit3A_471 : i32
      %sign3A_473 = arith.constant 0 : i32
      %sign3A_474 = arith.cmpi sgt, %add3A_463, %sign3A_473 : i32
      %sign3A_475 = arith.extui %sign3A_474 : i1 to i32
      %sign3A_476 = arith.constant 0 : i32
      %sign3A_477 = arith.cmpi slt, %add3A_463, %sign3A_476 : i32
      %sign3A_478 = arith.extui %sign3A_477 : i1 to i32
      %sign3A_479 = arith.subi %sign3A_475, %sign3A_478 : i32
      %sign3A_480 = arith.constant 0 : i32
      %sign3A_481 = arith.cmpi sgt, %jit3A_471, %sign3A_480 : i32
      %sign3A_482 = arith.extui %sign3A_481 : i1 to i32
      %sign3A_483 = arith.constant 0 : i32
      %sign3A_484 = arith.cmpi slt, %jit3A_471, %sign3A_483 : i32
      %sign3A_485 = arith.extui %sign3A_484 : i1 to i32
      %sign3A_486 = arith.subi %sign3A_482, %sign3A_485 : i32
      %ne3A_487 = arith.cmpi ne, %sign3A_479, %sign3A_486 : i32
      %rem3A_488 = arith.remsi %add3A_463, %jit3A_471 : i32
      %ne3A_489 = arith.constant 0 : i32
      %ne3A_490 = arith.cmpi ne, %rem3A_488, %ne3A_489 : i32
      %and3A_491 = arith.andi %ne3A_487, %ne3A_490 : i1
      %sub3A_492 = arith.constant 1 : i32
      %sub3A_493 = arith.subi %div3A_472, %sub3A_492 : i32
      %select_n3A_494 = arith.select %and3A_491, %sub3A_493, %div3A_472 : i32
      %jit3A_495 = arith.constant 4 : i32
      %eq3A_496 = arith.constant 0 : i32
      %eq3A_497 = arith.cmpi eq, %jit3A_495, %eq3A_496 : i32
      %jit3A_498 = arith.constant 1 : i32
      %select_n3A_499 = arith.select %eq3A_497, %jit3A_498, %jit3A_495 : i32
      %rem3A_500 = arith.remsi %add3A_463, %select_n3A_499 : i32
      %ne3A_501 = arith.constant 0 : i32
      %ne3A_502 = arith.cmpi ne, %rem3A_500, %ne3A_501 : i32
      %lt3A_503 = arith.constant 0 : i32
      %lt3A_504 = arith.cmpi slt, %rem3A_500, %lt3A_503 : i32
      %lt3A_505 = arith.constant 0 : i32
      %lt3A_506 = arith.cmpi slt, %select_n3A_499, %lt3A_505 : i32
      %ne3A_507 = arith.xori %lt3A_504, %lt3A_506 : i1
      %and3A_508 = arith.andi %ne3A_507, %ne3A_502 : i1
      %add3A_509 = arith.addi %rem3A_500, %select_n3A_499 : i32
      %select_n3A_510 = arith.select %and3A_508, %add3A_509, %rem3A_500 : i32
      %mul3A_511 = arith.constant 32 : i32
      %mul3A_512 = arith.muli %select_n3A_510, %mul3A_511 : i32
      %dma_wait3A_513 = tpu.memref_slice %arg8[%select_n3A_494, %mul3A_512] : memref<40x128xi32, #tpu.memory_space<vmem>> -> memref<1x32xi32, #tpu.memory_space<vmem>>
      %dma_wait3A_514 = tpu.memref_squeeze %dma_wait3A_513 : memref<1x32xi32, #tpu.memory_space<vmem>> -> memref<32xi32, #tpu.memory_space<vmem>>
      %dma_wait3A_515 = arith.constant 0 : i32
      %dma_wait3A_516 = arith.constant 0 : i32
      %dma_wait3A_517 = tpu.memref_slice %arg2[%dma_wait3A_515, %dma_wait3A_516] : memref<10000x128xf32, #tpu.memory_space<hbm>> -> memref<10000x128xf32, #tpu.memory_space<hbm>>
      tpu.wait_indirect_dma semaphore(%arg20 : memref<!tpu.dma_semaphore, #tpu.memory_space<semaphore_mem>>) src(%dma_wait3A_517 : memref<10000x128xf32, #tpu.memory_space<hbm>>) dst(%arg13 : memref<32x128xf32, #tpu.memory_space<vmem>>)
      %dma_wait3A_518 = arith.constant 0 : i32
      %dma_wait3A_519 = arith.constant 0 : i32
      %dma_wait3A_520 = tpu.memref_slice %arg18[%dma_wait3A_518, %dma_wait3A_519] : memref<10240x128xf32, #tpu.memory_space<vmem_shared>> -> memref<10240x128xf32, #tpu.memory_space<vmem_shared>>
      tpu.wait_indirect_dma semaphore(%arg24 : memref<!tpu.dma_semaphore, #tpu.memory_space<semaphore_mem>>) src(%arg17 : memref<32x128xf32, #tpu.memory_space<vmem>>) dst(%dma_wait3A_520 : memref<10240x128xf32, #tpu.memory_space<vmem_shared>>)
      %jit3A_521 = arith.constant 4 : i32
      %div3A_522 = arith.divsi %add3A_463, %jit3A_521 : i32
      %sign3A_523 = arith.constant 0 : i32
      %sign3A_524 = arith.cmpi sgt, %add3A_463, %sign3A_523 : i32
      %sign3A_525 = arith.extui %sign3A_524 : i1 to i32
      %sign3A_526 = arith.constant 0 : i32
      %sign3A_527 = arith.cmpi slt, %add3A_463, %sign3A_526 : i32
      %sign3A_528 = arith.extui %sign3A_527 : i1 to i32
      %sign3A_529 = arith.subi %sign3A_525, %sign3A_528 : i32
      %sign3A_530 = arith.constant 0 : i32
      %sign3A_531 = arith.cmpi sgt, %jit3A_521, %sign3A_530 : i32
      %sign3A_532 = arith.extui %sign3A_531 : i1 to i32
      %sign3A_533 = arith.constant 0 : i32
      %sign3A_534 = arith.cmpi slt, %jit3A_521, %sign3A_533 : i32
      %sign3A_535 = arith.extui %sign3A_534 : i1 to i32
      %sign3A_536 = arith.subi %sign3A_532, %sign3A_535 : i32
      %ne3A_537 = arith.cmpi ne, %sign3A_529, %sign3A_536 : i32
      %rem3A_538 = arith.remsi %add3A_463, %jit3A_521 : i32
      %ne3A_539 = arith.constant 0 : i32
      %ne3A_540 = arith.cmpi ne, %rem3A_538, %ne3A_539 : i32
      %and3A_541 = arith.andi %ne3A_537, %ne3A_540 : i1
      %sub3A_542 = arith.constant 1 : i32
      %sub3A_543 = arith.subi %div3A_522, %sub3A_542 : i32
      %select_n3A_544 = arith.select %and3A_541, %sub3A_543, %div3A_522 : i32
      %jit3A_545 = arith.constant 4 : i32
      %eq3A_546 = arith.constant 0 : i32
      %eq3A_547 = arith.cmpi eq, %jit3A_545, %eq3A_546 : i32
      %jit3A_548 = arith.constant 1 : i32
      %select_n3A_549 = arith.select %eq3A_547, %jit3A_548, %jit3A_545 : i32
      %rem3A_550 = arith.remsi %add3A_463, %select_n3A_549 : i32
      %ne3A_551 = arith.constant 0 : i32
      %ne3A_552 = arith.cmpi ne, %rem3A_550, %ne3A_551 : i32
      %lt3A_553 = arith.constant 0 : i32
      %lt3A_554 = arith.cmpi slt, %rem3A_550, %lt3A_553 : i32
      %lt3A_555 = arith.constant 0 : i32
      %lt3A_556 = arith.cmpi slt, %select_n3A_549, %lt3A_555 : i32
      %ne3A_557 = arith.xori %lt3A_554, %lt3A_556 : i1
      %and3A_558 = arith.andi %ne3A_557, %ne3A_552 : i1
      %add3A_559 = arith.addi %rem3A_550, %select_n3A_549 : i32
      %select_n3A_560 = arith.select %and3A_558, %add3A_559, %rem3A_550 : i32
      %mul3A_561 = arith.constant 32 : i32
      %mul3A_562 = arith.muli %select_n3A_560, %mul3A_561 : i32
      %add3A_563 = arith.constant 0 : i32
      %add3A_564 = arith.addi %mul3A_562, %add3A_563 : i32
      %get3A_565 = arith.index_cast %select_n3A_544 : i32 to index
      %get3A_566 = arith.index_cast %add3A_564 : i32 to index
      %get3A_567 = tpu.vector_load %arg9[%get3A_565, %get3A_566] {strides = array<i32>} : memref<40x128xi32, #tpu.memory_space<vmem>>, vector<1x16xi32>,
      %get3A_568 = vector.shape_cast %get3A_567 : vector<1x16xi32> to vector<16xi32>
      %swap3A_569 = arith.constant 0 : index
      %swap3A_570 = tpu.vector_load %arg11[%swap3A_569] {strides = array<i32>} : memref<32xi32, #tpu.memory_space<vmem>>, vector<16xi32>,
      %swap3A_571 = vector.shape_cast %swap3A_570 : vector<16xi32> to vector<16xi32>
      %swap3A_572 = vector.shape_cast %get3A_568 : vector<16xi32> to vector<16xi32>
      tpu.vector_store %arg11[%swap3A_569], %swap3A_572 {strides = array<i32>} : memref<32xi32, #tpu.memory_space<vmem>>, vector<16xi32>,
      %jit3A_573 = arith.constant 4 : i32
      %div3A_574 = arith.divsi %add3A_463, %jit3A_573 : i32
      %sign3A_575 = arith.constant 0 : i32
      %sign3A_576 = arith.cmpi sgt, %add3A_463, %sign3A_575 : i32
      %sign3A_577 = arith.extui %sign3A_576 : i1 to i32
      %sign3A_578 = arith.constant 0 : i32
      %sign3A_579 = arith.cmpi slt, %add3A_463, %sign3A_578 : i32
      %sign3A_580 = arith.extui %sign3A_579 : i1 to i32
      %sign3A_581 = arith.subi %sign3A_577, %sign3A_580 : i32
      %sign3A_582 = arith.constant 0 : i32
      %sign3A_583 = arith.cmpi sgt, %jit3A_573, %sign3A_582 : i32
      %sign3A_584 = arith.extui %sign3A_583 : i1 to i32
      %sign3A_585 = arith.constant 0 : i32
      %sign3A_586 = arith.cmpi slt, %jit3A_573, %sign3A_585 : i32
      %sign3A_587 = arith.extui %sign3A_586 : i1 to i32
      %sign3A_588 = arith.subi %sign3A_584, %sign3A_587 : i32
      %ne3A_589 = arith.cmpi ne, %sign3A_581, %sign3A_588 : i32
      %rem3A_590 = arith.remsi %add3A_463, %jit3A_573 : i32
      %ne3A_591 = arith.constant 0 : i32
      %ne3A_592 = arith.cmpi ne, %rem3A_590, %ne3A_591 : i32
      %and3A_593 = arith.andi %ne3A_589, %ne3A_592 : i1
      %sub3A_594 = arith.constant 1 : i32
      %sub3A_595 = arith.subi %div3A_574, %sub3A_594 : i32
      %select_n3A_596 = arith.select %and3A_593, %sub3A_595, %div3A_574 : i32
      %jit3A_597 = arith.constant 4 : i32
      %eq3A_598 = arith.constant 0 : i32
      %eq3A_599 = arith.cmpi eq, %jit3A_597, %eq3A_598 : i32
      %jit3A_600 = arith.constant 1 : i32
      %select_n3A_601 = arith.select %eq3A_599, %jit3A_600, %jit3A_597 : i32
      %rem3A_602 = arith.remsi %add3A_463, %select_n3A_601 : i32
      %ne3A_603 = arith.constant 0 : i32
      %ne3A_604 = arith.cmpi ne, %rem3A_602, %ne3A_603 : i32
      %lt3A_605 = arith.constant 0 : i32
      %lt3A_606 = arith.cmpi slt, %rem3A_602, %lt3A_605 : i32
      %lt3A_607 = arith.constant 0 : i32
      %lt3A_608 = arith.cmpi slt, %select_n3A_601, %lt3A_607 : i32
      %ne3A_609 = arith.xori %lt3A_606, %lt3A_608 : i1
      %and3A_610 = arith.andi %ne3A_609, %ne3A_604 : i1
      %add3A_611 = arith.addi %rem3A_602, %select_n3A_601 : i32
      %select_n3A_612 = arith.select %and3A_610, %add3A_611, %rem3A_602 : i32
      %mul3A_613 = arith.constant 32 : i32
      %mul3A_614 = arith.muli %select_n3A_612, %mul3A_613 : i32
      %add3A_615 = arith.constant 16 : i32
      %add3A_616 = arith.addi %mul3A_614, %add3A_615 : i32
      %get3A_617 = arith.index_cast %select_n3A_596 : i32 to index
      %get3A_618 = arith.index_cast %add3A_616 : i32 to index
      %get3A_619 = tpu.vector_load %arg9[%get3A_617, %get3A_618] {strides = array<i32>} : memref<40x128xi32, #tpu.memory_space<vmem>>, vector<1x16xi32>,
      %get3A_620 = vector.shape_cast %get3A_619 : vector<1x16xi32> to vector<16xi32>
      %swap3A_621 = arith.constant 16 : index
      %swap3A_622 = tpu.vector_load %arg11[%swap3A_621] {strides = array<i32>} : memref<32xi32, #tpu.memory_space<vmem>>, vector<16xi32>,
      %swap3A_623 = vector.shape_cast %swap3A_622 : vector<16xi32> to vector<16xi32>
      %swap3A_624 = vector.shape_cast %get3A_620 : vector<16xi32> to vector<16xi32>
      tpu.vector_store %arg11[%swap3A_621], %swap3A_624 {strides = array<i32>} : memref<32xi32, #tpu.memory_space<vmem>>, vector<16xi32>,
      %scan3A_625 = arith.constant 0 : i32
      %scan3A_626 = arith.constant 0 : i32
      %scan3A_627 = arith.constant 32 : i32
      %scan3A_628 = arith.addi %scan3A_626, %scan3A_627 : i32
      %scan3A_629 = arith.constant 1 : i32
      scf.for %scan3A_690 = %scan3A_626 to %scan3A_628 step %scan3A_629  : i32 {
        %get3A_691 = arith.index_cast %scan3A_690 : i32 to index
        %get3A_692 = arith.constant 0 : index
        %get3A_693 = tpu.vector_load %arg13[%get3A_691, %get3A_692] {strides = array<i32>} : memref<32x128xf32, #tpu.memory_space<vmem>>, vector<1x16xf32>,
        %get3A_694 = vector.shape_cast %get3A_693 : vector<1x16xf32> to vector<16xf32>
        %get3A_695 = arith.index_cast %scan3A_690 : i32 to index
        %get3A_696 = arith.constant 0 : index
        %get3A_697 = tpu.vector_load %arg15[%get3A_695, %get3A_696] {strides = array<i32>} : memref<32x128xf32, #tpu.memory_space<vmem>>, vector<1x16xf32>,
        %get3A_698 = vector.shape_cast %get3A_697 : vector<1x16xf32> to vector<16xf32>
        %add3A_699 = arith.addf %get3A_694, %get3A_698 : vector<16xf32>
        %max3A = arith.constant 0.000000e+00 : f32
        %max3A_700 = vector.broadcast %max3A : f32 to vector<16xf32>
        %max3A_701 = arith.maximumf %add3A_699, %max3A_700 : vector<16xf32>
        %swap3A_702 = arith.index_cast %scan3A_690 : i32 to index
        %swap3A_703 = arith.constant 0 : index
        %swap3A_704 = tpu.vector_load %arg17[%swap3A_702, %swap3A_703] {strides = array<i32>} : memref<32x128xf32, #tpu.memory_space<vmem>>, vector<1x16xf32>,
        %swap3A_705 = vector.shape_cast %swap3A_704 : vector<1x16xf32> to vector<16xf32>
        %swap3A_706 = vector.shape_cast %max3A_701 : vector<16xf32> to vector<1x16xf32>
        tpu.vector_store %arg17[%swap3A_702, %swap3A_703], %swap3A_706 {strides = array<i32>} : memref<32x128xf32, #tpu.memory_space<vmem>>, vector<1x16xf32>,
        %get3A_707 = arith.index_cast %scan3A_690 : i32 to index
        %get3A_708 = arith.constant 16 : index
        %get3A_709 = tpu.vector_load %arg13[%get3A_707, %get3A_708] {strides = array<i32>} : memref<32x128xf32, #tpu.memory_space<vmem>>, vector<1x16xf32>,
        %get3A_710 = vector.shape_cast %get3A_709 : vector<1x16xf32> to vector<16xf32>
        %get3A_711 = arith.index_cast %scan3A_690 : i32 to index
        %get3A_712 = arith.constant 16 : index
        %get3A_713 = tpu.vector_load %arg15[%get3A_711, %get3A_712] {strides = array<i32>} : memref<32x128xf32, #tpu.memory_space<vmem>>, vector<1x16xf32>,
        %get3A_714 = vector.shape_cast %get3A_713 : vector<1x16xf32> to vector<16xf32>
        %add3A_715 = arith.addf %get3A_710, %get3A_714 : vector<16xf32>
        %max3A_716 = arith.constant 0.000000e+00 : f32
        %max3A_717 = vector.broadcast %max3A_716 : f32 to vector<16xf32>
        %max3A_718 = arith.maximumf %add3A_715, %max3A_717 : vector<16xf32>
        %swap3A_719 = arith.index_cast %scan3A_690 : i32 to index
        %swap3A_720 = arith.constant 16 : index
        %swap3A_721 = tpu.vector_load %arg17[%swap3A_719, %swap3A_720] {strides = array<i32>} : memref<32x128xf32, #tpu.memory_space<vmem>>, vector<1x16xf32>,
        %swap3A_722 = vector.shape_cast %swap3A_721 : vector<1x16xf32> to vector<16xf32>
        %swap3A_723 = vector.shape_cast %max3A_718 : vector<16xf32> to vector<1x16xf32>
        tpu.vector_store %arg17[%swap3A_719, %swap3A_720], %swap3A_723 {strides = array<i32>} : memref<32x128xf32, #tpu.memory_space<vmem>>, vector<1x16xf32>,
        %get3A_724 = arith.index_cast %scan3A_690 : i32 to index
        %get3A_725 = arith.constant 32 : index
        %get3A_726 = tpu.vector_load %arg13[%get3A_724, %get3A_725] {strides = array<i32>} : memref<32x128xf32, #tpu.memory_space<vmem>>, vector<1x16xf32>,
        %get3A_727 = vector.shape_cast %get3A_726 : vector<1x16xf32> to vector<16xf32>
        %get3A_728 = arith.index_cast %scan3A_690 : i32 to index
        %get3A_729 = arith.constant 32 : index
        %get3A_730 = tpu.vector_load %arg15[%get3A_728, %get3A_729] {strides = array<i32>} : memref<32x128xf32, #tpu.memory_space<vmem>>, vector<1x16xf32>,
        %get3A_731 = vector.shape_cast %get3A_730 : vector<1x16xf32> to vector<16xf32>
        %add3A_732 = arith.addf %get3A_727, %get3A_731 : vector<16xf32>
        %max3A_733 = arith.constant 0.000000e+00 : f32
        %max3A_734 = vector.broadcast %max3A_733 : f32 to vector<16xf32>
        %max3A_735 = arith.maximumf %add3A_732, %max3A_734 : vector<16xf32>
        %swap3A_736 = arith.index_cast %scan3A_690 : i32 to index
        %swap3A_737 = arith.constant 32 : index
        %swap3A_738 = tpu.vector_load %arg17[%swap3A_736, %swap3A_737] {strides = array<i32>} : memref<32x128xf32, #tpu.memory_space<vmem>>, vector<1x16xf32>,
        %swap3A_739 = vector.shape_cast %swap3A_738 : vector<1x16xf32> to vector<16xf32>
        %swap3A_740 = vector.shape_cast %max3A_735 : vector<16xf32> to vector<1x16xf32>
        tpu.vector_store %arg17[%swap3A_736, %swap3A_737], %swap3A_740 {strides = array<i32>} : memref<32x128xf32, #tpu.memory_space<vmem>>, vector<1x16xf32>,
        %get3A_741 = arith.index_cast %scan3A_690 : i32 to index
        %get3A_742 = arith.constant 48 : index
        %get3A_743 = tpu.vector_load %arg13[%get3A_741, %get3A_742] {strides = array<i32>} : memref<32x128xf32, #tpu.memory_space<vmem>>, vector<1x16xf32>,
        %get3A_744 = vector.shape_cast %get3A_743 : vector<1x16xf32> to vector<16xf32>
        %get3A_745 = arith.index_cast %scan3A_690 : i32 to index
        %get3A_746 = arith.constant 48 : index
        %get3A_747 = tpu.vector_load %arg15[%get3A_745, %get3A_746] {strides = array<i32>} : memref<32x128xf32, #tpu.memory_space<vmem>>, vector<1x16xf32>,
        %get3A_748 = vector.shape_cast %get3A_747 : vector<1x16xf32> to vector<16xf32>
        %add3A_749 = arith.addf %get3A_744, %get3A_748 : vector<16xf32>
        %max3A_750 = arith.constant 0.000000e+00 : f32
        %max3A_751 = vector.broadcast %max3A_750 : f32 to vector<16xf32>
        %max3A_752 = arith.maximumf %add3A_749, %max3A_751 : vector<16xf32>
        %swap3A_753 = arith.index_cast %scan3A_690 : i32 to index
        %swap3A_754 = arith.constant 48 : index
        %swap3A_755 = tpu.vector_load %arg17[%swap3A_753, %swap3A_754] {strides = array<i32>} : memref<32x128xf32, #tpu.memory_space<vmem>>, vector<1x16xf32>,
        %swap3A_756 = vector.shape_cast %swap3A_755 : vector<1x16xf32> to vector<16xf32>
        %swap3A_757 = vector.shape_cast %max3A_752 : vector<16xf32> to vector<1x16xf32>
        tpu.vector_store %arg17[%swap3A_753, %swap3A_754], %swap3A_757 {strides = array<i32>} : memref<32x128xf32, #tpu.memory_space<vmem>>, vector<1x16xf32>,
        %get3A_758 = arith.index_cast %scan3A_690 : i32 to index
        %get3A_759 = arith.constant 64 : index
        %get3A_760 = tpu.vector_load %arg13[%get3A_758, %get3A_759] {strides = array<i32>} : memref<32x128xf32, #tpu.memory_space<vmem>>, vector<1x16xf32>,
        %get3A_761 = vector.shape_cast %get3A_760 : vector<1x16xf32> to vector<16xf32>
        %get3A_762 = arith.index_cast %scan3A_690 : i32 to index
        %get3A_763 = arith.constant 64 : index
        %get3A_764 = tpu.vector_load %arg15[%get3A_762, %get3A_763] {strides = array<i32>} : memref<32x128xf32, #tpu.memory_space<vmem>>, vector<1x16xf32>,
        %get3A_765 = vector.shape_cast %get3A_764 : vector<1x16xf32> to vector<16xf32>
        %add3A_766 = arith.addf %get3A_761, %get3A_765 : vector<16xf32>
        %max3A_767 = arith.constant 0.000000e+00 : f32
        %max3A_768 = vector.broadcast %max3A_767 : f32 to vector<16xf32>
        %max3A_769 = arith.maximumf %add3A_766, %max3A_768 : vector<16xf32>
        %swap3A_770 = arith.index_cast %scan3A_690 : i32 to index
        %swap3A_771 = arith.constant 64 : index
        %swap3A_772 = tpu.vector_load %arg17[%swap3A_770, %swap3A_771] {strides = array<i32>} : memref<32x128xf32, #tpu.memory_space<vmem>>, vector<1x16xf32>,
        %swap3A_773 = vector.shape_cast %swap3A_772 : vector<1x16xf32> to vector<16xf32>
        %swap3A_774 = vector.shape_cast %max3A_769 : vector<16xf32> to vector<1x16xf32>
        tpu.vector_store %arg17[%swap3A_770, %swap3A_771], %swap3A_774 {strides = array<i32>} : memref<32x128xf32, #tpu.memory_space<vmem>>, vector<1x16xf32>,
        %get3A_775 = arith.index_cast %scan3A_690 : i32 to index
        %get3A_776 = arith.constant 80 : index
        %get3A_777 = tpu.vector_load %arg13[%get3A_775, %get3A_776] {strides = array<i32>} : memref<32x128xf32, #tpu.memory_space<vmem>>, vector<1x16xf32>,
        %get3A_778 = vector.shape_cast %get3A_777 : vector<1x16xf32> to vector<16xf32>
        %get3A_779 = arith.index_cast %scan3A_690 : i32 to index
        %get3A_780 = arith.constant 80 : index
        %get3A_781 = tpu.vector_load %arg15[%get3A_779, %get3A_780] {strides = array<i32>} : memref<32x128xf32, #tpu.memory_space<vmem>>, vector<1x16xf32>,
        %get3A_782 = vector.shape_cast %get3A_781 : vector<1x16xf32> to vector<16xf32>
        %add3A_783 = arith.addf %get3A_778, %get3A_782 : vector<16xf32>
        %max3A_784 = arith.constant 0.000000e+00 : f32
        %max3A_785 = vector.broadcast %max3A_784 : f32 to vector<16xf32>
        %max3A_786 = arith.maximumf %add3A_783, %max3A_785 : vector<16xf32>
        %swap3A_787 = arith.index_cast %scan3A_690 : i32 to index
        %swap3A_788 = arith.constant 80 : index
        %swap3A_789 = tpu.vector_load %arg17[%swap3A_787, %swap3A_788] {strides = array<i32>} : memref<32x128xf32, #tpu.memory_space<vmem>>, vector<1x16xf32>,
        %swap3A_790 = vector.shape_cast %swap3A_789 : vector<1x16xf32> to vector<16xf32>
        %swap3A_791 = vector.shape_cast %max3A_786 : vector<16xf32> to vector<1x16xf32>
        tpu.vector_store %arg17[%swap3A_787, %swap3A_788], %swap3A_791 {strides = array<i32>} : memref<32x128xf32, #tpu.memory_space<vmem>>, vector<1x16xf32>,
        %get3A_792 = arith.index_cast %scan3A_690 : i32 to index
        %get3A_793 = arith.constant 96 : index
        %get3A_794 = tpu.vector_load %arg13[%get3A_792, %get3A_793] {strides = array<i32>} : memref<32x128xf32, #tpu.memory_space<vmem>>, vector<1x16xf32>,
        %get3A_795 = vector.shape_cast %get3A_794 : vector<1x16xf32> to vector<16xf32>
        %get3A_796 = arith.index_cast %scan3A_690 : i32 to index
        %get3A_797 = arith.constant 96 : index
        %get3A_798 = tpu.vector_load %arg15[%get3A_796, %get3A_797] {strides = array<i32>} : memref<32x128xf32, #tpu.memory_space<vmem>>, vector<1x16xf32>,
        %get3A_799 = vector.shape_cast %get3A_798 : vector<1x16xf32> to vector<16xf32>
        %add3A_800 = arith.addf %get3A_795, %get3A_799 : vector<16xf32>
        %max3A_801 = arith.constant 0.000000e+00 : f32
        %max3A_802 = vector.broadcast %max3A_801 : f32 to vector<16xf32>
        %max3A_803 = arith.maximumf %add3A_800, %max3A_802 : vector<16xf32>
        %swap3A_804 = arith.index_cast %scan3A_690 : i32 to index
        %swap3A_805 = arith.constant 96 : index
        %swap3A_806 = tpu.vector_load %arg17[%swap3A_804, %swap3A_805] {strides = array<i32>} : memref<32x128xf32, #tpu.memory_space<vmem>>, vector<1x16xf32>,
        %swap3A_807 = vector.shape_cast %swap3A_806 : vector<1x16xf32> to vector<16xf32>
        %swap3A_808 = vector.shape_cast %max3A_803 : vector<16xf32> to vector<1x16xf32>
        tpu.vector_store %arg17[%swap3A_804, %swap3A_805], %swap3A_808 {strides = array<i32>} : memref<32x128xf32, #tpu.memory_space<vmem>>, vector<1x16xf32>,
        %get3A_809 = arith.index_cast %scan3A_690 : i32 to index
        %get3A_810 = arith.constant 112 : index
        %get3A_811 = tpu.vector_load %arg13[%get3A_809, %get3A_810] {strides = array<i32>} : memref<32x128xf32, #tpu.memory_space<vmem>>, vector<1x16xf32>,
        %get3A_812 = vector.shape_cast %get3A_811 : vector<1x16xf32> to vector<16xf32>
        %get3A_813 = arith.index_cast %scan3A_690 : i32 to index
        %get3A_814 = arith.constant 112 : index
        %get3A_815 = tpu.vector_load %arg15[%get3A_813, %get3A_814] {strides = array<i32>} : memref<32x128xf32, #tpu.memory_space<vmem>>, vector<1x16xf32>,
        %get3A_816 = vector.shape_cast %get3A_815 : vector<1x16xf32> to vector<16xf32>
        %add3A_817 = arith.addf %get3A_812, %get3A_816 : vector<16xf32>
        %max3A_818 = arith.constant 0.000000e+00 : f32
        %max3A_819 = vector.broadcast %max3A_818 : f32 to vector<16xf32>
        %max3A_820 = arith.maximumf %add3A_817, %max3A_819 : vector<16xf32>
        %swap3A_821 = arith.index_cast %scan3A_690 : i32 to index
        %swap3A_822 = arith.constant 112 : index
        %swap3A_823 = tpu.vector_load %arg17[%swap3A_821, %swap3A_822] {strides = array<i32>} : memref<32x128xf32, #tpu.memory_space<vmem>>, vector<1x16xf32>,
        %swap3A_824 = vector.shape_cast %swap3A_823 : vector<1x16xf32> to vector<16xf32>
        %swap3A_825 = vector.shape_cast %max3A_820 : vector<16xf32> to vector<1x16xf32>
        tpu.vector_store %arg17[%swap3A_821, %swap3A_822], %swap3A_825 {strides = array<i32>} : memref<32x128xf32, #tpu.memory_space<vmem>>, vector<1x16xf32>,
      }
      %scan3A_630 = arith.constant 32 : i32
      %dma_start3A_631 = arith.constant 0 : i32
      %dma_start3A_632 = arith.constant 0 : i32
      %dma_start3A_633 = tpu.memref_slice %arg18[%dma_start3A_631, %dma_start3A_632] : memref<10240x128xf32, #tpu.memory_space<vmem_shared>> -> memref<10240x128xf32, #tpu.memory_space<vmem_shared>>
      tpu.enqueue_indirect_dma source(%arg17 : memref<32x128xf32, #tpu.memory_space<vmem>>) target(%dma_start3A_633 : memref<10240x128xf32, #tpu.memory_space<vmem_shared>>) offsets(%arg11 : memref<32xi32, #tpu.memory_space<vmem>>) semaphore(%arg24 : memref<!tpu.dma_semaphore, #tpu.memory_space<semaphore_mem>>) {add = true}
      %add3A_634 = arith.constant 2 : i32
      %add3A_635 = arith.addi %add3A_463, %add3A_634 : i32
      %mul3A_636 = arith.constant 32 : i32
      %mul3A_637 = arith.muli %add3A_635, %mul3A_636 : i32
      %add3A_638 = arith.addi %mul3A_2, %mul3A_637 : i32
      %dma_start3A_639 = arith.constant 0 : i32
      %dma_start3A_640 = tpu.memref_slice %arg5[%add3A_638, %dma_start3A_639] : memref<163840x128xf32, #tpu.memory_space<hbm>> -> memref<32x128xf32, #tpu.memory_space<hbm>>
      %dma_start3A_641 = arith.constant 0 : i32
      %dma_start3A_642 = tpu.memref_slice %arg5[%add3A_638, %dma_start3A_641] : memref<163840x128xf32, #tpu.memory_space<hbm>> -> memref<32x128xf32, #tpu.memory_space<hbm>>
      tpu.enqueue_dma source(%dma_start3A_642 : memref<32x128xf32, #tpu.memory_space<hbm>>) target(%arg15 : memref<32x128xf32, #tpu.memory_space<vmem>>) target_semaphore(%arg22 : memref<!tpu.dma_semaphore, #tpu.memory_space<semaphore_mem>>)
      %jit3A_643 = arith.constant 4 : i32
      %div3A_644 = arith.divsi %add3A_635, %jit3A_643 : i32
      %sign3A_645 = arith.constant 0 : i32
      %sign3A_646 = arith.cmpi sgt, %add3A_635, %sign3A_645 : i32
      %sign3A_647 = arith.extui %sign3A_646 : i1 to i32
      %sign3A_648 = arith.constant 0 : i32
      %sign3A_649 = arith.cmpi slt, %add3A_635, %sign3A_648 : i32
      %sign3A_650 = arith.extui %sign3A_649 : i1 to i32
      %sign3A_651 = arith.subi %sign3A_647, %sign3A_650 : i32
      %sign3A_652 = arith.constant 0 : i32
      %sign3A_653 = arith.cmpi sgt, %jit3A_643, %sign3A_652 : i32
      %sign3A_654 = arith.extui %sign3A_653 : i1 to i32
      %sign3A_655 = arith.constant 0 : i32
      %sign3A_656 = arith.cmpi slt, %jit3A_643, %sign3A_655 : i32
      %sign3A_657 = arith.extui %sign3A_656 : i1 to i32
      %sign3A_658 = arith.subi %sign3A_654, %sign3A_657 : i32
      %ne3A_659 = arith.cmpi ne, %sign3A_651, %sign3A_658 : i32
      %rem3A_660 = arith.remsi %add3A_635, %jit3A_643 : i32
      %ne3A_661 = arith.constant 0 : i32
      %ne3A_662 = arith.cmpi ne, %rem3A_660, %ne3A_661 : i32
      %and3A_663 = arith.andi %ne3A_659, %ne3A_662 : i1
      %sub3A_664 = arith.constant 1 : i32
      %sub3A_665 = arith.subi %div3A_644, %sub3A_664 : i32
      %select_n3A_666 = arith.select %and3A_663, %sub3A_665, %div3A_644 : i32
      %jit3A_667 = arith.constant 4 : i32
      %eq3A_668 = arith.constant 0 : i32
      %eq3A_669 = arith.cmpi eq, %jit3A_667, %eq3A_668 : i32
      %jit3A_670 = arith.constant 1 : i32
      %select_n3A_671 = arith.select %eq3A_669, %jit3A_670, %jit3A_667 : i32
      %rem3A_672 = arith.remsi %add3A_635, %select_n3A_671 : i32
      %ne3A_673 = arith.constant 0 : i32
      %ne3A_674 = arith.cmpi ne, %rem3A_672, %ne3A_673 : i32
      %lt3A_675 = arith.constant 0 : i32
      %lt3A_676 = arith.cmpi slt, %rem3A_672, %lt3A_675 : i32
      %lt3A_677 = arith.constant 0 : i32
      %lt3A_678 = arith.cmpi slt, %select_n3A_671, %lt3A_677 : i32
      %ne3A_679 = arith.xori %lt3A_676, %lt3A_678 : i1
      %and3A_680 = arith.andi %ne3A_679, %ne3A_674 : i1
      %add3A_681 = arith.addi %rem3A_672, %select_n3A_671 : i32
      %select_n3A_682 = arith.select %and3A_680, %add3A_681, %rem3A_672 : i32
      %mul3A_683 = arith.constant 32 : i32
      %mul3A_684 = arith.muli %select_n3A_682, %mul3A_683 : i32
      %dma_start3A_685 = tpu.memref_slice %arg8[%select_n3A_666, %mul3A_684] : memref<40x128xi32, #tpu.memory_space<vmem>> -> memref<1x32xi32, #tpu.memory_space<vmem>>
      %dma_start3A_686 = tpu.memref_squeeze %dma_start3A_685 : memref<1x32xi32, #tpu.memory_space<vmem>> -> memref<32xi32, #tpu.memory_space<vmem>>
      %dma_start3A_687 = arith.constant 0 : i32
      %dma_start3A_688 = arith.constant 0 : i32
      %dma_start3A_689 = tpu.memref_slice %arg2[%dma_start3A_687, %dma_start3A_688] : memref<10000x128xf32, #tpu.memory_space<hbm>> -> memref<10000x128xf32, #tpu.memory_space<hbm>>
      tpu.enqueue_indirect_dma source(%dma_start3A_689 : memref<10000x128xf32, #tpu.memory_space<hbm>>) target(%arg13 : memref<32x128xf32, #tpu.memory_space<vmem>>) offsets(%dma_start3A_686 : memref<32xi32, #tpu.memory_space<vmem>>) semaphore(%arg20 : memref<!tpu.dma_semaphore, #tpu.memory_space<semaphore_mem>>)
    }
    %scan3A_141 = arith.constant 78 : i32
    %add3A_142 = arith.constant 5056 : i32
    %add3A_143 = arith.addi %mul3A_2, %add3A_142 : i32
    %dma_wait3A_144 = arith.constant 0 : i32
    %dma_wait3A_145 = tpu.memref_slice %arg5[%add3A_143, %dma_wait3A_144] : memref<163840x128xf32, #tpu.memory_space<hbm>> -> memref<32x128xf32, #tpu.memory_space<hbm>>
    %dma_wait3A_146 = arith.constant 0 : i32
    %dma_wait3A_147 = tpu.memref_slice %arg5[%add3A_143, %dma_wait3A_146] : memref<163840x128xf32, #tpu.memory_space<hbm>> -> memref<32x128xf32, #tpu.memory_space<hbm>>
    tpu.wait_dma2 semaphore(%arg21 : memref<!tpu.dma_semaphore, #tpu.memory_space<semaphore_mem>>) src(%dma_wait3A_147 : memref<32x128xf32, #tpu.memory_space<hbm>>) dst(%arg14 : memref<32x128xf32, #tpu.memory_space<vmem>>)
    %dma_wait3A_148 = arith.constant 39 : i32
    %dma_wait3A_149 = arith.constant 64 : i32
    %dma_wait3A_150 = tpu.memref_slice %arg8[%dma_wait3A_148, %dma_wait3A_149] : memref<40x128xi32, #tpu.memory_space<vmem>> -> memref<1x32xi32, #tpu.memory_space<vmem>>
    %dma_wait3A_151 = tpu.memref_squeeze %dma_wait3A_150 : memref<1x32xi32, #tpu.memory_space<vmem>> -> memref<32xi32, #tpu.memory_space<vmem>>
    %dma_wait3A_152 = arith.constant 0 : i32
    %dma_wait3A_153 = arith.constant 0 : i32
    %dma_wait3A_154 = tpu.memref_slice %arg2[%dma_wait3A_152, %dma_wait3A_153] : memref<10000x128xf32, #tpu.memory_space<hbm>> -> memref<10000x128xf32, #tpu.memory_space<hbm>>
    tpu.wait_indirect_dma semaphore(%arg19 : memref<!tpu.dma_semaphore, #tpu.memory_space<semaphore_mem>>) src(%dma_wait3A_154 : memref<10000x128xf32, #tpu.memory_space<hbm>>) dst(%arg12 : memref<32x128xf32, #tpu.memory_space<vmem>>)
    %dma_wait3A_155 = arith.constant 0 : i32
    %dma_wait3A_156 = arith.constant 0 : i32
    %dma_wait3A_157 = tpu.memref_slice %arg18[%dma_wait3A_155, %dma_wait3A_156] : memref<10240x128xf32, #tpu.memory_space<vmem_shared>> -> memref<10240x128xf32, #tpu.memory_space<vmem_shared>>
    tpu.wait_indirect_dma semaphore(%arg23 : memref<!tpu.dma_semaphore, #tpu.memory_space<semaphore_mem>>) src(%arg16 : memref<32x128xf32, #tpu.memory_space<vmem>>) dst(%dma_wait3A_157 : memref<10240x128xf32, #tpu.memory_space<vmem_shared>>)
    %get3A_158 = arith.constant 39 : i32
    %get3A_159 = arith.index_cast %get3A_158 : i32 to index
    %get3A_160 = arith.constant 64 : index
    %get3A_161 = tpu.vector_load %arg9[%get3A_159, %get3A_160] {strides = array<i32>} : memref<40x128xi32, #tpu.memory_space<vmem>>, vector<1x16xi32>,
    %get3A_162 = vector.shape_cast %get3A_161 : vector<1x16xi32> to vector<16xi32>
    %swap3A_163 = arith.constant 0 : index
    %swap3A_164 = tpu.vector_load %arg10[%swap3A_163] {strides = array<i32>} : memref<32xi32, #tpu.memory_space<vmem>>, vector<16xi32>,
    %swap3A_165 = vector.shape_cast %swap3A_164 : vector<16xi32> to vector<16xi32>
    %swap3A_166 = vector.shape_cast %get3A_162 : vector<16xi32> to vector<16xi32>
    tpu.vector_store %arg10[%swap3A_163], %swap3A_166 {strides = array<i32>} : memref<32xi32, #tpu.memory_space<vmem>>, vector<16xi32>,
    %get3A_167 = arith.constant 39 : i32
    %get3A_168 = arith.index_cast %get3A_167 : i32 to index
    %get3A_169 = arith.constant 80 : index
    %get3A_170 = tpu.vector_load %arg9[%get3A_168, %get3A_169] {strides = array<i32>} : memref<40x128xi32, #tpu.memory_space<vmem>>, vector<1x16xi32>,
    %get3A_171 = vector.shape_cast %get3A_170 : vector<1x16xi32> to vector<16xi32>
    %swap3A_172 = arith.constant 16 : index
    %swap3A_173 = tpu.vector_load %arg10[%swap3A_172] {strides = array<i32>} : memref<32xi32, #tpu.memory_space<vmem>>, vector<16xi32>,
    %swap3A_174 = vector.shape_cast %swap3A_173 : vector<16xi32> to vector<16xi32>
    %swap3A_175 = vector.shape_cast %get3A_171 : vector<16xi32> to vector<16xi32>
    tpu.vector_store %arg10[%swap3A_172], %swap3A_175 {strides = array<i32>} : memref<32xi32, #tpu.memory_space<vmem>>, vector<16xi32>,
    %scan3A_176 = arith.constant 0 : i32
    %scan3A_177 = arith.constant 0 : i32
    %scan3A_178 = arith.constant 32 : i32
    %scan3A_179 = arith.addi %scan3A_177, %scan3A_178 : i32
    %scan3A_180 = arith.constant 1 : i32
    scf.for %scan3A_239 = %scan3A_177 to %scan3A_179 step %scan3A_180  : i32 {
      %get3A_240 = arith.index_cast %scan3A_239 : i32 to index
      %get3A_241 = arith.constant 0 : index
      %get3A_242 = tpu.vector_load %arg12[%get3A_240, %get3A_241] {strides = array<i32>} : memref<32x128xf32, #tpu.memory_space<vmem>>, vector<1x16xf32>,
      %get3A_243 = vector.shape_cast %get3A_242 : vector<1x16xf32> to vector<16xf32>
      %get3A_244 = arith.index_cast %scan3A_239 : i32 to index
      %get3A_245 = arith.constant 0 : index
      %get3A_246 = tpu.vector_load %arg14[%get3A_244, %get3A_245] {strides = array<i32>} : memref<32x128xf32, #tpu.memory_space<vmem>>, vector<1x16xf32>,
      %get3A_247 = vector.shape_cast %get3A_246 : vector<1x16xf32> to vector<16xf32>
      %add3A_248 = arith.addf %get3A_243, %get3A_247 : vector<16xf32>
      %max3A = arith.constant 0.000000e+00 : f32
      %max3A_249 = vector.broadcast %max3A : f32 to vector<16xf32>
      %max3A_250 = arith.maximumf %add3A_248, %max3A_249 : vector<16xf32>
      %swap3A_251 = arith.index_cast %scan3A_239 : i32 to index
      %swap3A_252 = arith.constant 0 : index
      %swap3A_253 = tpu.vector_load %arg16[%swap3A_251, %swap3A_252] {strides = array<i32>} : memref<32x128xf32, #tpu.memory_space<vmem>>, vector<1x16xf32>,
      %swap3A_254 = vector.shape_cast %swap3A_253 : vector<1x16xf32> to vector<16xf32>
      %swap3A_255 = vector.shape_cast %max3A_250 : vector<16xf32> to vector<1x16xf32>
      tpu.vector_store %arg16[%swap3A_251, %swap3A_252], %swap3A_255 {strides = array<i32>} : memref<32x128xf32, #tpu.memory_space<vmem>>, vector<1x16xf32>,
      %get3A_256 = arith.index_cast %scan3A_239 : i32 to index
      %get3A_257 = arith.constant 16 : index
      %get3A_258 = tpu.vector_load %arg12[%get3A_256, %get3A_257] {strides = array<i32>} : memref<32x128xf32, #tpu.memory_space<vmem>>, vector<1x16xf32>,
      %get3A_259 = vector.shape_cast %get3A_258 : vector<1x16xf32> to vector<16xf32>
      %get3A_260 = arith.index_cast %scan3A_239 : i32 to index
      %get3A_261 = arith.constant 16 : index
      %get3A_262 = tpu.vector_load %arg14[%get3A_260, %get3A_261] {strides = array<i32>} : memref<32x128xf32, #tpu.memory_space<vmem>>, vector<1x16xf32>,
      %get3A_263 = vector.shape_cast %get3A_262 : vector<1x16xf32> to vector<16xf32>
      %add3A_264 = arith.addf %get3A_259, %get3A_263 : vector<16xf32>
      %max3A_265 = arith.constant 0.000000e+00 : f32
      %max3A_266 = vector.broadcast %max3A_265 : f32 to vector<16xf32>
      %max3A_267 = arith.maximumf %add3A_264, %max3A_266 : vector<16xf32>
      %swap3A_268 = arith.index_cast %scan3A_239 : i32 to index
      %swap3A_269 = arith.constant 16 : index
      %swap3A_270 = tpu.vector_load %arg16[%swap3A_268, %swap3A_269] {strides = array<i32>} : memref<32x128xf32, #tpu.memory_space<vmem>>, vector<1x16xf32>,
      %swap3A_271 = vector.shape_cast %swap3A_270 : vector<1x16xf32> to vector<16xf32>
      %swap3A_272 = vector.shape_cast %max3A_267 : vector<16xf32> to vector<1x16xf32>
      tpu.vector_store %arg16[%swap3A_268, %swap3A_269], %swap3A_272 {strides = array<i32>} : memref<32x128xf32, #tpu.memory_space<vmem>>, vector<1x16xf32>,
      %get3A_273 = arith.index_cast %scan3A_239 : i32 to index
      %get3A_274 = arith.constant 32 : index
      %get3A_275 = tpu.vector_load %arg12[%get3A_273, %get3A_274] {strides = array<i32>} : memref<32x128xf32, #tpu.memory_space<vmem>>, vector<1x16xf32>,
      %get3A_276 = vector.shape_cast %get3A_275 : vector<1x16xf32> to vector<16xf32>
      %get3A_277 = arith.index_cast %scan3A_239 : i32 to index
      %get3A_278 = arith.constant 32 : index
      %get3A_279 = tpu.vector_load %arg14[%get3A_277, %get3A_278] {strides = array<i32>} : memref<32x128xf32, #tpu.memory_space<vmem>>, vector<1x16xf32>,
      %get3A_280 = vector.shape_cast %get3A_279 : vector<1x16xf32> to vector<16xf32>
      %add3A_281 = arith.addf %get3A_276, %get3A_280 : vector<16xf32>
      %max3A_282 = arith.constant 0.000000e+00 : f32
      %max3A_283 = vector.broadcast %max3A_282 : f32 to vector<16xf32>
      %max3A_284 = arith.maximumf %add3A_281, %max3A_283 : vector<16xf32>
      %swap3A_285 = arith.index_cast %scan3A_239 : i32 to index
      %swap3A_286 = arith.constant 32 : index
      %swap3A_287 = tpu.vector_load %arg16[%swap3A_285, %swap3A_286] {strides = array<i32>} : memref<32x128xf32, #tpu.memory_space<vmem>>, vector<1x16xf32>,
      %swap3A_288 = vector.shape_cast %swap3A_287 : vector<1x16xf32> to vector<16xf32>
      %swap3A_289 = vector.shape_cast %max3A_284 : vector<16xf32> to vector<1x16xf32>
      tpu.vector_store %arg16[%swap3A_285, %swap3A_286], %swap3A_289 {strides = array<i32>} : memref<32x128xf32, #tpu.memory_space<vmem>>, vector<1x16xf32>,
      %get3A_290 = arith.index_cast %scan3A_239 : i32 to index
      %get3A_291 = arith.constant 48 : index
      %get3A_292 = tpu.vector_load %arg12[%get3A_290, %get3A_291] {strides = array<i32>} : memref<32x128xf32, #tpu.memory_space<vmem>>, vector<1x16xf32>,
      %get3A_293 = vector.shape_cast %get3A_292 : vector<1x16xf32> to vector<16xf32>
      %get3A_294 = arith.index_cast %scan3A_239 : i32 to index
      %get3A_295 = arith.constant 48 : index
      %get3A_296 = tpu.vector_load %arg14[%get3A_294, %get3A_295] {strides = array<i32>} : memref<32x128xf32, #tpu.memory_space<vmem>>, vector<1x16xf32>,
      %get3A_297 = vector.shape_cast %get3A_296 : vector<1x16xf32> to vector<16xf32>
      %add3A_298 = arith.addf %get3A_293, %get3A_297 : vector<16xf32>
      %max3A_299 = arith.constant 0.000000e+00 : f32
      %max3A_300 = vector.broadcast %max3A_299 : f32 to vector<16xf32>
      %max3A_301 = arith.maximumf %add3A_298, %max3A_300 : vector<16xf32>
      %swap3A_302 = arith.index_cast %scan3A_239 : i32 to index
      %swap3A_303 = arith.constant 48 : index
      %swap3A_304 = tpu.vector_load %arg16[%swap3A_302, %swap3A_303] {strides = array<i32>} : memref<32x128xf32, #tpu.memory_space<vmem>>, vector<1x16xf32>,
      %swap3A_305 = vector.shape_cast %swap3A_304 : vector<1x16xf32> to vector<16xf32>
      %swap3A_306 = vector.shape_cast %max3A_301 : vector<16xf32> to vector<1x16xf32>
      tpu.vector_store %arg16[%swap3A_302, %swap3A_303], %swap3A_306 {strides = array<i32>} : memref<32x128xf32, #tpu.memory_space<vmem>>, vector<1x16xf32>,
      %get3A_307 = arith.index_cast %scan3A_239 : i32 to index
      %get3A_308 = arith.constant 64 : index
      %get3A_309 = tpu.vector_load %arg12[%get3A_307, %get3A_308] {strides = array<i32>} : memref<32x128xf32, #tpu.memory_space<vmem>>, vector<1x16xf32>,
      %get3A_310 = vector.shape_cast %get3A_309 : vector<1x16xf32> to vector<16xf32>
      %get3A_311 = arith.index_cast %scan3A_239 : i32 to index
      %get3A_312 = arith.constant 64 : index
      %get3A_313 = tpu.vector_load %arg14[%get3A_311, %get3A_312] {strides = array<i32>} : memref<32x128xf32, #tpu.memory_space<vmem>>, vector<1x16xf32>,
      %get3A_314 = vector.shape_cast %get3A_313 : vector<1x16xf32> to vector<16xf32>
      %add3A_315 = arith.addf %get3A_310, %get3A_314 : vector<16xf32>
      %max3A_316 = arith.constant 0.000000e+00 : f32
      %max3A_317 = vector.broadcast %max3A_316 : f32 to vector<16xf32>
      %max3A_318 = arith.maximumf %add3A_315, %max3A_317 : vector<16xf32>
      %swap3A_319 = arith.index_cast %scan3A_239 : i32 to index
      %swap3A_320 = arith.constant 64 : index
      %swap3A_321 = tpu.vector_load %arg16[%swap3A_319, %swap3A_320] {strides = array<i32>} : memref<32x128xf32, #tpu.memory_space<vmem>>, vector<1x16xf32>,
      %swap3A_322 = vector.shape_cast %swap3A_321 : vector<1x16xf32> to vector<16xf32>
      %swap3A_323 = vector.shape_cast %max3A_318 : vector<16xf32> to vector<1x16xf32>
      tpu.vector_store %arg16[%swap3A_319, %swap3A_320], %swap3A_323 {strides = array<i32>} : memref<32x128xf32, #tpu.memory_space<vmem>>, vector<1x16xf32>,
      %get3A_324 = arith.index_cast %scan3A_239 : i32 to index
      %get3A_325 = arith.constant 80 : index
      %get3A_326 = tpu.vector_load %arg12[%get3A_324, %get3A_325] {strides = array<i32>} : memref<32x128xf32, #tpu.memory_space<vmem>>, vector<1x16xf32>,
      %get3A_327 = vector.shape_cast %get3A_326 : vector<1x16xf32> to vector<16xf32>
      %get3A_328 = arith.index_cast %scan3A_239 : i32 to index
      %get3A_329 = arith.constant 80 : index
      %get3A_330 = tpu.vector_load %arg14[%get3A_328, %get3A_329] {strides = array<i32>} : memref<32x128xf32, #tpu.memory_space<vmem>>, vector<1x16xf32>,
      %get3A_331 = vector.shape_cast %get3A_330 : vector<1x16xf32> to vector<16xf32>
      %add3A_332 = arith.addf %get3A_327, %get3A_331 : vector<16xf32>
      %max3A_333 = arith.constant 0.000000e+00 : f32
      %max3A_334 = vector.broadcast %max3A_333 : f32 to vector<16xf32>
      %max3A_335 = arith.maximumf %add3A_332, %max3A_334 : vector<16xf32>
      %swap3A_336 = arith.index_cast %scan3A_239 : i32 to index
      %swap3A_337 = arith.constant 80 : index
      %swap3A_338 = tpu.vector_load %arg16[%swap3A_336, %swap3A_337] {strides = array<i32>} : memref<32x128xf32, #tpu.memory_space<vmem>>, vector<1x16xf32>,
      %swap3A_339 = vector.shape_cast %swap3A_338 : vector<1x16xf32> to vector<16xf32>
      %swap3A_340 = vector.shape_cast %max3A_335 : vector<16xf32> to vector<1x16xf32>
      tpu.vector_store %arg16[%swap3A_336, %swap3A_337], %swap3A_340 {strides = array<i32>} : memref<32x128xf32, #tpu.memory_space<vmem>>, vector<1x16xf32>,
      %get3A_341 = arith.index_cast %scan3A_239 : i32 to index
      %get3A_342 = arith.constant 96 : index
      %get3A_343 = tpu.vector_load %arg12[%get3A_341, %get3A_342] {strides = array<i32>} : memref<32x128xf32, #tpu.memory_space<vmem>>, vector<1x16xf32>,
      %get3A_344 = vector.shape_cast %get3A_343 : vector<1x16xf32> to vector<16xf32>
      %get3A_345 = arith.index_cast %scan3A_239 : i32 to index
      %get3A_346 = arith.constant 96 : index
      %get3A_347 = tpu.vector_load %arg14[%get3A_345, %get3A_346] {strides = array<i32>} : memref<32x128xf32, #tpu.memory_space<vmem>>, vector<1x16xf32>,
      %get3A_348 = vector.shape_cast %get3A_347 : vector<1x16xf32> to vector<16xf32>
      %add3A_349 = arith.addf %get3A_344, %get3A_348 : vector<16xf32>
      %max3A_350 = arith.constant 0.000000e+00 : f32
      %max3A_351 = vector.broadcast %max3A_350 : f32 to vector<16xf32>
      %max3A_352 = arith.maximumf %add3A_349, %max3A_351 : vector<16xf32>
      %swap3A_353 = arith.index_cast %scan3A_239 : i32 to index
      %swap3A_354 = arith.constant 96 : index
      %swap3A_355 = tpu.vector_load %arg16[%swap3A_353, %swap3A_354] {strides = array<i32>} : memref<32x128xf32, #tpu.memory_space<vmem>>, vector<1x16xf32>,
      %swap3A_356 = vector.shape_cast %swap3A_355 : vector<1x16xf32> to vector<16xf32>
      %swap3A_357 = vector.shape_cast %max3A_352 : vector<16xf32> to vector<1x16xf32>
      tpu.vector_store %arg16[%swap3A_353, %swap3A_354], %swap3A_357 {strides = array<i32>} : memref<32x128xf32, #tpu.memory_space<vmem>>, vector<1x16xf32>,
      %get3A_358 = arith.index_cast %scan3A_239 : i32 to index
      %get3A_359 = arith.constant 112 : index
      %get3A_360 = tpu.vector_load %arg12[%get3A_358, %get3A_359] {strides = array<i32>} : memref<32x128xf32, #tpu.memory_space<vmem>>, vector<1x16xf32>,
      %get3A_361 = vector.shape_cast %get3A_360 : vector<1x16xf32> to vector<16xf32>
      %get3A_362 = arith.index_cast %scan3A_239 : i32 to index
      %get3A_363 = arith.constant 112 : index
      %get3A_364 = tpu.vector_load %arg14[%get3A_362, %get3A_363] {strides = array<i32>} : memref<32x128xf32, #tpu.memory_space<vmem>>, vector<1x16xf32>,
      %get3A_365 = vector.shape_cast %get3A_364 : vector<1x16xf32> to vector<16xf32>
      %add3A_366 = arith.addf %get3A_361, %get3A_365 : vector<16xf32>
      %max3A_367 = arith.constant 0.000000e+00 : f32
      %max3A_368 = vector.broadcast %max3A_367 : f32 to vector<16xf32>
      %max3A_369 = arith.maximumf %add3A_366, %max3A_368 : vector<16xf32>
      %swap3A_370 = arith.index_cast %scan3A_239 : i32 to index
      %swap3A_371 = arith.constant 112 : index
      %swap3A_372 = tpu.vector_load %arg16[%swap3A_370, %swap3A_371] {strides = array<i32>} : memref<32x128xf32, #tpu.memory_space<vmem>>, vector<1x16xf32>,
      %swap3A_373 = vector.shape_cast %swap3A_372 : vector<1x16xf32> to vector<16xf32>
      %swap3A_374 = vector.shape_cast %max3A_369 : vector<16xf32> to vector<1x16xf32>
      tpu.vector_store %arg16[%swap3A_370, %swap3A_371], %swap3A_374 {strides = array<i32>} : memref<32x128xf32, #tpu.memory_space<vmem>>, vector<1x16xf32>,
    }
    %scan3A_181 = arith.constant 32 : i32
    %dma_start3A_182 = arith.constant 0 : i32
    %dma_start3A_183 = arith.constant 0 : i32
    %dma_start3A_184 = tpu.memref_slice %arg18[%dma_start3A_182, %dma_start3A_183] : memref<10240x128xf32, #tpu.memory_space<vmem_shared>> -> memref<10240x128xf32, #tpu.memory_space<vmem_shared>>
    tpu.enqueue_indirect_dma source(%arg16 : memref<32x128xf32, #tpu.memory_space<vmem>>) target(%dma_start3A_184 : memref<10240x128xf32, #tpu.memory_space<vmem_shared>>) offsets(%arg10 : memref<32xi32, #tpu.memory_space<vmem>>) semaphore(%arg23 : memref<!tpu.dma_semaphore, #tpu.memory_space<semaphore_mem>>) {add = true}
    %add3A_185 = arith.constant 5088 : i32
    %add3A_186 = arith.addi %mul3A_2, %add3A_185 : i32
    %dma_wait3A_187 = arith.constant 0 : i32
    %dma_wait3A_188 = tpu.memref_slice %arg5[%add3A_186, %dma_wait3A_187] : memref<163840x128xf32, #tpu.memory_space<hbm>> -> memref<32x128xf32, #tpu.memory_space<hbm>>
    %dma_wait3A_189 = arith.constant 0 : i32
    %dma_wait3A_190 = tpu.memref_slice %arg5[%add3A_186, %dma_wait3A_189] : memref<163840x128xf32, #tpu.memory_space<hbm>> -> memref<32x128xf32, #tpu.memory_space<hbm>>
    tpu.wait_dma2 semaphore(%arg22 : memref<!tpu.dma_semaphore, #tpu.memory_space<semaphore_mem>>) src(%dma_wait3A_190 : memref<32x128xf32, #tpu.memory_space<hbm>>) dst(%arg15 : memref<32x128xf32, #tpu.memory_space<vmem>>)
    %dma_wait3A_191 = arith.constant 39 : i32
    %dma_wait3A_192 = arith.constant 96 : i32
    %dma_wait3A_193 = tpu.memref_slice %arg8[%dma_wait3A_191, %dma_wait3A_192] : memref<40x128xi32, #tpu.memory_space<vmem>> -> memref<1x32xi32, #tpu.memory_space<vmem>>
    %dma_wait3A_194 = tpu.memref_squeeze %dma_wait3A_193 : memref<1x32xi32, #tpu.memory_space<vmem>> -> memref<32xi32, #tpu.memory_space<vmem>>
    %dma_wait3A_195 = arith.constant 0 : i32
    %dma_wait3A_196 = arith.constant 0 : i32
    %dma_wait3A_197 = tpu.memref_slice %arg2[%dma_wait3A_195, %dma_wait3A_196] : memref<10000x128xf32, #tpu.memory_space<hbm>> -> memref<10000x128xf32, #tpu.memory_space<hbm>>
    tpu.wait_indirect_dma semaphore(%arg20 : memref<!tpu.dma_semaphore, #tpu.memory_space<semaphore_mem>>) src(%dma_wait3A_197 : memref<10000x128xf32, #tpu.memory_space<hbm>>) dst(%arg13 : memref<32x128xf32, #tpu.memory_space<vmem>>)
    %dma_wait3A_198 = arith.constant 0 : i32
    %dma_wait3A_199 = arith.constant 0 : i32
    %dma_wait3A_200 = tpu.memref_slice %arg18[%dma_wait3A_198, %dma_wait3A_199] : memref<10240x128xf32, #tpu.memory_space<vmem_shared>> -> memref<10240x128xf32, #tpu.memory_space<vmem_shared>>
    tpu.wait_indirect_dma semaphore(%arg24 : memref<!tpu.dma_semaphore, #tpu.memory_space<semaphore_mem>>) src(%arg17 : memref<32x128xf32, #tpu.memory_space<vmem>>) dst(%dma_wait3A_200 : memref<10240x128xf32, #tpu.memory_space<vmem_shared>>)
    %get3A_201 = arith.constant 39 : i32
    %get3A_202 = arith.index_cast %get3A_201 : i32 to index
    %get3A_203 = arith.constant 96 : index
    %get3A_204 = tpu.vector_load %arg9[%get3A_202, %get3A_203] {strides = array<i32>} : memref<40x128xi32, #tpu.memory_space<vmem>>, vector<1x16xi32>,
    %get3A_205 = vector.shape_cast %get3A_204 : vector<1x16xi32> to vector<16xi32>
    %swap3A_206 = arith.constant 0 : index
    %swap3A_207 = tpu.vector_load %arg11[%swap3A_206] {strides = array<i32>} : memref<32xi32, #tpu.memory_space<vmem>>, vector<16xi32>,
    %swap3A_208 = vector.shape_cast %swap3A_207 : vector<16xi32> to vector<16xi32>
    %swap3A_209 = vector.shape_cast %get3A_205 : vector<16xi32> to vector<16xi32>
    tpu.vector_store %arg11[%swap3A_206], %swap3A_209 {strides = array<i32>} : memref<32xi32, #tpu.memory_space<vmem>>, vector<16xi32>,
    %get3A_210 = arith.constant 39 : i32
    %get3A_211 = arith.index_cast %get3A_210 : i32 to index
    %get3A_212 = arith.constant 112 : index
    %get3A_213 = tpu.vector_load %arg9[%get3A_211, %get3A_212] {strides = array<i32>} : memref<40x128xi32, #tpu.memory_space<vmem>>, vector<1x16xi32>,
    %get3A_214 = vector.shape_cast %get3A_213 : vector<1x16xi32> to vector<16xi32>
    %swap3A_215 = arith.constant 16 : index
    %swap3A_216 = tpu.vector_load %arg11[%swap3A_215] {strides = array<i32>} : memref<32xi32, #tpu.memory_space<vmem>>, vector<16xi32>,
    %swap3A_217 = vector.shape_cast %swap3A_216 : vector<16xi32> to vector<16xi32>
    %swap3A_218 = vector.shape_cast %get3A_214 : vector<16xi32> to vector<16xi32>
    tpu.vector_store %arg11[%swap3A_215], %swap3A_218 {strides = array<i32>} : memref<32xi32, #tpu.memory_space<vmem>>, vector<16xi32>,
    %scan3A_219 = arith.constant 0 : i32
    %scan3A_220 = arith.constant 0 : i32
    %scan3A_221 = arith.constant 32 : i32
    %scan3A_222 = arith.addi %scan3A_220, %scan3A_221 : i32
    %scan3A_223 = arith.constant 1 : i32
    scf.for %scan3A_239 = %scan3A_220 to %scan3A_222 step %scan3A_223  : i32 {
      %get3A_240 = arith.index_cast %scan3A_239 : i32 to index
      %get3A_241 = arith.constant 0 : index
      %get3A_242 = tpu.vector_load %arg13[%get3A_240, %get3A_241] {strides = array<i32>} : memref<32x128xf32, #tpu.memory_space<vmem>>, vector<1x16xf32>,
      %get3A_243 = vector.shape_cast %get3A_242 : vector<1x16xf32> to vector<16xf32>
      %get3A_244 = arith.index_cast %scan3A_239 : i32 to index
      %get3A_245 = arith.constant 0 : index
      %get3A_246 = tpu.vector_load %arg15[%get3A_244, %get3A_245] {strides = array<i32>} : memref<32x128xf32, #tpu.memory_space<vmem>>, vector<1x16xf32>,
      %get3A_247 = vector.shape_cast %get3A_246 : vector<1x16xf32> to vector<16xf32>
      %add3A_248 = arith.addf %get3A_243, %get3A_247 : vector<16xf32>
      %max3A = arith.constant 0.000000e+00 : f32
      %max3A_249 = vector.broadcast %max3A : f32 to vector<16xf32>
      %max3A_250 = arith.maximumf %add3A_248, %max3A_249 : vector<16xf32>
      %swap3A_251 = arith.index_cast %scan3A_239 : i32 to index
      %swap3A_252 = arith.constant 0 : index
      %swap3A_253 = tpu.vector_load %arg17[%swap3A_251, %swap3A_252] {strides = array<i32>} : memref<32x128xf32, #tpu.memory_space<vmem>>, vector<1x16xf32>,
      %swap3A_254 = vector.shape_cast %swap3A_253 : vector<1x16xf32> to vector<16xf32>
      %swap3A_255 = vector.shape_cast %max3A_250 : vector<16xf32> to vector<1x16xf32>
      tpu.vector_store %arg17[%swap3A_251, %swap3A_252], %swap3A_255 {strides = array<i32>} : memref<32x128xf32, #tpu.memory_space<vmem>>, vector<1x16xf32>,
      %get3A_256 = arith.index_cast %scan3A_239 : i32 to index
      %get3A_257 = arith.constant 16 : index
      %get3A_258 = tpu.vector_load %arg13[%get3A_256, %get3A_257] {strides = array<i32>} : memref<32x128xf32, #tpu.memory_space<vmem>>, vector<1x16xf32>,
      %get3A_259 = vector.shape_cast %get3A_258 : vector<1x16xf32> to vector<16xf32>
      %get3A_260 = arith.index_cast %scan3A_239 : i32 to index
      %get3A_261 = arith.constant 16 : index
      %get3A_262 = tpu.vector_load %arg15[%get3A_260, %get3A_261] {strides = array<i32>} : memref<32x128xf32, #tpu.memory_space<vmem>>, vector<1x16xf32>,
      %get3A_263 = vector.shape_cast %get3A_262 : vector<1x16xf32> to vector<16xf32>
      %add3A_264 = arith.addf %get3A_259, %get3A_263 : vector<16xf32>
      %max3A_265 = arith.constant 0.000000e+00 : f32
      %max3A_266 = vector.broadcast %max3A_265 : f32 to vector<16xf32>
      %max3A_267 = arith.maximumf %add3A_264, %max3A_266 : vector<16xf32>
      %swap3A_268 = arith.index_cast %scan3A_239 : i32 to index
      %swap3A_269 = arith.constant 16 : index
      %swap3A_270 = tpu.vector_load %arg17[%swap3A_268, %swap3A_269] {strides = array<i32>} : memref<32x128xf32, #tpu.memory_space<vmem>>, vector<1x16xf32>,
      %swap3A_271 = vector.shape_cast %swap3A_270 : vector<1x16xf32> to vector<16xf32>
      %swap3A_272 = vector.shape_cast %max3A_267 : vector<16xf32> to vector<1x16xf32>
      tpu.vector_store %arg17[%swap3A_268, %swap3A_269], %swap3A_272 {strides = array<i32>} : memref<32x128xf32, #tpu.memory_space<vmem>>, vector<1x16xf32>,
      %get3A_273 = arith.index_cast %scan3A_239 : i32 to index
      %get3A_274 = arith.constant 32 : index
      %get3A_275 = tpu.vector_load %arg13[%get3A_273, %get3A_274] {strides = array<i32>} : memref<32x128xf32, #tpu.memory_space<vmem>>, vector<1x16xf32>,
      %get3A_276 = vector.shape_cast %get3A_275 : vector<1x16xf32> to vector<16xf32>
      %get3A_277 = arith.index_cast %scan3A_239 : i32 to index
      %get3A_278 = arith.constant 32 : index
      %get3A_279 = tpu.vector_load %arg15[%get3A_277, %get3A_278] {strides = array<i32>} : memref<32x128xf32, #tpu.memory_space<vmem>>, vector<1x16xf32>,
      %get3A_280 = vector.shape_cast %get3A_279 : vector<1x16xf32> to vector<16xf32>
      %add3A_281 = arith.addf %get3A_276, %get3A_280 : vector<16xf32>
      %max3A_282 = arith.constant 0.000000e+00 : f32
      %max3A_283 = vector.broadcast %max3A_282 : f32 to vector<16xf32>
      %max3A_284 = arith.maximumf %add3A_281, %max3A_283 : vector<16xf32>
      %swap3A_285 = arith.index_cast %scan3A_239 : i32 to index
      %swap3A_286 = arith.constant 32 : index
      %swap3A_287 = tpu.vector_load %arg17[%swap3A_285, %swap3A_286] {strides = array<i32>} : memref<32x128xf32, #tpu.memory_space<vmem>>, vector<1x16xf32>,
      %swap3A_288 = vector.shape_cast %swap3A_287 : vector<1x16xf32> to vector<16xf32>
      %swap3A_289 = vector.shape_cast %max3A_284 : vector<16xf32> to vector<1x16xf32>
      tpu.vector_store %arg17[%swap3A_285, %swap3A_286], %swap3A_289 {strides = array<i32>} : memref<32x128xf32, #tpu.memory_space<vmem>>, vector<1x16xf32>,
      %get3A_290 = arith.index_cast %scan3A_239 : i32 to index
      %get3A_291 = arith.constant 48 : index
      %get3A_292 = tpu.vector_load %arg13[%get3A_290, %get3A_291] {strides = array<i32>} : memref<32x128xf32, #tpu.memory_space<vmem>>, vector<1x16xf32>,
      %get3A_293 = vector.shape_cast %get3A_292 : vector<1x16xf32> to vector<16xf32>
      %get3A_294 = arith.index_cast %scan3A_239 : i32 to index
      %get3A_295 = arith.constant 48 : index
      %get3A_296 = tpu.vector_load %arg15[%get3A_294, %get3A_295] {strides = array<i32>} : memref<32x128xf32, #tpu.memory_space<vmem>>, vector<1x16xf32>,
      %get3A_297 = vector.shape_cast %get3A_296 : vector<1x16xf32> to vector<16xf32>
      %add3A_298 = arith.addf %get3A_293, %get3A_297 : vector<16xf32>
      %max3A_299 = arith.constant 0.000000e+00 : f32
      %max3A_300 = vector.broadcast %max3A_299 : f32 to vector<16xf32>
      %max3A_301 = arith.maximumf %add3A_298, %max3A_300 : vector<16xf32>
      %swap3A_302 = arith.index_cast %scan3A_239 : i32 to index
      %swap3A_303 = arith.constant 48 : index
      %swap3A_304 = tpu.vector_load %arg17[%swap3A_302, %swap3A_303] {strides = array<i32>} : memref<32x128xf32, #tpu.memory_space<vmem>>, vector<1x16xf32>,
      %swap3A_305 = vector.shape_cast %swap3A_304 : vector<1x16xf32> to vector<16xf32>
      %swap3A_306 = vector.shape_cast %max3A_301 : vector<16xf32> to vector<1x16xf32>
      tpu.vector_store %arg17[%swap3A_302, %swap3A_303], %swap3A_306 {strides = array<i32>} : memref<32x128xf32, #tpu.memory_space<vmem>>, vector<1x16xf32>,
      %get3A_307 = arith.index_cast %scan3A_239 : i32 to index
      %get3A_308 = arith.constant 64 : index
      %get3A_309 = tpu.vector_load %arg13[%get3A_307, %get3A_308] {strides = array<i32>} : memref<32x128xf32, #tpu.memory_space<vmem>>, vector<1x16xf32>,
      %get3A_310 = vector.shape_cast %get3A_309 : vector<1x16xf32> to vector<16xf32>
      %get3A_311 = arith.index_cast %scan3A_239 : i32 to index
      %get3A_312 = arith.constant 64 : index
      %get3A_313 = tpu.vector_load %arg15[%get3A_311, %get3A_312] {strides = array<i32>} : memref<32x128xf32, #tpu.memory_space<vmem>>, vector<1x16xf32>,
      %get3A_314 = vector.shape_cast %get3A_313 : vector<1x16xf32> to vector<16xf32>
      %add3A_315 = arith.addf %get3A_310, %get3A_314 : vector<16xf32>
      %max3A_316 = arith.constant 0.000000e+00 : f32
      %max3A_317 = vector.broadcast %max3A_316 : f32 to vector<16xf32>
      %max3A_318 = arith.maximumf %add3A_315, %max3A_317 : vector<16xf32>
      %swap3A_319 = arith.index_cast %scan3A_239 : i32 to index
      %swap3A_320 = arith.constant 64 : index
      %swap3A_321 = tpu.vector_load %arg17[%swap3A_319, %swap3A_320] {strides = array<i32>} : memref<32x128xf32, #tpu.memory_space<vmem>>, vector<1x16xf32>,
      %swap3A_322 = vector.shape_cast %swap3A_321 : vector<1x16xf32> to vector<16xf32>
      %swap3A_323 = vector.shape_cast %max3A_318 : vector<16xf32> to vector<1x16xf32>
      tpu.vector_store %arg17[%swap3A_319, %swap3A_320], %swap3A_323 {strides = array<i32>} : memref<32x128xf32, #tpu.memory_space<vmem>>, vector<1x16xf32>,
      %get3A_324 = arith.index_cast %scan3A_239 : i32 to index
      %get3A_325 = arith.constant 80 : index
      %get3A_326 = tpu.vector_load %arg13[%get3A_324, %get3A_325] {strides = array<i32>} : memref<32x128xf32, #tpu.memory_space<vmem>>, vector<1x16xf32>,
      %get3A_327 = vector.shape_cast %get3A_326 : vector<1x16xf32> to vector<16xf32>
      %get3A_328 = arith.index_cast %scan3A_239 : i32 to index
      %get3A_329 = arith.constant 80 : index
      %get3A_330 = tpu.vector_load %arg15[%get3A_328, %get3A_329] {strides = array<i32>} : memref<32x128xf32, #tpu.memory_space<vmem>>, vector<1x16xf32>,
      %get3A_331 = vector.shape_cast %get3A_330 : vector<1x16xf32> to vector<16xf32>
      %add3A_332 = arith.addf %get3A_327, %get3A_331 : vector<16xf32>
      %max3A_333 = arith.constant 0.000000e+00 : f32
      %max3A_334 = vector.broadcast %max3A_333 : f32 to vector<16xf32>
      %max3A_335 = arith.maximumf %add3A_332, %max3A_334 : vector<16xf32>
      %swap3A_336 = arith.index_cast %scan3A_239 : i32 to index
      %swap3A_337 = arith.constant 80 : index
      %swap3A_338 = tpu.vector_load %arg17[%swap3A_336, %swap3A_337] {strides = array<i32>} : memref<32x128xf32, #tpu.memory_space<vmem>>, vector<1x16xf32>,
      %swap3A_339 = vector.shape_cast %swap3A_338 : vector<1x16xf32> to vector<16xf32>
      %swap3A_340 = vector.shape_cast %max3A_335 : vector<16xf32> to vector<1x16xf32>
      tpu.vector_store %arg17[%swap3A_336, %swap3A_337], %swap3A_340 {strides = array<i32>} : memref<32x128xf32, #tpu.memory_space<vmem>>, vector<1x16xf32>,
      %get3A_341 = arith.index_cast %scan3A_239 : i32 to index
      %get3A_342 = arith.constant 96 : index
      %get3A_343 = tpu.vector_load %arg13[%get3A_341, %get3A_342] {strides = array<i32>} : memref<32x128xf32, #tpu.memory_space<vmem>>, vector<1x16xf32>,
      %get3A_344 = vector.shape_cast %get3A_343 : vector<1x16xf32> to vector<16xf32>
      %get3A_345 = arith.index_cast %scan3A_239 : i32 to index
      %get3A_346 = arith.constant 96 : index
      %get3A_347 = tpu.vector_load %arg15[%get3A_345, %get3A_346] {strides = array<i32>} : memref<32x128xf32, #tpu.memory_space<vmem>>, vector<1x16xf32>,
      %get3A_348 = vector.shape_cast %get3A_347 : vector<1x16xf32> to vector<16xf32>
      %add3A_349 = arith.addf %get3A_344, %get3A_348 : vector<16xf32>
      %max3A_350 = arith.constant 0.000000e+00 : f32
      %max3A_351 = vector.broadcast %max3A_350 : f32 to vector<16xf32>
      %max3A_352 = arith.maximumf %add3A_349, %max3A_351 : vector<16xf32>
      %swap3A_353 = arith.index_cast %scan3A_239 : i32 to index
      %swap3A_354 = arith.constant 96 : index
      %swap3A_355 = tpu.vector_load %arg17[%swap3A_353, %swap3A_354] {strides = array<i32>} : memref<32x128xf32, #tpu.memory_space<vmem>>, vector<1x16xf32>,
      %swap3A_356 = vector.shape_cast %swap3A_355 : vector<1x16xf32> to vector<16xf32>
      %swap3A_357 = vector.shape_cast %max3A_352 : vector<16xf32> to vector<1x16xf32>
      tpu.vector_store %arg17[%swap3A_353, %swap3A_354], %swap3A_357 {strides = array<i32>} : memref<32x128xf32, #tpu.memory_space<vmem>>, vector<1x16xf32>,
      %get3A_358 = arith.index_cast %scan3A_239 : i32 to index
      %get3A_359 = arith.constant 112 : index
      %get3A_360 = tpu.vector_load %arg13[%get3A_358, %get3A_359] {strides = array<i32>} : memref<32x128xf32, #tpu.memory_space<vmem>>, vector<1x16xf32>,
      %get3A_361 = vector.shape_cast %get3A_360 : vector<1x16xf32> to vector<16xf32>
      %get3A_362 = arith.index_cast %scan3A_239 : i32 to index
      %get3A_363 = arith.constant 112 : index
      %get3A_364 = tpu.vector_load %arg15[%get3A_362, %get3A_363] {strides = array<i32>} : memref<32x128xf32, #tpu.memory_space<vmem>>, vector<1x16xf32>,
      %get3A_365 = vector.shape_cast %get3A_364 : vector<1x16xf32> to vector<16xf32>
      %add3A_366 = arith.addf %get3A_361, %get3A_365 : vector<16xf32>
      %max3A_367 = arith.constant 0.000000e+00 : f32
      %max3A_368 = vector.broadcast %max3A_367 : f32 to vector<16xf32>
      %max3A_369 = arith.maximumf %add3A_366, %max3A_368 : vector<16xf32>
      %swap3A_370 = arith.index_cast %scan3A_239 : i32 to index
      %swap3A_371 = arith.constant 112 : index
      %swap3A_372 = tpu.vector_load %arg17[%swap3A_370, %swap3A_371] {strides = array<i32>} : memref<32x128xf32, #tpu.memory_space<vmem>>, vector<1x16xf32>,
      %swap3A_373 = vector.shape_cast %swap3A_372 : vector<1x16xf32> to vector<16xf32>
      %swap3A_374 = vector.shape_cast %max3A_369 : vector<16xf32> to vector<1x16xf32>
      tpu.vector_store %arg17[%swap3A_370, %swap3A_371], %swap3A_374 {strides = array<i32>} : memref<32x128xf32, #tpu.memory_space<vmem>>, vector<1x16xf32>,
    }
    %scan3A_224 = arith.constant 32 : i32
    %dma_start3A_225 = arith.constant 0 : i32
    %dma_start3A_226 = arith.constant 0 : i32
    %dma_start3A_227 = tpu.memref_slice %arg18[%dma_start3A_225, %dma_start3A_226] : memref<10240x128xf32, #tpu.memory_space<vmem_shared>> -> memref<10240x128xf32, #tpu.memory_space<vmem_shared>>
    tpu.enqueue_indirect_dma source(%arg17 : memref<32x128xf32, #tpu.memory_space<vmem>>) target(%dma_start3A_227 : memref<10240x128xf32, #tpu.memory_space<vmem_shared>>) offsets(%arg11 : memref<32xi32, #tpu.memory_space<vmem>>) semaphore(%arg24 : memref<!tpu.dma_semaphore, #tpu.memory_space<semaphore_mem>>) {add = true}
    %dma_wait3A_228 = arith.constant 0 : i32
    %dma_wait3A_229 = arith.constant 0 : i32
    %dma_wait3A_230 = tpu.memref_slice %arg18[%dma_wait3A_228, %dma_wait3A_229] : memref<10240x128xf32, #tpu.memory_space<vmem_shared>> -> memref<10240x128xf32, #tpu.memory_space<vmem_shared>>
    tpu.wait_indirect_dma semaphore(%arg23 : memref<!tpu.dma_semaphore, #tpu.memory_space<semaphore_mem>>) src(%arg16 : memref<32x128xf32, #tpu.memory_space<vmem>>) dst(%dma_wait3A_230 : memref<10240x128xf32, #tpu.memory_space<vmem_shared>>)
    %dma_wait3A_231 = arith.constant 0 : i32
    %dma_wait3A_232 = arith.constant 0 : i32
    %dma_wait3A_233 = tpu.memref_slice %arg18[%dma_wait3A_231, %dma_wait3A_232] : memref<10240x128xf32, #tpu.memory_space<vmem_shared>> -> memref<10240x128xf32, #tpu.memory_space<vmem_shared>>
    tpu.wait_indirect_dma semaphore(%arg24 : memref<!tpu.dma_semaphore, #tpu.memory_space<semaphore_mem>>) src(%arg17 : memref<32x128xf32, #tpu.memory_space<vmem>>) dst(%dma_wait3A_233 : memref<10240x128xf32, #tpu.memory_space<vmem_shared>>)
    %barrier3A_234 = arith.constant 0 : index
    tpu.barrier barrier_id(%barrier3A_234)
    %mul3A_235 = arith.constant 640 : i32
    %mul3A_236 = arith.muli %arg1, %mul3A_235 : i32
    %mul3A_237 = arith.constant 640 : i32
    %mul3A_238 = arith.muli %arg1, %mul3A_237 : i32
    "tpu.region"() ({
      %run_scoped3A = tpu.sem_alloc : memref<!tpu.dma_semaphore, #tpu.memory_space<semaphore_mem>>
      %dma_start3A_239 = arith.constant 0 : i32
      %dma_start3A_240 = tpu.memref_slice %arg7[%arg0, %mul3A_238, %dma_start3A_239] : memref<2x10240x128xf32, #tpu.memory_space<hbm>> -> memref<1x640x128xf32, #tpu.memory_space<hbm>>
      %dma_start3A_241 = tpu.memref_squeeze %dma_start3A_240 : memref<1x640x128xf32, #tpu.memory_space<hbm>> -> memref<640x128xf32, #tpu.memory_space<hbm>>
      %dma_start3A_242 = arith.constant 0 : i32
      %dma_start3A_243 = tpu.memref_slice %arg18[%mul3A_236, %dma_start3A_242] : memref<10240x128xf32, #tpu.memory_space<vmem_shared>> -> memref<640x128xf32, #tpu.memory_space<vmem_shared>>
      tpu.enqueue_dma source(%dma_start3A_243 : memref<640x128xf32, #tpu.memory_space<vmem_shared>>) target(%dma_start3A_241 : memref<640x128xf32, #tpu.memory_space<hbm>>) target_semaphore(%run_scoped3A : memref<!tpu.dma_semaphore, #tpu.memory_space<semaphore_mem>>)
      %dma_wait3A_244 = arith.constant 0 : i32
      %dma_wait3A_245 = tpu.memref_slice %arg7[%arg0, %mul3A_238, %dma_wait3A_244] : memref<2x10240x128xf32, #tpu.memory_space<hbm>> -> memref<1x640x128xf32, #tpu.memory_space<hbm>>
      %dma_wait3A_246 = tpu.memref_squeeze %dma_wait3A_245 : memref<1x640x128xf32, #tpu.memory_space<hbm>> -> memref<640x128xf32, #tpu.memory_space<hbm>>
      %dma_wait3A_247 = arith.constant 0 : i32
      %dma_wait3A_248 = tpu.memref_slice %arg18[%mul3A_236, %dma_wait3A_247] : memref<10240x128xf32, #tpu.memory_space<vmem_shared>> -> memref<640x128xf32, #tpu.memory_space<vmem_shared>>
      tpu.wait_dma2 semaphore(%run_scoped3A : memref<!tpu.dma_semaphore, #tpu.memory_space<semaphore_mem>>) src(%dma_wait3A_248 : memref<640x128xf32, #tpu.memory_space<vmem_shared>>) dst(%dma_wait3A_246 : memref<640x128xf32, #tpu.memory_space<hbm>>)
      tpu.yield
    }) : () -> ()
    return
  }
}

module attributes {stable_mosaic.version = 14 : i64} {
  func.func @_edge_proj_body(%arg0: i32, %arg1: memref<4096x16xf32, #tpu.memory_space<vmem>>, %arg2: memref<128x16xf32, #tpu.memory_space<vmem>>, %arg3: memref<1x128xf32, #tpu.memory_space<vmem>>, %arg4: memref<4096x128xf32, #tpu.memory_space<vmem>>) attributes {dimension_semantics = [#tpu.dimension_semantics<arbitrary>], iteration_bounds = array<i64: 40>, scalar_prefetch = 0 : i64, scratch_operands = 0 : i64, tpu.core_type = #tpu.core_type<tc>, window_params = [{transform_indices = @transform_0, window_bounds = array<i64: 4096, 16>}, {pipeline_mode = #tpu.pipeline_mode<synchronous>, transform_indices = @transform_1, window_bounds = array<i64: 128, 16>}, {pipeline_mode = #tpu.pipeline_mode<synchronous>, transform_indices = @transform_2, window_bounds = array<i64: 1, 128>}, {transform_indices = @transform_3, window_bounds = array<i64: 4096, 128>}]} {
    %get3A = arith.constant 0 : index
    %get3A_0 = arith.constant 0 : index
    %get3A_1 = vector.load %arg1[%get3A, %get3A_0] : memref<4096x16xf32, #tpu.memory_space<vmem>>, vector<4096x16xf32>
    %get3A_2 = arith.constant 0 : index
    %get3A_3 = arith.constant 0 : index
    %get3A_4 = vector.load %arg2[%get3A_2, %get3A_3] : memref<128x16xf32, #tpu.memory_space<vmem>>, vector<128x16xf32>
    %dot_general3A = arith.constant dense<0.000000e+00> : vector<4096x128xf32>
    %dot_general3A_5 = tpu.matmul %get3A_1, %get3A_4, %dot_general3A {dimension_numbers = #tpu.dot_dimension_numbers<[1], [1], [0], [0], [0, 0, 1, 0], [], []>, transpose_lhs_hint = false} : vector<4096x16xf32>, vector<128x16xf32>, vector<4096x128xf32> -> vector<4096x128xf32>
    %get3A_6 = arith.constant 0 : index
    %get3A_7 = arith.constant 0 : index
    %get3A_8 = vector.load %arg3[%get3A_6, %get3A_7] : memref<1x128xf32, #tpu.memory_space<vmem>>, vector<1x128xf32>
    %add3A = vector.broadcast %get3A_8 : vector<1x128xf32> to vector<4096x128xf32>
    %add3A_9 = arith.addf %dot_general3A_5, %add3A : vector<4096x128xf32>
    %mul3A = arith.constant 4096 : i32
    %mul3A_10 = arith.muli %arg0, %mul3A : i32
    %add3A_11 = arith.constant 163840 : i32
    %add3A_12 = arith.addi %add3A_11, %mul3A_10 : i32
    %iota3A = tpu.iota {dimensions = array<i32: 0>} : vector<4096x1xi32>
    %add3A_13 = vector.broadcast %add3A_12 : i32 to vector<4096x1xi32>
    %add3A_14 = arith.addi %add3A_13, %iota3A : vector<4096x1xi32>
    %lt3A = arith.constant 320000 : i32
    %lt3A_15 = vector.broadcast %lt3A : i32 to vector<4096x1xi32>
    %lt3A_16 = arith.cmpi slt, %add3A_14, %lt3A_15 : vector<4096x1xi32>
    %jit3A = arith.constant -1.000000e+30 : f32
    %broadcast_in_dim3A = vector.shape_cast %lt3A_16 : vector<4096x1xi1> to vector<4096x1xi1>
    %broadcast_in_dim3A_17 = vector.broadcast %broadcast_in_dim3A : vector<4096x1xi1> to vector<4096x128xi1>
    %broadcast_in_dim3A_18 = vector.broadcast %jit3A : f32 to vector<4096x128xf32>
    %select_n3A = arith.select %broadcast_in_dim3A_17, %add3A_9, %broadcast_in_dim3A_18 : vector<4096x128xi1>, vector<4096x128xf32>
    %swap3A = arith.constant 0 : index
    %swap3A_19 = arith.constant 0 : index
    %swap3A_20 = vector.load %arg4[%swap3A, %swap3A_19] : memref<4096x128xf32, #tpu.memory_space<vmem>>, vector<4096x128xf32>
    tpu.vector_store %arg4[%swap3A, %swap3A_19], %select_n3A {strides = array<i32>} : memref<4096x128xf32, #tpu.memory_space<vmem>>, vector<4096x128xf32>,
    return
  }
  func.func @transform_0(%arg0: i32) -> (i32, i32) {
    %add3A = arith.constant 40 : i32
    %add3A_0 = arith.addi %add3A, %arg0 : i32
    %min3A = arith.constant 78 : i32
    %min3A_1 = arith.minsi %add3A_0, %min3A : i32
    %c0_i32 = arith.constant 0 : i32
    %c0_i32_2 = arith.constant 0 : i32
    return %min3A_1, %c0_i32 : i32, i32
  }
  func.func @transform_1(%arg0: i32) -> (i32, i32) {
    %c0_i32 = arith.constant 0 : i32
    %c0_i32_0 = arith.constant 0 : i32
    %c0_i32_1 = arith.constant 0 : i32
    return %c0_i32, %c0_i32_0 : i32, i32
  }
  func.func @transform_2(%arg0: i32) -> (i32, i32) {
    %c0_i32 = arith.constant 0 : i32
    %c0_i32_0 = arith.constant 0 : i32
    %c0_i32_1 = arith.constant 0 : i32
    return %c0_i32, %c0_i32_0 : i32, i32
  }
  func.func @transform_3(%arg0: i32) -> (i32, i32) {
    %c0_i32 = arith.constant 0 : i32
    %c0_i32_0 = arith.constant 0 : i32
    return %arg0, %c0_i32 : i32, i32
  }
}

module attributes {stable_mosaic.version = 14 : i64} {
  func.func @_edge_proj_body(%arg0: i32, %arg1: memref<4096x16xf32, #tpu.memory_space<vmem>>, %arg2: memref<128x16xf32, #tpu.memory_space<vmem>>, %arg3: memref<1x128xf32, #tpu.memory_space<vmem>>, %arg4: memref<4096x128xf32, #tpu.memory_space<vmem>>) attributes {dimension_semantics = [#tpu.dimension_semantics<arbitrary>], iteration_bounds = array<i64: 40>, scalar_prefetch = 0 : i64, scratch_operands = 0 : i64, tpu.core_type = #tpu.core_type<tc>, window_params = [{transform_indices = @transform_0, window_bounds = array<i64: 4096, 16>}, {pipeline_mode = #tpu.pipeline_mode<synchronous>, transform_indices = @transform_1, window_bounds = array<i64: 128, 16>}, {pipeline_mode = #tpu.pipeline_mode<synchronous>, transform_indices = @transform_2, window_bounds = array<i64: 1, 128>}, {transform_indices = @transform_3, window_bounds = array<i64: 4096, 128>}]} {
    %get3A = arith.constant 0 : index
    %get3A_0 = arith.constant 0 : index
    %get3A_1 = vector.load %arg1[%get3A, %get3A_0] : memref<4096x16xf32, #tpu.memory_space<vmem>>, vector<4096x16xf32>
    %get3A_2 = arith.constant 0 : index
    %get3A_3 = arith.constant 0 : index
    %get3A_4 = vector.load %arg2[%get3A_2, %get3A_3] : memref<128x16xf32, #tpu.memory_space<vmem>>, vector<128x16xf32>
    %dot_general3A = arith.constant dense<0.000000e+00> : vector<4096x128xf32>
    %dot_general3A_5 = tpu.matmul %get3A_1, %get3A_4, %dot_general3A {dimension_numbers = #tpu.dot_dimension_numbers<[1], [1], [0], [0], [0, 0, 1, 0], [], []>, transpose_lhs_hint = false} : vector<4096x16xf32>, vector<128x16xf32>, vector<4096x128xf32> -> vector<4096x128xf32>
    %get3A_6 = arith.constant 0 : index
    %get3A_7 = arith.constant 0 : index
    %get3A_8 = vector.load %arg3[%get3A_6, %get3A_7] : memref<1x128xf32, #tpu.memory_space<vmem>>, vector<1x128xf32>
    %add3A = vector.broadcast %get3A_8 : vector<1x128xf32> to vector<4096x128xf32>
    %add3A_9 = arith.addf %dot_general3A_5, %add3A : vector<4096x128xf32>
    %mul3A = arith.constant 4096 : i32
    %mul3A_10 = arith.muli %arg0, %mul3A : i32
    %add3A_11 = arith.constant 0 : i32
    %add3A_12 = arith.addi %add3A_11, %mul3A_10 : i32
    %iota3A = tpu.iota {dimensions = array<i32: 0>} : vector<4096x1xi32>
    %add3A_13 = vector.broadcast %add3A_12 : i32 to vector<4096x1xi32>
    %add3A_14 = arith.addi %add3A_13, %iota3A : vector<4096x1xi32>
    %lt3A = arith.constant 320000 : i32
    %lt3A_15 = vector.broadcast %lt3A : i32 to vector<4096x1xi32>
    %lt3A_16 = arith.cmpi slt, %add3A_14, %lt3A_15 : vector<4096x1xi32>
    %jit3A = arith.constant -1.000000e+30 : f32
    %broadcast_in_dim3A = vector.shape_cast %lt3A_16 : vector<4096x1xi1> to vector<4096x1xi1>
    %broadcast_in_dim3A_17 = vector.broadcast %broadcast_in_dim3A : vector<4096x1xi1> to vector<4096x128xi1>
    %broadcast_in_dim3A_18 = vector.broadcast %jit3A : f32 to vector<4096x128xf32>
    %select_n3A = arith.select %broadcast_in_dim3A_17, %add3A_9, %broadcast_in_dim3A_18 : vector<4096x128xi1>, vector<4096x128xf32>
    %swap3A = arith.constant 0 : index
    %swap3A_19 = arith.constant 0 : index
    %swap3A_20 = vector.load %arg4[%swap3A, %swap3A_19] : memref<4096x128xf32, #tpu.memory_space<vmem>>, vector<4096x128xf32>
    tpu.vector_store %arg4[%swap3A, %swap3A_19], %select_n3A {strides = array<i32>} : memref<4096x128xf32, #tpu.memory_space<vmem>>, vector<4096x128xf32>,
    return
  }
  func.func @transform_0(%arg0: i32) -> (i32, i32) {
    %add3A = arith.constant 0 : i32
    %add3A_0 = arith.addi %add3A, %arg0 : i32
    %min3A = arith.constant 78 : i32
    %min3A_1 = arith.minsi %add3A_0, %min3A : i32
    %c0_i32 = arith.constant 0 : i32
    %c0_i32_2 = arith.constant 0 : i32
    return %min3A_1, %c0_i32 : i32, i32
  }
  func.func @transform_1(%arg0: i32) -> (i32, i32) {
    %c0_i32 = arith.constant 0 : i32
    %c0_i32_0 = arith.constant 0 : i32
    %c0_i32_1 = arith.constant 0 : i32
    return %c0_i32, %c0_i32_0 : i32, i32
  }
  func.func @transform_2(%arg0: i32) -> (i32, i32) {
    %c0_i32 = arith.constant 0 : i32
    %c0_i32_0 = arith.constant 0 : i32
    %c0_i32_1 = arith.constant 0 : i32
    return %c0_i32, %c0_i32_0 : i32, i32
  }
  func.func @transform_3(%arg0: i32) -> (i32, i32) {
    %c0_i32 = arith.constant 0 : i32
    %c0_i32_0 = arith.constant 0 : i32
    return %arg0, %c0_i32 : i32, i32
  }
}

module attributes {stable_mosaic.version = 14 : i64} {
  func.func @_mlp_bn_body(%arg0: memref<10000x128xf32, #tpu.memory_space<vmem>>, %arg1: memref<2x10240x128xf32, #tpu.memory_space<vmem>>, %arg2: memref<2x10240x128xf32, #tpu.memory_space<vmem>>, %arg3: memref<128x128xf32, #tpu.memory_space<vmem>>, %arg4: memref<1x128xf32, #tpu.memory_space<vmem>>, %arg5: memref<128x128xf32, #tpu.memory_space<vmem>>, %arg6: memref<1x128xf32, #tpu.memory_space<vmem>>, %arg7: memref<1x128xf32, #tpu.memory_space<vmem>>, %arg8: memref<1x128xf32, #tpu.memory_space<vmem>>, %arg9: memref<10000x128xf32, #tpu.memory_space<vmem>>) attributes {dimension_semantics = [], scalar_prefetch = 0 : i64, scratch_operands = 0 : i64, tpu.core_type = #tpu.core_type<tc>} {
    %get3A = arith.constant 0 : index
    %get3A_0 = arith.constant 0 : index
    %get3A_1 = arith.constant 0 : index
    %get3A_2 = vector.load %arg1[%get3A, %get3A_0, %get3A_1] : memref<2x10240x128xf32, #tpu.memory_space<vmem>>, vector<1x10000x128xf32>
    %get3A_3 = vector.shape_cast %get3A_2 : vector<1x10000x128xf32> to vector<10000x128xf32>
    %get3A_4 = arith.constant 1 : index
    %get3A_5 = arith.constant 0 : index
    %get3A_6 = arith.constant 0 : index
    %get3A_7 = vector.load %arg1[%get3A_4, %get3A_5, %get3A_6] : memref<2x10240x128xf32, #tpu.memory_space<vmem>>, vector<1x10000x128xf32>
    %get3A_8 = vector.shape_cast %get3A_7 : vector<1x10000x128xf32> to vector<10000x128xf32>
    %add3A = arith.addf %get3A_3, %get3A_8 : vector<10000x128xf32>
    %get3A_9 = arith.constant 0 : index
    %get3A_10 = arith.constant 0 : index
    %get3A_11 = arith.constant 0 : index
    %get3A_12 = vector.load %arg2[%get3A_9, %get3A_10, %get3A_11] : memref<2x10240x128xf32, #tpu.memory_space<vmem>>, vector<1x10000x128xf32>
    %get3A_13 = vector.shape_cast %get3A_12 : vector<1x10000x128xf32> to vector<10000x128xf32>
    %get3A_14 = arith.constant 1 : index
    %get3A_15 = arith.constant 0 : index
    %get3A_16 = arith.constant 0 : index
    %get3A_17 = vector.load %arg2[%get3A_14, %get3A_15, %get3A_16] : memref<2x10240x128xf32, #tpu.memory_space<vmem>>, vector<1x10000x128xf32>
    %get3A_18 = vector.shape_cast %get3A_17 : vector<1x10000x128xf32> to vector<10000x128xf32>
    %add3A_19 = arith.addf %get3A_13, %get3A_18 : vector<10000x128xf32>
    %add3A_20 = arith.addf %add3A, %add3A_19 : vector<10000x128xf32>
    %get3A_21 = arith.constant 0 : index
    %get3A_22 = arith.constant 0 : index
    %get3A_23 = vector.load %arg0[%get3A_21, %get3A_22] : memref<10000x128xf32, #tpu.memory_space<vmem>>, vector<10000x128xf32>
    %add3A_24 = arith.addf %get3A_23, %add3A_20 : vector<10000x128xf32>
    %get3A_25 = arith.constant 0 : index
    %get3A_26 = arith.constant 0 : index
    %get3A_27 = vector.load %arg3[%get3A_25, %get3A_26] : memref<128x128xf32, #tpu.memory_space<vmem>>, vector<128x128xf32>
    %dot_general3A = arith.constant dense<0.000000e+00> : vector<10000x128xf32>
    %dot_general3A_28 = tpu.matmul %add3A_24, %get3A_27, %dot_general3A {dimension_numbers = #tpu.dot_dimension_numbers<[1], [1], [0], [0], [0, 0, 1, 0], [], []>, transpose_lhs_hint = false} : vector<10000x128xf32>, vector<128x128xf32>, vector<10000x128xf32> -> vector<10000x128xf32>
    %get3A_29 = arith.constant 0 : index
    %get3A_30 = arith.constant 0 : index
    %get3A_31 = vector.load %arg4[%get3A_29, %get3A_30] : memref<1x128xf32, #tpu.memory_space<vmem>>, vector<1x128xf32>
    %add3A_32 = vector.broadcast %get3A_31 : vector<1x128xf32> to vector<10000x128xf32>
    %add3A_33 = arith.addf %dot_general3A_28, %add3A_32 : vector<10000x128xf32>
    %max3A = arith.constant 0.000000e+00 : f32
    %max3A_34 = vector.broadcast %max3A : f32 to vector<10000x128xf32>
    %max3A_35 = arith.maximumf %add3A_33, %max3A_34 : vector<10000x128xf32>
    %get3A_36 = arith.constant 0 : index
    %get3A_37 = arith.constant 0 : index
    %get3A_38 = vector.load %arg5[%get3A_36, %get3A_37] : memref<128x128xf32, #tpu.memory_space<vmem>>, vector<128x128xf32>
    %dot_general3A_39 = arith.constant dense<0.000000e+00> : vector<10000x128xf32>
    %dot_general3A_40 = tpu.matmul %max3A_35, %get3A_38, %dot_general3A_39 {dimension_numbers = #tpu.dot_dimension_numbers<[1], [1], [0], [0], [0, 0, 1, 0], [], []>, transpose_lhs_hint = false} : vector<10000x128xf32>, vector<128x128xf32>, vector<10000x128xf32> -> vector<10000x128xf32>
    %get3A_41 = arith.constant 0 : index
    %get3A_42 = arith.constant 0 : index
    %get3A_43 = vector.load %arg6[%get3A_41, %get3A_42] : memref<1x128xf32, #tpu.memory_space<vmem>>, vector<1x128xf32>
    %add3A_44 = vector.broadcast %get3A_43 : vector<1x128xf32> to vector<10000x128xf32>
    %add3A_45 = arith.addf %dot_general3A_40, %add3A_44 : vector<10000x128xf32>
    %max3A_46 = arith.constant 0.000000e+00 : f32
    %max3A_47 = vector.broadcast %max3A_46 : f32 to vector<10000x128xf32>
    %max3A_48 = arith.maximumf %add3A_45, %max3A_47 : vector<10000x128xf32>
    %reduce_sum3A = arith.constant dense<0.000000e+00> : vector<128xf32>
    %reduce_sum3A_49 = vector.multi_reduction <add>, %max3A_48, %reduce_sum3A [0] : vector<10000x128xf32> to vector<128xf32>
    %broadcast_in_dim3A = vector.shape_cast %reduce_sum3A_49 : vector<128xf32> to vector<1x128xf32>
    %div3A = arith.constant 1.000000e+04 : f32
    %div3A_50 = vector.broadcast %div3A : f32 to vector<1x128xf32>
    %div3A_51 = arith.divf %broadcast_in_dim3A, %div3A_50 : vector<1x128xf32>
    %sub3A = vector.broadcast %div3A_51 : vector<1x128xf32> to vector<10000x128xf32>
    %sub3A_52 = arith.subf %max3A_48, %sub3A : vector<10000x128xf32>
    %square3A = arith.mulf %sub3A_52, %sub3A_52 : vector<10000x128xf32>
    %reduce_sum3A_53 = arith.constant dense<0.000000e+00> : vector<128xf32>
    %reduce_sum3A_54 = vector.multi_reduction <add>, %square3A, %reduce_sum3A_53 [0] : vector<10000x128xf32> to vector<128xf32>
    %broadcast_in_dim3A_55 = vector.shape_cast %reduce_sum3A_54 : vector<128xf32> to vector<1x128xf32>
    %div3A_56 = arith.constant 1.000000e+04 : f32
    %div3A_57 = vector.broadcast %div3A_56 : f32 to vector<1x128xf32>
    %div3A_58 = arith.divf %broadcast_in_dim3A_55, %div3A_57 : vector<1x128xf32>
    %sub3A_59 = vector.broadcast %div3A_51 : vector<1x128xf32> to vector<10000x128xf32>
    %sub3A_60 = arith.subf %max3A_48, %sub3A_59 : vector<10000x128xf32>
    %add3A_61 = arith.constant 9.99999974E-6 : f32
    %add3A_62 = vector.broadcast %add3A_61 : f32 to vector<1x128xf32>
    %add3A_63 = arith.addf %div3A_58, %add3A_62 : vector<1x128xf32>
    %rsqrt3A = math.rsqrt %add3A_63 : vector<1x128xf32>
    %mul3A = vector.broadcast %rsqrt3A : vector<1x128xf32> to vector<10000x128xf32>
    %mul3A_64 = arith.mulf %sub3A_60, %mul3A : vector<10000x128xf32>
    %get3A_65 = arith.constant 0 : index
    %get3A_66 = arith.constant 0 : index
    %get3A_67 = vector.load %arg7[%get3A_65, %get3A_66] : memref<1x128xf32, #tpu.memory_space<vmem>>, vector<1x128xf32>
    %mul3A_68 = vector.broadcast %get3A_67 : vector<1x128xf32> to vector<10000x128xf32>
    %mul3A_69 = arith.mulf %mul3A_64, %mul3A_68 : vector<10000x128xf32>
    %get3A_70 = arith.constant 0 : index
    %get3A_71 = arith.constant 0 : index
    %get3A_72 = vector.load %arg8[%get3A_70, %get3A_71] : memref<1x128xf32, #tpu.memory_space<vmem>>, vector<1x128xf32>
    %add3A_73 = vector.broadcast %get3A_72 : vector<1x128xf32> to vector<10000x128xf32>
    %add3A_74 = arith.addf %mul3A_69, %add3A_73 : vector<10000x128xf32>
    %swap3A = arith.constant 0 : index
    %swap3A_75 = arith.constant 0 : index
    %swap3A_76 = vector.load %arg9[%swap3A, %swap3A_75] : memref<10000x128xf32, #tpu.memory_space<vmem>>, vector<10000x128xf32>
    tpu.vector_store %arg9[%swap3A, %swap3A_75], %add3A_74 {strides = array<i32>} : memref<10000x128xf32, #tpu.memory_space<vmem>>, vector<10000x128xf32>,
    return
  }
}

</mosaic_0001>

<sc_bundles>
// kernel: kernel.10.cloned.1.call-start
scs
__scs_entry_jumppad:
0x0: {  	(pc) =	sbr.rel $0x88, $3  }
0x1: {  	(tag) =	ssettag $0x0;
	lr =	simm.s32 $0x1  }
0x2: {  	[smem:$0x3F96] =	sst lr;
	_ =	strace $0xD0000000  }
0x3: {  	_ = 	snop  }
0x4: {  	_ = 	snop  }
0x5: {  	_ = 	snop  }
0x6: {  	_ = 	snop  }
0x7: {  	_ = 	snop  }
__scs_overlays_trampoline_lowered:
0x8: {  	[smem:$0x3FA5] =	sst s0  }
0x9: {  	[smem:$0x3FA6] =	sst s1  }
0xa: {  	[smem:$0x3FA7] =	sst s2  }
0xb: {  	[smem:$0x3FA8] =	sst s3  }
0xc: {  	[smem:$0x3FA9] =	sst s4  }
0xd: {  	[smem:$0x3FAA] =	sst s5  }
0xe: {  	[smem:$0x3FAB] =	sst s6  }
0xf: {  	[smem:$0x3FAC] =	sst s7  }
0x10: {  	[smem:$0x3FAD] =	sst s8  }
0x11: {  	[smem:$0x3FAE] =	sst s9;
	s0 =	simm.s32 @!p0 $0x0  }
0x12: {  	s1 =	sld [smem:$0x3F94];
	s0 =	simm.s32 @p0 $0x1  }
0x13: {  	[smem:$0x3FAF] =	sst s0;
	s0 =	simm.s32 @!p1 $0x0  }
0x14: {  	s2 =	sld [smem:$0x3F93];
	s0 =	simm.s32 @p1 $0x1  }
0x15: {  	[smem:$0x3FB0] =	sst s0;
	s0 =	simm.s32 @!p2 $0x0  }
0x16: {  	s3 =	sld [smem:$0x3FDB];
	s0 =	simm.s32 @p2 $0x1  }
0x17: {  	s4 =	simm.s32 $0x1BF5;
	[smem:$0x3FB2] =	sst s0  }
0x18: {  	s0 =	sld [smem:$0x3F95];
	_ =	swait.ge [sflag:s4], $0x0  }
0x19: {  	s7 =	sld [smem:$0x3F96]  }
0x1a: {  	s8 =	sadd.s32 $0xFFFFE003, lr  }
0x1b: {  	s9 =	sadd.s32 $0xFFFFFEF7, lr;
	s5 =	simm.s32 $0xFFFFFFFF;
	p2 =	slt.u32 s8, $0xFFFFF086  }
0x1c: {  	p1 =	slt.u32 s9, $0xF7A;
	s5 =	simm.s32 @!p2 $0x0  }
0x1d: {  	s5 =	simm.s32 @p1 $0x1;
	p0 =	seq.s32 s7, s2  }
0x1e: {  	s7 =	smul.u32 @!p0 $0xF7A, s2;
	p2 =	seq.s32 @!p0 s5, $0x0  }
0x1f: {  	s9 =	smul.u32 $0xF7A, s1;
	s8 =	simm.s32 @!p0 $0x1BF5;
	p2 =	por !p2, p0  }
0x20: {  	[sflag:s8] =	ssyncset.s32 @!p0 $0xFFFFF086;
	s6 =	sadd.s32 @!p0 s3, s7;
	s7 =	simm.s32 @!p0 $0x108  }
0x21: {  	s3 =	sadd.s32 s3, s9;
	s6 =	sadd.s32 @!p0 $0x88, s6;
	s7 =	simm.s32 @p2 $0x1082  }
0x22: {  	[simem:s7], [sflag:s8] =	dma.local @!p0 [hbm:s6], $0xF7A  }
0x23: {  	s9 =	sor.u32 $0xD0000000, s2;
	s6 =	simm.s32 $0x108;
	_ =	swait.ge @!p0 [sflag:s8], $0x0  }
0x24: {  	s3 =	sadd.s32 $0x88, s3;
	s6 =	simm.s32 @!p1 $0x1082;
	[sflag:s4] =	ssyncset.s32 $0xFFFFF086  }
0x25: {  	[simem:s6], [sflag:s4] =	dma.local [hbm:s3], $0xF7A  }
0x26: {  	[smem:$0x3F96] =	sst s1;
	(tag) =	ssettag s2;
	_ =	strace s9  }
0x27: {  	s1 =	sld [smem:$0x3FA6]  }
0x28: {  	s2 =	sld [smem:$0x3FA7]  }
0x29: {  	s4 =	sld [smem:$0x3FA9]  }
0x2a: {  	p0 =	seq.s32 s5, $0x0;
	s5 =	sld [smem:$0x3FAA]  }
0x2b: {  	s6 =	sld [smem:$0x3FAB]  }
0x2c: {  	s7 =	sld [smem:$0x3FAC]  }
0x2d: {  	s3 =	simm.s32 $0x108;
	s8 =	sld [smem:$0x3FAD]  }
0x2e: {  	s3 =	simm.s32 @!p0 $0x1082;
	s9 =	sld [smem:$0x3FAE]  }
0x2f: {  	lr =	sadd.s32 s0, s3;
	s0 =	sld [smem:$0x3FA5]  }
0x30: {  	s3 =	sld [smem:$0x3FA8]  }
0x31: {  	[smem:$0x3FB1] =	sst s10  }
0x32: {  	s10 =	sld [smem:$0x3FAF];
	_ =	sdelay $0x3  }
0x33: {  	p0 =	seq.s32 s10, $0x1;
	s10 =	sld [smem:$0x3FB1];
	_ =	sdelay $0x3  }
0x34: {  	[smem:$0x3FB1] =	sst s10  }
0x35: {  	s10 =	sld [smem:$0x3FB0];
	_ =	sdelay $0x3  }
0x36: {  	p1 =	seq.s32 s10, $0x1;
	s10 =	sld [smem:$0x3FB1];
	_ =	sdelay $0x3  }
0x37: {  	[smem:$0x3FB1] =	sst s10  }
0x38: {  	s10 =	sld [smem:$0x3FB2]  }
0x39: {  	_ = 	snop;
	(pc) =	sbr.ind lr, $3  }
0x3a: {  	_ = 	snop  }
0x3b: {  	_ = 	snop  }
0x3c: {  	p2 =	seq.s32 s10, $0x1;
	s10 =	sld [smem:$0x3FB1]  }
0x3d: {  	_ =	shalt  }
0x3e: {  	_ =	shalt  }
0x3f: {  	_ =	shalt  }
0x40: {  	_ =	shalt  }
0x41: {  	_ =	shalt  }
0x42: {  	_ =	shalt  }
0x43: {  	_ =	shalt  }
0x44: {  	_ =	shalt  }
0x45: {  	_ =	shalt  }
0x46: {  	_ =	shalt  }
0x47: {  	_ =	shalt  }
0x48: {  	_ =	shalt  }
0x49: {  	_ =	shalt  }
0x4a: {  	_ =	shalt  }
0x4b: {  	_ =	shalt  }
0x4c: {  	_ =	shalt  }
0x4d: {  	_ =	shalt  }
0x4e: {  	_ =	shalt  }
0x4f: {  	_ =	shalt  }
0x50: {  	_ =	shalt  }
0x51: {  	_ =	shalt  }
0x52: {  	_ =	shalt  }
0x53: {  	_ =	shalt  }
0x54: {  	_ =	shalt  }
0x55: {  	_ =	shalt  }
0x56: {  	_ =	shalt  }
0x57: {  	_ =	shalt  }
0x58: {  	_ =	shalt  }
0x59: {  	_ =	shalt  }
0x5a: {  	_ =	shalt  }
0x5b: {  	_ =	shalt  }
0x5c: {  	_ =	shalt  }
0x5d: {  	_ =	shalt  }
0x5e: {  	_ =	shalt  }
0x5f: {  	_ =	shalt  }
0x60: {  	_ =	shalt  }
0x61: {  	_ =	shalt  }
0x62: {  	_ =	shalt  }
0x63: {  	_ =	shalt  }
0x64: {  	_ =	shalt  }
0x65: {  	_ =	shalt  }
0x66: {  	_ =	shalt  }
0x67: {  	_ =	shalt  }
0x68: {  	_ =	shalt  }
0x69: {  	_ =	shalt  }
0x6a: {  	_ =	shalt  }
0x6b: {  	_ =	shalt  }
0x6c: {  	_ =	shalt  }
0x6d: {  	_ =	shalt  }
0x6e: {  	_ =	shalt  }
0x6f: {  	_ =	shalt  }
0x70: {  	_ =	shalt  }
0x71: {  	_ =	shalt  }
0x72: {  	_ =	shalt  }
0x73: {  	_ =	shalt  }
0x74: {  	_ =	shalt  }
0x75: {  	_ =	shalt  }
0x76: {  	_ =	shalt  }
0x77: {  	_ =	shalt  }
0x78: {  	_ =	shalt  }
0x79: {  	_ =	shalt  }
0x7a: {  	_ =	shalt  }
0x7b: {  	_ =	shalt  }
0x7c: {  	_ =	shalt  }
0x7d: {  	_ =	shalt  }
0x7e: {  	_ =	shalt  }
0x7f: {  	_ =	shalt  }
0x80: {  	_ =	shalt  }
0x81: {  	_ =	shalt  }
0x82: {  	_ =	shalt  }
0x83: {  	_ =	shalt  }
0x84: {  	_ =	shalt  }
0x85: {  	_ =	shalt  }
0x86: {  	_ =	shalt  }
0x87: {  	_ =	shalt  }
.Lfunc_end0:
.L_simem_size_0:
called_computation.1_lowered:
.L_overlay_start_0:
0x88: {  	s2 =	sld [smem:$0x3FD9]  }
0x89: {  	s3 =	sld [smem:$0x3FFE];
	_ =	sdelay $0x1  }
0x8a: {  	s1 =	srdreg.scid  }
0x8b: {  	s0 =	sand.u32 $0x1, s1  }
0x8c: {  	s17 =	sshll.u32 s0, $0xA;
	s2 =	sadd.s32 s3, s2  }
0x8d: {  	s2 =	sadd.s32 s2, s17  }
0x8e: {  	[smem:$0x3FBD] =	sst s2  }
0x8f: {  	_ = 	snop  }
0x90: {  	s2 =	sld [smem:$0x3FC9];
	(tm) =	ssettm $0x1  }
0x91: {  	s18 =	sld [smem:$0x3FFB];
	_ =	sdelay $0x3  }
0x92: {  	_ =	strace s18  }
0x93: {  	s3 =	sld [smem:$0x3FFC];
	_ =	sdelay $0x3  }
0x94: {  	_ =	strace s3  }
0x95: {  	s3 =	sld [smem:$0x3FFD];
	_ =	sdelay $0x3  }
0x96: {  	_ =	strace s3  }
0x97: {  	_ =	strace $0x8FFFFFFF  }
0x98: {  	s19 =	sld [smem:$0x3FDB];
	_ =	sdelay $0x1  }
0x99: {  	s4 =	simm.s32 $_scs_section_size  }
0x9a: {  	s5 =	simm.s32 $_size__tile_overlayer_lowered;
	s6 =	simm.s32 $_tile_overlayer_lowered  }
0x9b: {  	s22 =	simm.s32 $0x1BFF;
	s21 =	sshll.u32 s6, $0x1;
	s3 =	sadd.s32 s4, s19  }
0x9c: {  	s7 =	simm.s32 $0x0;
	s20 =	sshll.u32 s5, $0x1;
	s5 =	sadd.s32 s21, s3  }
0x9d: {  	[timem:s7], [sflag:s22] =	dma.local [hbm:s5], s20  }
0x9e: {  	_ =	swait.ge [sflag:s22], s20  }
0x9f: {  	s4 =	ssub.s32 $0x0, s20;
	[sflag:s22] =	ssyncset.done $0x0  }
0xa0: {  	[sflag:s22] =	ssyncadd.s32 s4;
	_ =	sdelay $0x1  }
0xa1: {  	s23 =	simm.s32 $0x1B8B  }
0xa2: {  	_ =	swait.ge [sflag:s23], $0x1  }
0xa3: {  	[sflag:s23] =	ssyncset.done $0x0  }
0xa4: {  	s25 =	simm.s32 $0x1B8E;
	s24 =	sld [smem:$0x3FFE];
	[sflag:s23] =	ssyncadd.s32 $0xFFFFFFFF  }
0xa5: {  	s26 =	simm.s32 $execute0_lowered;
	[smem:$0x3FD2] =	sst s25  }
0xa6: {  	s5 =	sshll.u32 s26, $0x1;
	_ =	strace $0x80000046;
	[dreg:$0x1] =	wrdreg $0xFFFFFFFF  }
0xa7: {  	s28 =	simm.s32 $_size_execute0_lowered;
	s3 =	sadd.s32 s3, s5;
	[dreg:$0x0] =	wrdreg $0x0  }
0xa8: {  	s5 =	sshll.u32 s28, $0x1;
	[dreg:$0x2] =	wrdreg s3  }
0xa9: {  	[dreg:$0x3] =	wrdreg s5  }
0xaa: {  	[dreg:$0x4] =	wrdreg $0xC0  }
0xab: {  	_ =	task [dreg:s7], $0x5FFFF  }
0xac: {  	[dreg:$0x1] =	wrdreg $0xFFFFFFFF  }
0xad: {  	[dreg:$0x0] =	wrdreg $0x60  }
0xae: {  	[dreg:$0x2] =	wrdreg s2  }
0xaf: {  	[dreg:$0x3] =	wrdreg s24  }
0xb0: {  	[dreg:$0x4] =	wrdreg $0x89000  }
0xb1: {  	[dreg:$0x5] =	wrdreg $0xA  }
0xb2: {  	_ =	task.clear_ibuf [dreg:s7], $0x6FFFF;
	_ =	strace $0x90000046  }
0xb3: {  	s29 =	simm.s32 $0xA;
	_ =	strace $0x80000048  }
0xb4: {  	_ =	swait.ge [sflag:s29], $0x1  }
0xb5: {  	[sflag:s29] =	ssyncadd.s32 $0xFFFFFFFF  }
0xb6: {  	_ =	strace $0x90000048  }
0xb7: {  	_ =	sfence  }
0xb8: {  	s30 =	sld [smem:$0x0];
	_ =	sdelay $0x2  }
0xb9: {  	s31 =	sshll.u32 s1, $0xD;
	s1 =	sshrl.u32 s1, $0x2  }
0xba: {  	s3 =	sand.u32 $0x4000, s31;
	s1 =	sadd.s32 s1, s30  }
0xbb: {  	s0 =	sor.u32 s3, s0;
	s1 =	sshll.u32 s1, $0x11  }
0xbc: {  	s0 =	sor.u32 s1, s0  }
0xbd: {  	s0 =	sadd.s32 $0x8F2B, s0  }
0xbe: {  	[sflag:s0] =	ssyncadd.remote.s32 $0x1  }
0xbf: {  	_ =	sfence.sel $0xFFFF  }
0xc0: {  	[dreg:$0x0] =	wrdreg $0xFFFFFFFF;
	(pc) =	sbr.abs _section_cstart, $3  }
0xc1: {  	[dreg:$0x1] =	wrdreg $0xFFFFFFFF  }
0xc2: {  	_ =	task.clear_ibuf [dreg:s7], $0x2FFFF;
	_ =	strace $0x9FFFFFFF  }
0xc3: {  	(tm) =	ssettm $0x7FFFFFFF  }
tec
execute0_lowered:
.L_overlay_start_1:
0x0: {  	(tag) =	ssettag $0x1  }
0x1: {  	s1 =	rddreg [dreg:$0x0]  }
0x2: {  	s0 =	srdreg.scid;
	s2 =	rddreg [dreg:$0x1]  }
0x3: {  	s12 =	stileid.u32;
	s3 =	rddreg [dreg:$0x2]  }
0x4: {  	s16 =	simm.s32 $0x7;
	s28 =	simm.s32 $0x2800;
	s29 =	simm.s32 $0x6900  }
0x5: {  	s31 =	simm.s32 $0x4;
	s17 =	simm.s32 $0x7900;
	s30 =	simm.s32 $0x5  }
0x6: {  	s15 =	simm.s32 $0x0;
	s0 =	sand.u32 $0x1, s0;
	s8 =	smul.u32 $0x14000, s12  }
0x7: {  	s4 =	sshll.u32 s12, $0x1;
	s10 =	sadd.s32 $0x76E200, s2;
	s18 =	smul.u32 $0x50000, s12  }
0x8: {  	s26 =	sshll.u32 s12, $0x6;
	s6 =	sor.u32 s0, s4;
	s7 =	smul.u32 $0x140000, s0  }
0x9: {  	s4 =	simm.s32 $0x0;
	s0 =	ssub.s32 $0x2, s0;
	s5 =	smul.u32 $0x280, s6  }
0xa: {  	[smem:$0x7FF] =	sst s4;
	s19 =	sshrl.u32 s0, $0x1;
	s11 =	smul.u32 $0x14000, s6  }
0xb: {  	s22 =	sshrl.u32 s18, $0x2;
	s13 =	smul.u32 $0xA0000, s6;
	s18 =	sor.u32 $0x1C07, s26  }
0xc: {  	s26 =	simm.s32 $0x1;
	s6 =	simm.s32 $0x6;
	_ =	strace $0x80000047  }
0xd: {  	[dreg:$0x4] =	wrdreg s10;
	s7 =	sadd.s32 s8, s7;
	s0 =	ssub.s32 s0, s19  }
0xe: {  	s9 =	sadd.s32 s5, s2;
	s5 =	sadd.s32 $0x4EE200, s2;
	s7 =	sshrl.u32 s7, $0x3  }
0xf: {  	s0 =	smax.u32 s0, $0x1;
	s2 =	sadd.s32 s7, s2;
	s20 =	sadd.s32 $0x4E4200, s9  }
0x10: {  	s21 =	sadd.s32 $0x4E9200, s9;
	s9 =	sadd.s32 s5, s11;
	[dreg:$0xb] =	wrdreg s0  }
0x11: {  	s7 =	sadd.s32 s22, s3;
	s22 =	simm.s32 $0x2900;
	[dreg:$0x5] =	wrdreg s20  }
0x12: {  	s0 =	simm.s32 $0x2880;
	[dreg:$0x6] =	wrdreg s21;
	s23 =	sadd.s32 $0x200, s9  }
0x13: {  	s24 =	sadd.s32 $0x400, s9;
	s25 =	sadd.s32 $0x600, s9;
	[dreg:$0x7] =	wrdreg s23  }
0x14: {  	s2 =	sadd.s32 $0x770A00, s2;
	s19 =	sshrl.u32 s7, $0x3;
	[dreg:$0x8] =	wrdreg s24  }
0x15: {  	s20 =	simm.s32 $0x4900;
	s21 =	simm.s32 $0x20;
	[dreg:$0x9] =	wrdreg s25  }
0x16: {  	s7 =	simm.s32 $0x0;
	[dreg:$0xa] =	wrdreg s2;
	s23 =	simm.s32 $0x5900  }
0x17: {  	s24 =	simm.s32 $0x3900;
	s25 =	simm.s32 $0x3;
	s2 =	simm.s32 $0x2  }
.LBB2_1:
0x18: {  	s8 =	rddreg [dreg:$0x5]  }
0x19: {  	[tilespmem:s4], [sflag:$0x7] =	stream.linear.gather [hbm4b:s8+s4], $0x1400, $0x38;
	[tilespmem:$0x1C900] =	vst v63  }
0x1a: {  	_ =	swait.ge [sflag:s16], $0x1400  }
0x1b: {  	[sflag:s16] =	ssyncset.done $0x0  }
0x1c: {  	s10 =	simm.s32 $0x1400;
	s11 =	rddreg [dreg:$0x6];
	[sflag:s16] =	ssyncadd.s32 $0xFFFFEC00  }
0x1d: {  	[tilespmem:s10], [sflag:$0x7] =	stream.linear.gather [hbm4b:s11+s4], $0x1400, $0x38;
	[tilespmem:$0x1C900] =	vst v63  }
0x1e: {  	_ =	swait.ge [sflag:s16], $0x1400  }
0x1f: {  	[sflag:s16] =	ssyncset.done $0x0  }
0x20: {  	s12 =	rddreg [dreg:$0x4];
	[sflag:s16] =	ssyncadd.s32 $0xFFFFEC00  }
0x21: {  	[spmem:s19], [sflag:s18] =	dma.local [hbm:s12], $0x2800  }
0x22: {  	_ =	swait.ge [sflag:s16], $0x2800  }
0x23: {  	[sflag:s16] =	ssyncset.done $0x0  }
0x24: {  	[sflag:s16] =	ssyncadd.s32 $0xFFFFD800  }
0x25: {  	[bflag:$0x0] =	sbarrier.arrive $0xFFFF  }
0x26: {  	[tilespmem:s20], [sflag:$0x3] =	stream.linear.gather [hbm4b:s9+s4], $0x1000, $0x38;
	[tilespmem:$0x1C900] =	vst v63  }
0x27: {  	_ = 	snop  }
0x28: {  	[tilespmem:s22], [sflag:$0x1] =	stream.indirect.gather [hbm4b:s1+s21], $0x80, s4, s21, $0xb8;
	[tilespmem:$0x1C900] =	vst v63  }
0x29: {  	s14 =	rddreg [dreg:$0x7]  }
0x2a: {  	[tilespmem:s23], [sflag:$0x4] =	stream.linear.gather [hbm4b:s14+s4], $0x1000, $0x38;
	[tilespmem:$0x1C900] =	vst v63  }
0x2b: {  	_ = 	snop  }
0x2c: {  	[tilespmem:s24], [sflag:$0x2] =	stream.indirect.gather [hbm4b:s1+s21], $0x80, s21, s21, $0xb8;
	[tilespmem:$0x1C900] =	vst v63  }
0x2d: {  	_ =	swait.ge [sflag:s25], $0x1000  }
0x2e: {  	[sflag:s25] =	ssyncset.done $0x0  }
0x2f: {  	[sflag:s25] =	ssyncadd.s32 $0xFFFFF000  }
0x30: {  	_ =	swait.ge [sflag:s26], $0x1000  }
0x31: {  	[sflag:s26] =	ssyncset.done $0x0  }
0x32: {  	[sflag:s26] =	ssyncadd.s32 $0xFFFFF000  }
0x33: {  	v0 =	vld [tilespmem:$0x1400]  }
0x34: {  	v1 =	vld [tilespmem:$0x1410];
	_ =	sdelay $0x3  }
0x35: {  	[tilespmem:$0x2800] =	vst v0  }
0x36: {  	s8 =	simm.s32 $0x0;
	[tilespmem:$0x2810] =	vst v1  }
0x37: {  	v0 =	vld [tilespmem:s8+$0x2970]  }
0x38: {  	v1 =	vld [tilespmem:s8+$0x4970]  }
0x39: {  	v2 =	vld [tilespmem:s8+$0x2900]  }
0x3a: {  	v3 =	vld [tilespmem:s8+$0x4900]  }
0x3b: {  	v4 =	vld [tilespmem:s8+$0x2910]  }
0x3c: {  	v5 =	vld [tilespmem:s8+$0x4910]  }
0x3d: {  	v6 =	vld [tilespmem:s8+$0x2920]  }
0x3e: {  	v0 =	vadd.f32 v1, v0;
	v1 =	vld [tilespmem:s8+$0x4920]  }
0x3f: {  	v7 =	vld [tilespmem:s8+$0x2930]  }
0x40: {  	v8 =	vld [tilespmem:s8+$0x4930];
	v2 =	vadd.f32 v3, v2  }
0x41: {  	v9 =	vld [tilespmem:s8+$0x2940];
	v0 =	vmax.f32 v0, $0.0e+00  }
0x42: {  	[tilespmem:s8+$0x6970] =	vst v0;
	v0 =	vmax.f32 v2, $0.0e+00;
	v2 =	vadd.f32 v5, v4;
	v5 =	vld [tilespmem:s8+$0x4940]  }
0x43: {  	v3 =	vld [tilespmem:s8+$0x4950];
	v1 =	vadd.f32 v1, v6  }
0x44: {  	[tilespmem:s8+$0x6900] =	vst v0;
	v0 =	vld [tilespmem:s8+$0x2950];
	v2 =	vmax.f32 v2, $0.0e+00  }
0x45: {  	v4 =	vld [tilespmem:s8+$0x4960];
	v6 =	vadd.f32 v8, v7;
	[tilespmem:s8+$0x6910] =	vst v2;
	v2 =	vmax.f32 v1, $0.0e+00  }
0x46: {  	s10 =	simm.s32 $0x80;
	v1 =	vld [tilespmem:s8+$0x2960];
	[tilespmem:s8+$0x6920] =	vst v2  }
0x47: {  	s11 =	simm.s32 $0x400;
	v6 =	vmax.f32 v6, $0.0e+00;
	v5 =	vadd.f32 v5, v9;
	v2 =	vld [tilespmem:s10+$0x2970]  }
.LBB2_2:
0x48: {  	p0 =	sne.s32 s11, $0x3E00;
	v7 =	vld [tilespmem:s10+$0x4970];
	[tilespmem:s8+$0x6930] =	vst v6  }
0x49: {  	v6 =	vld [tilespmem:s10+$0x2900];
	v5 =	vmax.f32 v5, $0.0e+00;
	v0 =	vadd.f32 v3, v0  }
0x4a: {  	v3 =	vld [tilespmem:s10+$0x4900];
	[tilespmem:s8+$0x6940] =	vst v5  }
0x4b: {  	v5 =	vld [tilespmem:s10+$0x2910];
	v0 =	vmax.f32 v0, $0.0e+00;
	v1 =	vadd.f32 v4, v1  }
0x4c: {  	v4 =	vld [tilespmem:s10+$0x4910];
	[tilespmem:s8+$0x6950] =	vst v0  }
0x4d: {  	v0 =	vld [tilespmem:s10+$0x2920];
	v2 =	vadd.f32 v7, v2;
	v1 =	vmax.f32 v1, $0.0e+00  }
0x4e: {  	v7 =	vld [tilespmem:s10+$0x4920];
	[tilespmem:s8+$0x6960] =	vst v1;
	s8 =	smov.u32 s10  }
0x4f: {  	v1 =	vadd.f32 v3, v6;
	v6 =	vld [tilespmem:s8+$0x2930];
	v2 =	vmax.f32 v2, $0.0e+00  }
0x50: {  	v8 =	vld [tilespmem:s8+$0x4930];
	[tilespmem:s8+$0x6970] =	vst v2  }
0x51: {  	v1 =	vmax.f32 v1, $0.0e+00;
	v2 =	vadd.f32 v4, v5;
	v5 =	vld [tilespmem:s8+$0x2940]  }
0x52: {  	[tilespmem:s8+$0x6900] =	vst v1;
	v9 =	vld [tilespmem:s8+$0x4940]  }
.Ltmp0:
0x53: {  	v1 =	vmax.f32 v2, $0.0e+00;
	v2 =	vadd.f32 v7, v0;
	v0 =	vld [tilespmem:s8+$0x2950];
	(pc) =	sbr.rel @p0 .LBB2_2-.Ltmp0, $4  }
0x54: {  	[tilespmem:s8+$0x6910] =	vst v1;
	v3 =	vld [tilespmem:s8+$0x4950]  }
0x55: {  	v2 =	vmax.f32 v2, $0.0e+00;
	v6 =	vadd.f32 v8, v6;
	v1 =	vld [tilespmem:s8+$0x2960]  }
0x56: {  	s10 =	sshra.s32 s11, $0x2;
	[tilespmem:s8+$0x6920] =	vst v2;
	v4 =	vld [tilespmem:s8+$0x4960]  }
0x57: {  	s11 =	sadd.s32 $0x200, s11;
	v2 =	vld [tilespmem:s10+$0x2970];
	v6 =	vmax.f32 v6, $0.0e+00;
	v5 =	vadd.f32 v9, v5  }
0x58: {  	v7 =	vld [tilespmem:s10+$0x4970];
	[tilespmem:s8+$0x6930] =	vst v6  }
0x59: {  	v6 =	vld [tilespmem:s10+$0x2900];
	v5 =	vmax.f32 v5, $0.0e+00;
	v0 =	vadd.f32 v3, v0  }
0x5a: {  	v8 =	vld [tilespmem:s10+$0x4900];
	[tilespmem:s8+$0x6940] =	vst v5  }
0x5b: {  	v3 =	vld [tilespmem:s10+$0x2910];
	v0 =	vmax.f32 v0, $0.0e+00;
	v1 =	vadd.f32 v4, v1  }
0x5c: {  	v5 =	vld [tilespmem:s10+$0x4910];
	[tilespmem:s8+$0x6950] =	vst v0  }
0x5d: {  	v0 =	vld [tilespmem:s10+$0x2920];
	v1 =	vmax.f32 v1, $0.0e+00  }
0x5e: {  	v4 =	vld [tilespmem:s10+$0x4920];
	v2 =	vadd.f32 v7, v2;
	[tilespmem:s8+$0x6960] =	vst v1  }
0x5f: {  	v6 =	vadd.f32 v8, v6;
	v1 =	vld [tilespmem:s10+$0x2930]  }
0x60: {  	v2 =	vmax.f32 v2, $0.0e+00;
	v7 =	vld [tilespmem:s10+$0x4930]  }
0x61: {  	[tilespmem:s10+$0x6970] =	vst v2;
	v2 =	vmax.f32 v6, $0.0e+00;
	v6 =	vld [tilespmem:s10+$0x2940]  }
0x62: {  	v3 =	vadd.f32 v5, v3;
	v5 =	vld [tilespmem:s10+$0x2950]  }
0x63: {  	[tilespmem:s10+$0x6900] =	vst v2;
	v2 =	vld [tilespmem:s10+$0x4940];
	v0 =	vadd.f32 v4, v0  }
0x64: {  	v3 =	vmax.f32 v3, $0.0e+00;
	v4 =	vld [tilespmem:s10+$0x2960]  }
0x65: {  	[tilespmem:s10+$0x6910] =	vst v3;
	v3 =	vld [tilespmem:s10+$0x4950];
	v0 =	vmax.f32 v0, $0.0e+00  }
0x66: {  	[tilespmem:s10+$0x6920] =	vst v0;
	v0 =	vld [tilespmem:s10+$0x4960];
	_ =	sdelay $0x1  }
0x67: {  	v1 =	vadd.f32 v7, v1  }
0x68: {  	v2 =	vadd.f32 v2, v6  }
0x69: {  	v1 =	vmax.f32 v1, $0.0e+00;
	v3 =	vadd.f32 v3, v5  }
0x6a: {  	[tilespmem:s10+$0x6930] =	vst v1;
	v1 =	vmax.f32 v2, $0.0e+00;
	v0 =	vadd.f32 v0, v4  }
0x6b: {  	[tilespmem:s10+$0x6940] =	vst v1;
	v1 =	vmax.f32 v3, $0.0e+00  }
0x6c: {  	[tilespmem:s10+$0x6950] =	vst v1;
	v0 =	vmax.f32 v0, $0.0e+00  }
0x6d: {  	[tilespmem:s10+$0x6960] =	vst v0  }
0x6e: {  	[spmem:s3] =	stream.indirect.scatter.add.f32 [tilespmem:s29], [sflag:$0x5], $0x80, s28, s21, $0xb8;
	[tilespmem:$0x1C900] =	vst v63  }
0x6f: {  	s11 =	simm.s32 $0x0;
	s12 =	rddreg [dreg:$0x8]  }
0x70: {  	[tilespmem:s20], [sflag:$0x3] =	stream.linear.gather [hbm4b:s12+s11], $0x1000, $0x38;
	[tilespmem:$0x1C900] =	vst v63  }
0x71: {  	s14 =	simm.s32 $0x40  }
0x72: {  	[tilespmem:s22], [sflag:$0x1] =	stream.indirect.gather [hbm4b:s1+s21], $0x80, s14, s21, $0xb8;
	[tilespmem:$0x1C900] =	vst v63  }
0x73: {  	_ =	swait.ge [sflag:s31], $0x1000  }
0x74: {  	[sflag:s31] =	ssyncset.done $0x0  }
0x75: {  	[sflag:s31] =	ssyncadd.s32 $0xFFFFF000  }
0x76: {  	_ =	swait.ge [sflag:s2], $0x1000  }
0x77: {  	[sflag:s2] =	ssyncset.done $0x0  }
0x78: {  	[sflag:s2] =	ssyncadd.s32 $0xFFFFF000  }
0x79: {  	v0 =	vld [tilespmem:$0x1420]  }
0x7a: {  	v1 =	vld [tilespmem:$0x1430];
	_ =	sdelay $0x3  }
0x7b: {  	[tilespmem:$0x2880] =	vst v0  }
0x7c: {  	s8 =	simm.s32 $0x0;
	[tilespmem:$0x2890] =	vst v1  }
0x7d: {  	v0 =	vld [tilespmem:s8+$0x3970]  }
0x7e: {  	v1 =	vld [tilespmem:s8+$0x5970]  }
0x7f: {  	v2 =	vld [tilespmem:s8+$0x3900]  }
0x80: {  	v3 =	vld [tilespmem:s8+$0x5900]  }
0x81: {  	v4 =	vld [tilespmem:s8+$0x3910]  }
0x82: {  	v5 =	vld [tilespmem:s8+$0x5910]  }
0x83: {  	v6 =	vld [tilespmem:s8+$0x3920]  }
0x84: {  	v0 =	vadd.f32 v1, v0;
	v1 =	vld [tilespmem:s8+$0x5920]  }
0x85: {  	v7 =	vld [tilespmem:s8+$0x3930]  }
0x86: {  	v8 =	vld [tilespmem:s8+$0x5930];
	v2 =	vadd.f32 v3, v2  }
0x87: {  	v9 =	vld [tilespmem:s8+$0x3940];
	v0 =	vmax.f32 v0, $0.0e+00  }
0x88: {  	[tilespmem:s8+$0x7970] =	vst v0;
	v0 =	vmax.f32 v2, $0.0e+00;
	v2 =	vadd.f32 v5, v4;
	v5 =	vld [tilespmem:s8+$0x5940]  }
0x89: {  	v3 =	vld [tilespmem:s8+$0x5950];
	v1 =	vadd.f32 v1, v6  }
0x8a: {  	[tilespmem:s8+$0x7900] =	vst v0;
	v0 =	vld [tilespmem:s8+$0x3950];
	v2 =	vmax.f32 v2, $0.0e+00  }
0x8b: {  	v4 =	vld [tilespmem:s8+$0x5960];
	v6 =	vadd.f32 v8, v7;
	[tilespmem:s8+$0x7910] =	vst v2;
	v2 =	vmax.f32 v1, $0.0e+00  }
0x8c: {  	s10 =	simm.s32 $0x80;
	v1 =	vld [tilespmem:s8+$0x3960];
	[tilespmem:s8+$0x7920] =	vst v2  }
0x8d: {  	s11 =	simm.s32 $0x400;
	v6 =	vmax.f32 v6, $0.0e+00;
	v5 =	vadd.f32 v5, v9;
	v2 =	vld [tilespmem:s10+$0x3970]  }
.LBB2_4:
0x8e: {  	p0 =	sne.s32 s11, $0x3E00;
	v7 =	vld [tilespmem:s10+$0x5970];
	[tilespmem:s8+$0x7930] =	vst v6  }
0x8f: {  	v6 =	vld [tilespmem:s10+$0x3900];
	v5 =	vmax.f32 v5, $0.0e+00;
	v0 =	vadd.f32 v3, v0  }
0x90: {  	v3 =	vld [tilespmem:s10+$0x5900];
	[tilespmem:s8+$0x7940] =	vst v5  }
0x91: {  	v5 =	vld [tilespmem:s10+$0x3910];
	v0 =	vmax.f32 v0, $0.0e+00;
	v1 =	vadd.f32 v4, v1  }
0x92: {  	v4 =	vld [tilespmem:s10+$0x5910];
	[tilespmem:s8+$0x7950] =	vst v0  }
0x93: {  	v0 =	vld [tilespmem:s10+$0x3920];
	v2 =	vadd.f32 v7, v2;
	v1 =	vmax.f32 v1, $0.0e+00  }
0x94: {  	v7 =	vld [tilespmem:s10+$0x5920];
	[tilespmem:s8+$0x7960] =	vst v1;
	s8 =	smov.u32 s10  }
0x95: {  	v1 =	vadd.f32 v3, v6;
	v6 =	vld [tilespmem:s8+$0x3930];
	v2 =	vmax.f32 v2, $0.0e+00  }
0x96: {  	v8 =	vld [tilespmem:s8+$0x5930];
	[tilespmem:s8+$0x7970] =	vst v2  }
0x97: {  	v1 =	vmax.f32 v1, $0.0e+00;
	v2 =	vadd.f32 v4, v5;
	v5 =	vld [tilespmem:s8+$0x3940]  }
0x98: {  	[tilespmem:s8+$0x7900] =	vst v1;
	v9 =	vld [tilespmem:s8+$0x5940]  }
.Ltmp1:
0x99: {  	v1 =	vmax.f32 v2, $0.0e+00;
	v2 =	vadd.f32 v7, v0;
	v0 =	vld [tilespmem:s8+$0x3950];
	(pc) =	sbr.rel @p0 .LBB2_4-.Ltmp1, $4  }
0x9a: {  	[tilespmem:s8+$0x7910] =	vst v1;
	v3 =	vld [tilespmem:s8+$0x5950]  }
0x9b: {  	v2 =	vmax.f32 v2, $0.0e+00;
	v6 =	vadd.f32 v8, v6;
	v1 =	vld [tilespmem:s8+$0x3960]  }
0x9c: {  	s10 =	sshra.s32 s11, $0x2;
	[tilespmem:s8+$0x7920] =	vst v2;
	v4 =	vld [tilespmem:s8+$0x5960]  }
0x9d: {  	s11 =	sadd.s32 $0x200, s11;
	v2 =	vld [tilespmem:s10+$0x3970];
	v6 =	vmax.f32 v6, $0.0e+00;
	v5 =	vadd.f32 v9, v5  }
0x9e: {  	v7 =	vld [tilespmem:s10+$0x5970];
	[tilespmem:s8+$0x7930] =	vst v6  }
0x9f: {  	v6 =	vld [tilespmem:s10+$0x3900];
	v5 =	vmax.f32 v5, $0.0e+00;
	v0 =	vadd.f32 v3, v0  }
0xa0: {  	v8 =	vld [tilespmem:s10+$0x5900];
	[tilespmem:s8+$0x7940] =	vst v5  }
0xa1: {  	v52 =	vld [tilespmem:s10+$0x3910];
	v0 =	vmax.f32 v0, $0.0e+00;
	v1 =	vadd.f32 v4, v1  }
0xa2: {  	v5 =	vld [tilespmem:s10+$0x5910];
	[tilespmem:s8+$0x7950] =	vst v0  }
0xa3: {  	v0 =	vld [tilespmem:s10+$0x3920];
	v1 =	vmax.f32 v1, $0.0e+00  }
0xa4: {  	v53 =	vld [tilespmem:s10+$0x5920];
	[tilespmem:s8+$0x7960] =	vst v1  }
0xa5: {  	v1 =	vld [tilespmem:s10+$0x3930]  }
0xa6: {  	v54 =	vld [tilespmem:s10+$0x5930]  }
0xa7: {  	v56 =	vld [tilespmem:s10+$0x3940]  }
0xa8: {  	v57 =	vld [tilespmem:s10+$0x5940]  }
0xa9: {  	v58 =	vld [tilespmem:s10+$0x3950]  }
0xaa: {  	v2 =	vadd.f32 v7, v2;
	v59 =	vld [tilespmem:s10+$0x5950]  }
0xab: {  	v6 =	vadd.f32 v8, v6;
	v60 =	vld [tilespmem:s10+$0x3960]  }
0xac: {  	v2 =	vmax.f32 v2, $0.0e+00;
	v61 =	vld [tilespmem:s10+$0x5960];
	v3 =	vadd.f32 v5, v52  }
0xad: {  	[tilespmem:s10+$0x7970] =	vst v2;
	v55 =	vmax.f32 v6, $0.0e+00;
	v0 =	vadd.f32 v53, v0  }
0xae: {  	[tilespmem:s10+$0x7900] =	vst v55;
	v3 =	vmax.f32 v3, $0.0e+00;
	v1 =	vadd.f32 v54, v1  }
0xaf: {  	[tilespmem:s10+$0x7910] =	vst v3;
	v0 =	vmax.f32 v0, $0.0e+00;
	v2 =	vadd.f32 v57, v56  }
0xb0: {  	v3 =	vadd.f32 v59, v58;
	[tilespmem:s10+$0x7920] =	vst v0;
	v1 =	vmax.f32 v1, $0.0e+00  }
0xb1: {  	v0 =	vadd.f32 v61, v60;
	v62 =	vmax.f32 v2, $0.0e+00;
	[tilespmem:s10+$0x7930] =	vst v1  }
0xb2: {  	v63 =	vmax.f32 v3, $0.0e+00;
	[tilespmem:s10+$0x7940] =	vst v62  }
0xb3: {  	[tilespmem:s10+$0x7950] =	vst v63;
	v0 =	vmax.f32 v0, $0.0e+00  }
0xb4: {  	[tilespmem:s10+$0x7960] =	vst v0  }
0xb5: {  	[spmem:s3] =	stream.indirect.scatter.add.f32 [tilespmem:s17], [sflag:$0x6], $0x80, s0, s21, $0xb8;
	[tilespmem:$0x1C900] =	vst v63  }
0xb6: {  	s12 =	rddreg [dreg:$0x9]  }
0xb7: {  	[tilespmem:s23], [sflag:$0x4] =	stream.linear.gather [hbm4b:s12+s4], $0x1000, $0x38;
	[tilespmem:$0x1C900] =	vst v63  }
0xb8: {  	s14 =	simm.s32 $0x60;
	s8 =	simm.s32 $0x1  }
0xb9: {  	[tilespmem:s24], [sflag:$0x2] =	stream.indirect.gather [hbm4b:s1+s21], $0x80, s14, s21, $0xb8;
	[tilespmem:$0x1C900] =	vst v63  }
.LBB2_6:
0xba: {  	_ =	swait.ge [sflag:s25], $0x1000  }
0xbb: {  	[sflag:s25] =	ssyncset.done $0x0  }
0xbc: {  	[sflag:s25] =	ssyncadd.s32 $0xFFFFF000  }
0xbd: {  	_ =	swait.ge [sflag:s26], $0x1000  }
0xbe: {  	[sflag:s26] =	ssyncset.done $0x0  }
0xbf: {  	[sflag:s26] =	ssyncadd.s32 $0xFFFFF000  }
0xc0: {  	_ =	swait.ge [sflag:s30], $0x1000  }
0xc1: {  	s10 =	sshll.u32 s8, $0x6;
	[sflag:s30] =	ssyncset.done $0x0  }
0xc2: {  	s11 =	sand.u32 $0x1FC0, s10;
	[sflag:s30] =	ssyncadd.s32 $0xFFFFF000  }
0xc3: {  	v0 =	vld [tilespmem:s11+$0x1400];
	_ =	sdelay $0x4  }
0xc4: {  	[tilespmem:$0x2800] =	vst v0  }
0xc5: {  	v0 =	vld [tilespmem:s11+$0x1410];
	_ =	sdelay $0x4  }
0xc6: {  	s10 =	simm.s32 $0x0;
	[tilespmem:$0x2810] =	vst v0  }
0xc7: {  	v0 =	vld [tilespmem:s10+$0x2970]  }
0xc8: {  	v1 =	vld [tilespmem:s10+$0x4970]  }
0xc9: {  	v2 =	vld [tilespmem:s10+$0x2900]  }
0xca: {  	v3 =	vld [tilespmem:s10+$0x4900]  }
0xcb: {  	v4 =	vld [tilespmem:s10+$0x2910]  }
0xcc: {  	v5 =	vld [tilespmem:s10+$0x4910]  }
0xcd: {  	v6 =	vld [tilespmem:s10+$0x2920]  }
0xce: {  	v0 =	vadd.f32 v1, v0;
	v1 =	vld [tilespmem:s10+$0x4920]  }
0xcf: {  	v7 =	vld [tilespmem:s10+$0x2930]  }
0xd0: {  	v8 =	vld [tilespmem:s10+$0x4930];
	v2 =	vadd.f32 v3, v2  }
0xd1: {  	v9 =	vld [tilespmem:s10+$0x2940];
	v0 =	vmax.f32 v0, $0.0e+00  }
0xd2: {  	[tilespmem:s10+$0x6970] =	vst v0;
	v0 =	vmax.f32 v2, $0.0e+00;
	v2 =	vadd.f32 v5, v4;
	v5 =	vld [tilespmem:s10+$0x4940]  }
0xd3: {  	v3 =	vld [tilespmem:s10+$0x4950];
	v1 =	vadd.f32 v1, v6  }
0xd4: {  	[tilespmem:s10+$0x6900] =	vst v0;
	v0 =	vld [tilespmem:s10+$0x2950];
	v2 =	vmax.f32 v2, $0.0e+00  }
0xd5: {  	v4 =	vld [tilespmem:s10+$0x4960];
	v6 =	vadd.f32 v8, v7;
	[tilespmem:s10+$0x6910] =	vst v2;
	v2 =	vmax.f32 v1, $0.0e+00  }
0xd6: {  	s12 =	simm.s32 $0x80;
	v1 =	vld [tilespmem:s10+$0x2960];
	[tilespmem:s10+$0x6920] =	vst v2  }
0xd7: {  	s14 =	simm.s32 $0x400;
	s11 =	sadd.s32 $0x1400, s11;
	v6 =	vmax.f32 v6, $0.0e+00;
	v5 =	vadd.f32 v5, v9;
	v2 =	vld [tilespmem:s12+$0x2970]  }
.LBB2_7:
0xd8: {  	p0 =	sne.s32 s14, $0x3E00;
	v7 =	vld [tilespmem:s12+$0x4970];
	[tilespmem:s10+$0x6930] =	vst v6  }
0xd9: {  	v6 =	vld [tilespmem:s12+$0x2900];
	v5 =	vmax.f32 v5, $0.0e+00;
	v0 =	vadd.f32 v3, v0  }
0xda: {  	v3 =	vld [tilespmem:s12+$0x4900];
	[tilespmem:s10+$0x6940] =	vst v5  }
0xdb: {  	v5 =	vld [tilespmem:s12+$0x2910];
	v0 =	vmax.f32 v0, $0.0e+00;
	v1 =	vadd.f32 v4, v1  }
0xdc: {  	v4 =	vld [tilespmem:s12+$0x4910];
	[tilespmem:s10+$0x6950] =	vst v0  }
0xdd: {  	v0 =	vld [tilespmem:s12+$0x2920];
	v2 =	vadd.f32 v7, v2;
	v1 =	vmax.f32 v1, $0.0e+00  }
0xde: {  	v7 =	vld [tilespmem:s12+$0x4920];
	[tilespmem:s10+$0x6960] =	vst v1;
	s10 =	smov.u32 s12  }
0xdf: {  	v1 =	vadd.f32 v3, v6;
	v6 =	vld [tilespmem:s10+$0x2930];
	v2 =	vmax.f32 v2, $0.0e+00  }
0xe0: {  	v8 =	vld [tilespmem:s10+$0x4930];
	[tilespmem:s10+$0x6970] =	vst v2  }
0xe1: {  	v1 =	vmax.f32 v1, $0.0e+00;
	v2 =	vadd.f32 v4, v5;
	v5 =	vld [tilespmem:s10+$0x2940]  }
0xe2: {  	[tilespmem:s10+$0x6900] =	vst v1;
	v9 =	vld [tilespmem:s10+$0x4940]  }
.Ltmp2:
0xe3: {  	v1 =	vmax.f32 v2, $0.0e+00;
	v2 =	vadd.f32 v7, v0;
	v0 =	vld [tilespmem:s10+$0x2950];
	(pc) =	sbr.rel @p0 .LBB2_7-.Ltmp2, $4  }
0xe4: {  	[tilespmem:s10+$0x6910] =	vst v1;
	v3 =	vld [tilespmem:s10+$0x4950]  }
0xe5: {  	v2 =	vmax.f32 v2, $0.0e+00;
	v6 =	vadd.f32 v8, v6;
	v1 =	vld [tilespmem:s10+$0x2960]  }
0xe6: {  	s12 =	sshra.s32 s14, $0x2;
	[tilespmem:s10+$0x6920] =	vst v2;
	v4 =	vld [tilespmem:s10+$0x4960]  }
0xe7: {  	s14 =	sadd.s32 $0x200, s14;
	v2 =	vld [tilespmem:s12+$0x2970];
	v6 =	vmax.f32 v6, $0.0e+00;
	v5 =	vadd.f32 v9, v5  }
0xe8: {  	v7 =	vld [tilespmem:s12+$0x4970];
	[tilespmem:s10+$0x6930] =	vst v6  }
0xe9: {  	v6 =	vld [tilespmem:s12+$0x2900];
	v5 =	vmax.f32 v5, $0.0e+00;
	v0 =	vadd.f32 v3, v0  }
0xea: {  	v8 =	vld [tilespmem:s12+$0x4900];
	[tilespmem:s10+$0x6940] =	vst v5  }
0xeb: {  	v3 =	vld [tilespmem:s12+$0x2910];
	v0 =	vmax.f32 v0, $0.0e+00;
	v1 =	vadd.f32 v4, v1  }
0xec: {  	v5 =	vld [tilespmem:s12+$0x4910];
	[tilespmem:s10+$0x6950] =	vst v0  }
0xed: {  	v0 =	vld [tilespmem:s12+$0x2920];
	v1 =	vmax.f32 v1, $0.0e+00  }
0xee: {  	v4 =	vld [tilespmem:s12+$0x4920];
	v2 =	vadd.f32 v7, v2;
	[tilespmem:s10+$0x6960] =	vst v1  }
0xef: {  	v6 =	vadd.f32 v8, v6;
	v1 =	vld [tilespmem:s12+$0x2930]  }
0xf0: {  	v2 =	vmax.f32 v2, $0.0e+00;
	v7 =	vld [tilespmem:s12+$0x4930]  }
0xf1: {  	[tilespmem:s12+$0x6970] =	vst v2;
	v2 =	vmax.f32 v6, $0.0e+00;
	v6 =	vld [tilespmem:s12+$0x2940]  }
0xf2: {  	v3 =	vadd.f32 v5, v3;
	v5 =	vld [tilespmem:s12+$0x2950]  }
0xf3: {  	[tilespmem:s12+$0x6900] =	vst v2;
	v2 =	vld [tilespmem:s12+$0x4940];
	v0 =	vadd.f32 v4, v0  }
0xf4: {  	v3 =	vmax.f32 v3, $0.0e+00;
	v4 =	vld [tilespmem:s12+$0x2960]  }
0xf5: {  	[tilespmem:s12+$0x6910] =	vst v3;
	v3 =	vld [tilespmem:s12+$0x4950];
	v0 =	vmax.f32 v0, $0.0e+00  }
0xf6: {  	[tilespmem:s12+$0x6920] =	vst v0;
	v0 =	vld [tilespmem:s12+$0x4960];
	_ =	sdelay $0x1  }
0xf7: {  	v1 =	vadd.f32 v7, v1  }
0xf8: {  	v2 =	vadd.f32 v2, v6  }
0xf9: {  	v1 =	vmax.f32 v1, $0.0e+00;
	v3 =	vadd.f32 v3, v5  }
0xfa: {  	[tilespmem:s12+$0x6930] =	vst v1;
	v1 =	vmax.f32 v2, $0.0e+00;
	v0 =	vadd.f32 v0, v4  }
0xfb: {  	[tilespmem:s12+$0x6940] =	vst v1;
	v1 =	vmax.f32 v3, $0.0e+00  }
0xfc: {  	s10 =	sshll.u32 s8, $0x1;
	[tilespmem:s12+$0x6950] =	vst v1;
	v0 =	vmax.f32 v0, $0.0e+00  }
0xfd: {  	[tilespmem:s12+$0x6960] =	vst v0;
	s12 =	sadd.s32 $0x2, s10  }
0xfe: {  	[spmem:s3] =	stream.indirect.scatter.add.f32 [tilespmem:s29], [sflag:$0x5], $0x80, s28, s21, $0xb8;
	[tilespmem:$0x1C900] =	vst v63  }
0xff: {  	s14 =	sshll.u32 s12, $0xC  }
0x100: {  	s14 =	sadd.s32 s13, s14  }
0x101: {  	s14 =	sshrl.u32 s14, $0x3  }
0x102: {  	s12 =	sshll.u32 s12, $0x5;
	s14 =	sadd.s32 s5, s14  }
0x103: {  	[tilespmem:s20], [sflag:$0x3] =	stream.linear.gather [hbm4b:s14+s15], $0x1000, $0x38;
	[tilespmem:$0x1C900] =	vst v63  }
0x104: {  	s12 =	sand.u32 $0x3FC0, s12  }
0x105: {  	[tilespmem:s22], [sflag:$0x1] =	stream.indirect.gather [hbm4b:s1+s21], $0x80, s12, s21, $0xb8;
	[tilespmem:$0x1C900] =	vst v63  }
0x106: {  	_ =	swait.ge [sflag:s31], $0x1000  }
0x107: {  	[sflag:s31] =	ssyncset.done $0x0  }
0x108: {  	[sflag:s31] =	ssyncadd.s32 $0xFFFFF000  }
0x109: {  	_ =	swait.ge [sflag:s2], $0x1000  }
0x10a: {  	[sflag:s2] =	ssyncset.done $0x0  }
0x10b: {  	[sflag:s2] =	ssyncadd.s32 $0xFFFFF000  }
0x10c: {  	_ =	swait.ge [sflag:s6], $0x1000  }
0x10d: {  	[sflag:s6] =	ssyncset.done $0x0  }
0x10e: {  	[sflag:s6] =	ssyncadd.s32 $0xFFFFF000  }
0x10f: {  	v0 =	vld [tilespmem:s11+$0x20];
	_ =	sdelay $0x4  }
0x110: {  	[tilespmem:$0x2880] =	vst v0  }
0x111: {  	v0 =	vld [tilespmem:s11+$0x30];
	_ =	sdelay $0x4  }
0x112: {  	s11 =	simm.s32 $0x0;
	[tilespmem:$0x2890] =	vst v0  }
0x113: {  	v0 =	vld [tilespmem:s11+$0x3970]  }
0x114: {  	v1 =	vld [tilespmem:s11+$0x5970]  }
0x115: {  	v2 =	vld [tilespmem:s11+$0x3900]  }
0x116: {  	v3 =	vld [tilespmem:s11+$0x5900]  }
0x117: {  	v4 =	vld [tilespmem:s11+$0x3910]  }
0x118: {  	v5 =	vld [tilespmem:s11+$0x5910]  }
0x119: {  	v6 =	vld [tilespmem:s11+$0x3920]  }
0x11a: {  	v0 =	vadd.f32 v1, v0;
	v1 =	vld [tilespmem:s11+$0x5920]  }
0x11b: {  	v7 =	vld [tilespmem:s11+$0x3930]  }
0x11c: {  	v8 =	vld [tilespmem:s11+$0x5930];
	v2 =	vadd.f32 v3, v2  }
0x11d: {  	v9 =	vld [tilespmem:s11+$0x3940];
	v0 =	vmax.f32 v0, $0.0e+00  }
0x11e: {  	[tilespmem:s11+$0x7970] =	vst v0;
	v0 =	vmax.f32 v2, $0.0e+00;
	v2 =	vadd.f32 v5, v4;
	v5 =	vld [tilespmem:s11+$0x5940]  }
0x11f: {  	v3 =	vld [tilespmem:s11+$0x5950];
	v1 =	vadd.f32 v1, v6  }
0x120: {  	[tilespmem:s11+$0x7900] =	vst v0;
	v0 =	vld [tilespmem:s11+$0x3950];
	v2 =	vmax.f32 v2, $0.0e+00  }
0x121: {  	v4 =	vld [tilespmem:s11+$0x5960];
	v6 =	vadd.f32 v8, v7;
	[tilespmem:s11+$0x7910] =	vst v2;
	v2 =	vmax.f32 v1, $0.0e+00  }
0x122: {  	s12 =	simm.s32 $0x80;
	v1 =	vld [tilespmem:s11+$0x3960];
	[tilespmem:s11+$0x7920] =	vst v2  }
0x123: {  	s14 =	simm.s32 $0x400;
	v6 =	vmax.f32 v6, $0.0e+00;
	v5 =	vadd.f32 v5, v9;
	v2 =	vld [tilespmem:s12+$0x3970]  }
.LBB2_9:
0x124: {  	p0 =	sne.s32 s14, $0x3E00;
	v7 =	vld [tilespmem:s12+$0x5970];
	[tilespmem:s11+$0x7930] =	vst v6  }
0x125: {  	v6 =	vld [tilespmem:s12+$0x3900];
	v5 =	vmax.f32 v5, $0.0e+00;
	v0 =	vadd.f32 v3, v0  }
0x126: {  	v3 =	vld [tilespmem:s12+$0x5900];
	[tilespmem:s11+$0x7940] =	vst v5  }
0x127: {  	v5 =	vld [tilespmem:s12+$0x3910];
	v0 =	vmax.f32 v0, $0.0e+00;
	v1 =	vadd.f32 v4, v1  }
0x128: {  	v4 =	vld [tilespmem:s12+$0x5910];
	[tilespmem:s11+$0x7950] =	vst v0  }
0x129: {  	v0 =	vld [tilespmem:s12+$0x3920];
	v2 =	vadd.f32 v7, v2;
	v1 =	vmax.f32 v1, $0.0e+00  }
0x12a: {  	v7 =	vld [tilespmem:s12+$0x5920];
	[tilespmem:s11+$0x7960] =	vst v1;
	s11 =	smov.u32 s12  }
0x12b: {  	v1 =	vadd.f32 v3, v6;
	v6 =	vld [tilespmem:s11+$0x3930];
	v2 =	vmax.f32 v2, $0.0e+00  }
0x12c: {  	v8 =	vld [tilespmem:s11+$0x5930];
	[tilespmem:s11+$0x7970] =	vst v2  }
0x12d: {  	v1 =	vmax.f32 v1, $0.0e+00;
	v2 =	vadd.f32 v4, v5;
	v5 =	vld [tilespmem:s11+$0x3940]  }
0x12e: {  	[tilespmem:s11+$0x7900] =	vst v1;
	v9 =	vld [tilespmem:s11+$0x5940]  }
.Ltmp3:
0x12f: {  	v1 =	vmax.f32 v2, $0.0e+00;
	v2 =	vadd.f32 v7, v0;
	v0 =	vld [tilespmem:s11+$0x3950];
	(pc) =	sbr.rel @p0 .LBB2_9-.Ltmp3, $4  }
0x130: {  	[tilespmem:s11+$0x7910] =	vst v1;
	v3 =	vld [tilespmem:s11+$0x5950]  }
0x131: {  	v2 =	vmax.f32 v2, $0.0e+00;
	v6 =	vadd.f32 v8, v6;
	v1 =	vld [tilespmem:s11+$0x3960]  }
0x132: {  	s12 =	sshra.s32 s14, $0x2;
	[tilespmem:s11+$0x7920] =	vst v2;
	v4 =	vld [tilespmem:s11+$0x5960]  }
0x133: {  	s14 =	sadd.s32 $0x200, s14;
	v2 =	vld [tilespmem:s12+$0x3970];
	v6 =	vmax.f32 v6, $0.0e+00;
	v5 =	vadd.f32 v9, v5  }
0x134: {  	v7 =	vld [tilespmem:s12+$0x5970];
	[tilespmem:s11+$0x7930] =	vst v6  }
0x135: {  	v6 =	vld [tilespmem:s12+$0x3900];
	v5 =	vmax.f32 v5, $0.0e+00;
	v0 =	vadd.f32 v3, v0  }
0x136: {  	v8 =	vld [tilespmem:s12+$0x5900];
	[tilespmem:s11+$0x7940] =	vst v5  }
0x137: {  	v52 =	vld [tilespmem:s12+$0x3910];
	v0 =	vmax.f32 v0, $0.0e+00;
	v1 =	vadd.f32 v4, v1  }
0x138: {  	v5 =	vld [tilespmem:s12+$0x5910];
	[tilespmem:s11+$0x7950] =	vst v0  }
0x139: {  	v0 =	vld [tilespmem:s12+$0x3920];
	v1 =	vmax.f32 v1, $0.0e+00  }
0x13a: {  	v53 =	vld [tilespmem:s12+$0x5920];
	[tilespmem:s11+$0x7960] =	vst v1  }
0x13b: {  	v1 =	vld [tilespmem:s12+$0x3930]  }
0x13c: {  	v54 =	vld [tilespmem:s12+$0x5930]  }
0x13d: {  	v56 =	vld [tilespmem:s12+$0x3940]  }
0x13e: {  	v57 =	vld [tilespmem:s12+$0x5940]  }
0x13f: {  	v58 =	vld [tilespmem:s12+$0x3950]  }
0x140: {  	v2 =	vadd.f32 v7, v2;
	v59 =	vld [tilespmem:s12+$0x5950]  }
0x141: {  	v6 =	vadd.f32 v8, v6;
	v60 =	vld [tilespmem:s12+$0x3960]  }
0x142: {  	v2 =	vmax.f32 v2, $0.0e+00;
	v61 =	vld [tilespmem:s12+$0x5960];
	v3 =	vadd.f32 v5, v52  }
0x143: {  	[tilespmem:s12+$0x7970] =	vst v2;
	v55 =	vmax.f32 v6, $0.0e+00;
	v0 =	vadd.f32 v53, v0  }
0x144: {  	[tilespmem:s12+$0x7900] =	vst v55;
	v3 =	vmax.f32 v3, $0.0e+00;
	v1 =	vadd.f32 v54, v1  }
0x145: {  	[tilespmem:s12+$0x7910] =	vst v3;
	v0 =	vmax.f32 v0, $0.0e+00;
	v2 =	vadd.f32 v57, v56  }
0x146: {  	v3 =	vadd.f32 v59, v58;
	[tilespmem:s12+$0x7920] =	vst v0;
	v1 =	vmax.f32 v1, $0.0e+00  }
0x147: {  	v0 =	vadd.f32 v61, v60;
	v62 =	vmax.f32 v2, $0.0e+00;
	[tilespmem:s12+$0x7930] =	vst v1  }
0x148: {  	s10 =	sadd.s32 $0x3, s10;
	v63 =	vmax.f32 v3, $0.0e+00;
	[tilespmem:s12+$0x7940] =	vst v62  }
0x149: {  	s8 =	sadd.s32 $0x1, s8;
	s14 =	sshll.u32 s10, $0xC;
	[tilespmem:s12+$0x7950] =	vst v63;
	v0 =	vmax.f32 v0, $0.0e+00  }
0x14a: {  	p0 =	sne.s32 s8, $0x4F;
	s11 =	sadd.s32 s13, s14;
	[tilespmem:s12+$0x7960] =	vst v0  }
0x14b: {  	[spmem:s3] =	stream.indirect.scatter.add.f32 [tilespmem:s17], [sflag:$0x6], $0x80, s0, s21, $0xb8;
	[tilespmem:$0x1C900] =	vst v63  }
.Ltmp4:
0x14c: {  	s11 =	sshrl.u32 s11, $0x3;
	(pc) =	sbr.rel @p0 .LBB2_6-.Ltmp4, $4  }
0x14d: {  	s10 =	sshll.u32 s10, $0x5;
	s11 =	sadd.s32 s5, s11  }
0x14e: {  	[tilespmem:s23], [sflag:$0x4] =	stream.linear.gather [hbm4b:s11+s4], $0x1000, $0x38;
	[tilespmem:$0x1C900] =	vst v63  }
0x14f: {  	s10 =	sand.u32 $0x3FE0, s10  }
0x150: {  	[tilespmem:s24], [sflag:$0x2] =	stream.indirect.gather [hbm4b:s1+s21], $0x80, s10, s21, $0xb8;
	[tilespmem:$0x1C900] =	vst v63  }
0x151: {  	_ =	swait.ge [sflag:s25], $0x1000  }
0x152: {  	[sflag:s25] =	ssyncset.done $0x0  }
0x153: {  	[sflag:s25] =	ssyncadd.s32 $0xFFFFF000  }
0x154: {  	_ =	swait.ge [sflag:s26], $0x1000  }
0x155: {  	[sflag:s26] =	ssyncset.done $0x0  }
0x156: {  	[sflag:s26] =	ssyncadd.s32 $0xFFFFF000  }
0x157: {  	_ =	swait.ge [sflag:s30], $0x1000  }
0x158: {  	[sflag:s30] =	ssyncset.done $0x0  }
0x159: {  	[sflag:s30] =	ssyncadd.s32 $0xFFFFF000  }
0x15a: {  	v0 =	vld [tilespmem:$0x27C0]  }
0x15b: {  	v1 =	vld [tilespmem:$0x27D0];
	_ =	sdelay $0x3  }
0x15c: {  	[tilespmem:$0x2800] =	vst v0  }
0x15d: {  	s8 =	simm.s32 $0x0;
	[tilespmem:$0x2810] =	vst v1  }
0x15e: {  	v0 =	vld [tilespmem:s8+$0x2970]  }
0x15f: {  	v1 =	vld [tilespmem:s8+$0x4970]  }
0x160: {  	v2 =	vld [tilespmem:s8+$0x2900]  }
0x161: {  	v3 =	vld [tilespmem:s8+$0x4900]  }
0x162: {  	v4 =	vld [tilespmem:s8+$0x2910]  }
0x163: {  	v5 =	vld [tilespmem:s8+$0x4910]  }
0x164: {  	v6 =	vld [tilespmem:s8+$0x2920]  }
0x165: {  	v0 =	vadd.f32 v1, v0;
	v1 =	vld [tilespmem:s8+$0x4920]  }
0x166: {  	v7 =	vld [tilespmem:s8+$0x2930]  }
0x167: {  	v8 =	vld [tilespmem:s8+$0x4930];
	v2 =	vadd.f32 v3, v2  }
0x168: {  	v9 =	vld [tilespmem:s8+$0x2940];
	v0 =	vmax.f32 v0, $0.0e+00  }
0x169: {  	[tilespmem:s8+$0x6970] =	vst v0;
	v0 =	vmax.f32 v2, $0.0e+00;
	v2 =	vadd.f32 v5, v4;
	v5 =	vld [tilespmem:s8+$0x4940]  }
0x16a: {  	v3 =	vld [tilespmem:s8+$0x4950];
	v1 =	vadd.f32 v1, v6  }
0x16b: {  	[tilespmem:s8+$0x6900] =	vst v0;
	v0 =	vld [tilespmem:s8+$0x2950];
	v2 =	vmax.f32 v2, $0.0e+00  }
0x16c: {  	v4 =	vld [tilespmem:s8+$0x4960];
	v6 =	vadd.f32 v8, v7;
	[tilespmem:s8+$0x6910] =	vst v2;
	v2 =	vmax.f32 v1, $0.0e+00  }
0x16d: {  	s10 =	simm.s32 $0x80;
	v1 =	vld [tilespmem:s8+$0x2960];
	[tilespmem:s8+$0x6920] =	vst v2  }
0x16e: {  	s11 =	simm.s32 $0x400;
	v6 =	vmax.f32 v6, $0.0e+00;
	v5 =	vadd.f32 v5, v9;
	v2 =	vld [tilespmem:s10+$0x2970]  }
.LBB2_12:
0x16f: {  	p0 =	sne.s32 s11, $0x3E00;
	v7 =	vld [tilespmem:s10+$0x4970];
	[tilespmem:s8+$0x6930] =	vst v6  }
0x170: {  	v6 =	vld [tilespmem:s10+$0x2900];
	v5 =	vmax.f32 v5, $0.0e+00;
	v0 =	vadd.f32 v3, v0  }
0x171: {  	v3 =	vld [tilespmem:s10+$0x4900];
	[tilespmem:s8+$0x6940] =	vst v5  }
0x172: {  	v5 =	vld [tilespmem:s10+$0x2910];
	v0 =	vmax.f32 v0, $0.0e+00;
	v1 =	vadd.f32 v4, v1  }
0x173: {  	v4 =	vld [tilespmem:s10+$0x4910];
	[tilespmem:s8+$0x6950] =	vst v0  }
0x174: {  	v0 =	vld [tilespmem:s10+$0x2920];
	v2 =	vadd.f32 v7, v2;
	v1 =	vmax.f32 v1, $0.0e+00  }
0x175: {  	v7 =	vld [tilespmem:s10+$0x4920];
	[tilespmem:s8+$0x6960] =	vst v1;
	s8 =	smov.u32 s10  }
0x176: {  	v1 =	vadd.f32 v3, v6;
	v6 =	vld [tilespmem:s8+$0x2930];
	v2 =	vmax.f32 v2, $0.0e+00  }
0x177: {  	v8 =	vld [tilespmem:s8+$0x4930];
	[tilespmem:s8+$0x6970] =	vst v2  }
0x178: {  	v1 =	vmax.f32 v1, $0.0e+00;
	v2 =	vadd.f32 v4, v5;
	v5 =	vld [tilespmem:s8+$0x2940]  }
0x179: {  	[tilespmem:s8+$0x6900] =	vst v1;
	v9 =	vld [tilespmem:s8+$0x4940]  }
.Ltmp5:
0x17a: {  	v1 =	vmax.f32 v2, $0.0e+00;
	v2 =	vadd.f32 v7, v0;
	v0 =	vld [tilespmem:s8+$0x2950];
	(pc) =	sbr.rel @p0 .LBB2_12-.Ltmp5, $4  }
0x17b: {  	[tilespmem:s8+$0x6910] =	vst v1;
	v3 =	vld [tilespmem:s8+$0x4950]  }
0x17c: {  	v2 =	vmax.f32 v2, $0.0e+00;
	v6 =	vadd.f32 v8, v6;
	v1 =	vld [tilespmem:s8+$0x2960]  }
0x17d: {  	s10 =	sshra.s32 s11, $0x2;
	[tilespmem:s8+$0x6920] =	vst v2;
	v4 =	vld [tilespmem:s8+$0x4960]  }
0x17e: {  	s11 =	sadd.s32 $0x200, s11;
	v2 =	vld [tilespmem:s10+$0x2970];
	v6 =	vmax.f32 v6, $0.0e+00;
	v5 =	vadd.f32 v9, v5  }
0x17f: {  	v7 =	vld [tilespmem:s10+$0x4970];
	[tilespmem:s8+$0x6930] =	vst v6  }
0x180: {  	v6 =	vld [tilespmem:s10+$0x2900];
	v5 =	vmax.f32 v5, $0.0e+00;
	v0 =	vadd.f32 v3, v0  }
0x181: {  	v8 =	vld [tilespmem:s10+$0x4900];
	[tilespmem:s8+$0x6940] =	vst v5  }
0x182: {  	v3 =	vld [tilespmem:s10+$0x2910];
	v0 =	vmax.f32 v0, $0.0e+00;
	v1 =	vadd.f32 v4, v1  }
0x183: {  	v5 =	vld [tilespmem:s10+$0x4910];
	[tilespmem:s8+$0x6950] =	vst v0  }
0x184: {  	v0 =	vld [tilespmem:s10+$0x2920];
	v1 =	vmax.f32 v1, $0.0e+00  }
0x185: {  	v4 =	vld [tilespmem:s10+$0x4920];
	v2 =	vadd.f32 v7, v2;
	[tilespmem:s8+$0x6960] =	vst v1  }
0x186: {  	v6 =	vadd.f32 v8, v6;
	v1 =	vld [tilespmem:s10+$0x2930]  }
0x187: {  	v2 =	vmax.f32 v2, $0.0e+00;
	v7 =	vld [tilespmem:s10+$0x4930]  }
0x188: {  	[tilespmem:s10+$0x6970] =	vst v2;
	v2 =	vmax.f32 v6, $0.0e+00;
	v6 =	vld [tilespmem:s10+$0x2940]  }
0x189: {  	v3 =	vadd.f32 v5, v3;
	v5 =	vld [tilespmem:s10+$0x2950]  }
0x18a: {  	[tilespmem:s10+$0x6900] =	vst v2;
	v2 =	vld [tilespmem:s10+$0x4940];
	v0 =	vadd.f32 v4, v0  }
0x18b: {  	v3 =	vmax.f32 v3, $0.0e+00;
	v4 =	vld [tilespmem:s10+$0x2960]  }
0x18c: {  	[tilespmem:s10+$0x6910] =	vst v3;
	v3 =	vld [tilespmem:s10+$0x4950];
	v0 =	vmax.f32 v0, $0.0e+00  }
0x18d: {  	[tilespmem:s10+$0x6920] =	vst v0;
	v0 =	vld [tilespmem:s10+$0x4960];
	_ =	sdelay $0x1  }
0x18e: {  	v1 =	vadd.f32 v7, v1  }
0x18f: {  	v2 =	vadd.f32 v2, v6  }
0x190: {  	v1 =	vmax.f32 v1, $0.0e+00;
	v3 =	vadd.f32 v3, v5  }
0x191: {  	[tilespmem:s10+$0x6930] =	vst v1;
	v1 =	vmax.f32 v2, $0.0e+00;
	v0 =	vadd.f32 v0, v4  }
0x192: {  	[tilespmem:s10+$0x6940] =	vst v1;
	v1 =	vmax.f32 v3, $0.0e+00  }
0x193: {  	[tilespmem:s10+$0x6950] =	vst v1;
	v0 =	vmax.f32 v0, $0.0e+00  }
0x194: {  	[tilespmem:s10+$0x6960] =	vst v0  }
0x195: {  	[spmem:s3] =	stream.indirect.scatter.add.f32 [tilespmem:s29], [sflag:$0x5], $0x80, s28, s21, $0xb8;
	[tilespmem:$0x1C900] =	vst v63  }
0x196: {  	_ =	swait.ge [sflag:s31], $0x1000  }
0x197: {  	[sflag:s31] =	ssyncset.done $0x0  }
0x198: {  	[sflag:s31] =	ssyncadd.s32 $0xFFFFF000  }
0x199: {  	_ =	swait.ge [sflag:s2], $0x1000  }
0x19a: {  	[sflag:s2] =	ssyncset.done $0x0  }
0x19b: {  	[sflag:s2] =	ssyncadd.s32 $0xFFFFF000  }
0x19c: {  	_ =	swait.ge [sflag:s6], $0x1000  }
0x19d: {  	[sflag:s6] =	ssyncset.done $0x0  }
0x19e: {  	[sflag:s6] =	ssyncadd.s32 $0xFFFFF000  }
0x19f: {  	v0 =	vld [tilespmem:$0x27E0]  }
0x1a0: {  	v1 =	vld [tilespmem:$0x27F0];
	_ =	sdelay $0x3  }
0x1a1: {  	[tilespmem:$0x2880] =	vst v0  }
0x1a2: {  	s8 =	simm.s32 $0x0;
	[tilespmem:$0x2890] =	vst v1  }
0x1a3: {  	v0 =	vld [tilespmem:s8+$0x3970]  }
0x1a4: {  	v1 =	vld [tilespmem:s8+$0x5970]  }
0x1a5: {  	v2 =	vld [tilespmem:s8+$0x3900]  }
0x1a6: {  	v3 =	vld [tilespmem:s8+$0x5900]  }
0x1a7: {  	v4 =	vld [tilespmem:s8+$0x3910]  }
0x1a8: {  	v5 =	vld [tilespmem:s8+$0x5910]  }
0x1a9: {  	v6 =	vld [tilespmem:s8+$0x3920]  }
0x1aa: {  	v0 =	vadd.f32 v1, v0;
	v1 =	vld [tilespmem:s8+$0x5920]  }
0x1ab: {  	v7 =	vld [tilespmem:s8+$0x3930]  }
0x1ac: {  	v8 =	vld [tilespmem:s8+$0x5930];
	v2 =	vadd.f32 v3, v2  }
0x1ad: {  	v9 =	vld [tilespmem:s8+$0x3940];
	v0 =	vmax.f32 v0, $0.0e+00  }
0x1ae: {  	[tilespmem:s8+$0x7970] =	vst v0;
	v0 =	vmax.f32 v2, $0.0e+00;
	v2 =	vadd.f32 v5, v4;
	v5 =	vld [tilespmem:s8+$0x5940]  }
0x1af: {  	v3 =	vld [tilespmem:s8+$0x5950];
	v1 =	vadd.f32 v1, v6  }
0x1b0: {  	[tilespmem:s8+$0x7900] =	vst v0;
	v0 =	vld [tilespmem:s8+$0x3950];
	v2 =	vmax.f32 v2, $0.0e+00  }
0x1b1: {  	v4 =	vld [tilespmem:s8+$0x5960];
	v6 =	vadd.f32 v8, v7;
	[tilespmem:s8+$0x7910] =	vst v2;
	v2 =	vmax.f32 v1, $0.0e+00  }
0x1b2: {  	s10 =	simm.s32 $0x80;
	v1 =	vld [tilespmem:s8+$0x3960];
	[tilespmem:s8+$0x7920] =	vst v2  }
0x1b3: {  	s11 =	simm.s32 $0x400;
	v6 =	vmax.f32 v6, $0.0e+00;
	v5 =	vadd.f32 v5, v9;
	v2 =	vld [tilespmem:s10+$0x3970]  }
.LBB2_14:
0x1b4: {  	p0 =	sne.s32 s11, $0x3E00;
	v7 =	vld [tilespmem:s10+$0x5970];
	[tilespmem:s8+$0x7930] =	vst v6  }
0x1b5: {  	v6 =	vld [tilespmem:s10+$0x3900];
	v5 =	vmax.f32 v5, $0.0e+00;
	v0 =	vadd.f32 v3, v0  }
0x1b6: {  	v3 =	vld [tilespmem:s10+$0x5900];
	[tilespmem:s8+$0x7940] =	vst v5  }
0x1b7: {  	v5 =	vld [tilespmem:s10+$0x3910];
	v0 =	vmax.f32 v0, $0.0e+00;
	v1 =	vadd.f32 v4, v1  }
0x1b8: {  	v4 =	vld [tilespmem:s10+$0x5910];
	[tilespmem:s8+$0x7950] =	vst v0  }
0x1b9: {  	v0 =	vld [tilespmem:s10+$0x3920];
	v2 =	vadd.f32 v7, v2;
	v1 =	vmax.f32 v1, $0.0e+00  }
0x1ba: {  	v7 =	vld [tilespmem:s10+$0x5920];
	[tilespmem:s8+$0x7960] =	vst v1;
	s8 =	smov.u32 s10  }
0x1bb: {  	v1 =	vadd.f32 v3, v6;
	v6 =	vld [tilespmem:s8+$0x3930];
	v2 =	vmax.f32 v2, $0.0e+00  }
0x1bc: {  	v8 =	vld [tilespmem:s8+$0x5930];
	[tilespmem:s8+$0x7970] =	vst v2  }
0x1bd: {  	v1 =	vmax.f32 v1, $0.0e+00;
	v2 =	vadd.f32 v4, v5;
	v5 =	vld [tilespmem:s8+$0x3940]  }
0x1be: {  	[tilespmem:s8+$0x7900] =	vst v1;
	v9 =	vld [tilespmem:s8+$0x5940]  }
.Ltmp6:
0x1bf: {  	v1 =	vmax.f32 v2, $0.0e+00;
	v2 =	vadd.f32 v7, v0;
	v0 =	vld [tilespmem:s8+$0x3950];
	(pc) =	sbr.rel @p0 .LBB2_14-.Ltmp6, $4  }
0x1c0: {  	[tilespmem:s8+$0x7910] =	vst v1;
	v3 =	vld [tilespmem:s8+$0x5950]  }
0x1c1: {  	v2 =	vmax.f32 v2, $0.0e+00;
	v6 =	vadd.f32 v8, v6;
	v1 =	vld [tilespmem:s8+$0x3960]  }
0x1c2: {  	s10 =	sshra.s32 s11, $0x2;
	[tilespmem:s8+$0x7920] =	vst v2;
	v4 =	vld [tilespmem:s8+$0x5960]  }
0x1c3: {  	s11 =	sadd.s32 $0x200, s11;
	v2 =	vld [tilespmem:s10+$0x3970];
	v6 =	vmax.f32 v6, $0.0e+00;
	v5 =	vadd.f32 v9, v5  }
0x1c4: {  	v7 =	vld [tilespmem:s10+$0x5970];
	[tilespmem:s8+$0x7930] =	vst v6  }
0x1c5: {  	v6 =	vld [tilespmem:s10+$0x3900];
	v5 =	vmax.f32 v5, $0.0e+00;
	v0 =	vadd.f32 v3, v0  }
0x1c6: {  	v8 =	vld [tilespmem:s10+$0x5900];
	[tilespmem:s8+$0x7940] =	vst v5  }
0x1c7: {  	v52 =	vld [tilespmem:s10+$0x3910];
	v0 =	vmax.f32 v0, $0.0e+00;
	v1 =	vadd.f32 v4, v1  }
0x1c8: {  	v5 =	vld [tilespmem:s10+$0x5910];
	[tilespmem:s8+$0x7950] =	vst v0  }
0x1c9: {  	v0 =	vld [tilespmem:s10+$0x3920];
	v1 =	vmax.f32 v1, $0.0e+00  }
0x1ca: {  	v53 =	vld [tilespmem:s10+$0x5920];
	[tilespmem:s8+$0x7960] =	vst v1  }
0x1cb: {  	v1 =	vld [tilespmem:s10+$0x3930]  }
0x1cc: {  	v54 =	vld [tilespmem:s10+$0x5930]  }
0x1cd: {  	v56 =	vld [tilespmem:s10+$0x3940]  }
0x1ce: {  	v57 =	vld [tilespmem:s10+$0x5940]  }
0x1cf: {  	v58 =	vld [tilespmem:s10+$0x3950]  }
0x1d0: {  	v2 =	vadd.f32 v7, v2;
	v59 =	vld [tilespmem:s10+$0x5950]  }
0x1d1: {  	v6 =	vadd.f32 v8, v6;
	v60 =	vld [tilespmem:s10+$0x3960]  }
0x1d2: {  	v2 =	vmax.f32 v2, $0.0e+00;
	v61 =	vld [tilespmem:s10+$0x5960];
	v3 =	vadd.f32 v5, v52  }
0x1d3: {  	[tilespmem:s10+$0x7970] =	vst v2;
	v55 =	vmax.f32 v6, $0.0e+00;
	v0 =	vadd.f32 v53, v0  }
0x1d4: {  	[tilespmem:s10+$0x7900] =	vst v55;
	v3 =	vmax.f32 v3, $0.0e+00;
	v1 =	vadd.f32 v54, v1  }
0x1d5: {  	[tilespmem:s10+$0x7910] =	vst v3;
	v0 =	vmax.f32 v0, $0.0e+00;
	v2 =	vadd.f32 v57, v56  }
0x1d6: {  	v3 =	vadd.f32 v59, v58;
	[tilespmem:s10+$0x7920] =	vst v0;
	v1 =	vmax.f32 v1, $0.0e+00  }
0x1d7: {  	v0 =	vadd.f32 v61, v60;
	v62 =	vmax.f32 v2, $0.0e+00;
	[tilespmem:s10+$0x7930] =	vst v1  }
0x1d8: {  	v63 =	vmax.f32 v3, $0.0e+00;
	[tilespmem:s10+$0x7940] =	vst v62  }
0x1d9: {  	[tilespmem:s10+$0x7950] =	vst v63;
	v0 =	vmax.f32 v0, $0.0e+00  }
0x1da: {  	[tilespmem:s10+$0x7960] =	vst v0  }
0x1db: {  	[spmem:s3] =	stream.indirect.scatter.add.f32 [tilespmem:s17], [sflag:$0x6], $0x80, s0, s21, $0xb8;
	[tilespmem:$0x1C900] =	vst v63  }
0x1dc: {  	_ =	swait.ge [sflag:s30], $0x1000  }
0x1dd: {  	[sflag:s30] =	ssyncset.done $0x0  }
0x1de: {  	[sflag:s30] =	ssyncadd.s32 $0xFFFFF000  }
0x1df: {  	_ =	swait.ge [sflag:s6], $0x1000  }
0x1e0: {  	[sflag:s6] =	ssyncset.done $0x0  }
0x1e1: {  	[sflag:s6] =	ssyncadd.s32 $0xFFFFF000  }
0x1e2: {  	[bflag:$0x0] =	sbarrier.arrive $0xFFFF  }
0x1e3: {  	s12 =	rddreg [dreg:$0xa]  }
0x1e4: {  	[hbm:s12], [sflag:s18] =	dma.local [spmem:s19], $0x2800  }
0x1e5: {  	_ =	swait.ge [sflag:s16], $0x2800  }
0x1e6: {  	s7 =	sadd.s32 $0x1, s7;
	s14 =	rddreg [dreg:$0xb]  }
0x1e7: {  	p0 =	sne.s32 s7, s14  }
.Ltmp7:
0x1e8: {  	_ = 	snop;
	(pc) =	sbr.rel @p0 .LBB2_1-.Ltmp7, $3  }
0x1e9: {  	_ =	sdelay $0x1  }
0x1ea: {  	[sflag:s16] =	ssyncset.done $0x0  }
0x1eb: {  	[sflag:s16] =	ssyncadd.s32 $0xFFFFD800  }
0x1ec: {  	_ =	sfence.sel $0x180000  }
0x1ed: {  	[bflag:$0x0] =	sbarrier.arrive $0xFFFF  }
0x1ee: {  	_ =	strace $0x90000047  }
0x1ef: {  	s0 =	stileid.u32;
	[bflag:$0x2] =	sbarrier.arrive $0xFFFF  }
0x1f0: {  	p0 =	sne.s32 s0, $0x0;
	s0 =	rddreg [dreg:$0x3]  }
0x1f1: {  	s0 =	sadd.s32 @!p0 $0x100000, s0  }
0x1f2: {  	[sflag:s0] =	ssyncadd.tile.s32 @!p0 $0x1;
	_ =	shalt  }
.Lfunc_end2:
_tile_overlayer_lowered:
.L_overlay_start_2:
0x1f3: {  	(tag) =	ssettag $0x2  }
0x1f4: {  	s0 =	rddreg [dreg:$0x0];
	s2 =	stileid.u32  }
0x1f5: {  	s1 =	rddreg [dreg:$0x1];
	p0 =	sne.s32 s2, $0x0  }
0x1f6: {  	s3 =	rddreg [dreg:$0x2];
	[bflag:$0x3] =	sbarrier.arrive $0xFFFF;
	s2 =	simm.s32 @!p0 $0x1C07  }
0x1f7: {  	[timem:s3], [sflag:s2] =	dma.local @!p0 [hbm:s0], s1  }
0x1f8: {  	s0 =	simm.s32 @!p0 $0x7  }
0x1f9: {  	_ =	swait.ge @!p0 [sflag:s0], s1  }
0x1fa: {  	s1 =	ssub.s32 @!p0 $0x0, s1;
	[sflag:s0] =	ssyncset.done @!p0 $0x0  }
0x1fb: {  	[sflag:s0] =	ssyncadd.s32 @!p0 s1  }
0x1fc: {  	[bflag:$0x3] =	sbarrier.arrive $0xFFFF  }
0x1fd: {  	_ =	shalt  }

// kernel: kernel.7.cloned.1.call-start
scs
__scs_entry_jumppad:
0x0: {  	(pc) =	sbr.rel $0x88, $3  }
0x1: {  	(tag) =	ssettag $0x0;
	lr =	simm.s32 $0x1  }
0x2: {  	[smem:$0x3F96] =	sst lr;
	_ =	strace $0xD0000000  }
0x3: {  	_ = 	snop  }
0x4: {  	_ = 	snop  }
0x5: {  	_ = 	snop  }
0x6: {  	_ = 	snop  }
0x7: {  	_ = 	snop  }
__scs_overlays_trampoline_lowered:
0x8: {  	[smem:$0x3FA5] =	sst s0  }
0x9: {  	[smem:$0x3FA6] =	sst s1  }
0xa: {  	[smem:$0x3FA7] =	sst s2  }
0xb: {  	[smem:$0x3FA8] =	sst s3  }
0xc: {  	[smem:$0x3FA9] =	sst s4  }
0xd: {  	[smem:$0x3FAA] =	sst s5  }
0xe: {  	[smem:$0x3FAB] =	sst s6  }
0xf: {  	[smem:$0x3FAC] =	sst s7  }
0x10: {  	[smem:$0x3FAD] =	sst s8  }
0x11: {  	[smem:$0x3FAE] =	sst s9;
	s0 =	simm.s32 @!p0 $0x0  }
0x12: {  	s1 =	sld [smem:$0x3F94];
	s0 =	simm.s32 @p0 $0x1  }
0x13: {  	[smem:$0x3FAF] =	sst s0;
	s0 =	simm.s32 @!p1 $0x0  }
0x14: {  	s2 =	sld [smem:$0x3F93];
	s0 =	simm.s32 @p1 $0x1  }
0x15: {  	[smem:$0x3FB0] =	sst s0;
	s0 =	simm.s32 @!p2 $0x0  }
0x16: {  	s3 =	sld [smem:$0x3FDB];
	s0 =	simm.s32 @p2 $0x1  }
0x17: {  	s4 =	simm.s32 $0x1BF5;
	[smem:$0x3FB2] =	sst s0  }
0x18: {  	s0 =	sld [smem:$0x3F95];
	_ =	swait.ge [sflag:s4], $0x0  }
0x19: {  	s7 =	sld [smem:$0x3F96]  }
0x1a: {  	s8 =	sadd.s32 $0xFFFFE003, lr  }
0x1b: {  	s9 =	sadd.s32 $0xFFFFFEF7, lr;
	s5 =	simm.s32 $0xFFFFFFFF;
	p2 =	slt.u32 s8, $0xFFFFF086  }
0x1c: {  	p1 =	slt.u32 s9, $0xF7A;
	s5 =	simm.s32 @!p2 $0x0  }
0x1d: {  	s5 =	simm.s32 @p1 $0x1;
	p0 =	seq.s32 s7, s2  }
0x1e: {  	s7 =	smul.u32 @!p0 $0xF7A, s2;
	p2 =	seq.s32 @!p0 s5, $0x0  }
0x1f: {  	s9 =	smul.u32 $0xF7A, s1;
	s8 =	simm.s32 @!p0 $0x1BF5;
	p2 =	por !p2, p0  }
0x20: {  	[sflag:s8] =	ssyncset.s32 @!p0 $0xFFFFF086;
	s6 =	sadd.s32 @!p0 s3, s7;
	s7 =	simm.s32 @!p0 $0x108  }
0x21: {  	s3 =	sadd.s32 s3, s9;
	s6 =	sadd.s32 @!p0 $0x88, s6;
	s7 =	simm.s32 @p2 $0x1082  }
0x22: {  	[simem:s7], [sflag:s8] =	dma.local @!p0 [hbm:s6], $0xF7A  }
0x23: {  	s9 =	sor.u32 $0xD0000000, s2;
	s6 =	simm.s32 $0x108;
	_ =	swait.ge @!p0 [sflag:s8], $0x0  }
0x24: {  	s3 =	sadd.s32 $0x88, s3;
	s6 =	simm.s32 @!p1 $0x1082;
	[sflag:s4] =	ssyncset.s32 $0xFFFFF086  }
0x25: {  	[simem:s6], [sflag:s4] =	dma.local [hbm:s3], $0xF7A  }
0x26: {  	[smem:$0x3F96] =	sst s1;
	(tag) =	ssettag s2;
	_ =	strace s9  }
0x27: {  	s1 =	sld [smem:$0x3FA6]  }
0x28: {  	s2 =	sld [smem:$0x3FA7]  }
0x29: {  	s4 =	sld [smem:$0x3FA9]  }
0x2a: {  	p0 =	seq.s32 s5, $0x0;
	s5 =	sld [smem:$0x3FAA]  }
0x2b: {  	s6 =	sld [smem:$0x3FAB]  }
0x2c: {  	s7 =	sld [smem:$0x3FAC]  }
0x2d: {  	s3 =	simm.s32 $0x108;
	s8 =	sld [smem:$0x3FAD]  }
0x2e: {  	s3 =	simm.s32 @!p0 $0x1082;
	s9 =	sld [smem:$0x3FAE]  }
0x2f: {  	lr =	sadd.s32 s0, s3;
	s0 =	sld [smem:$0x3FA5]  }
0x30: {  	s3 =	sld [smem:$0x3FA8]  }
0x31: {  	[smem:$0x3FB1] =	sst s10  }
0x32: {  	s10 =	sld [smem:$0x3FAF];
	_ =	sdelay $0x3  }
0x33: {  	p0 =	seq.s32 s10, $0x1;
	s10 =	sld [smem:$0x3FB1];
	_ =	sdelay $0x3  }
0x34: {  	[smem:$0x3FB1] =	sst s10  }
0x35: {  	s10 =	sld [smem:$0x3FB0];
	_ =	sdelay $0x3  }
0x36: {  	p1 =	seq.s32 s10, $0x1;
	s10 =	sld [smem:$0x3FB1];
	_ =	sdelay $0x3  }
0x37: {  	[smem:$0x3FB1] =	sst s10  }
0x38: {  	s10 =	sld [smem:$0x3FB2]  }
0x39: {  	_ = 	snop;
	(pc) =	sbr.ind lr, $3  }
0x3a: {  	_ = 	snop  }
0x3b: {  	_ = 	snop  }
0x3c: {  	p2 =	seq.s32 s10, $0x1;
	s10 =	sld [smem:$0x3FB1]  }
0x3d: {  	_ =	shalt  }
0x3e: {  	_ =	shalt  }
0x3f: {  	_ =	shalt  }
0x40: {  	_ =	shalt  }
0x41: {  	_ =	shalt  }
0x42: {  	_ =	shalt  }
0x43: {  	_ =	shalt  }
0x44: {  	_ =	shalt  }
0x45: {  	_ =	shalt  }
0x46: {  	_ =	shalt  }
0x47: {  	_ =	shalt  }
0x48: {  	_ =	shalt  }
0x49: {  	_ =	shalt  }
0x4a: {  	_ =	shalt  }
0x4b: {  	_ =	shalt  }
0x4c: {  	_ =	shalt  }
0x4d: {  	_ =	shalt  }
0x4e: {  	_ =	shalt  }
0x4f: {  	_ =	shalt  }
0x50: {  	_ =	shalt  }
0x51: {  	_ =	shalt  }
0x52: {  	_ =	shalt  }
0x53: {  	_ =	shalt  }
0x54: {  	_ =	shalt  }
0x55: {  	_ =	shalt  }
0x56: {  	_ =	shalt  }
0x57: {  	_ =	shalt  }
0x58: {  	_ =	shalt  }
0x59: {  	_ =	shalt  }
0x5a: {  	_ =	shalt  }
0x5b: {  	_ =	shalt  }
0x5c: {  	_ =	shalt  }
0x5d: {  	_ =	shalt  }
0x5e: {  	_ =	shalt  }
0x5f: {  	_ =	shalt  }
0x60: {  	_ =	shalt  }
0x61: {  	_ =	shalt  }
0x62: {  	_ =	shalt  }
0x63: {  	_ =	shalt  }
0x64: {  	_ =	shalt  }
0x65: {  	_ =	shalt  }
0x66: {  	_ =	shalt  }
0x67: {  	_ =	shalt  }
0x68: {  	_ =	shalt  }
0x69: {  	_ =	shalt  }
0x6a: {  	_ =	shalt  }
0x6b: {  	_ =	shalt  }
0x6c: {  	_ =	shalt  }
0x6d: {  	_ =	shalt  }
0x6e: {  	_ =	shalt  }
0x6f: {  	_ =	shalt  }
0x70: {  	_ =	shalt  }
0x71: {  	_ =	shalt  }
0x72: {  	_ =	shalt  }
0x73: {  	_ =	shalt  }
0x74: {  	_ =	shalt  }
0x75: {  	_ =	shalt  }
0x76: {  	_ =	shalt  }
0x77: {  	_ =	shalt  }
0x78: {  	_ =	shalt  }
0x79: {  	_ =	shalt  }
0x7a: {  	_ =	shalt  }
0x7b: {  	_ =	shalt  }
0x7c: {  	_ =	shalt  }
0x7d: {  	_ =	shalt  }
0x7e: {  	_ =	shalt  }
0x7f: {  	_ =	shalt  }
0x80: {  	_ =	shalt  }
0x81: {  	_ =	shalt  }
0x82: {  	_ =	shalt  }
0x83: {  	_ =	shalt  }
0x84: {  	_ =	shalt  }
0x85: {  	_ =	shalt  }
0x86: {  	_ =	shalt  }
0x87: {  	_ =	shalt  }
.Lfunc_end0:
.L_simem_size_0:
called_computation_lowered:
.L_overlay_start_0:
0x88: {  	s2 =	sld [smem:$0x3FD9]  }
0x89: {  	s3 =	sld [smem:$0x3FFE];
	_ =	sdelay $0x1  }
0x8a: {  	s1 =	srdreg.scid  }
0x8b: {  	s0 =	sand.u32 $0x1, s1  }
0x8c: {  	s17 =	sshll.u32 s0, $0xA;
	s2 =	sadd.s32 s3, s2  }
0x8d: {  	s2 =	sadd.s32 s2, s17  }
0x8e: {  	[smem:$0x3FBD] =	sst s2  }
0x8f: {  	_ = 	snop  }
0x90: {  	s4 =	sld [smem:$0x3FC9]  }
0x91: {  	s18 =	sld [smem:$0x3FD0];
	(tm) =	ssettm $0x1  }
0x92: {  	s19 =	sld [smem:$0x3FFB];
	_ =	sdelay $0x3  }
0x93: {  	_ =	strace s19  }
0x94: {  	s2 =	sld [smem:$0x3FFC];
	_ =	sdelay $0x3  }
0x95: {  	_ =	strace s2  }
0x96: {  	s2 =	sld [smem:$0x3FFD];
	_ =	sdelay $0x3  }
0x97: {  	_ =	strace s2  }
0x98: {  	_ =	strace $0x8FFFFFFF  }
0x99: {  	s20 =	sld [smem:$0x3FDB];
	_ =	sdelay $0x1  }
0x9a: {  	s5 =	simm.s32 $_scs_section_size  }
0x9b: {  	s6 =	simm.s32 $_size__tile_overlayer_lowered;
	s7 =	simm.s32 $_tile_overlayer_lowered  }
0x9c: {  	s8 =	simm.s32 $0x1BFF;
	s21 =	sshll.u32 s7, $0x1;
	s5 =	sadd.s32 s5, s20  }
0x9d: {  	s22 =	simm.s32 $0x0;
	s6 =	sshll.u32 s6, $0x1;
	s7 =	sadd.s32 s21, s5  }
0x9e: {  	[timem:s22], [sflag:s8] =	dma.local [hbm:s7], s6  }
0x9f: {  	_ =	swait.ge [sflag:s8], s6  }
0xa0: {  	s6 =	ssub.s32 $0x0, s6;
	[sflag:s8] =	ssyncset.done $0x0  }
0xa1: {  	[sflag:s8] =	ssyncadd.s32 s6;
	_ =	sdelay $0x1  }
0xa2: {  	s23 =	simm.s32 $0x1B8B  }
0xa3: {  	_ =	swait.ge [sflag:s23], $0x1  }
0xa4: {  	[sflag:s23] =	ssyncset.done $0x0  }
0xa5: {  	[sflag:s23] =	ssyncadd.s32 $0xFFFFFFFF  }
0xa6: {  	s6 =	sld [smem:$0x0]  }
0xa7: {  	s7 =	sand.u32 $0xFFFFFFFE, s1  }
0xa8: {  	p0 =	sne.s32 s1, s7  }
0xa9: {  	s7 =	sshll.u32 @p0 s7, $0xE  }
0xaa: {  	s7 =	sadd.s32 @p0 $0x11B8D, s7;
	s8 =	sshll.u32 @p0 s6, $0x11  }
0xab: {  	s7 =	sor.u32 @p0 s8, s7  }
0xac: {  	[sflag:s7] =	ssyncadd.remote.s32 @p0 $0x1;
	_ =	sdelay $0x1  }
0xad: {  	s7 =	simm.s32 @p0 $0x1B8D  }
0xae: {  	_ =	swait.eq @p0 [sflag:s7], $0x1  }
0xaf: {  	[sflag:s7] =	ssyncadd.s32 @p0 $0xFFFFFFFF  }
0xb0: {  	s8 =	sshll.u32 @!p0 s1, $0xE  }
0xb1: {  	s8 =	sor.u32 @!p0 $0x4000, s8;
	s7 =	simm.s32 @!p0 $0x1B8D  }
0xb2: {  	s6 =	sshll.u32 @!p0 s6, $0x11;
	s8 =	sadd.s32 @!p0 $0x11B8D, s8;
	_ =	swait.eq @!p0 [sflag:s7], $0x1  }
0xb3: {  	s6 =	sor.u32 @!p0 s6, s8;
	[sflag:s7] =	ssyncadd.s32 @!p0 $0xFFFFFFFF  }
0xb4: {  	s25 =	simm.s32 $0x1B8E;
	s24 =	sld [smem:$0x3FFE];
	[sflag:s6] =	ssyncadd.remote.s32 @!p0 $0x1  }
0xb5: {  	s26 =	simm.s32 $execute0_lowered;
	[smem:$0x3FD2] =	sst s25  }
0xb6: {  	s7 =	sshll.u32 s26, $0x1;
	_ =	strace $0x80000049;
	[dreg:$0x1] =	wrdreg $0xFFFFFFFF  }
0xb7: {  	s28 =	simm.s32 $_size_execute0_lowered;
	s5 =	sadd.s32 s5, s7;
	[dreg:$0x0] =	wrdreg $0x0  }
0xb8: {  	s7 =	sshll.u32 s28, $0x1;
	[dreg:$0x2] =	wrdreg s5  }
0xb9: {  	[dreg:$0x3] =	wrdreg s7  }
0xba: {  	[dreg:$0x4] =	wrdreg $0xC0  }
0xbb: {  	_ =	task [dreg:s22], $0x5FFFF  }
0xbc: {  	[dreg:$0x1] =	wrdreg $0xFFFFFFFF  }
0xbd: {  	[dreg:$0x0] =	wrdreg $0x60  }
0xbe: {  	[dreg:$0x2] =	wrdreg s4  }
0xbf: {  	[dreg:$0x3] =	wrdreg s24  }
0xc0: {  	[dreg:$0x4] =	wrdreg s18  }
0xc1: {  	[dreg:$0x5] =	wrdreg $0x89000  }
0xc2: {  	[dreg:$0x6] =	wrdreg $0x9  }
0xc3: {  	_ =	task.clear_ibuf [dreg:s22], $0x7FFFF;
	_ =	strace $0x90000049  }
0xc4: {  	s29 =	simm.s32 $0x9;
	_ =	strace $0x8000004B  }
0xc5: {  	_ =	swait.ge [sflag:s29], $0x1  }
0xc6: {  	[sflag:s29] =	ssyncadd.s32 $0xFFFFFFFF  }
0xc7: {  	_ =	strace $0x9000004B  }
0xc8: {  	_ =	sfence  }
0xc9: {  	s30 =	sld [smem:$0x0];
	_ =	sdelay $0x2  }
0xca: {  	s31 =	sshll.u32 s1, $0xD;
	s1 =	sshrl.u32 s1, $0x2  }
0xcb: {  	s4 =	sand.u32 $0x4000, s31;
	s1 =	sadd.s32 s1, s30  }
0xcc: {  	s0 =	sor.u32 s4, s0;
	s1 =	sshll.u32 s1, $0x11  }
0xcd: {  	s0 =	sor.u32 s1, s0  }
0xce: {  	s0 =	sadd.s32 $0x8F2B, s0  }
0xcf: {  	[sflag:s0] =	ssyncadd.remote.s32 $0x1  }
0xd0: {  	_ =	sfence.sel $0xFFFF  }
0xd1: {  	[dreg:$0x0] =	wrdreg $0xFFFFFFFF;
	(pc) =	sbr.abs _section_cstart, $3  }
0xd2: {  	[dreg:$0x1] =	wrdreg $0xFFFFFFFF  }
0xd3: {  	_ =	task.clear_ibuf [dreg:s22], $0x2FFFF;
	_ =	strace $0x9FFFFFFF  }
0xd4: {  	(tm) =	ssettm $0x7FFFFFFF  }
0xd5: {  	_ =	shalt  }
tec
execute0_lowered:
.L_overlay_start_1:
0x0: {  	(tag) =	ssettag $0x1  }
0x1: {  	s1 =	rddreg [dreg:$0x0]  }
0x2: {  	s0 =	rddreg [dreg:$0x1]  }
0x3: {  	s2 =	srdreg.scid;
	s6 =	rddreg [dreg:$0x2]  }
0x4: {  	s14 =	stileid.u32;
	s3 =	rddreg [dreg:$0x3]  }
0x5: {  	s16 =	simm.s32 $0x7;
	s28 =	simm.s32 $0x2800;
	s29 =	simm.s32 $0x6900  }
0x6: {  	s31 =	simm.s32 $0x4;
	s17 =	simm.s32 $0x7900;
	s30 =	simm.s32 $0x5  }
0x7: {  	s15 =	simm.s32 $0x0;
	s2 =	sand.u32 $0x1, s2;
	s10 =	smul.u32 $0x14000, s14  }
0x8: {  	s4 =	sshll.u32 s14, $0x1;
	s5 =	sadd.s32 $0x7C0A00, s0;
	s12 =	sadd.s32 $0x76E200, s0  }
0x9: {  	s18 =	smul.u32 $0x50000, s14;
	s26 =	sshll.u32 s14, $0x6;
	s7 =	sor.u32 s2, s4  }
0xa: {  	s4 =	simm.s32 $0x0;
	s9 =	smul.u32 $0x140000, s2;
	s2 =	ssub.s32 $0x2, s2  }
0xb: {  	s8 =	smul.u32 $0x280, s7;
	[smem:$0x7FF] =	sst s4;
	s19 =	sshrl.u32 s2, $0x1  }
0xc: {  	s13 =	smul.u32 $0x14000, s7;
	s21 =	sshrl.u32 s18, $0x2;
	s18 =	sor.u32 $0x1C07, s26  }
0xd: {  	s26 =	simm.s32 $0x1;
	_ =	strace $0x8000004A;
	[dreg:$0x5] =	wrdreg s12  }
0xe: {  	s9 =	sadd.s32 s10, s9;
	s2 =	ssub.s32 s2, s19;
	s11 =	sadd.s32 s8, s0  }
0xf: {  	s9 =	sshrl.u32 s9, $0x3;
	s6 =	sadd.s32 s6, s8;
	s25 =	smax.u32 s2, $0x1  }
0x10: {  	s2 =	simm.s32 $0x2;
	s0 =	sadd.s32 s9, s0;
	s20 =	sadd.s32 $0x2200, s11  }
0x11: {  	[dreg:$0x7] =	wrdreg s6;
	s9 =	sadd.s32 s5, s13;
	s6 =	sadd.s32 s21, s3  }
0x12: {  	s13 =	smul.u32 $0xA0000, s7;
	[dreg:$0xc] =	wrdreg s25;
	s21 =	simm.s32 $0x20  }
0x13: {  	s25 =	simm.s32 $0x3;
	[dreg:$0x6] =	wrdreg s20;
	s22 =	sadd.s32 $0x200, s9  }
0x14: {  	s7 =	simm.s32 $0x0;
	s23 =	sadd.s32 $0x400, s9;
	[dreg:$0x8] =	wrdreg s22  }
0x15: {  	s24 =	sadd.s32 $0x600, s9;
	s0 =	sadd.s32 $0x7200, s0;
	[dreg:$0x9] =	wrdreg s23  }
0x16: {  	s19 =	sshrl.u32 s6, $0x3;
	s20 =	simm.s32 $0x4900;
	[dreg:$0xa] =	wrdreg s24  }
0x17: {  	s6 =	simm.s32 $0x6;
	[dreg:$0xb] =	wrdreg s0;
	s22 =	simm.s32 $0x2900  }
0x18: {  	s23 =	simm.s32 $0x5900;
	s24 =	simm.s32 $0x3900;
	s0 =	simm.s32 $0x2880  }
.LBB2_1:
0x19: {  	s8 =	rddreg [dreg:$0x6]  }
0x1a: {  	[tilespmem:s4], [sflag:$0x7] =	stream.linear.gather [hbm4b:s8+s4], $0x1400, $0x38;
	[tilespmem:$0x1C900] =	vst v63  }
0x1b: {  	_ =	swait.ge [sflag:s16], $0x1400  }
0x1c: {  	[sflag:s16] =	ssyncset.done $0x0  }
0x1d: {  	s10 =	simm.s32 $0x1400;
	s11 =	rddreg [dreg:$0x7];
	[sflag:s16] =	ssyncadd.s32 $0xFFFFEC00  }
0x1e: {  	[tilespmem:s10], [sflag:$0x7] =	stream.linear.gather [hbm4b:s11+s4], $0x1400, $0x38;
	[tilespmem:$0x1C900] =	vst v63  }
0x1f: {  	_ =	swait.ge [sflag:s16], $0x1400  }
0x20: {  	[sflag:s16] =	ssyncset.done $0x0  }
0x21: {  	s12 =	rddreg [dreg:$0x5];
	[sflag:s16] =	ssyncadd.s32 $0xFFFFEC00  }
0x22: {  	[spmem:s19], [sflag:s18] =	dma.local [hbm:s12], $0x2800  }
0x23: {  	_ =	swait.ge [sflag:s16], $0x2800  }
0x24: {  	[sflag:s16] =	ssyncset.done $0x0  }
0x25: {  	[sflag:s16] =	ssyncadd.s32 $0xFFFFD800  }
0x26: {  	[bflag:$0x0] =	sbarrier.arrive $0xFFFF  }
0x27: {  	[tilespmem:s20], [sflag:$0x3] =	stream.linear.gather [hbm4b:s9+s4], $0x1000, $0x38;
	[tilespmem:$0x1C900] =	vst v63  }
0x28: {  	_ = 	snop  }
0x29: {  	[tilespmem:s22], [sflag:$0x1] =	stream.indirect.gather [hbm4b:s1+s21], $0x80, s4, s21, $0xb8;
	[tilespmem:$0x1C900] =	vst v63  }
0x2a: {  	s14 =	rddreg [dreg:$0x8]  }
0x2b: {  	[tilespmem:s23], [sflag:$0x4] =	stream.linear.gather [hbm4b:s14+s4], $0x1000, $0x38;
	[tilespmem:$0x1C900] =	vst v63  }
0x2c: {  	_ = 	snop  }
0x2d: {  	[tilespmem:s24], [sflag:$0x2] =	stream.indirect.gather [hbm4b:s1+s21], $0x80, s21, s21, $0xb8;
	[tilespmem:$0x1C900] =	vst v63  }
0x2e: {  	_ =	swait.ge [sflag:s25], $0x1000  }
0x2f: {  	[sflag:s25] =	ssyncset.done $0x0  }
0x30: {  	[sflag:s25] =	ssyncadd.s32 $0xFFFFF000  }
0x31: {  	_ =	swait.ge [sflag:s26], $0x1000  }
0x32: {  	[sflag:s26] =	ssyncset.done $0x0  }
0x33: {  	[sflag:s26] =	ssyncadd.s32 $0xFFFFF000  }
0x34: {  	v0 =	vld [tilespmem:$0x1400]  }
0x35: {  	v1 =	vld [tilespmem:$0x1410];
	_ =	sdelay $0x3  }
0x36: {  	[tilespmem:$0x2800] =	vst v0  }
0x37: {  	s8 =	simm.s32 $0x0;
	[tilespmem:$0x2810] =	vst v1  }
0x38: {  	v0 =	vld [tilespmem:s8+$0x2970]  }
0x39: {  	v1 =	vld [tilespmem:s8+$0x4970]  }
0x3a: {  	v2 =	vld [tilespmem:s8+$0x2900]  }
0x3b: {  	v3 =	vld [tilespmem:s8+$0x4900]  }
0x3c: {  	v4 =	vld [tilespmem:s8+$0x2910]  }
0x3d: {  	v5 =	vld [tilespmem:s8+$0x4910]  }
0x3e: {  	v6 =	vld [tilespmem:s8+$0x2920]  }
0x3f: {  	v0 =	vadd.f32 v1, v0;
	v1 =	vld [tilespmem:s8+$0x4920]  }
0x40: {  	v7 =	vld [tilespmem:s8+$0x2930]  }
0x41: {  	v8 =	vld [tilespmem:s8+$0x4930];
	v2 =	vadd.f32 v3, v2  }
0x42: {  	v9 =	vld [tilespmem:s8+$0x2940];
	v0 =	vmax.f32 v0, $0.0e+00  }
0x43: {  	[tilespmem:s8+$0x6970] =	vst v0;
	v0 =	vmax.f32 v2, $0.0e+00;
	v2 =	vadd.f32 v5, v4;
	v5 =	vld [tilespmem:s8+$0x4940]  }
0x44: {  	v3 =	vld [tilespmem:s8+$0x4950];
	v1 =	vadd.f32 v1, v6  }
0x45: {  	[tilespmem:s8+$0x6900] =	vst v0;
	v0 =	vld [tilespmem:s8+$0x2950];
	v2 =	vmax.f32 v2, $0.0e+00  }
0x46: {  	v4 =	vld [tilespmem:s8+$0x4960];
	v6 =	vadd.f32 v8, v7;
	[tilespmem:s8+$0x6910] =	vst v2;
	v2 =	vmax.f32 v1, $0.0e+00  }
0x47: {  	s10 =	simm.s32 $0x80;
	v1 =	vld [tilespmem:s8+$0x2960];
	[tilespmem:s8+$0x6920] =	vst v2  }
0x48: {  	s11 =	simm.s32 $0x400;
	v6 =	vmax.f32 v6, $0.0e+00;
	v5 =	vadd.f32 v5, v9;
	v2 =	vld [tilespmem:s10+$0x2970]  }
.LBB2_2:
0x49: {  	p0 =	sne.s32 s11, $0x3E00;
	v7 =	vld [tilespmem:s10+$0x4970];
	[tilespmem:s8+$0x6930] =	vst v6  }
0x4a: {  	v6 =	vld [tilespmem:s10+$0x2900];
	v5 =	vmax.f32 v5, $0.0e+00;
	v0 =	vadd.f32 v3, v0  }
0x4b: {  	v3 =	vld [tilespmem:s10+$0x4900];
	[tilespmem:s8+$0x6940] =	vst v5  }
0x4c: {  	v5 =	vld [tilespmem:s10+$0x2910];
	v0 =	vmax.f32 v0, $0.0e+00;
	v1 =	vadd.f32 v4, v1  }
0x4d: {  	v4 =	vld [tilespmem:s10+$0x4910];
	[tilespmem:s8+$0x6950] =	vst v0  }
0x4e: {  	v0 =	vld [tilespmem:s10+$0x2920];
	v2 =	vadd.f32 v7, v2;
	v1 =	vmax.f32 v1, $0.0e+00  }
0x4f: {  	v7 =	vld [tilespmem:s10+$0x4920];
	[tilespmem:s8+$0x6960] =	vst v1;
	s8 =	smov.u32 s10  }
0x50: {  	v1 =	vadd.f32 v3, v6;
	v6 =	vld [tilespmem:s8+$0x2930];
	v2 =	vmax.f32 v2, $0.0e+00  }
0x51: {  	v8 =	vld [tilespmem:s8+$0x4930];
	[tilespmem:s8+$0x6970] =	vst v2  }
0x52: {  	v1 =	vmax.f32 v1, $0.0e+00;
	v2 =	vadd.f32 v4, v5;
	v5 =	vld [tilespmem:s8+$0x2940]  }
0x53: {  	[tilespmem:s8+$0x6900] =	vst v1;
	v9 =	vld [tilespmem:s8+$0x4940]  }
.Ltmp0:
0x54: {  	v1 =	vmax.f32 v2, $0.0e+00;
	v2 =	vadd.f32 v7, v0;
	v0 =	vld [tilespmem:s8+$0x2950];
	(pc) =	sbr.rel @p0 .LBB2_2-.Ltmp0, $4  }
0x55: {  	[tilespmem:s8+$0x6910] =	vst v1;
	v3 =	vld [tilespmem:s8+$0x4950]  }
0x56: {  	v2 =	vmax.f32 v2, $0.0e+00;
	v6 =	vadd.f32 v8, v6;
	v1 =	vld [tilespmem:s8+$0x2960]  }
0x57: {  	s10 =	sshra.s32 s11, $0x2;
	[tilespmem:s8+$0x6920] =	vst v2;
	v4 =	vld [tilespmem:s8+$0x4960]  }
0x58: {  	s11 =	sadd.s32 $0x200, s11;
	v2 =	vld [tilespmem:s10+$0x2970];
	v6 =	vmax.f32 v6, $0.0e+00;
	v5 =	vadd.f32 v9, v5  }
0x59: {  	v7 =	vld [tilespmem:s10+$0x4970];
	[tilespmem:s8+$0x6930] =	vst v6  }
0x5a: {  	v6 =	vld [tilespmem:s10+$0x2900];
	v5 =	vmax.f32 v5, $0.0e+00;
	v0 =	vadd.f32 v3, v0  }
0x5b: {  	v8 =	vld [tilespmem:s10+$0x4900];
	[tilespmem:s8+$0x6940] =	vst v5  }
0x5c: {  	v3 =	vld [tilespmem:s10+$0x2910];
	v0 =	vmax.f32 v0, $0.0e+00;
	v1 =	vadd.f32 v4, v1  }
0x5d: {  	v5 =	vld [tilespmem:s10+$0x4910];
	[tilespmem:s8+$0x6950] =	vst v0  }
0x5e: {  	v0 =	vld [tilespmem:s10+$0x2920];
	v1 =	vmax.f32 v1, $0.0e+00  }
0x5f: {  	v4 =	vld [tilespmem:s10+$0x4920];
	v2 =	vadd.f32 v7, v2;
	[tilespmem:s8+$0x6960] =	vst v1  }
0x60: {  	v6 =	vadd.f32 v8, v6;
	v1 =	vld [tilespmem:s10+$0x2930]  }
0x61: {  	v2 =	vmax.f32 v2, $0.0e+00;
	v7 =	vld [tilespmem:s10+$0x4930]  }
0x62: {  	[tilespmem:s10+$0x6970] =	vst v2;
	v2 =	vmax.f32 v6, $0.0e+00;
	v6 =	vld [tilespmem:s10+$0x2940]  }
0x63: {  	v3 =	vadd.f32 v5, v3;
	v5 =	vld [tilespmem:s10+$0x2950]  }
0x64: {  	[tilespmem:s10+$0x6900] =	vst v2;
	v2 =	vld [tilespmem:s10+$0x4940];
	v0 =	vadd.f32 v4, v0  }
0x65: {  	v3 =	vmax.f32 v3, $0.0e+00;
	v4 =	vld [tilespmem:s10+$0x2960]  }
0x66: {  	[tilespmem:s10+$0x6910] =	vst v3;
	v3 =	vld [tilespmem:s10+$0x4950];
	v0 =	vmax.f32 v0, $0.0e+00  }
0x67: {  	[tilespmem:s10+$0x6920] =	vst v0;
	v0 =	vld [tilespmem:s10+$0x4960];
	_ =	sdelay $0x1  }
0x68: {  	v1 =	vadd.f32 v7, v1  }
0x69: {  	v2 =	vadd.f32 v2, v6  }
0x6a: {  	v1 =	vmax.f32 v1, $0.0e+00;
	v3 =	vadd.f32 v3, v5  }
0x6b: {  	[tilespmem:s10+$0x6930] =	vst v1;
	v1 =	vmax.f32 v2, $0.0e+00;
	v0 =	vadd.f32 v0, v4  }
0x6c: {  	[tilespmem:s10+$0x6940] =	vst v1;
	v1 =	vmax.f32 v3, $0.0e+00  }
0x6d: {  	[tilespmem:s10+$0x6950] =	vst v1;
	v0 =	vmax.f32 v0, $0.0e+00  }
0x6e: {  	[tilespmem:s10+$0x6960] =	vst v0  }
0x6f: {  	[spmem:s3] =	stream.indirect.scatter.add.f32 [tilespmem:s29], [sflag:$0x5], $0x80, s28, s21, $0xb8;
	[tilespmem:$0x1C900] =	vst v63  }
0x70: {  	s11 =	simm.s32 $0x0;
	s12 =	rddreg [dreg:$0x9]  }
0x71: {  	[tilespmem:s20], [sflag:$0x3] =	stream.linear.gather [hbm4b:s12+s11], $0x1000, $0x38;
	[tilespmem:$0x1C900] =	vst v63  }
0x72: {  	s14 =	simm.s32 $0x40  }
0x73: {  	[tilespmem:s22], [sflag:$0x1] =	stream.indirect.gather [hbm4b:s1+s21], $0x80, s14, s21, $0xb8;
	[tilespmem:$0x1C900] =	vst v63  }
0x74: {  	_ =	swait.ge [sflag:s31], $0x1000  }
0x75: {  	[sflag:s31] =	ssyncset.done $0x0  }
0x76: {  	[sflag:s31] =	ssyncadd.s32 $0xFFFFF000  }
0x77: {  	_ =	swait.ge [sflag:s2], $0x1000  }
0x78: {  	[sflag:s2] =	ssyncset.done $0x0  }
0x79: {  	[sflag:s2] =	ssyncadd.s32 $0xFFFFF000  }
0x7a: {  	v0 =	vld [tilespmem:$0x1420]  }
0x7b: {  	v1 =	vld [tilespmem:$0x1430];
	_ =	sdelay $0x3  }
0x7c: {  	[tilespmem:$0x2880] =	vst v0  }
0x7d: {  	s8 =	simm.s32 $0x0;
	[tilespmem:$0x2890] =	vst v1  }
0x7e: {  	v0 =	vld [tilespmem:s8+$0x3970]  }
0x7f: {  	v1 =	vld [tilespmem:s8+$0x5970]  }
0x80: {  	v2 =	vld [tilespmem:s8+$0x3900]  }
0x81: {  	v3 =	vld [tilespmem:s8+$0x5900]  }
0x82: {  	v4 =	vld [tilespmem:s8+$0x3910]  }
0x83: {  	v5 =	vld [tilespmem:s8+$0x5910]  }
0x84: {  	v6 =	vld [tilespmem:s8+$0x3920]  }
0x85: {  	v0 =	vadd.f32 v1, v0;
	v1 =	vld [tilespmem:s8+$0x5920]  }
0x86: {  	v7 =	vld [tilespmem:s8+$0x3930]  }
0x87: {  	v8 =	vld [tilespmem:s8+$0x5930];
	v2 =	vadd.f32 v3, v2  }
0x88: {  	v9 =	vld [tilespmem:s8+$0x3940];
	v0 =	vmax.f32 v0, $0.0e+00  }
0x89: {  	[tilespmem:s8+$0x7970] =	vst v0;
	v0 =	vmax.f32 v2, $0.0e+00;
	v2 =	vadd.f32 v5, v4;
	v5 =	vld [tilespmem:s8+$0x5940]  }
0x8a: {  	v3 =	vld [tilespmem:s8+$0x5950];
	v1 =	vadd.f32 v1, v6  }
0x8b: {  	[tilespmem:s8+$0x7900] =	vst v0;
	v0 =	vld [tilespmem:s8+$0x3950];
	v2 =	vmax.f32 v2, $0.0e+00  }
0x8c: {  	v4 =	vld [tilespmem:s8+$0x5960];
	v6 =	vadd.f32 v8, v7;
	[tilespmem:s8+$0x7910] =	vst v2;
	v2 =	vmax.f32 v1, $0.0e+00  }
0x8d: {  	s10 =	simm.s32 $0x80;
	v1 =	vld [tilespmem:s8+$0x3960];
	[tilespmem:s8+$0x7920] =	vst v2  }
0x8e: {  	s11 =	simm.s32 $0x400;
	v6 =	vmax.f32 v6, $0.0e+00;
	v5 =	vadd.f32 v5, v9;
	v2 =	vld [tilespmem:s10+$0x3970]  }
.LBB2_4:
0x8f: {  	p0 =	sne.s32 s11, $0x3E00;
	v7 =	vld [tilespmem:s10+$0x5970];
	[tilespmem:s8+$0x7930] =	vst v6  }
0x90: {  	v6 =	vld [tilespmem:s10+$0x3900];
	v5 =	vmax.f32 v5, $0.0e+00;
	v0 =	vadd.f32 v3, v0  }
0x91: {  	v3 =	vld [tilespmem:s10+$0x5900];
	[tilespmem:s8+$0x7940] =	vst v5  }
0x92: {  	v5 =	vld [tilespmem:s10+$0x3910];
	v0 =	vmax.f32 v0, $0.0e+00;
	v1 =	vadd.f32 v4, v1  }
0x93: {  	v4 =	vld [tilespmem:s10+$0x5910];
	[tilespmem:s8+$0x7950] =	vst v0  }
0x94: {  	v0 =	vld [tilespmem:s10+$0x3920];
	v2 =	vadd.f32 v7, v2;
	v1 =	vmax.f32 v1, $0.0e+00  }
0x95: {  	v7 =	vld [tilespmem:s10+$0x5920];
	[tilespmem:s8+$0x7960] =	vst v1;
	s8 =	smov.u32 s10  }
0x96: {  	v1 =	vadd.f32 v3, v6;
	v6 =	vld [tilespmem:s8+$0x3930];
	v2 =	vmax.f32 v2, $0.0e+00  }
0x97: {  	v8 =	vld [tilespmem:s8+$0x5930];
	[tilespmem:s8+$0x7970] =	vst v2  }
0x98: {  	v1 =	vmax.f32 v1, $0.0e+00;
	v2 =	vadd.f32 v4, v5;
	v5 =	vld [tilespmem:s8+$0x3940]  }
0x99: {  	[tilespmem:s8+$0x7900] =	vst v1;
	v9 =	vld [tilespmem:s8+$0x5940]  }
.Ltmp1:
0x9a: {  	v1 =	vmax.f32 v2, $0.0e+00;
	v2 =	vadd.f32 v7, v0;
	v0 =	vld [tilespmem:s8+$0x3950];
	(pc) =	sbr.rel @p0 .LBB2_4-.Ltmp1, $4  }
0x9b: {  	[tilespmem:s8+$0x7910] =	vst v1;
	v3 =	vld [tilespmem:s8+$0x5950]  }
0x9c: {  	v2 =	vmax.f32 v2, $0.0e+00;
	v6 =	vadd.f32 v8, v6;
	v1 =	vld [tilespmem:s8+$0x3960]  }
0x9d: {  	s10 =	sshra.s32 s11, $0x2;
	[tilespmem:s8+$0x7920] =	vst v2;
	v4 =	vld [tilespmem:s8+$0x5960]  }
0x9e: {  	s11 =	sadd.s32 $0x200, s11;
	v2 =	vld [tilespmem:s10+$0x3970];
	v6 =	vmax.f32 v6, $0.0e+00;
	v5 =	vadd.f32 v9, v5  }
0x9f: {  	v7 =	vld [tilespmem:s10+$0x5970];
	[tilespmem:s8+$0x7930] =	vst v6  }
0xa0: {  	v6 =	vld [tilespmem:s10+$0x3900];
	v5 =	vmax.f32 v5, $0.0e+00;
	v0 =	vadd.f32 v3, v0  }
0xa1: {  	v8 =	vld [tilespmem:s10+$0x5900];
	[tilespmem:s8+$0x7940] =	vst v5  }
0xa2: {  	v52 =	vld [tilespmem:s10+$0x3910];
	v0 =	vmax.f32 v0, $0.0e+00;
	v1 =	vadd.f32 v4, v1  }
0xa3: {  	v5 =	vld [tilespmem:s10+$0x5910];
	[tilespmem:s8+$0x7950] =	vst v0  }
0xa4: {  	v0 =	vld [tilespmem:s10+$0x3920];
	v1 =	vmax.f32 v1, $0.0e+00  }
0xa5: {  	v53 =	vld [tilespmem:s10+$0x5920];
	[tilespmem:s8+$0x7960] =	vst v1  }
0xa6: {  	v1 =	vld [tilespmem:s10+$0x3930]  }
0xa7: {  	v54 =	vld [tilespmem:s10+$0x5930]  }
0xa8: {  	v56 =	vld [tilespmem:s10+$0x3940]  }
0xa9: {  	v57 =	vld [tilespmem:s10+$0x5940]  }
0xaa: {  	v58 =	vld [tilespmem:s10+$0x3950]  }
0xab: {  	v2 =	vadd.f32 v7, v2;
	v59 =	vld [tilespmem:s10+$0x5950]  }
0xac: {  	v6 =	vadd.f32 v8, v6;
	v60 =	vld [tilespmem:s10+$0x3960]  }
0xad: {  	v2 =	vmax.f32 v2, $0.0e+00;
	v61 =	vld [tilespmem:s10+$0x5960];
	v3 =	vadd.f32 v5, v52  }
0xae: {  	[tilespmem:s10+$0x7970] =	vst v2;
	v55 =	vmax.f32 v6, $0.0e+00;
	v0 =	vadd.f32 v53, v0  }
0xaf: {  	[tilespmem:s10+$0x7900] =	vst v55;
	v3 =	vmax.f32 v3, $0.0e+00;
	v1 =	vadd.f32 v54, v1  }
0xb0: {  	[tilespmem:s10+$0x7910] =	vst v3;
	v0 =	vmax.f32 v0, $0.0e+00;
	v2 =	vadd.f32 v57, v56  }
0xb1: {  	v3 =	vadd.f32 v59, v58;
	[tilespmem:s10+$0x7920] =	vst v0;
	v1 =	vmax.f32 v1, $0.0e+00  }
0xb2: {  	v0 =	vadd.f32 v61, v60;
	v62 =	vmax.f32 v2, $0.0e+00;
	[tilespmem:s10+$0x7930] =	vst v1  }
0xb3: {  	v63 =	vmax.f32 v3, $0.0e+00;
	[tilespmem:s10+$0x7940] =	vst v62  }
0xb4: {  	[tilespmem:s10+$0x7950] =	vst v63;
	v0 =	vmax.f32 v0, $0.0e+00  }
0xb5: {  	[tilespmem:s10+$0x7960] =	vst v0  }
0xb6: {  	[spmem:s3] =	stream.indirect.scatter.add.f32 [tilespmem:s17], [sflag:$0x6], $0x80, s0, s21, $0xb8;
	[tilespmem:$0x1C900] =	vst v63  }
0xb7: {  	s12 =	rddreg [dreg:$0xa]  }
0xb8: {  	[tilespmem:s23], [sflag:$0x4] =	stream.linear.gather [hbm4b:s12+s4], $0x1000, $0x38;
	[tilespmem:$0x1C900] =	vst v63  }
0xb9: {  	s14 =	simm.s32 $0x60;
	s8 =	simm.s32 $0x1  }
0xba: {  	[tilespmem:s24], [sflag:$0x2] =	stream.indirect.gather [hbm4b:s1+s21], $0x80, s14, s21, $0xb8;
	[tilespmem:$0x1C900] =	vst v63  }
.LBB2_6:
0xbb: {  	_ =	swait.ge [sflag:s25], $0x1000  }
0xbc: {  	[sflag:s25] =	ssyncset.done $0x0  }
0xbd: {  	[sflag:s25] =	ssyncadd.s32 $0xFFFFF000  }
0xbe: {  	_ =	swait.ge [sflag:s26], $0x1000  }
0xbf: {  	[sflag:s26] =	ssyncset.done $0x0  }
0xc0: {  	[sflag:s26] =	ssyncadd.s32 $0xFFFFF000  }
0xc1: {  	_ =	swait.ge [sflag:s30], $0x1000  }
0xc2: {  	s10 =	sshll.u32 s8, $0x6;
	[sflag:s30] =	ssyncset.done $0x0  }
0xc3: {  	s11 =	sand.u32 $0x1FC0, s10;
	[sflag:s30] =	ssyncadd.s32 $0xFFFFF000  }
0xc4: {  	v0 =	vld [tilespmem:s11+$0x1400];
	_ =	sdelay $0x4  }
0xc5: {  	[tilespmem:$0x2800] =	vst v0  }
0xc6: {  	v0 =	vld [tilespmem:s11+$0x1410];
	_ =	sdelay $0x4  }
0xc7: {  	s10 =	simm.s32 $0x0;
	[tilespmem:$0x2810] =	vst v0  }
0xc8: {  	v0 =	vld [tilespmem:s10+$0x2970]  }
0xc9: {  	v1 =	vld [tilespmem:s10+$0x4970]  }
0xca: {  	v2 =	vld [tilespmem:s10+$0x2900]  }
0xcb: {  	v3 =	vld [tilespmem:s10+$0x4900]  }
0xcc: {  	v4 =	vld [tilespmem:s10+$0x2910]  }
0xcd: {  	v5 =	vld [tilespmem:s10+$0x4910]  }
0xce: {  	v6 =	vld [tilespmem:s10+$0x2920]  }
0xcf: {  	v0 =	vadd.f32 v1, v0;
	v1 =	vld [tilespmem:s10+$0x4920]  }
0xd0: {  	v7 =	vld [tilespmem:s10+$0x2930]  }
0xd1: {  	v8 =	vld [tilespmem:s10+$0x4930];
	v2 =	vadd.f32 v3, v2  }
0xd2: {  	v9 =	vld [tilespmem:s10+$0x2940];
	v0 =	vmax.f32 v0, $0.0e+00  }
0xd3: {  	[tilespmem:s10+$0x6970] =	vst v0;
	v0 =	vmax.f32 v2, $0.0e+00;
	v2 =	vadd.f32 v5, v4;
	v5 =	vld [tilespmem:s10+$0x4940]  }
0xd4: {  	v3 =	vld [tilespmem:s10+$0x4950];
	v1 =	vadd.f32 v1, v6  }
0xd5: {  	[tilespmem:s10+$0x6900] =	vst v0;
	v0 =	vld [tilespmem:s10+$0x2950];
	v2 =	vmax.f32 v2, $0.0e+00  }
0xd6: {  	v4 =	vld [tilespmem:s10+$0x4960];
	v6 =	vadd.f32 v8, v7;
	[tilespmem:s10+$0x6910] =	vst v2;
	v2 =	vmax.f32 v1, $0.0e+00  }
0xd7: {  	s12 =	simm.s32 $0x80;
	v1 =	vld [tilespmem:s10+$0x2960];
	[tilespmem:s10+$0x6920] =	vst v2  }
0xd8: {  	s14 =	simm.s32 $0x400;
	s11 =	sadd.s32 $0x1400, s11;
	v6 =	vmax.f32 v6, $0.0e+00;
	v5 =	vadd.f32 v5, v9;
	v2 =	vld [tilespmem:s12+$0x2970]  }
.LBB2_7:
0xd9: {  	p0 =	sne.s32 s14, $0x3E00;
	v7 =	vld [tilespmem:s12+$0x4970];
	[tilespmem:s10+$0x6930] =	vst v6  }
0xda: {  	v6 =	vld [tilespmem:s12+$0x2900];
	v5 =	vmax.f32 v5, $0.0e+00;
	v0 =	vadd.f32 v3, v0  }
0xdb: {  	v3 =	vld [tilespmem:s12+$0x4900];
	[tilespmem:s10+$0x6940] =	vst v5  }
0xdc: {  	v5 =	vld [tilespmem:s12+$0x2910];
	v0 =	vmax.f32 v0, $0.0e+00;
	v1 =	vadd.f32 v4, v1  }
0xdd: {  	v4 =	vld [tilespmem:s12+$0x4910];
	[tilespmem:s10+$0x6950] =	vst v0  }
0xde: {  	v0 =	vld [tilespmem:s12+$0x2920];
	v2 =	vadd.f32 v7, v2;
	v1 =	vmax.f32 v1, $0.0e+00  }
0xdf: {  	v7 =	vld [tilespmem:s12+$0x4920];
	[tilespmem:s10+$0x6960] =	vst v1;
	s10 =	smov.u32 s12  }
0xe0: {  	v1 =	vadd.f32 v3, v6;
	v6 =	vld [tilespmem:s10+$0x2930];
	v2 =	vmax.f32 v2, $0.0e+00  }
0xe1: {  	v8 =	vld [tilespmem:s10+$0x4930];
	[tilespmem:s10+$0x6970] =	vst v2  }
0xe2: {  	v1 =	vmax.f32 v1, $0.0e+00;
	v2 =	vadd.f32 v4, v5;
	v5 =	vld [tilespmem:s10+$0x2940]  }
0xe3: {  	[tilespmem:s10+$0x6900] =	vst v1;
	v9 =	vld [tilespmem:s10+$0x4940]  }
.Ltmp2:
0xe4: {  	v1 =	vmax.f32 v2, $0.0e+00;
	v2 =	vadd.f32 v7, v0;
	v0 =	vld [tilespmem:s10+$0x2950];
	(pc) =	sbr.rel @p0 .LBB2_7-.Ltmp2, $4  }
0xe5: {  	[tilespmem:s10+$0x6910] =	vst v1;
	v3 =	vld [tilespmem:s10+$0x4950]  }
0xe6: {  	v2 =	vmax.f32 v2, $0.0e+00;
	v6 =	vadd.f32 v8, v6;
	v1 =	vld [tilespmem:s10+$0x2960]  }
0xe7: {  	s12 =	sshra.s32 s14, $0x2;
	[tilespmem:s10+$0x6920] =	vst v2;
	v4 =	vld [tilespmem:s10+$0x4960]  }
0xe8: {  	s14 =	sadd.s32 $0x200, s14;
	v2 =	vld [tilespmem:s12+$0x2970];
	v6 =	vmax.f32 v6, $0.0e+00;
	v5 =	vadd.f32 v9, v5  }
0xe9: {  	v7 =	vld [tilespmem:s12+$0x4970];
	[tilespmem:s10+$0x6930] =	vst v6  }
0xea: {  	v6 =	vld [tilespmem:s12+$0x2900];
	v5 =	vmax.f32 v5, $0.0e+00;
	v0 =	vadd.f32 v3, v0  }
0xeb: {  	v8 =	vld [tilespmem:s12+$0x4900];
	[tilespmem:s10+$0x6940] =	vst v5  }
0xec: {  	v3 =	vld [tilespmem:s12+$0x2910];
	v0 =	vmax.f32 v0, $0.0e+00;
	v1 =	vadd.f32 v4, v1  }
0xed: {  	v5 =	vld [tilespmem:s12+$0x4910];
	[tilespmem:s10+$0x6950] =	vst v0  }
0xee: {  	v0 =	vld [tilespmem:s12+$0x2920];
	v1 =	vmax.f32 v1, $0.0e+00  }
0xef: {  	v4 =	vld [tilespmem:s12+$0x4920];
	v2 =	vadd.f32 v7, v2;
	[tilespmem:s10+$0x6960] =	vst v1  }
0xf0: {  	v6 =	vadd.f32 v8, v6;
	v1 =	vld [tilespmem:s12+$0x2930]  }
0xf1: {  	v2 =	vmax.f32 v2, $0.0e+00;
	v7 =	vld [tilespmem:s12+$0x4930]  }
0xf2: {  	[tilespmem:s12+$0x6970] =	vst v2;
	v2 =	vmax.f32 v6, $0.0e+00;
	v6 =	vld [tilespmem:s12+$0x2940]  }
0xf3: {  	v3 =	vadd.f32 v5, v3;
	v5 =	vld [tilespmem:s12+$0x2950]  }
0xf4: {  	[tilespmem:s12+$0x6900] =	vst v2;
	v2 =	vld [tilespmem:s12+$0x4940];
	v0 =	vadd.f32 v4, v0  }
0xf5: {  	v3 =	vmax.f32 v3, $0.0e+00;
	v4 =	vld [tilespmem:s12+$0x2960]  }
0xf6: {  	[tilespmem:s12+$0x6910] =	vst v3;
	v3 =	vld [tilespmem:s12+$0x4950];
	v0 =	vmax.f32 v0, $0.0e+00  }
0xf7: {  	[tilespmem:s12+$0x6920] =	vst v0;
	v0 =	vld [tilespmem:s12+$0x4960];
	_ =	sdelay $0x1  }
0xf8: {  	v1 =	vadd.f32 v7, v1  }
0xf9: {  	v2 =	vadd.f32 v2, v6  }
0xfa: {  	v1 =	vmax.f32 v1, $0.0e+00;
	v3 =	vadd.f32 v3, v5  }
0xfb: {  	[tilespmem:s12+$0x6930] =	vst v1;
	v1 =	vmax.f32 v2, $0.0e+00;
	v0 =	vadd.f32 v0, v4  }
0xfc: {  	[tilespmem:s12+$0x6940] =	vst v1;
	v1 =	vmax.f32 v3, $0.0e+00  }
0xfd: {  	s10 =	sshll.u32 s8, $0x1;
	[tilespmem:s12+$0x6950] =	vst v1;
	v0 =	vmax.f32 v0, $0.0e+00  }
0xfe: {  	[tilespmem:s12+$0x6960] =	vst v0;
	s12 =	sadd.s32 $0x2, s10  }
0xff: {  	[spmem:s3] =	stream.indirect.scatter.add.f32 [tilespmem:s29], [sflag:$0x5], $0x80, s28, s21, $0xb8;
	[tilespmem:$0x1C900] =	vst v63  }
0x100: {  	s14 =	sshll.u32 s12, $0xC  }
0x101: {  	s14 =	sadd.s32 s13, s14  }
0x102: {  	s14 =	sshrl.u32 s14, $0x3  }
0x103: {  	s12 =	sshll.u32 s12, $0x5;
	s14 =	sadd.s32 s5, s14  }
0x104: {  	[tilespmem:s20], [sflag:$0x3] =	stream.linear.gather [hbm4b:s14+s15], $0x1000, $0x38;
	[tilespmem:$0x1C900] =	vst v63  }
0x105: {  	s12 =	sand.u32 $0x3FC0, s12  }
0x106: {  	[tilespmem:s22], [sflag:$0x1] =	stream.indirect.gather [hbm4b:s1+s21], $0x80, s12, s21, $0xb8;
	[tilespmem:$0x1C900] =	vst v63  }
0x107: {  	_ =	swait.ge [sflag:s31], $0x1000  }
0x108: {  	[sflag:s31] =	ssyncset.done $0x0  }
0x109: {  	[sflag:s31] =	ssyncadd.s32 $0xFFFFF000  }
0x10a: {  	_ =	swait.ge [sflag:s2], $0x1000  }
0x10b: {  	[sflag:s2] =	ssyncset.done $0x0  }
0x10c: {  	[sflag:s2] =	ssyncadd.s32 $0xFFFFF000  }
0x10d: {  	_ =	swait.ge [sflag:s6], $0x1000  }
0x10e: {  	[sflag:s6] =	ssyncset.done $0x0  }
0x10f: {  	[sflag:s6] =	ssyncadd.s32 $0xFFFFF000  }
0x110: {  	v0 =	vld [tilespmem:s11+$0x20];
	_ =	sdelay $0x4  }
0x111: {  	[tilespmem:$0x2880] =	vst v0  }
0x112: {  	v0 =	vld [tilespmem:s11+$0x30];
	_ =	sdelay $0x4  }
0x113: {  	s11 =	simm.s32 $0x0;
	[tilespmem:$0x2890] =	vst v0  }
0x114: {  	v0 =	vld [tilespmem:s11+$0x3970]  }
0x115: {  	v1 =	vld [tilespmem:s11+$0x5970]  }
0x116: {  	v2 =	vld [tilespmem:s11+$0x3900]  }
0x117: {  	v3 =	vld [tilespmem:s11+$0x5900]  }
0x118: {  	v4 =	vld [tilespmem:s11+$0x3910]  }
0x119: {  	v5 =	vld [tilespmem:s11+$0x5910]  }
0x11a: {  	v6 =	vld [tilespmem:s11+$0x3920]  }
0x11b: {  	v0 =	vadd.f32 v1, v0;
	v1 =	vld [tilespmem:s11+$0x5920]  }
0x11c: {  	v7 =	vld [tilespmem:s11+$0x3930]  }
0x11d: {  	v8 =	vld [tilespmem:s11+$0x5930];
	v2 =	vadd.f32 v3, v2  }
0x11e: {  	v9 =	vld [tilespmem:s11+$0x3940];
	v0 =	vmax.f32 v0, $0.0e+00  }
0x11f: {  	[tilespmem:s11+$0x7970] =	vst v0;
	v0 =	vmax.f32 v2, $0.0e+00;
	v2 =	vadd.f32 v5, v4;
	v5 =	vld [tilespmem:s11+$0x5940]  }
0x120: {  	v3 =	vld [tilespmem:s11+$0x5950];
	v1 =	vadd.f32 v1, v6  }
0x121: {  	[tilespmem:s11+$0x7900] =	vst v0;
	v0 =	vld [tilespmem:s11+$0x3950];
	v2 =	vmax.f32 v2, $0.0e+00  }
0x122: {  	v4 =	vld [tilespmem:s11+$0x5960];
	v6 =	vadd.f32 v8, v7;
	[tilespmem:s11+$0x7910] =	vst v2;
	v2 =	vmax.f32 v1, $0.0e+00  }
0x123: {  	s12 =	simm.s32 $0x80;
	v1 =	vld [tilespmem:s11+$0x3960];
	[tilespmem:s11+$0x7920] =	vst v2  }
0x124: {  	s14 =	simm.s32 $0x400;
	v6 =	vmax.f32 v6, $0.0e+00;
	v5 =	vadd.f32 v5, v9;
	v2 =	vld [tilespmem:s12+$0x3970]  }
.LBB2_9:
0x125: {  	p0 =	sne.s32 s14, $0x3E00;
	v7 =	vld [tilespmem:s12+$0x5970];
	[tilespmem:s11+$0x7930] =	vst v6  }
0x126: {  	v6 =	vld [tilespmem:s12+$0x3900];
	v5 =	vmax.f32 v5, $0.0e+00;
	v0 =	vadd.f32 v3, v0  }
0x127: {  	v3 =	vld [tilespmem:s12+$0x5900];
	[tilespmem:s11+$0x7940] =	vst v5  }
0x128: {  	v5 =	vld [tilespmem:s12+$0x3910];
	v0 =	vmax.f32 v0, $0.0e+00;
	v1 =	vadd.f32 v4, v1  }
0x129: {  	v4 =	vld [tilespmem:s12+$0x5910];
	[tilespmem:s11+$0x7950] =	vst v0  }
0x12a: {  	v0 =	vld [tilespmem:s12+$0x3920];
	v2 =	vadd.f32 v7, v2;
	v1 =	vmax.f32 v1, $0.0e+00  }
0x12b: {  	v7 =	vld [tilespmem:s12+$0x5920];
	[tilespmem:s11+$0x7960] =	vst v1;
	s11 =	smov.u32 s12  }
0x12c: {  	v1 =	vadd.f32 v3, v6;
	v6 =	vld [tilespmem:s11+$0x3930];
	v2 =	vmax.f32 v2, $0.0e+00  }
0x12d: {  	v8 =	vld [tilespmem:s11+$0x5930];
	[tilespmem:s11+$0x7970] =	vst v2  }
0x12e: {  	v1 =	vmax.f32 v1, $0.0e+00;
	v2 =	vadd.f32 v4, v5;
	v5 =	vld [tilespmem:s11+$0x3940]  }
0x12f: {  	[tilespmem:s11+$0x7900] =	vst v1;
	v9 =	vld [tilespmem:s11+$0x5940]  }
.Ltmp3:
0x130: {  	v1 =	vmax.f32 v2, $0.0e+00;
	v2 =	vadd.f32 v7, v0;
	v0 =	vld [tilespmem:s11+$0x3950];
	(pc) =	sbr.rel @p0 .LBB2_9-.Ltmp3, $4  }
0x131: {  	[tilespmem:s11+$0x7910] =	vst v1;
	v3 =	vld [tilespmem:s11+$0x5950]  }
0x132: {  	v2 =	vmax.f32 v2, $0.0e+00;
	v6 =	vadd.f32 v8, v6;
	v1 =	vld [tilespmem:s11+$0x3960]  }
0x133: {  	s12 =	sshra.s32 s14, $0x2;
	[tilespmem:s11+$0x7920] =	vst v2;
	v4 =	vld [tilespmem:s11+$0x5960]  }
0x134: {  	s14 =	sadd.s32 $0x200, s14;
	v2 =	vld [tilespmem:s12+$0x3970];
	v6 =	vmax.f32 v6, $0.0e+00;
	v5 =	vadd.f32 v9, v5  }
0x135: {  	v7 =	vld [tilespmem:s12+$0x5970];
	[tilespmem:s11+$0x7930] =	vst v6  }
0x136: {  	v6 =	vld [tilespmem:s12+$0x3900];
	v5 =	vmax.f32 v5, $0.0e+00;
	v0 =	vadd.f32 v3, v0  }
0x137: {  	v8 =	vld [tilespmem:s12+$0x5900];
	[tilespmem:s11+$0x7940] =	vst v5  }
0x138: {  	v52 =	vld [tilespmem:s12+$0x3910];
	v0 =	vmax.f32 v0, $0.0e+00;
	v1 =	vadd.f32 v4, v1  }
0x139: {  	v5 =	vld [tilespmem:s12+$0x5910];
	[tilespmem:s11+$0x7950] =	vst v0  }
0x13a: {  	v0 =	vld [tilespmem:s12+$0x3920];
	v1 =	vmax.f32 v1, $0.0e+00  }
0x13b: {  	v53 =	vld [tilespmem:s12+$0x5920];
	[tilespmem:s11+$0x7960] =	vst v1  }
0x13c: {  	v1 =	vld [tilespmem:s12+$0x3930]  }
0x13d: {  	v54 =	vld [tilespmem:s12+$0x5930]  }
0x13e: {  	v56 =	vld [tilespmem:s12+$0x3940]  }
0x13f: {  	v57 =	vld [tilespmem:s12+$0x5940]  }
0x140: {  	v58 =	vld [tilespmem:s12+$0x3950]  }
0x141: {  	v2 =	vadd.f32 v7, v2;
	v59 =	vld [tilespmem:s12+$0x5950]  }
0x142: {  	v6 =	vadd.f32 v8, v6;
	v60 =	vld [tilespmem:s12+$0x3960]  }
0x143: {  	v2 =	vmax.f32 v2, $0.0e+00;
	v61 =	vld [tilespmem:s12+$0x5960];
	v3 =	vadd.f32 v5, v52  }
0x144: {  	[tilespmem:s12+$0x7970] =	vst v2;
	v55 =	vmax.f32 v6, $0.0e+00;
	v0 =	vadd.f32 v53, v0  }
0x145: {  	[tilespmem:s12+$0x7900] =	vst v55;
	v3 =	vmax.f32 v3, $0.0e+00;
	v1 =	vadd.f32 v54, v1  }
0x146: {  	[tilespmem:s12+$0x7910] =	vst v3;
	v0 =	vmax.f32 v0, $0.0e+00;
	v2 =	vadd.f32 v57, v56  }
0x147: {  	v3 =	vadd.f32 v59, v58;
	[tilespmem:s12+$0x7920] =	vst v0;
	v1 =	vmax.f32 v1, $0.0e+00  }
0x148: {  	v0 =	vadd.f32 v61, v60;
	v62 =	vmax.f32 v2, $0.0e+00;
	[tilespmem:s12+$0x7930] =	vst v1  }
0x149: {  	s10 =	sadd.s32 $0x3, s10;
	v63 =	vmax.f32 v3, $0.0e+00;
	[tilespmem:s12+$0x7940] =	vst v62  }
0x14a: {  	s8 =	sadd.s32 $0x1, s8;
	s14 =	sshll.u32 s10, $0xC;
	[tilespmem:s12+$0x7950] =	vst v63;
	v0 =	vmax.f32 v0, $0.0e+00  }
0x14b: {  	p0 =	sne.s32 s8, $0x4F;
	s11 =	sadd.s32 s13, s14;
	[tilespmem:s12+$0x7960] =	vst v0  }
0x14c: {  	[spmem:s3] =	stream.indirect.scatter.add.f32 [tilespmem:s17], [sflag:$0x6], $0x80, s0, s21, $0xb8;
	[tilespmem:$0x1C900] =	vst v63  }
.Ltmp4:
0x14d: {  	s11 =	sshrl.u32 s11, $0x3;
	(pc) =	sbr.rel @p0 .LBB2_6-.Ltmp4, $4  }
0x14e: {  	s10 =	sshll.u32 s10, $0x5;
	s11 =	sadd.s32 s5, s11  }
0x14f: {  	[tilespmem:s23], [sflag:$0x4] =	stream.linear.gather [hbm4b:s11+s4], $0x1000, $0x38;
	[tilespmem:$0x1C900] =	vst v63  }
0x150: {  	s10 =	sand.u32 $0x3FE0, s10  }
0x151: {  	[tilespmem:s24], [sflag:$0x2] =	stream.indirect.gather [hbm4b:s1+s21], $0x80, s10, s21, $0xb8;
	[tilespmem:$0x1C900] =	vst v63  }
0x152: {  	_ =	swait.ge [sflag:s25], $0x1000  }
0x153: {  	[sflag:s25] =	ssyncset.done $0x0  }
0x154: {  	[sflag:s25] =	ssyncadd.s32 $0xFFFFF000  }
0x155: {  	_ =	swait.ge [sflag:s26], $0x1000  }
0x156: {  	[sflag:s26] =	ssyncset.done $0x0  }
0x157: {  	[sflag:s26] =	ssyncadd.s32 $0xFFFFF000  }
0x158: {  	_ =	swait.ge [sflag:s30], $0x1000  }
0x159: {  	[sflag:s30] =	ssyncset.done $0x0  }
0x15a: {  	[sflag:s30] =	ssyncadd.s32 $0xFFFFF000  }
0x15b: {  	v0 =	vld [tilespmem:$0x27C0]  }
0x15c: {  	v1 =	vld [tilespmem:$0x27D0];
	_ =	sdelay $0x3  }
0x15d: {  	[tilespmem:$0x2800] =	vst v0  }
0x15e: {  	s8 =	simm.s32 $0x0;
	[tilespmem:$0x2810] =	vst v1  }
0x15f: {  	v0 =	vld [tilespmem:s8+$0x2970]  }
0x160: {  	v1 =	vld [tilespmem:s8+$0x4970]  }
0x161: {  	v2 =	vld [tilespmem:s8+$0x2900]  }
0x162: {  	v3 =	vld [tilespmem:s8+$0x4900]  }
0x163: {  	v4 =	vld [tilespmem:s8+$0x2910]  }
0x164: {  	v5 =	vld [tilespmem:s8+$0x4910]  }
0x165: {  	v6 =	vld [tilespmem:s8+$0x2920]  }
0x166: {  	v0 =	vadd.f32 v1, v0;
	v1 =	vld [tilespmem:s8+$0x4920]  }
0x167: {  	v7 =	vld [tilespmem:s8+$0x2930]  }
0x168: {  	v8 =	vld [tilespmem:s8+$0x4930];
	v2 =	vadd.f32 v3, v2  }
0x169: {  	v9 =	vld [tilespmem:s8+$0x2940];
	v0 =	vmax.f32 v0, $0.0e+00  }
0x16a: {  	[tilespmem:s8+$0x6970] =	vst v0;
	v0 =	vmax.f32 v2, $0.0e+00;
	v2 =	vadd.f32 v5, v4;
	v5 =	vld [tilespmem:s8+$0x4940]  }
0x16b: {  	v3 =	vld [tilespmem:s8+$0x4950];
	v1 =	vadd.f32 v1, v6  }
0x16c: {  	[tilespmem:s8+$0x6900] =	vst v0;
	v0 =	vld [tilespmem:s8+$0x2950];
	v2 =	vmax.f32 v2, $0.0e+00  }
0x16d: {  	v4 =	vld [tilespmem:s8+$0x4960];
	v6 =	vadd.f32 v8, v7;
	[tilespmem:s8+$0x6910] =	vst v2;
	v2 =	vmax.f32 v1, $0.0e+00  }
0x16e: {  	s10 =	simm.s32 $0x80;
	v1 =	vld [tilespmem:s8+$0x2960];
	[tilespmem:s8+$0x6920] =	vst v2  }
0x16f: {  	s11 =	simm.s32 $0x400;
	v6 =	vmax.f32 v6, $0.0e+00;
	v5 =	vadd.f32 v5, v9;
	v2 =	vld [tilespmem:s10+$0x2970]  }
.LBB2_12:
0x170: {  	p0 =	sne.s32 s11, $0x3E00;
	v7 =	vld [tilespmem:s10+$0x4970];
	[tilespmem:s8+$0x6930] =	vst v6  }
0x171: {  	v6 =	vld [tilespmem:s10+$0x2900];
	v5 =	vmax.f32 v5, $0.0e+00;
	v0 =	vadd.f32 v3, v0  }
0x172: {  	v3 =	vld [tilespmem:s10+$0x4900];
	[tilespmem:s8+$0x6940] =	vst v5  }
0x173: {  	v5 =	vld [tilespmem:s10+$0x2910];
	v0 =	vmax.f32 v0, $0.0e+00;
	v1 =	vadd.f32 v4, v1  }
0x174: {  	v4 =	vld [tilespmem:s10+$0x4910];
	[tilespmem:s8+$0x6950] =	vst v0  }
0x175: {  	v0 =	vld [tilespmem:s10+$0x2920];
	v2 =	vadd.f32 v7, v2;
	v1 =	vmax.f32 v1, $0.0e+00  }
0x176: {  	v7 =	vld [tilespmem:s10+$0x4920];
	[tilespmem:s8+$0x6960] =	vst v1;
	s8 =	smov.u32 s10  }
0x177: {  	v1 =	vadd.f32 v3, v6;
	v6 =	vld [tilespmem:s8+$0x2930];
	v2 =	vmax.f32 v2, $0.0e+00  }
0x178: {  	v8 =	vld [tilespmem:s8+$0x4930];
	[tilespmem:s8+$0x6970] =	vst v2  }
0x179: {  	v1 =	vmax.f32 v1, $0.0e+00;
	v2 =	vadd.f32 v4, v5;
	v5 =	vld [tilespmem:s8+$0x2940]  }
0x17a: {  	[tilespmem:s8+$0x6900] =	vst v1;
	v9 =	vld [tilespmem:s8+$0x4940]  }
.Ltmp5:
0x17b: {  	v1 =	vmax.f32 v2, $0.0e+00;
	v2 =	vadd.f32 v7, v0;
	v0 =	vld [tilespmem:s8+$0x2950];
	(pc) =	sbr.rel @p0 .LBB2_12-.Ltmp5, $4  }
0x17c: {  	[tilespmem:s8+$0x6910] =	vst v1;
	v3 =	vld [tilespmem:s8+$0x4950]  }
0x17d: {  	v2 =	vmax.f32 v2, $0.0e+00;
	v6 =	vadd.f32 v8, v6;
	v1 =	vld [tilespmem:s8+$0x2960]  }
0x17e: {  	s10 =	sshra.s32 s11, $0x2;
	[tilespmem:s8+$0x6920] =	vst v2;
	v4 =	vld [tilespmem:s8+$0x4960]  }
0x17f: {  	s11 =	sadd.s32 $0x200, s11;
	v2 =	vld [tilespmem:s10+$0x2970];
	v6 =	vmax.f32 v6, $0.0e+00;
	v5 =	vadd.f32 v9, v5  }
0x180: {  	v7 =	vld [tilespmem:s10+$0x4970];
	[tilespmem:s8+$0x6930] =	vst v6  }
0x181: {  	v6 =	vld [tilespmem:s10+$0x2900];
	v5 =	vmax.f32 v5, $0.0e+00;
	v0 =	vadd.f32 v3, v0  }
0x182: {  	v8 =	vld [tilespmem:s10+$0x4900];
	[tilespmem:s8+$0x6940] =	vst v5  }
0x183: {  	v3 =	vld [tilespmem:s10+$0x2910];
	v0 =	vmax.f32 v0, $0.0e+00;
	v1 =	vadd.f32 v4, v1  }
0x184: {  	v5 =	vld [tilespmem:s10+$0x4910];
	[tilespmem:s8+$0x6950] =	vst v0  }
0x185: {  	v0 =	vld [tilespmem:s10+$0x2920];
	v1 =	vmax.f32 v1, $0.0e+00  }
0x186: {  	v4 =	vld [tilespmem:s10+$0x4920];
	v2 =	vadd.f32 v7, v2;
	[tilespmem:s8+$0x6960] =	vst v1  }
0x187: {  	v6 =	vadd.f32 v8, v6;
	v1 =	vld [tilespmem:s10+$0x2930]  }
0x188: {  	v2 =	vmax.f32 v2, $0.0e+00;
	v7 =	vld [tilespmem:s10+$0x4930]  }
0x189: {  	[tilespmem:s10+$0x6970] =	vst v2;
	v2 =	vmax.f32 v6, $0.0e+00;
	v6 =	vld [tilespmem:s10+$0x2940]  }
0x18a: {  	v3 =	vadd.f32 v5, v3;
	v5 =	vld [tilespmem:s10+$0x2950]  }
0x18b: {  	[tilespmem:s10+$0x6900] =	vst v2;
	v2 =	vld [tilespmem:s10+$0x4940];
	v0 =	vadd.f32 v4, v0  }
0x18c: {  	v3 =	vmax.f32 v3, $0.0e+00;
	v4 =	vld [tilespmem:s10+$0x2960]  }
0x18d: {  	[tilespmem:s10+$0x6910] =	vst v3;
	v3 =	vld [tilespmem:s10+$0x4950];
	v0 =	vmax.f32 v0, $0.0e+00  }
0x18e: {  	[tilespmem:s10+$0x6920] =	vst v0;
	v0 =	vld [tilespmem:s10+$0x4960];
	_ =	sdelay $0x1  }
0x18f: {  	v1 =	vadd.f32 v7, v1  }
0x190: {  	v2 =	vadd.f32 v2, v6  }
0x191: {  	v1 =	vmax.f32 v1, $0.0e+00;
	v3 =	vadd.f32 v3, v5  }
0x192: {  	[tilespmem:s10+$0x6930] =	vst v1;
	v1 =	vmax.f32 v2, $0.0e+00;
	v0 =	vadd.f32 v0, v4  }
0x193: {  	[tilespmem:s10+$0x6940] =	vst v1;
	v1 =	vmax.f32 v3, $0.0e+00  }
0x194: {  	[tilespmem:s10+$0x6950] =	vst v1;
	v0 =	vmax.f32 v0, $0.0e+00  }
0x195: {  	[tilespmem:s10+$0x6960] =	vst v0  }
0x196: {  	[spmem:s3] =	stream.indirect.scatter.add.f32 [tilespmem:s29], [sflag:$0x5], $0x80, s28, s21, $0xb8;
	[tilespmem:$0x1C900] =	vst v63  }
0x197: {  	_ =	swait.ge [sflag:s31], $0x1000  }
0x198: {  	[sflag:s31] =	ssyncset.done $0x0  }
0x199: {  	[sflag:s31] =	ssyncadd.s32 $0xFFFFF000  }
0x19a: {  	_ =	swait.ge [sflag:s2], $0x1000  }
0x19b: {  	[sflag:s2] =	ssyncset.done $0x0  }
0x19c: {  	[sflag:s2] =	ssyncadd.s32 $0xFFFFF000  }
0x19d: {  	_ =	swait.ge [sflag:s6], $0x1000  }
0x19e: {  	[sflag:s6] =	ssyncset.done $0x0  }
0x19f: {  	[sflag:s6] =	ssyncadd.s32 $0xFFFFF000  }
0x1a0: {  	v0 =	vld [tilespmem:$0x27E0]  }
0x1a1: {  	v1 =	vld [tilespmem:$0x27F0];
	_ =	sdelay $0x3  }
0x1a2: {  	[tilespmem:$0x2880] =	vst v0  }
0x1a3: {  	s8 =	simm.s32 $0x0;
	[tilespmem:$0x2890] =	vst v1  }
0x1a4: {  	v0 =	vld [tilespmem:s8+$0x3970]  }
0x1a5: {  	v1 =	vld [tilespmem:s8+$0x5970]  }
0x1a6: {  	v2 =	vld [tilespmem:s8+$0x3900]  }
0x1a7: {  	v3 =	vld [tilespmem:s8+$0x5900]  }
0x1a8: {  	v4 =	vld [tilespmem:s8+$0x3910]  }
0x1a9: {  	v5 =	vld [tilespmem:s8+$0x5910]  }
0x1aa: {  	v6 =	vld [tilespmem:s8+$0x3920]  }
0x1ab: {  	v0 =	vadd.f32 v1, v0;
	v1 =	vld [tilespmem:s8+$0x5920]  }
0x1ac: {  	v7 =	vld [tilespmem:s8+$0x3930]  }
0x1ad: {  	v8 =	vld [tilespmem:s8+$0x5930];
	v2 =	vadd.f32 v3, v2  }
0x1ae: {  	v9 =	vld [tilespmem:s8+$0x3940];
	v0 =	vmax.f32 v0, $0.0e+00  }
0x1af: {  	[tilespmem:s8+$0x7970] =	vst v0;
	v0 =	vmax.f32 v2, $0.0e+00;
	v2 =	vadd.f32 v5, v4;
	v5 =	vld [tilespmem:s8+$0x5940]  }
0x1b0: {  	v3 =	vld [tilespmem:s8+$0x5950];
	v1 =	vadd.f32 v1, v6  }
0x1b1: {  	[tilespmem:s8+$0x7900] =	vst v0;
	v0 =	vld [tilespmem:s8+$0x3950];
	v2 =	vmax.f32 v2, $0.0e+00  }
0x1b2: {  	v4 =	vld [tilespmem:s8+$0x5960];
	v6 =	vadd.f32 v8, v7;
	[tilespmem:s8+$0x7910] =	vst v2;
	v2 =	vmax.f32 v1, $0.0e+00  }
0x1b3: {  	s10 =	simm.s32 $0x80;
	v1 =	vld [tilespmem:s8+$0x3960];
	[tilespmem:s8+$0x7920] =	vst v2  }
0x1b4: {  	s11 =	simm.s32 $0x400;
	v6 =	vmax.f32 v6, $0.0e+00;
	v5 =	vadd.f32 v5, v9;
	v2 =	vld [tilespmem:s10+$0x3970]  }
.LBB2_14:
0x1b5: {  	p0 =	sne.s32 s11, $0x3E00;
	v7 =	vld [tilespmem:s10+$0x5970];
	[tilespmem:s8+$0x7930] =	vst v6  }
0x1b6: {  	v6 =	vld [tilespmem:s10+$0x3900];
	v5 =	vmax.f32 v5, $0.0e+00;
	v0 =	vadd.f32 v3, v0  }
0x1b7: {  	v3 =	vld [tilespmem:s10+$0x5900];
	[tilespmem:s8+$0x7940] =	vst v5  }
0x1b8: {  	v5 =	vld [tilespmem:s10+$0x3910];
	v0 =	vmax.f32 v0, $0.0e+00;
	v1 =	vadd.f32 v4, v1  }
0x1b9: {  	v4 =	vld [tilespmem:s10+$0x5910];
	[tilespmem:s8+$0x7950] =	vst v0  }
0x1ba: {  	v0 =	vld [tilespmem:s10+$0x3920];
	v2 =	vadd.f32 v7, v2;
	v1 =	vmax.f32 v1, $0.0e+00  }
0x1bb: {  	v7 =	vld [tilespmem:s10+$0x5920];
	[tilespmem:s8+$0x7960] =	vst v1;
	s8 =	smov.u32 s10  }
0x1bc: {  	v1 =	vadd.f32 v3, v6;
	v6 =	vld [tilespmem:s8+$0x3930];
	v2 =	vmax.f32 v2, $0.0e+00  }
0x1bd: {  	v8 =	vld [tilespmem:s8+$0x5930];
	[tilespmem:s8+$0x7970] =	vst v2  }
0x1be: {  	v1 =	vmax.f32 v1, $0.0e+00;
	v2 =	vadd.f32 v4, v5;
	v5 =	vld [tilespmem:s8+$0x3940]  }
0x1bf: {  	[tilespmem:s8+$0x7900] =	vst v1;
	v9 =	vld [tilespmem:s8+$0x5940]  }
.Ltmp6:
0x1c0: {  	v1 =	vmax.f32 v2, $0.0e+00;
	v2 =	vadd.f32 v7, v0;
	v0 =	vld [tilespmem:s8+$0x3950];
	(pc) =	sbr.rel @p0 .LBB2_14-.Ltmp6, $4  }
0x1c1: {  	[tilespmem:s8+$0x7910] =	vst v1;
	v3 =	vld [tilespmem:s8+$0x5950]  }
0x1c2: {  	v2 =	vmax.f32 v2, $0.0e+00;
	v6 =	vadd.f32 v8, v6;
	v1 =	vld [tilespmem:s8+$0x3960]  }
0x1c3: {  	s10 =	sshra.s32 s11, $0x2;
	[tilespmem:s8+$0x7920] =	vst v2;
	v4 =	vld [tilespmem:s8+$0x5960]  }
0x1c4: {  	s11 =	sadd.s32 $0x200, s11;
	v2 =	vld [tilespmem:s10+$0x3970];
	v6 =	vmax.f32 v6, $0.0e+00;
	v5 =	vadd.f32 v9, v5  }
0x1c5: {  	v7 =	vld [tilespmem:s10+$0x5970];
	[tilespmem:s8+$0x7930] =	vst v6  }
0x1c6: {  	v6 =	vld [tilespmem:s10+$0x3900];
	v5 =	vmax.f32 v5, $0.0e+00;
	v0 =	vadd.f32 v3, v0  }
0x1c7: {  	v8 =	vld [tilespmem:s10+$0x5900];
	[tilespmem:s8+$0x7940] =	vst v5  }
0x1c8: {  	v52 =	vld [tilespmem:s10+$0x3910];
	v0 =	vmax.f32 v0, $0.0e+00;
	v1 =	vadd.f32 v4, v1  }
0x1c9: {  	v5 =	vld [tilespmem:s10+$0x5910];
	[tilespmem:s8+$0x7950] =	vst v0  }
0x1ca: {  	v0 =	vld [tilespmem:s10+$0x3920];
	v1 =	vmax.f32 v1, $0.0e+00  }
0x1cb: {  	v53 =	vld [tilespmem:s10+$0x5920];
	[tilespmem:s8+$0x7960] =	vst v1  }
0x1cc: {  	v1 =	vld [tilespmem:s10+$0x3930]  }
0x1cd: {  	v54 =	vld [tilespmem:s10+$0x5930]  }
0x1ce: {  	v56 =	vld [tilespmem:s10+$0x3940]  }
0x1cf: {  	v57 =	vld [tilespmem:s10+$0x5940]  }
0x1d0: {  	v58 =	vld [tilespmem:s10+$0x3950]  }
0x1d1: {  	v2 =	vadd.f32 v7, v2;
	v59 =	vld [tilespmem:s10+$0x5950]  }
0x1d2: {  	v6 =	vadd.f32 v8, v6;
	v60 =	vld [tilespmem:s10+$0x3960]  }
0x1d3: {  	v2 =	vmax.f32 v2, $0.0e+00;
	v61 =	vld [tilespmem:s10+$0x5960];
	v3 =	vadd.f32 v5, v52  }
0x1d4: {  	[tilespmem:s10+$0x7970] =	vst v2;
	v55 =	vmax.f32 v6, $0.0e+00;
	v0 =	vadd.f32 v53, v0  }
0x1d5: {  	[tilespmem:s10+$0x7900] =	vst v55;
	v3 =	vmax.f32 v3, $0.0e+00;
	v1 =	vadd.f32 v54, v1  }
0x1d6: {  	[tilespmem:s10+$0x7910] =	vst v3;
	v0 =	vmax.f32 v0, $0.0e+00;
	v2 =	vadd.f32 v57, v56  }
0x1d7: {  	v3 =	vadd.f32 v59, v58;
	[tilespmem:s10+$0x7920] =	vst v0;
	v1 =	vmax.f32 v1, $0.0e+00  }
0x1d8: {  	v0 =	vadd.f32 v61, v60;
	v62 =	vmax.f32 v2, $0.0e+00;
	[tilespmem:s10+$0x7930] =	vst v1  }
0x1d9: {  	v63 =	vmax.f32 v3, $0.0e+00;
	[tilespmem:s10+$0x7940] =	vst v62  }
0x1da: {  	[tilespmem:s10+$0x7950] =	vst v63;
	v0 =	vmax.f32 v0, $0.0e+00  }
0x1db: {  	[tilespmem:s10+$0x7960] =	vst v0  }
0x1dc: {  	[spmem:s3] =	stream.indirect.scatter.add.f32 [tilespmem:s17], [sflag:$0x6], $0x80, s0, s21, $0xb8;
	[tilespmem:$0x1C900] =	vst v63  }
0x1dd: {  	_ =	swait.ge [sflag:s30], $0x1000  }
0x1de: {  	[sflag:s30] =	ssyncset.done $0x0  }
0x1df: {  	[sflag:s30] =	ssyncadd.s32 $0xFFFFF000  }
0x1e0: {  	_ =	swait.ge [sflag:s6], $0x1000  }
0x1e1: {  	[sflag:s6] =	ssyncset.done $0x0  }
0x1e2: {  	[sflag:s6] =	ssyncadd.s32 $0xFFFFF000  }
0x1e3: {  	[bflag:$0x0] =	sbarrier.arrive $0xFFFF  }
0x1e4: {  	s12 =	rddreg [dreg:$0xb]  }
0x1e5: {  	[hbm:s12], [sflag:s18] =	dma.local [spmem:s19], $0x2800  }
0x1e6: {  	_ =	swait.ge [sflag:s16], $0x2800  }
0x1e7: {  	s7 =	sadd.s32 $0x1, s7;
	s14 =	rddreg [dreg:$0xc]  }
0x1e8: {  	p0 =	sne.s32 s7, s14  }
.Ltmp7:
0x1e9: {  	_ = 	snop;
	(pc) =	sbr.rel @p0 .LBB2_1-.Ltmp7, $3  }
0x1ea: {  	_ =	sdelay $0x1  }
0x1eb: {  	[sflag:s16] =	ssyncset.done $0x0  }
0x1ec: {  	[sflag:s16] =	ssyncadd.s32 $0xFFFFD800  }
0x1ed: {  	_ =	sfence.sel $0x180000  }
0x1ee: {  	[bflag:$0x0] =	sbarrier.arrive $0xFFFF  }
0x1ef: {  	_ =	strace $0x9000004A  }
0x1f0: {  	s0 =	stileid.u32;
	[bflag:$0x2] =	sbarrier.arrive $0xFFFF  }
0x1f1: {  	p0 =	sne.s32 s0, $0x0;
	s0 =	rddreg [dreg:$0x4]  }
0x1f2: {  	s0 =	sadd.s32 @!p0 $0x100000, s0  }
0x1f3: {  	[sflag:s0] =	ssyncadd.tile.s32 @!p0 $0x1;
	_ =	shalt  }
.Lfunc_end2:
_tile_overlayer_lowered:
.L_overlay_start_2:
0x1f4: {  	(tag) =	ssettag $0x2  }
0x1f5: {  	s0 =	rddreg [dreg:$0x0];
	s2 =	stileid.u32  }
0x1f6: {  	s1 =	rddreg [dreg:$0x1];
	p0 =	sne.s32 s2, $0x0  }
0x1f7: {  	s3 =	rddreg [dreg:$0x2];
	[bflag:$0x3] =	sbarrier.arrive $0xFFFF;
	s2 =	simm.s32 @!p0 $0x1C07  }
0x1f8: {  	[timem:s3], [sflag:s2] =	dma.local @!p0 [hbm:s0], s1  }
0x1f9: {  	s0 =	simm.s32 @!p0 $0x7  }
0x1fa: {  	_ =	swait.ge @!p0 [sflag:s0], s1  }
0x1fb: {  	s1 =	ssub.s32 @!p0 $0x0, s1;
	[sflag:s0] =	ssyncset.done @!p0 $0x0  }
0x1fc: {  	[sflag:s0] =	ssyncadd.s32 @!p0 s1  }
0x1fd: {  	[bflag:$0x3] =	sbarrier.arrive $0xFFFF  }
0x1fe: {  	_ =	shalt  }

</sc_bundles>
